<compile_context>
chip_gen: v7x
topology: tpu7x:2x2x1
jax: 0.10.2.dev20260603
libtpu: 0.0.44.dev20260713+nightly
codegen_flags: <defaults>
</compile_context>

<pallas_src>
import jax
import jax.numpy as jnp
from jax import lax
from jax.experimental import pallas as pl
from jax.experimental.pallas import tpu as pltpu
from jax.experimental.pallas import tpu_sc as plsc

_B = 16384
_F = 26
_V = 100000
_D = 16
_NC = 13
_H1 = 512
_H2 = 256
_EPS = 1e-5

_NW = 32
_BT = _B // _NW

_BB = 2048
_NBLK = _B // _BB


def _gather_body(nf, tbl_hbm, xcat_hbm, out_hbm, idx_v, col_v,
                 sem_g0, sem_g1, sem_o):
    c = lax.axis_index("c")
    s = lax.axis_index("s")
    wid = s * 2 + c
    b0 = wid * _BT

    def fire(f, parity_buf, sem):
        for d in range(_D):
            pltpu.async_copy(
                tbl_hbm.at[f * _D + d].at[idx_v.at[f]], col_v.at[parity_buf, d],
                sem)

    pltpu.sync_copy(xcat_hbm.at[:, pl.ds(b0, _BT)], idx_v)
    fire(0, 0, sem_g0)

    def fbody(f, carry):
        p = lax.rem(f, 2)
        pn = lax.rem(f + 1, 2)

        @pl.when(f >= 1)
        def _():
            pltpu.make_async_copy(
                col_v.at[pn],
                out_hbm.at[pl.ds((f - 1) * _D, _D), pl.ds(b0, _BT)],
                sem_o).wait()

        @pl.when(jnp.logical_and(f + 1 < nf, pn == 1))
        def _():
            fire(f + 1, 1, sem_g1)

        @pl.when(jnp.logical_and(f + 1 < nf, pn == 0))
        def _():
            fire(f + 1, 0, sem_g0)

        @pl.when(p == 0)
        def _():
            pltpu.make_async_copy(
                out_hbm.at[pl.ds(0, _D), pl.ds(0, _BT)], col_v.at[0],
                sem_g0).wait()

        @pl.when(p == 1)
        def _():
            pltpu.make_async_copy(
                out_hbm.at[pl.ds(0, _D), pl.ds(0, _BT)], col_v.at[1],
                sem_g1).wait()

        pltpu.async_copy(
            col_v.at[p], out_hbm.at[pl.ds(f * _D, _D), pl.ds(b0, _BT)], sem_o)
        return carry

    lax.fori_loop(0, nf, fbody, 0)
    pltpu.make_async_copy(
        col_v.at[(nf - 1) % 2],
        out_hbm.at[pl.ds((nf - 1) * _D, _D), pl.ds(b0, _BT)],
        sem_o).wait()


def _sc_gather(tbl_t, x_cat_t, nf):
    import functools
    mesh = plsc.VectorSubcoreMesh(core_axis_name="c", subcore_axis_name="s")
    f = pl.kernel(
        functools.partial(_gather_body, nf),
        out_type=jax.ShapeDtypeStruct((nf * _D, _B), jnp.float32),
        mesh=mesh,
        scratch_types=[
            pltpu.VMEM((nf, _BT), jnp.int32),
            pltpu.VMEM((2, _D, _BT), jnp.float32),
            pltpu.SemaphoreType.DMA,
            pltpu.SemaphoreType.DMA,
            pltpu.SemaphoreType.DMA,
        ],
        compiler_params=pltpu.CompilerParams(use_tc_tiling_on_sc=False),
    )
    return f(tbl_t, x_cat_t)


def _dot0(a, b):
    return lax.dot_general(a, b, (((0,), (0,)), ((), ())),
                           preferred_element_type=jnp.float32)


def _k1_body(xc_ref, e1_ref, e2_ref, w1a_ref, w1b_ref, w1c_ref, b1_ref,
             gc_ref, bc_ref, a1_ref, sq_ref, acc_ref, xst_ref):
    pid = pl.program_id(0)

    @pl.when(pid == 0)
    def _():
        xc = xc_ref[...]
        m = jnp.mean(xc, axis=1)
        v = jnp.mean(xc * xc, axis=1) - m * m
        sc = gc_ref[:, 0] * lax.rsqrt(v + _EPS)
        xst_ref[:, 0] = sc
        xst_ref[:, 1] = bc_ref[:, 0] - m * sc
        acc_ref[...] = jnp.zeros_like(acc_ref)

    xcn = (xc_ref[:, pl.ds(pid * _BB, _BB)] * xst_ref[:, 0][:, None]
           + xst_ref[:, 1][:, None])
    z = (_dot0(w1a_ref[...], e1_ref[...]) + _dot0(w1b_ref[...], e2_ref[...])
         + _dot0(w1c_ref[...], xcn) + b1_ref[...])
    a1 = jnp.maximum(z, 0.0)
    a1_ref[...] = a1
    acc_ref[0, :] += jnp.sum(a1, axis=1)
    acc_ref[1, :] += jnp.sum(a1 * a1, axis=1)

    @pl.when(pid == _NBLK - 1)
    def _():
        sq_ref[...] = acc_ref[...]


def _k2_body(a1_ref, sq1_ref, g1_ref, bt1_ref, w2_ref, b2_ref,
             a2_ref, sq2_ref, acc_ref):
    pid = pl.program_id(0)

    @pl.when(pid == 0)
    def _():
        acc_ref[...] = jnp.zeros_like(acc_ref)

    m = sq1_ref[0, :] * (1.0 / _B)
    v = sq1_ref[1, :] * (1.0 / _B) - m * m
    alpha = g1_ref[:, 0] * lax.rsqrt(v + _EPS)
    beta = bt1_ref[:, 0] - m * alpha
    h1 = a1_ref[...] * alpha[:, None] + beta[:, None]
    z = _dot0(w2_ref[...], h1) + b2_ref[...]
    a2 = jnp.maximum(z, 0.0)
    a2_ref[...] = a2
    acc_ref[0, :] += jnp.sum(a2, axis=1)
    acc_ref[1, :] += jnp.sum(a2 * a2, axis=1)

    @pl.when(pid == _NBLK - 1)
    def _():
        sq2_ref[...] = acc_ref[...]


def _k3_body(a2_ref, sq2_ref, g2_ref, bt2_ref, w3_ref, b3_ref, out_ref):
    m = sq2_ref[0, :] * (1.0 / _B)
    v = sq2_ref[1, :] * (1.0 / _B) - m * m
    alpha = g2_ref[:, 0] * lax.rsqrt(v + _EPS)
    beta = bt2_ref[:, 0] - m * alpha
    h2 = a2_ref[...] * alpha[:, None] + beta[:, None]
    out_ref[...] = _dot0(w3_ref[...], h2) + b3_ref[...]


def _full(shape):
    return pl.BlockSpec(shape, lambda i: (0,) * len(shape))


def _mlp_t(e1, e2, xc_t, gc, bc, W1, b1, g1, bt1, W2, b2, g2, bt2, W3, b3):
    W1a = W1[:_FH * _D, :]
    W1b = W1[_FH * _D:_F * _D, :]
    W1c = W1[_F * _D:, :]
    col = lambda a: a.reshape(-1, 1)

    a1, sq1 = pl.pallas_call(
        _k1_body,
        grid=(_NBLK,),
        in_specs=[
            _full((_NC, _B)),
            pl.BlockSpec((_FH * _D, _BB), lambda i: (0, i)),
            pl.BlockSpec((_FH * _D, _BB), lambda i: (0, i)),
            _full((_FH * _D, _H1)),
            _full((_FH * _D, _H1)),
            _full((_NC, _H1)),
            _full((_H1, 1)),
            _full((_NC, 1)),
            _full((_NC, 1)),
        ],
        out_specs=[
            pl.BlockSpec((_H1, _BB), lambda i: (0, i)),
            _full((2, _H1)),
        ],
        out_shape=[
            jax.ShapeDtypeStruct((_H1, _B), jnp.float32),
            jax.ShapeDtypeStruct((2, _H1), jnp.float32),
        ],
        scratch_shapes=[
            pltpu.VMEM((2, _H1), jnp.float32),
            pltpu.VMEM((_NC, 2), jnp.float32),
        ],
    )(xc_t, e1, e2, W1a, W1b, W1c, col(b1), col(gc), col(bc))

    a2, sq2 = pl.pallas_call(
        _k2_body,
        grid=(_NBLK,),
        in_specs=[
            pl.BlockSpec((_H1, _BB), lambda i: (0, i)),
            _full((2, _H1)),
            _full((_H1, 1)),
            _full((_H1, 1)),
            _full((_H1, _H2)),
            _full((_H2, 1)),
        ],
        out_specs=[
            pl.BlockSpec((_H2, _BB), lambda i: (0, i)),
            _full((2, _H2)),
        ],
        out_shape=[
            jax.ShapeDtypeStruct((_H2, _B), jnp.float32),
            jax.ShapeDtypeStruct((2, _H2), jnp.float32),
        ],
        scratch_shapes=[pltpu.VMEM((2, _H2), jnp.float32)],
    )(a1, sq1, col(g1), col(bt1), W2, col(b2))

    out_t = pl.pallas_call(
        _k3_body,
        grid=(_NBLK,),
        in_specs=[
            pl.BlockSpec((_H2, _BB), lambda i: (0, i)),
            _full((2, _H2)),
            _full((_H2, 1)),
            _full((_H2, 1)),
            _full((_H2, 1)),
            _full((1, 1)),
        ],
        out_specs=pl.BlockSpec((1, _BB), lambda i: (0, i)),
        out_shape=jax.ShapeDtypeStruct((1, _B), jnp.float32),
    )(a2, sq2, col(g2), col(bt2), W3, b3.reshape(1, 1))
    return out_t.reshape(_B, 1)


_FH = 13


def kernel(x_cat, x_cont, tables, gc, bc, W1, b1, g1, bt1, W2, b2, g2, bt2, W3, b3):
    tv = jnp.transpose(tables, (0, 2, 1))
    t1 = tv[:_FH].reshape(_FH * _D, _V)
    t2 = tv[_FH:].reshape(_FH * _D, _V)
    x_cat_t = x_cat.astype(jnp.int32).T
    e1 = _sc_gather(t1, x_cat_t[:_FH], _FH)
    e2 = _sc_gather(t2, x_cat_t[_FH:], _FH)
    xc_t = x_cont.T
    return _mlp_t(e1, e2, xc_t, gc, bc, W1, b1, g1, bt1, W2, b2, g2, bt2, W3, b3)

# --- scband reference (transcript-rebuilt; emitter-appended) ---
"""Pipeline reference for scband-tabular-model-1786706395196 (READ-ONLY COPY).

The authoritative reference and input builder live on the scoring server;
editing this copy changes nothing except your own understanding.
"""

import jax, jax.numpy as jnp
import numpy as np

B = 16384
F = 26
V = 100000
D = 16
NC = 13
H1 = 512
H2 = 256
OUT = 1
N_IN = F * D + NC


def setup_inputs(seed: int = 0):
    key = jax.random.key(seed)
    ks = jax.random.split(key, 8)
    x_cat = jax.random.randint(ks[0], (B, F), 0, V, dtype=jnp.int64 if jax.config.jax_enable_x64 else jnp.int32)
    x_cont = jax.random.normal(ks[1], (B, NC), dtype=jnp.float32)
    tables = jax.random.normal(ks[2], (F, V, D), dtype=jnp.float32) * 0.01
    gc = jnp.ones((NC,), jnp.float32)
    bc = jnp.zeros((NC,), jnp.float32)
    W1 = jax.random.normal(ks[3], (N_IN, H1), dtype=jnp.float32) * 0.02
    b1 = jnp.zeros((H1,), jnp.float32)
    g1 = jnp.ones((H1,), jnp.float32)
    bt1 = jnp.zeros((H1,), jnp.float32)
    W2 = jax.random.normal(ks[4], (H1, H2), dtype=jnp.float32) * 0.02
    b2 = jnp.zeros((H2,), jnp.float32)
    g2 = jnp.ones((H2,), jnp.float32)
    bt2 = jnp.zeros((H2,), jnp.float32)
    W3 = jax.random.normal(ks[5], (H2, OUT), dtype=jnp.float32) * 0.02
    b3 = jnp.zeros((OUT,), jnp.float32)
    return {"x_cat": x_cat, "x_cont": x_cont, "tables": tables, "gc": gc, "bc": bc,
            "W1": W1, "b1": b1, "g1": g1, "bt1": bt1,
            "W2": W2, "b2": b2, "g2": g2, "bt2": bt2,
            "W3": W3, "b3": b3}


def _batchnorm(x, g, b, eps=1e-5):
    m = jnp.mean(x, axis=0)
    v = jnp.var(x, axis=0)
    return g * (x - m) / jnp.sqrt(v + eps) + b


def reference(x_cat, x_cont, tables, gc, bc, W1, b1, g1, bt1, W2, b2, g2, bt2, W3, b3):
    # per-field embedding lookup (gather), equivalent to the ModuleList loop
    flat_tables = tables.reshape(F * V, D)
    offsets = (jnp.arange(F) * V).astype(x_cat.dtype)
    flat_idx = (x_cat + offsets[None, :]).reshape(-1)
    emb = jnp.take(flat_tables, flat_idx, axis=0).reshape(B, F * D)
    # emb_drop: dropout is identity in eval
    xc = _batchnorm(x_cont, gc, bc)
    x = jnp.concatenate([emb, xc], axis=1)
    x = _batchnorm(jax.nn.relu(x @ W1 + b1), g1, bt1)
    x = _batchnorm(jax.nn.relu(x @ W2 + b2), g2, bt2)
    return x @ W3 + b3

if __name__ == "__main__":
    import jax
    _d = setup_inputs()
    print(jax.jit(kernel)(*tuple(_d.values())))

</pallas_src>

<mosaic_0001>
#map = affine_map<(d0, d1) -> (0, 0)>
module attributes {stable_mosaic.version = 14 : i64} {
  func.func @_gather_body(%arg0: i32, %arg1: i32, %arg2: memref<208x100000xf32, #tpu.memory_space<hbm>>, %arg3: memref<13x16384xi32, #tpu.memory_space<hbm>>, %arg4: memref<208x16384xf32, #tpu.memory_space<hbm>>, %arg5: memref<13x512xi32, #tpu.memory_space<vmem>>, %arg6: memref<2x16x512xf32, #tpu.memory_space<vmem>>, %arg7: memref<!tpu.dma_semaphore, #tpu.memory_space<semaphore_mem>>, %arg8: memref<!tpu.dma_semaphore, #tpu.memory_space<semaphore_mem>>, %arg9: memref<!tpu.dma_semaphore, #tpu.memory_space<semaphore_mem>>) attributes {dimension_semantics = [#tpu.dimension_semantics<core_parallel>, #tpu.dimension_semantics<subcore_parallel>], iteration_bounds = array<i64: 2, 16>, scalar_prefetch = 0 : i64, scratch_operands = 5 : i64, tpu.core_type = #tpu.core_type<sc_vector_subcore>, window_params = [{transform_indices = #map}, {transform_indices = #map}, {transform_indices = #map}]} {
    %mul3A = arith.constant 2 : i32
    %mul3A_0 = arith.muli %arg1, %mul3A : i32
    %add3A = arith.addi %mul3A_0, %arg0 : i32
    %mul3A_1 = arith.constant 512 : i32
    %mul3A_2 = arith.muli %add3A, %mul3A_1 : i32
    "tpu.region"() ({
      %run_scoped3A = tpu.sem_alloc : memref<!tpu.dma_semaphore, #tpu.memory_space<semaphore_mem>>
      %dma_start3A_259 = arith.constant 0 : i32
      %dma_start3A_260 = tpu.memref_slice %arg3[%dma_start3A_259, %mul3A_2] : memref<13x16384xi32, #tpu.memory_space<hbm>> -> memref<13x512xi32, #tpu.memory_space<hbm>>
      %dma_start3A_261 = arith.constant 0 : i32
      %dma_start3A_262 = tpu.memref_slice %arg3[%dma_start3A_261, %mul3A_2] : memref<13x16384xi32, #tpu.memory_space<hbm>> -> memref<13x512xi32, #tpu.memory_space<hbm>>
      tpu.enqueue_dma source(%dma_start3A_262 : memref<13x512xi32, #tpu.memory_space<hbm>>) target(%arg5 : memref<13x512xi32, #tpu.memory_space<vmem>>) target_semaphore(%run_scoped3A : memref<!tpu.dma_semaphore, #tpu.memory_space<semaphore_mem>>)
      %dma_wait3A_263 = arith.constant 0 : i32
      %dma_wait3A_264 = tpu.memref_slice %arg3[%dma_wait3A_263, %mul3A_2] : memref<13x16384xi32, #tpu.memory_space<hbm>> -> memref<13x512xi32, #tpu.memory_space<hbm>>
      %dma_wait3A_265 = arith.constant 0 : i32
      %dma_wait3A_266 = tpu.memref_slice %arg3[%dma_wait3A_265, %mul3A_2] : memref<13x16384xi32, #tpu.memory_space<hbm>> -> memref<13x512xi32, #tpu.memory_space<hbm>>
      tpu.wait_dma2 semaphore(%run_scoped3A : memref<!tpu.dma_semaphore, #tpu.memory_space<semaphore_mem>>) src(%dma_wait3A_266 : memref<13x512xi32, #tpu.memory_space<hbm>>) dst(%arg5 : memref<13x512xi32, #tpu.memory_space<vmem>>)
      tpu.yield
    }) : () -> ()
    %dma_start3A = arith.constant 0 : i32
    %dma_start3A_3 = arith.constant 0 : i32
    %dma_start3A_4 = arith.constant 0 : i32
    %dma_start3A_5 = arith.constant 0 : i32
    %dma_start3A_6 = arith.constant 0 : i32
    %dma_start3A_7 = tpu.memref_slice %arg6[%dma_start3A_4, %dma_start3A_5, %dma_start3A_6] : memref<2x16x512xf32, #tpu.memory_space<vmem>> -> memref<1x1x512xf32, #tpu.memory_space<vmem>>
    %dma_start3A_8 = tpu.memref_squeeze %dma_start3A_7 : memref<1x1x512xf32, #tpu.memory_space<vmem>> -> memref<512xf32, #tpu.memory_space<vmem>>
    %dma_start3A_9 = arith.constant 0 : i32
    %dma_start3A_10 = tpu.memref_slice %arg5[%dma_start3A_3, %dma_start3A_9] : memref<13x512xi32, #tpu.memory_space<vmem>> -> memref<1x512xi32, #tpu.memory_space<vmem>>
    %dma_start3A_11 = tpu.memref_squeeze %dma_start3A_10 : memref<1x512xi32, #tpu.memory_space<vmem>> -> memref<512xi32, #tpu.memory_space<vmem>>
    %dma_start3A_12 = arith.constant 0 : i32
    %dma_start3A_13 = tpu.memref_slice %arg2[%dma_start3A, %dma_start3A_12] : memref<208x100000xf32, #tpu.memory_space<hbm>> -> memref<1x100000xf32, #tpu.memory_space<hbm>>
    %dma_start3A_14 = tpu.memref_squeeze %dma_start3A_13 : memref<1x100000xf32, #tpu.memory_space<hbm>> -> memref<100000xf32, #tpu.memory_space<hbm>>
    %dma_start3A_15 = arith.constant 0 : i32
    %dma_start3A_16 = tpu.memref_slice %dma_start3A_14[%dma_start3A_15] : memref<100000xf32, #tpu.memory_space<hbm>> -> memref<100000xf32, #tpu.memory_space<hbm>>
    tpu.enqueue_indirect_dma source(%dma_start3A_16 : memref<100000xf32, #tpu.memory_space<hbm>>) target(%dma_start3A_8 : memref<512xf32, #tpu.memory_space<vmem>>) offsets(%dma_start3A_11 : memref<512xi32, #tpu.memory_space<vmem>>) semaphore(%arg7 : memref<!tpu.dma_semaphore, #tpu.memory_space<semaphore_mem>>)
    %dma_start3A_17 = arith.constant 1 : i32
    %dma_start3A_18 = arith.constant 0 : i32
    %dma_start3A_19 = arith.constant 0 : i32
    %dma_start3A_20 = arith.constant 1 : i32
    %dma_start3A_21 = arith.constant 0 : i32
    %dma_start3A_22 = tpu.memref_slice %arg6[%dma_start3A_19, %dma_start3A_20, %dma_start3A_21] : memref<2x16x512xf32, #tpu.memory_space<vmem>> -> memref<1x1x512xf32, #tpu.memory_space<vmem>>
    %dma_start3A_23 = tpu.memref_squeeze %dma_start3A_22 : memref<1x1x512xf32, #tpu.memory_space<vmem>> -> memref<512xf32, #tpu.memory_space<vmem>>
    %dma_start3A_24 = arith.constant 0 : i32
    %dma_start3A_25 = tpu.memref_slice %arg5[%dma_start3A_18, %dma_start3A_24] : memref<13x512xi32, #tpu.memory_space<vmem>> -> memref<1x512xi32, #tpu.memory_space<vmem>>
    %dma_start3A_26 = tpu.memref_squeeze %dma_start3A_25 : memref<1x512xi32, #tpu.memory_space<vmem>> -> memref<512xi32, #tpu.memory_space<vmem>>
    %dma_start3A_27 = arith.constant 0 : i32
    %dma_start3A_28 = tpu.memref_slice %arg2[%dma_start3A_17, %dma_start3A_27] : memref<208x100000xf32, #tpu.memory_space<hbm>> -> memref<1x100000xf32, #tpu.memory_space<hbm>>
    %dma_start3A_29 = tpu.memref_squeeze %dma_start3A_28 : memref<1x100000xf32, #tpu.memory_space<hbm>> -> memref<100000xf32, #tpu.memory_space<hbm>>
    %dma_start3A_30 = arith.constant 0 : i32
    %dma_start3A_31 = tpu.memref_slice %dma_start3A_29[%dma_start3A_30] : memref<100000xf32, #tpu.memory_space<hbm>> -> memref<100000xf32, #tpu.memory_space<hbm>>
    tpu.enqueue_indirect_dma source(%dma_start3A_31 : memref<100000xf32, #tpu.memory_space<hbm>>) target(%dma_start3A_23 : memref<512xf32, #tpu.memory_space<vmem>>) offsets(%dma_start3A_26 : memref<512xi32, #tpu.memory_space<vmem>>) semaphore(%arg7 : memref<!tpu.dma_semaphore, #tpu.memory_space<semaphore_mem>>)
    %dma_start3A_32 = arith.constant 2 : i32
    %dma_start3A_33 = arith.constant 0 : i32
    %dma_start3A_34 = arith.constant 0 : i32
    %dma_start3A_35 = arith.constant 2 : i32
    %dma_start3A_36 = arith.constant 0 : i32
    %dma_start3A_37 = tpu.memref_slice %arg6[%dma_start3A_34, %dma_start3A_35, %dma_start3A_36] : memref<2x16x512xf32, #tpu.memory_space<vmem>> -> memref<1x1x512xf32, #tpu.memory_space<vmem>>
    %dma_start3A_38 = tpu.memref_squeeze %dma_start3A_37 : memref<1x1x512xf32, #tpu.memory_space<vmem>> -> memref<512xf32, #tpu.memory_space<vmem>>
    %dma_start3A_39 = arith.constant 0 : i32
    %dma_start3A_40 = tpu.memref_slice %arg5[%dma_start3A_33, %dma_start3A_39] : memref<13x512xi32, #tpu.memory_space<vmem>> -> memref<1x512xi32, #tpu.memory_space<vmem>>
    %dma_start3A_41 = tpu.memref_squeeze %dma_start3A_40 : memref<1x512xi32, #tpu.memory_space<vmem>> -> memref<512xi32, #tpu.memory_space<vmem>>
    %dma_start3A_42 = arith.constant 0 : i32
    %dma_start3A_43 = tpu.memref_slice %arg2[%dma_start3A_32, %dma_start3A_42] : memref<208x100000xf32, #tpu.memory_space<hbm>> -> memref<1x100000xf32, #tpu.memory_space<hbm>>
    %dma_start3A_44 = tpu.memref_squeeze %dma_start3A_43 : memref<1x100000xf32, #tpu.memory_space<hbm>> -> memref<100000xf32, #tpu.memory_space<hbm>>
    %dma_start3A_45 = arith.constant 0 : i32
    %dma_start3A_46 = tpu.memref_slice %dma_start3A_44[%dma_start3A_45] : memref<100000xf32, #tpu.memory_space<hbm>> -> memref<100000xf32, #tpu.memory_space<hbm>>
    tpu.enqueue_indirect_dma source(%dma_start3A_46 : memref<100000xf32, #tpu.memory_space<hbm>>) target(%dma_start3A_38 : memref<512xf32, #tpu.memory_space<vmem>>) offsets(%dma_start3A_41 : memref<512xi32, #tpu.memory_space<vmem>>) semaphore(%arg7 : memref<!tpu.dma_semaphore, #tpu.memory_space<semaphore_mem>>)
    %dma_start3A_47 = arith.constant 3 : i32
    %dma_start3A_48 = arith.constant 0 : i32
    %dma_start3A_49 = arith.constant 0 : i32
    %dma_start3A_50 = arith.constant 3 : i32
    %dma_start3A_51 = arith.constant 0 : i32
    %dma_start3A_52 = tpu.memref_slice %arg6[%dma_start3A_49, %dma_start3A_50, %dma_start3A_51] : memref<2x16x512xf32, #tpu.memory_space<vmem>> -> memref<1x1x512xf32, #tpu.memory_space<vmem>>
    %dma_start3A_53 = tpu.memref_squeeze %dma_start3A_52 : memref<1x1x512xf32, #tpu.memory_space<vmem>> -> memref<512xf32, #tpu.memory_space<vmem>>
    %dma_start3A_54 = arith.constant 0 : i32
    %dma_start3A_55 = tpu.memref_slice %arg5[%dma_start3A_48, %dma_start3A_54] : memref<13x512xi32, #tpu.memory_space<vmem>> -> memref<1x512xi32, #tpu.memory_space<vmem>>
    %dma_start3A_56 = tpu.memref_squeeze %dma_start3A_55 : memref<1x512xi32, #tpu.memory_space<vmem>> -> memref<512xi32, #tpu.memory_space<vmem>>
    %dma_start3A_57 = arith.constant 0 : i32
    %dma_start3A_58 = tpu.memref_slice %arg2[%dma_start3A_47, %dma_start3A_57] : memref<208x100000xf32, #tpu.memory_space<hbm>> -> memref<1x100000xf32, #tpu.memory_space<hbm>>
    %dma_start3A_59 = tpu.memref_squeeze %dma_start3A_58 : memref<1x100000xf32, #tpu.memory_space<hbm>> -> memref<100000xf32, #tpu.memory_space<hbm>>
    %dma_start3A_60 = arith.constant 0 : i32
    %dma_start3A_61 = tpu.memref_slice %dma_start3A_59[%dma_start3A_60] : memref<100000xf32, #tpu.memory_space<hbm>> -> memref<100000xf32, #tpu.memory_space<hbm>>
    tpu.enqueue_indirect_dma source(%dma_start3A_61 : memref<100000xf32, #tpu.memory_space<hbm>>) target(%dma_start3A_53 : memref<512xf32, #tpu.memory_space<vmem>>) offsets(%dma_start3A_56 : memref<512xi32, #tpu.memory_space<vmem>>) semaphore(%arg7 : memref<!tpu.dma_semaphore, #tpu.memory_space<semaphore_mem>>)
    %dma_start3A_62 = arith.constant 4 : i32
    %dma_start3A_63 = arith.constant 0 : i32
    %dma_start3A_64 = arith.constant 0 : i32
    %dma_start3A_65 = arith.constant 4 : i32
    %dma_start3A_66 = arith.constant 0 : i32
    %dma_start3A_67 = tpu.memref_slice %arg6[%dma_start3A_64, %dma_start3A_65, %dma_start3A_66] : memref<2x16x512xf32, #tpu.memory_space<vmem>> -> memref<1x1x512xf32, #tpu.memory_space<vmem>>
    %dma_start3A_68 = tpu.memref_squeeze %dma_start3A_67 : memref<1x1x512xf32, #tpu.memory_space<vmem>> -> memref<512xf32, #tpu.memory_space<vmem>>
    %dma_start3A_69 = arith.constant 0 : i32
    %dma_start3A_70 = tpu.memref_slice %arg5[%dma_start3A_63, %dma_start3A_69] : memref<13x512xi32, #tpu.memory_space<vmem>> -> memref<1x512xi32, #tpu.memory_space<vmem>>
    %dma_start3A_71 = tpu.memref_squeeze %dma_start3A_70 : memref<1x512xi32, #tpu.memory_space<vmem>> -> memref<512xi32, #tpu.memory_space<vmem>>
    %dma_start3A_72 = arith.constant 0 : i32
    %dma_start3A_73 = tpu.memref_slice %arg2[%dma_start3A_62, %dma_start3A_72] : memref<208x100000xf32, #tpu.memory_space<hbm>> -> memref<1x100000xf32, #tpu.memory_space<hbm>>
    %dma_start3A_74 = tpu.memref_squeeze %dma_start3A_73 : memref<1x100000xf32, #tpu.memory_space<hbm>> -> memref<100000xf32, #tpu.memory_space<hbm>>
    %dma_start3A_75 = arith.constant 0 : i32
    %dma_start3A_76 = tpu.memref_slice %dma_start3A_74[%dma_start3A_75] : memref<100000xf32, #tpu.memory_space<hbm>> -> memref<100000xf32, #tpu.memory_space<hbm>>
    tpu.enqueue_indirect_dma source(%dma_start3A_76 : memref<100000xf32, #tpu.memory_space<hbm>>) target(%dma_start3A_68 : memref<512xf32, #tpu.memory_space<vmem>>) offsets(%dma_start3A_71 : memref<512xi32, #tpu.memory_space<vmem>>) semaphore(%arg7 : memref<!tpu.dma_semaphore, #tpu.memory_space<semaphore_mem>>)
    %dma_start3A_77 = arith.constant 5 : i32
    %dma_start3A_78 = arith.constant 0 : i32
    %dma_start3A_79 = arith.constant 0 : i32
    %dma_start3A_80 = arith.constant 5 : i32
    %dma_start3A_81 = arith.constant 0 : i32
    %dma_start3A_82 = tpu.memref_slice %arg6[%dma_start3A_79, %dma_start3A_80, %dma_start3A_81] : memref<2x16x512xf32, #tpu.memory_space<vmem>> -> memref<1x1x512xf32, #tpu.memory_space<vmem>>
    %dma_start3A_83 = tpu.memref_squeeze %dma_start3A_82 : memref<1x1x512xf32, #tpu.memory_space<vmem>> -> memref<512xf32, #tpu.memory_space<vmem>>
    %dma_start3A_84 = arith.constant 0 : i32
    %dma_start3A_85 = tpu.memref_slice %arg5[%dma_start3A_78, %dma_start3A_84] : memref<13x512xi32, #tpu.memory_space<vmem>> -> memref<1x512xi32, #tpu.memory_space<vmem>>
    %dma_start3A_86 = tpu.memref_squeeze %dma_start3A_85 : memref<1x512xi32, #tpu.memory_space<vmem>> -> memref<512xi32, #tpu.memory_space<vmem>>
    %dma_start3A_87 = arith.constant 0 : i32
    %dma_start3A_88 = tpu.memref_slice %arg2[%dma_start3A_77, %dma_start3A_87] : memref<208x100000xf32, #tpu.memory_space<hbm>> -> memref<1x100000xf32, #tpu.memory_space<hbm>>
    %dma_start3A_89 = tpu.memref_squeeze %dma_start3A_88 : memref<1x100000xf32, #tpu.memory_space<hbm>> -> memref<100000xf32, #tpu.memory_space<hbm>>
    %dma_start3A_90 = arith.constant 0 : i32
    %dma_start3A_91 = tpu.memref_slice %dma_start3A_89[%dma_start3A_90] : memref<100000xf32, #tpu.memory_space<hbm>> -> memref<100000xf32, #tpu.memory_space<hbm>>
    tpu.enqueue_indirect_dma source(%dma_start3A_91 : memref<100000xf32, #tpu.memory_space<hbm>>) target(%dma_start3A_83 : memref<512xf32, #tpu.memory_space<vmem>>) offsets(%dma_start3A_86 : memref<512xi32, #tpu.memory_space<vmem>>) semaphore(%arg7 : memref<!tpu.dma_semaphore, #tpu.memory_space<semaphore_mem>>)
    %dma_start3A_92 = arith.constant 6 : i32
    %dma_start3A_93 = arith.constant 0 : i32
    %dma_start3A_94 = arith.constant 0 : i32
    %dma_start3A_95 = arith.constant 6 : i32
    %dma_start3A_96 = arith.constant 0 : i32
    %dma_start3A_97 = tpu.memref_slice %arg6[%dma_start3A_94, %dma_start3A_95, %dma_start3A_96] : memref<2x16x512xf32, #tpu.memory_space<vmem>> -> memref<1x1x512xf32, #tpu.memory_space<vmem>>
    %dma_start3A_98 = tpu.memref_squeeze %dma_start3A_97 : memref<1x1x512xf32, #tpu.memory_space<vmem>> -> memref<512xf32, #tpu.memory_space<vmem>>
    %dma_start3A_99 = arith.constant 0 : i32
    %dma_start3A_100 = tpu.memref_slice %arg5[%dma_start3A_93, %dma_start3A_99] : memref<13x512xi32, #tpu.memory_space<vmem>> -> memref<1x512xi32, #tpu.memory_space<vmem>>
    %dma_start3A_101 = tpu.memref_squeeze %dma_start3A_100 : memref<1x512xi32, #tpu.memory_space<vmem>> -> memref<512xi32, #tpu.memory_space<vmem>>
    %dma_start3A_102 = arith.constant 0 : i32
    %dma_start3A_103 = tpu.memref_slice %arg2[%dma_start3A_92, %dma_start3A_102] : memref<208x100000xf32, #tpu.memory_space<hbm>> -> memref<1x100000xf32, #tpu.memory_space<hbm>>
    %dma_start3A_104 = tpu.memref_squeeze %dma_start3A_103 : memref<1x100000xf32, #tpu.memory_space<hbm>> -> memref<100000xf32, #tpu.memory_space<hbm>>
    %dma_start3A_105 = arith.constant 0 : i32
    %dma_start3A_106 = tpu.memref_slice %dma_start3A_104[%dma_start3A_105] : memref<100000xf32, #tpu.memory_space<hbm>> -> memref<100000xf32, #tpu.memory_space<hbm>>
    tpu.enqueue_indirect_dma source(%dma_start3A_106 : memref<100000xf32, #tpu.memory_space<hbm>>) target(%dma_start3A_98 : memref<512xf32, #tpu.memory_space<vmem>>) offsets(%dma_start3A_101 : memref<512xi32, #tpu.memory_space<vmem>>) semaphore(%arg7 : memref<!tpu.dma_semaphore, #tpu.memory_space<semaphore_mem>>)
    %dma_start3A_107 = arith.constant 7 : i32
    %dma_start3A_108 = arith.constant 0 : i32
    %dma_start3A_109 = arith.constant 0 : i32
    %dma_start3A_110 = arith.constant 7 : i32
    %dma_start3A_111 = arith.constant 0 : i32
    %dma_start3A_112 = tpu.memref_slice %arg6[%dma_start3A_109, %dma_start3A_110, %dma_start3A_111] : memref<2x16x512xf32, #tpu.memory_space<vmem>> -> memref<1x1x512xf32, #tpu.memory_space<vmem>>
    %dma_start3A_113 = tpu.memref_squeeze %dma_start3A_112 : memref<1x1x512xf32, #tpu.memory_space<vmem>> -> memref<512xf32, #tpu.memory_space<vmem>>
    %dma_start3A_114 = arith.constant 0 : i32
    %dma_start3A_115 = tpu.memref_slice %arg5[%dma_start3A_108, %dma_start3A_114] : memref<13x512xi32, #tpu.memory_space<vmem>> -> memref<1x512xi32, #tpu.memory_space<vmem>>
    %dma_start3A_116 = tpu.memref_squeeze %dma_start3A_115 : memref<1x512xi32, #tpu.memory_space<vmem>> -> memref<512xi32, #tpu.memory_space<vmem>>
    %dma_start3A_117 = arith.constant 0 : i32
    %dma_start3A_118 = tpu.memref_slice %arg2[%dma_start3A_107, %dma_start3A_117] : memref<208x100000xf32, #tpu.memory_space<hbm>> -> memref<1x100000xf32, #tpu.memory_space<hbm>>
    %dma_start3A_119 = tpu.memref_squeeze %dma_start3A_118 : memref<1x100000xf32, #tpu.memory_space<hbm>> -> memref<100000xf32, #tpu.memory_space<hbm>>
    %dma_start3A_120 = arith.constant 0 : i32
    %dma_start3A_121 = tpu.memref_slice %dma_start3A_119[%dma_start3A_120] : memref<100000xf32, #tpu.memory_space<hbm>> -> memref<100000xf32, #tpu.memory_space<hbm>>
    tpu.enqueue_indirect_dma source(%dma_start3A_121 : memref<100000xf32, #tpu.memory_space<hbm>>) target(%dma_start3A_113 : memref<512xf32, #tpu.memory_space<vmem>>) offsets(%dma_start3A_116 : memref<512xi32, #tpu.memory_space<vmem>>) semaphore(%arg7 : memref<!tpu.dma_semaphore, #tpu.memory_space<semaphore_mem>>)
    %dma_start3A_122 = arith.constant 8 : i32
    %dma_start3A_123 = arith.constant 0 : i32
    %dma_start3A_124 = arith.constant 0 : i32
    %dma_start3A_125 = arith.constant 8 : i32
    %dma_start3A_126 = arith.constant 0 : i32
    %dma_start3A_127 = tpu.memref_slice %arg6[%dma_start3A_124, %dma_start3A_125, %dma_start3A_126] : memref<2x16x512xf32, #tpu.memory_space<vmem>> -> memref<1x1x512xf32, #tpu.memory_space<vmem>>
    %dma_start3A_128 = tpu.memref_squeeze %dma_start3A_127 : memref<1x1x512xf32, #tpu.memory_space<vmem>> -> memref<512xf32, #tpu.memory_space<vmem>>
    %dma_start3A_129 = arith.constant 0 : i32
    %dma_start3A_130 = tpu.memref_slice %arg5[%dma_start3A_123, %dma_start3A_129] : memref<13x512xi32, #tpu.memory_space<vmem>> -> memref<1x512xi32, #tpu.memory_space<vmem>>
    %dma_start3A_131 = tpu.memref_squeeze %dma_start3A_130 : memref<1x512xi32, #tpu.memory_space<vmem>> -> memref<512xi32, #tpu.memory_space<vmem>>
    %dma_start3A_132 = arith.constant 0 : i32
    %dma_start3A_133 = tpu.memref_slice %arg2[%dma_start3A_122, %dma_start3A_132] : memref<208x100000xf32, #tpu.memory_space<hbm>> -> memref<1x100000xf32, #tpu.memory_space<hbm>>
    %dma_start3A_134 = tpu.memref_squeeze %dma_start3A_133 : memref<1x100000xf32, #tpu.memory_space<hbm>> -> memref<100000xf32, #tpu.memory_space<hbm>>
    %dma_start3A_135 = arith.constant 0 : i32
    %dma_start3A_136 = tpu.memref_slice %dma_start3A_134[%dma_start3A_135] : memref<100000xf32, #tpu.memory_space<hbm>> -> memref<100000xf32, #tpu.memory_space<hbm>>
    tpu.enqueue_indirect_dma source(%dma_start3A_136 : memref<100000xf32, #tpu.memory_space<hbm>>) target(%dma_start3A_128 : memref<512xf32, #tpu.memory_space<vmem>>) offsets(%dma_start3A_131 : memref<512xi32, #tpu.memory_space<vmem>>) semaphore(%arg7 : memref<!tpu.dma_semaphore, #tpu.memory_space<semaphore_mem>>)
    %dma_start3A_137 = arith.constant 9 : i32
    %dma_start3A_138 = arith.constant 0 : i32
    %dma_start3A_139 = arith.constant 0 : i32
    %dma_start3A_140 = arith.constant 9 : i32
    %dma_start3A_141 = arith.constant 0 : i32
    %dma_start3A_142 = tpu.memref_slice %arg6[%dma_start3A_139, %dma_start3A_140, %dma_start3A_141] : memref<2x16x512xf32, #tpu.memory_space<vmem>> -> memref<1x1x512xf32, #tpu.memory_space<vmem>>
    %dma_start3A_143 = tpu.memref_squeeze %dma_start3A_142 : memref<1x1x512xf32, #tpu.memory_space<vmem>> -> memref<512xf32, #tpu.memory_space<vmem>>
    %dma_start3A_144 = arith.constant 0 : i32
    %dma_start3A_145 = tpu.memref_slice %arg5[%dma_start3A_138, %dma_start3A_144] : memref<13x512xi32, #tpu.memory_space<vmem>> -> memref<1x512xi32, #tpu.memory_space<vmem>>
    %dma_start3A_146 = tpu.memref_squeeze %dma_start3A_145 : memref<1x512xi32, #tpu.memory_space<vmem>> -> memref<512xi32, #tpu.memory_space<vmem>>
    %dma_start3A_147 = arith.constant 0 : i32
    %dma_start3A_148 = tpu.memref_slice %arg2[%dma_start3A_137, %dma_start3A_147] : memref<208x100000xf32, #tpu.memory_space<hbm>> -> memref<1x100000xf32, #tpu.memory_space<hbm>>
    %dma_start3A_149 = tpu.memref_squeeze %dma_start3A_148 : memref<1x100000xf32, #tpu.memory_space<hbm>> -> memref<100000xf32, #tpu.memory_space<hbm>>
    %dma_start3A_150 = arith.constant 0 : i32
    %dma_start3A_151 = tpu.memref_slice %dma_start3A_149[%dma_start3A_150] : memref<100000xf32, #tpu.memory_space<hbm>> -> memref<100000xf32, #tpu.memory_space<hbm>>
    tpu.enqueue_indirect_dma source(%dma_start3A_151 : memref<100000xf32, #tpu.memory_space<hbm>>) target(%dma_start3A_143 : memref<512xf32, #tpu.memory_space<vmem>>) offsets(%dma_start3A_146 : memref<512xi32, #tpu.memory_space<vmem>>) semaphore(%arg7 : memref<!tpu.dma_semaphore, #tpu.memory_space<semaphore_mem>>)
    %dma_start3A_152 = arith.constant 10 : i32
    %dma_start3A_153 = arith.constant 0 : i32
    %dma_start3A_154 = arith.constant 0 : i32
    %dma_start3A_155 = arith.constant 10 : i32
    %dma_start3A_156 = arith.constant 0 : i32
    %dma_start3A_157 = tpu.memref_slice %arg6[%dma_start3A_154, %dma_start3A_155, %dma_start3A_156] : memref<2x16x512xf32, #tpu.memory_space<vmem>> -> memref<1x1x512xf32, #tpu.memory_space<vmem>>
    %dma_start3A_158 = tpu.memref_squeeze %dma_start3A_157 : memref<1x1x512xf32, #tpu.memory_space<vmem>> -> memref<512xf32, #tpu.memory_space<vmem>>
    %dma_start3A_159 = arith.constant 0 : i32
    %dma_start3A_160 = tpu.memref_slice %arg5[%dma_start3A_153, %dma_start3A_159] : memref<13x512xi32, #tpu.memory_space<vmem>> -> memref<1x512xi32, #tpu.memory_space<vmem>>
    %dma_start3A_161 = tpu.memref_squeeze %dma_start3A_160 : memref<1x512xi32, #tpu.memory_space<vmem>> -> memref<512xi32, #tpu.memory_space<vmem>>
    %dma_start3A_162 = arith.constant 0 : i32
    %dma_start3A_163 = tpu.memref_slice %arg2[%dma_start3A_152, %dma_start3A_162] : memref<208x100000xf32, #tpu.memory_space<hbm>> -> memref<1x100000xf32, #tpu.memory_space<hbm>>
    %dma_start3A_164 = tpu.memref_squeeze %dma_start3A_163 : memref<1x100000xf32, #tpu.memory_space<hbm>> -> memref<100000xf32, #tpu.memory_space<hbm>>
    %dma_start3A_165 = arith.constant 0 : i32
    %dma_start3A_166 = tpu.memref_slice %dma_start3A_164[%dma_start3A_165] : memref<100000xf32, #tpu.memory_space<hbm>> -> memref<100000xf32, #tpu.memory_space<hbm>>
    tpu.enqueue_indirect_dma source(%dma_start3A_166 : memref<100000xf32, #tpu.memory_space<hbm>>) target(%dma_start3A_158 : memref<512xf32, #tpu.memory_space<vmem>>) offsets(%dma_start3A_161 : memref<512xi32, #tpu.memory_space<vmem>>) semaphore(%arg7 : memref<!tpu.dma_semaphore, #tpu.memory_space<semaphore_mem>>)
    %dma_start3A_167 = arith.constant 11 : i32
    %dma_start3A_168 = arith.constant 0 : i32
    %dma_start3A_169 = arith.constant 0 : i32
    %dma_start3A_170 = arith.constant 11 : i32
    %dma_start3A_171 = arith.constant 0 : i32
    %dma_start3A_172 = tpu.memref_slice %arg6[%dma_start3A_169, %dma_start3A_170, %dma_start3A_171] : memref<2x16x512xf32, #tpu.memory_space<vmem>> -> memref<1x1x512xf32, #tpu.memory_space<vmem>>
    %dma_start3A_173 = tpu.memref_squeeze %dma_start3A_172 : memref<1x1x512xf32, #tpu.memory_space<vmem>> -> memref<512xf32, #tpu.memory_space<vmem>>
    %dma_start3A_174 = arith.constant 0 : i32
    %dma_start3A_175 = tpu.memref_slice %arg5[%dma_start3A_168, %dma_start3A_174] : memref<13x512xi32, #tpu.memory_space<vmem>> -> memref<1x512xi32, #tpu.memory_space<vmem>>
    %dma_start3A_176 = tpu.memref_squeeze %dma_start3A_175 : memref<1x512xi32, #tpu.memory_space<vmem>> -> memref<512xi32, #tpu.memory_space<vmem>>
    %dma_start3A_177 = arith.constant 0 : i32
    %dma_start3A_178 = tpu.memref_slice %arg2[%dma_start3A_167, %dma_start3A_177] : memref<208x100000xf32, #tpu.memory_space<hbm>> -> memref<1x100000xf32, #tpu.memory_space<hbm>>
    %dma_start3A_179 = tpu.memref_squeeze %dma_start3A_178 : memref<1x100000xf32, #tpu.memory_space<hbm>> -> memref<100000xf32, #tpu.memory_space<hbm>>
    %dma_start3A_180 = arith.constant 0 : i32
    %dma_start3A_181 = tpu.memref_slice %dma_start3A_179[%dma_start3A_180] : memref<100000xf32, #tpu.memory_space<hbm>> -> memref<100000xf32, #tpu.memory_space<hbm>>
    tpu.enqueue_indirect_dma source(%dma_start3A_181 : memref<100000xf32, #tpu.memory_space<hbm>>) target(%dma_start3A_173 : memref<512xf32, #tpu.memory_space<vmem>>) offsets(%dma_start3A_176 : memref<512xi32, #tpu.memory_space<vmem>>) semaphore(%arg7 : memref<!tpu.dma_semaphore, #tpu.memory_space<semaphore_mem>>)
    %dma_start3A_182 = arith.constant 12 : i32
    %dma_start3A_183 = arith.constant 0 : i32
    %dma_start3A_184 = arith.constant 0 : i32
    %dma_start3A_185 = arith.constant 12 : i32
    %dma_start3A_186 = arith.constant 0 : i32
    %dma_start3A_187 = tpu.memref_slice %arg6[%dma_start3A_184, %dma_start3A_185, %dma_start3A_186] : memref<2x16x512xf32, #tpu.memory_space<vmem>> -> memref<1x1x512xf32, #tpu.memory_space<vmem>>
    %dma_start3A_188 = tpu.memref_squeeze %dma_start3A_187 : memref<1x1x512xf32, #tpu.memory_space<vmem>> -> memref<512xf32, #tpu.memory_space<vmem>>
    %dma_start3A_189 = arith.constant 0 : i32
    %dma_start3A_190 = tpu.memref_slice %arg5[%dma_start3A_183, %dma_start3A_189] : memref<13x512xi32, #tpu.memory_space<vmem>> -> memref<1x512xi32, #tpu.memory_space<vmem>>
    %dma_start3A_191 = tpu.memref_squeeze %dma_start3A_190 : memref<1x512xi32, #tpu.memory_space<vmem>> -> memref<512xi32, #tpu.memory_space<vmem>>
    %dma_start3A_192 = arith.constant 0 : i32
    %dma_start3A_193 = tpu.memref_slice %arg2[%dma_start3A_182, %dma_start3A_192] : memref<208x100000xf32, #tpu.memory_space<hbm>> -> memref<1x100000xf32, #tpu.memory_space<hbm>>
    %dma_start3A_194 = tpu.memref_squeeze %dma_start3A_193 : memref<1x100000xf32, #tpu.memory_space<hbm>> -> memref<100000xf32, #tpu.memory_space<hbm>>
    %dma_start3A_195 = arith.constant 0 : i32
    %dma_start3A_196 = tpu.memref_slice %dma_start3A_194[%dma_start3A_195] : memref<100000xf32, #tpu.memory_space<hbm>> -> memref<100000xf32, #tpu.memory_space<hbm>>
    tpu.enqueue_indirect_dma source(%dma_start3A_196 : memref<100000xf32, #tpu.memory_space<hbm>>) target(%dma_start3A_188 : memref<512xf32, #tpu.memory_space<vmem>>) offsets(%dma_start3A_191 : memref<512xi32, #tpu.memory_space<vmem>>) semaphore(%arg7 : memref<!tpu.dma_semaphore, #tpu.memory_space<semaphore_mem>>)
    %dma_start3A_197 = arith.constant 13 : i32
    %dma_start3A_198 = arith.constant 0 : i32
    %dma_start3A_199 = arith.constant 0 : i32
    %dma_start3A_200 = arith.constant 13 : i32
    %dma_start3A_201 = arith.constant 0 : i32
    %dma_start3A_202 = tpu.memref_slice %arg6[%dma_start3A_199, %dma_start3A_200, %dma_start3A_201] : memref<2x16x512xf32, #tpu.memory_space<vmem>> -> memref<1x1x512xf32, #tpu.memory_space<vmem>>
    %dma_start3A_203 = tpu.memref_squeeze %dma_start3A_202 : memref<1x1x512xf32, #tpu.memory_space<vmem>> -> memref<512xf32, #tpu.memory_space<vmem>>
    %dma_start3A_204 = arith.constant 0 : i32
    %dma_start3A_205 = tpu.memref_slice %arg5[%dma_start3A_198, %dma_start3A_204] : memref<13x512xi32, #tpu.memory_space<vmem>> -> memref<1x512xi32, #tpu.memory_space<vmem>>
    %dma_start3A_206 = tpu.memref_squeeze %dma_start3A_205 : memref<1x512xi32, #tpu.memory_space<vmem>> -> memref<512xi32, #tpu.memory_space<vmem>>
    %dma_start3A_207 = arith.constant 0 : i32
    %dma_start3A_208 = tpu.memref_slice %arg2[%dma_start3A_197, %dma_start3A_207] : memref<208x100000xf32, #tpu.memory_space<hbm>> -> memref<1x100000xf32, #tpu.memory_space<hbm>>
    %dma_start3A_209 = tpu.memref_squeeze %dma_start3A_208 : memref<1x100000xf32, #tpu.memory_space<hbm>> -> memref<100000xf32, #tpu.memory_space<hbm>>
    %dma_start3A_210 = arith.constant 0 : i32
    %dma_start3A_211 = tpu.memref_slice %dma_start3A_209[%dma_start3A_210] : memref<100000xf32, #tpu.memory_space<hbm>> -> memref<100000xf32, #tpu.memory_space<hbm>>
    tpu.enqueue_indirect_dma source(%dma_start3A_211 : memref<100000xf32, #tpu.memory_space<hbm>>) target(%dma_start3A_203 : memref<512xf32, #tpu.memory_space<vmem>>) offsets(%dma_start3A_206 : memref<512xi32, #tpu.memory_space<vmem>>) semaphore(%arg7 : memref<!tpu.dma_semaphore, #tpu.memory_space<semaphore_mem>>)
    %dma_start3A_212 = arith.constant 14 : i32
    %dma_start3A_213 = arith.constant 0 : i32
    %dma_start3A_214 = arith.constant 0 : i32
    %dma_start3A_215 = arith.constant 14 : i32
    %dma_start3A_216 = arith.constant 0 : i32
    %dma_start3A_217 = tpu.memref_slice %arg6[%dma_start3A_214, %dma_start3A_215, %dma_start3A_216] : memref<2x16x512xf32, #tpu.memory_space<vmem>> -> memref<1x1x512xf32, #tpu.memory_space<vmem>>
    %dma_start3A_218 = tpu.memref_squeeze %dma_start3A_217 : memref<1x1x512xf32, #tpu.memory_space<vmem>> -> memref<512xf32, #tpu.memory_space<vmem>>
    %dma_start3A_219 = arith.constant 0 : i32
    %dma_start3A_220 = tpu.memref_slice %arg5[%dma_start3A_213, %dma_start3A_219] : memref<13x512xi32, #tpu.memory_space<vmem>> -> memref<1x512xi32, #tpu.memory_space<vmem>>
    %dma_start3A_221 = tpu.memref_squeeze %dma_start3A_220 : memref<1x512xi32, #tpu.memory_space<vmem>> -> memref<512xi32, #tpu.memory_space<vmem>>
    %dma_start3A_222 = arith.constant 0 : i32
    %dma_start3A_223 = tpu.memref_slice %arg2[%dma_start3A_212, %dma_start3A_222] : memref<208x100000xf32, #tpu.memory_space<hbm>> -> memref<1x100000xf32, #tpu.memory_space<hbm>>
    %dma_start3A_224 = tpu.memref_squeeze %dma_start3A_223 : memref<1x100000xf32, #tpu.memory_space<hbm>> -> memref<100000xf32, #tpu.memory_space<hbm>>
    %dma_start3A_225 = arith.constant 0 : i32
    %dma_start3A_226 = tpu.memref_slice %dma_start3A_224[%dma_start3A_225] : memref<100000xf32, #tpu.memory_space<hbm>> -> memref<100000xf32, #tpu.memory_space<hbm>>
    tpu.enqueue_indirect_dma source(%dma_start3A_226 : memref<100000xf32, #tpu.memory_space<hbm>>) target(%dma_start3A_218 : memref<512xf32, #tpu.memory_space<vmem>>) offsets(%dma_start3A_221 : memref<512xi32, #tpu.memory_space<vmem>>) semaphore(%arg7 : memref<!tpu.dma_semaphore, #tpu.memory_space<semaphore_mem>>)
    %dma_start3A_227 = arith.constant 15 : i32
    %dma_start3A_228 = arith.constant 0 : i32
    %dma_start3A_229 = arith.constant 0 : i32
    %dma_start3A_230 = arith.constant 15 : i32
    %dma_start3A_231 = arith.constant 0 : i32
    %dma_start3A_232 = tpu.memref_slice %arg6[%dma_start3A_229, %dma_start3A_230, %dma_start3A_231] : memref<2x16x512xf32, #tpu.memory_space<vmem>> -> memref<1x1x512xf32, #tpu.memory_space<vmem>>
    %dma_start3A_233 = tpu.memref_squeeze %dma_start3A_232 : memref<1x1x512xf32, #tpu.memory_space<vmem>> -> memref<512xf32, #tpu.memory_space<vmem>>
    %dma_start3A_234 = arith.constant 0 : i32
    %dma_start3A_235 = tpu.memref_slice %arg5[%dma_start3A_228, %dma_start3A_234] : memref<13x512xi32, #tpu.memory_space<vmem>> -> memref<1x512xi32, #tpu.memory_space<vmem>>
    %dma_start3A_236 = tpu.memref_squeeze %dma_start3A_235 : memref<1x512xi32, #tpu.memory_space<vmem>> -> memref<512xi32, #tpu.memory_space<vmem>>
    %dma_start3A_237 = arith.constant 0 : i32
    %dma_start3A_238 = tpu.memref_slice %arg2[%dma_start3A_227, %dma_start3A_237] : memref<208x100000xf32, #tpu.memory_space<hbm>> -> memref<1x100000xf32, #tpu.memory_space<hbm>>
    %dma_start3A_239 = tpu.memref_squeeze %dma_start3A_238 : memref<1x100000xf32, #tpu.memory_space<hbm>> -> memref<100000xf32, #tpu.memory_space<hbm>>
    %dma_start3A_240 = arith.constant 0 : i32
    %dma_start3A_241 = tpu.memref_slice %dma_start3A_239[%dma_start3A_240] : memref<100000xf32, #tpu.memory_space<hbm>> -> memref<100000xf32, #tpu.memory_space<hbm>>
    tpu.enqueue_indirect_dma source(%dma_start3A_241 : memref<100000xf32, #tpu.memory_space<hbm>>) target(%dma_start3A_233 : memref<512xf32, #tpu.memory_space<vmem>>) offsets(%dma_start3A_236 : memref<512xi32, #tpu.memory_space<vmem>>) semaphore(%arg7 : memref<!tpu.dma_semaphore, #tpu.memory_space<semaphore_mem>>)
    %scan3A = arith.constant 0 : i32
    %scan3A_242 = arith.constant 0 : i32
    %scan3A_243 = arith.constant 13 : i32
    %scan3A_244 = arith.addi %scan3A_242, %scan3A_243 : i32
    %scan3A_245 = arith.constant 1 : i32
    scf.for %scan3A_259 = %scan3A_242 to %scan3A_244 step %scan3A_245  : i32 {
      %rem3A = arith.constant 2 : i32
      %rem3A_260 = arith.remsi %scan3A_259, %rem3A : i32
      %add3A_261 = arith.constant 1 : i32
      %add3A_262 = arith.addi %scan3A_259, %add3A_261 : i32
      %rem3A_263 = arith.constant 2 : i32
      %rem3A_264 = arith.remsi %add3A_262, %rem3A_263 : i32
      %ge3A = arith.constant 1 : i32
      %ge3A_265 = arith.cmpi sge, %scan3A_259, %ge3A : i32
      %convert_element_type3A = arith.extui %ge3A_265 : i1 to i32
      %cond3A = arith.constant 0 : i32
      %cond3A_266 = arith.cmpi ne, %convert_element_type3A, %cond3A : i32
      scf.if %cond3A_266 {
        %sub3A = arith.constant 1 : i32
        %sub3A_306 = arith.subi %scan3A_259, %sub3A : i32
        %mul3A_307 = arith.constant 16 : i32
        %mul3A_308 = arith.muli %sub3A_306, %mul3A_307 : i32
        %dma_wait3A_309 = arith.constant 0 : i32
        %dma_wait3A_310 = arith.constant 0 : i32
        %dma_wait3A_311 = tpu.memref_slice %arg6[%rem3A_264, %dma_wait3A_309, %dma_wait3A_310] : memref<2x16x512xf32, #tpu.memory_space<vmem>> -> memref<1x16x512xf32, #tpu.memory_space<vmem>>
        %dma_wait3A_312 = tpu.memref_squeeze %dma_wait3A_311 : memref<1x16x512xf32, #tpu.memory_space<vmem>> -> memref<16x512xf32, #tpu.memory_space<vmem>>
        %dma_wait3A_313 = tpu.memref_slice %arg4[%mul3A_308, %mul3A_2] : memref<208x16384xf32, #tpu.memory_space<hbm>> -> memref<16x512xf32, #tpu.memory_space<hbm>>
        %dma_wait3A_314 = tpu.memref_slice %arg4[%mul3A_308, %mul3A_2] : memref<208x16384xf32, #tpu.memory_space<hbm>> -> memref<16x512xf32, #tpu.memory_space<hbm>>
        %dma_wait3A_315 = arith.constant 0 : i32
        %dma_wait3A_316 = arith.constant 0 : i32
        %dma_wait3A_317 = tpu.memref_slice %arg6[%rem3A_264, %dma_wait3A_315, %dma_wait3A_316] : memref<2x16x512xf32, #tpu.memory_space<vmem>> -> memref<1x16x512xf32, #tpu.memory_space<vmem>>
        %dma_wait3A_318 = tpu.memref_squeeze %dma_wait3A_317 : memref<1x16x512xf32, #tpu.memory_space<vmem>> -> memref<16x512xf32, #tpu.memory_space<vmem>>
        tpu.wait_dma2 semaphore(%arg9 : memref<!tpu.dma_semaphore, #tpu.memory_space<semaphore_mem>>) src(%dma_wait3A_318 : memref<16x512xf32, #tpu.memory_space<vmem>>) dst(%dma_wait3A_314 : memref<16x512xf32, #tpu.memory_space<hbm>>)
      } else {
      }
      %add3A_267 = arith.constant 1 : i32
      %add3A_268 = arith.addi %scan3A_259, %add3A_267 : i32
      %lt3A = arith.constant 13 : i32
      %lt3A_269 = arith.cmpi slt, %add3A_268, %lt3A : i32
      %eq3A = arith.constant 1 : i32
      %eq3A_270 = arith.cmpi eq, %rem3A_264, %eq3A : i32
      %and3A = arith.andi %lt3A_269, %eq3A_270 : i1
      %convert_element_type3A_271 = arith.extui %and3A : i1 to i32
      %cond3A_272 = arith.constant 0 : i32
      %cond3A_273 = arith.cmpi ne, %convert_element_type3A_271, %cond3A_272 : i32
      scf.if %cond3A_273 {
        %add3A_306 = arith.constant 1 : i32
        %add3A_307 = arith.addi %scan3A_259, %add3A_306 : i32
        %mul3A_308 = arith.constant 16 : i32
        %mul3A_309 = arith.muli %add3A_307, %mul3A_308 : i32
        %add3A_310 = arith.constant 0 : i32
        %add3A_311 = arith.addi %mul3A_309, %add3A_310 : i32
        %dma_start3A_312 = arith.constant 1 : i32
        %dma_start3A_313 = arith.constant 0 : i32
        %dma_start3A_314 = arith.constant 0 : i32
        %dma_start3A_315 = tpu.memref_slice %arg6[%dma_start3A_312, %dma_start3A_313, %dma_start3A_314] : memref<2x16x512xf32, #tpu.memory_space<vmem>> -> memref<1x1x512xf32, #tpu.memory_space<vmem>>
        %dma_start3A_316 = tpu.memref_squeeze %dma_start3A_315 : memref<1x1x512xf32, #tpu.memory_space<vmem>> -> memref<512xf32, #tpu.memory_space<vmem>>
        %dma_start3A_317 = arith.constant 0 : i32
        %dma_start3A_318 = tpu.memref_slice %arg5[%add3A_307, %dma_start3A_317] : memref<13x512xi32, #tpu.memory_space<vmem>> -> memref<1x512xi32, #tpu.memory_space<vmem>>
        %dma_start3A_319 = tpu.memref_squeeze %dma_start3A_318 : memref<1x512xi32, #tpu.memory_space<vmem>> -> memref<512xi32, #tpu.memory_space<vmem>>
        %dma_start3A_320 = arith.constant 0 : i32
        %dma_start3A_321 = tpu.memref_slice %arg2[%add3A_311, %dma_start3A_320] : memref<208x100000xf32, #tpu.memory_space<hbm>> -> memref<1x100000xf32, #tpu.memory_space<hbm>>
        %dma_start3A_322 = tpu.memref_squeeze %dma_start3A_321 : memref<1x100000xf32, #tpu.memory_space<hbm>> -> memref<100000xf32, #tpu.memory_space<hbm>>
        %dma_start3A_323 = arith.constant 0 : i32
        %dma_start3A_324 = tpu.memref_slice %dma_start3A_322[%dma_start3A_323] : memref<100000xf32, #tpu.memory_space<hbm>> -> memref<100000xf32, #tpu.memory_space<hbm>>
        tpu.enqueue_indirect_dma source(%dma_start3A_324 : memref<100000xf32, #tpu.memory_space<hbm>>) target(%dma_start3A_316 : memref<512xf32, #tpu.memory_space<vmem>>) offsets(%dma_start3A_319 : memref<512xi32, #tpu.memory_space<vmem>>) semaphore(%arg8 : memref<!tpu.dma_semaphore, #tpu.memory_space<semaphore_mem>>)
        %mul3A_325 = arith.constant 16 : i32
        %mul3A_326 = arith.muli %add3A_307, %mul3A_325 : i32
        %add3A_327 = arith.constant 1 : i32
        %add3A_328 = arith.addi %mul3A_326, %add3A_327 : i32
        %dma_start3A_329 = arith.constant 1 : i32
        %dma_start3A_330 = arith.constant 1 : i32
        %dma_start3A_331 = arith.constant 0 : i32
        %dma_start3A_332 = tpu.memref_slice %arg6[%dma_start3A_329, %dma_start3A_330, %dma_start3A_331] : memref<2x16x512xf32, #tpu.memory_space<vmem>> -> memref<1x1x512xf32, #tpu.memory_space<vmem>>
        %dma_start3A_333 = tpu.memref_squeeze %dma_start3A_332 : memref<1x1x512xf32, #tpu.memory_space<vmem>> -> memref<512xf32, #tpu.memory_space<vmem>>
        %dma_start3A_334 = arith.constant 0 : i32
        %dma_start3A_335 = tpu.memref_slice %arg5[%add3A_307, %dma_start3A_334] : memref<13x512xi32, #tpu.memory_space<vmem>> -> memref<1x512xi32, #tpu.memory_space<vmem>>
        %dma_start3A_336 = tpu.memref_squeeze %dma_start3A_335 : memref<1x512xi32, #tpu.memory_space<vmem>> -> memref<512xi32, #tpu.memory_space<vmem>>
        %dma_start3A_337 = arith.constant 0 : i32
        %dma_start3A_338 = tpu.memref_slice %arg2[%add3A_328, %dma_start3A_337] : memref<208x100000xf32, #tpu.memory_space<hbm>> -> memref<1x100000xf32, #tpu.memory_space<hbm>>
        %dma_start3A_339 = tpu.memref_squeeze %dma_start3A_338 : memref<1x100000xf32, #tpu.memory_space<hbm>> -> memref<100000xf32, #tpu.memory_space<hbm>>
        %dma_start3A_340 = arith.constant 0 : i32
        %dma_start3A_341 = tpu.memref_slice %dma_start3A_339[%dma_start3A_340] : memref<100000xf32, #tpu.memory_space<hbm>> -> memref<100000xf32, #tpu.memory_space<hbm>>
        tpu.enqueue_indirect_dma source(%dma_start3A_341 : memref<100000xf32, #tpu.memory_space<hbm>>) target(%dma_start3A_333 : memref<512xf32, #tpu.memory_space<vmem>>) offsets(%dma_start3A_336 : memref<512xi32, #tpu.memory_space<vmem>>) semaphore(%arg8 : memref<!tpu.dma_semaphore, #tpu.memory_space<semaphore_mem>>)
        %mul3A_342 = arith.constant 16 : i32
        %mul3A_343 = arith.muli %add3A_307, %mul3A_342 : i32
        %add3A_344 = arith.constant 2 : i32
        %add3A_345 = arith.addi %mul3A_343, %add3A_344 : i32
        %dma_start3A_346 = arith.constant 1 : i32
        %dma_start3A_347 = arith.constant 2 : i32
        %dma_start3A_348 = arith.constant 0 : i32
        %dma_start3A_349 = tpu.memref_slice %arg6[%dma_start3A_346, %dma_start3A_347, %dma_start3A_348] : memref<2x16x512xf32, #tpu.memory_space<vmem>> -> memref<1x1x512xf32, #tpu.memory_space<vmem>>
        %dma_start3A_350 = tpu.memref_squeeze %dma_start3A_349 : memref<1x1x512xf32, #tpu.memory_space<vmem>> -> memref<512xf32, #tpu.memory_space<vmem>>
        %dma_start3A_351 = arith.constant 0 : i32
        %dma_start3A_352 = tpu.memref_slice %arg5[%add3A_307, %dma_start3A_351] : memref<13x512xi32, #tpu.memory_space<vmem>> -> memref<1x512xi32, #tpu.memory_space<vmem>>
        %dma_start3A_353 = tpu.memref_squeeze %dma_start3A_352 : memref<1x512xi32, #tpu.memory_space<vmem>> -> memref<512xi32, #tpu.memory_space<vmem>>
        %dma_start3A_354 = arith.constant 0 : i32
        %dma_start3A_355 = tpu.memref_slice %arg2[%add3A_345, %dma_start3A_354] : memref<208x100000xf32, #tpu.memory_space<hbm>> -> memref<1x100000xf32, #tpu.memory_space<hbm>>
        %dma_start3A_356 = tpu.memref_squeeze %dma_start3A_355 : memref<1x100000xf32, #tpu.memory_space<hbm>> -> memref<100000xf32, #tpu.memory_space<hbm>>
        %dma_start3A_357 = arith.constant 0 : i32
        %dma_start3A_358 = tpu.memref_slice %dma_start3A_356[%dma_start3A_357] : memref<100000xf32, #tpu.memory_space<hbm>> -> memref<100000xf32, #tpu.memory_space<hbm>>
        tpu.enqueue_indirect_dma source(%dma_start3A_358 : memref<100000xf32, #tpu.memory_space<hbm>>) target(%dma_start3A_350 : memref<512xf32, #tpu.memory_space<vmem>>) offsets(%dma_start3A_353 : memref<512xi32, #tpu.memory_space<vmem>>) semaphore(%arg8 : memref<!tpu.dma_semaphore, #tpu.memory_space<semaphore_mem>>)
        %mul3A_359 = arith.constant 16 : i32
        %mul3A_360 = arith.muli %add3A_307, %mul3A_359 : i32
        %add3A_361 = arith.constant 3 : i32
        %add3A_362 = arith.addi %mul3A_360, %add3A_361 : i32
        %dma_start3A_363 = arith.constant 1 : i32
        %dma_start3A_364 = arith.constant 3 : i32
        %dma_start3A_365 = arith.constant 0 : i32
        %dma_start3A_366 = tpu.memref_slice %arg6[%dma_start3A_363, %dma_start3A_364, %dma_start3A_365] : memref<2x16x512xf32, #tpu.memory_space<vmem>> -> memref<1x1x512xf32, #tpu.memory_space<vmem>>
        %dma_start3A_367 = tpu.memref_squeeze %dma_start3A_366 : memref<1x1x512xf32, #tpu.memory_space<vmem>> -> memref<512xf32, #tpu.memory_space<vmem>>
        %dma_start3A_368 = arith.constant 0 : i32
        %dma_start3A_369 = tpu.memref_slice %arg5[%add3A_307, %dma_start3A_368] : memref<13x512xi32, #tpu.memory_space<vmem>> -> memref<1x512xi32, #tpu.memory_space<vmem>>
        %dma_start3A_370 = tpu.memref_squeeze %dma_start3A_369 : memref<1x512xi32, #tpu.memory_space<vmem>> -> memref<512xi32, #tpu.memory_space<vmem>>
        %dma_start3A_371 = arith.constant 0 : i32
        %dma_start3A_372 = tpu.memref_slice %arg2[%add3A_362, %dma_start3A_371] : memref<208x100000xf32, #tpu.memory_space<hbm>> -> memref<1x100000xf32, #tpu.memory_space<hbm>>
        %dma_start3A_373 = tpu.memref_squeeze %dma_start3A_372 : memref<1x100000xf32, #tpu.memory_space<hbm>> -> memref<100000xf32, #tpu.memory_space<hbm>>
        %dma_start3A_374 = arith.constant 0 : i32
        %dma_start3A_375 = tpu.memref_slice %dma_start3A_373[%dma_start3A_374] : memref<100000xf32, #tpu.memory_space<hbm>> -> memref<100000xf32, #tpu.memory_space<hbm>>
        tpu.enqueue_indirect_dma source(%dma_start3A_375 : memref<100000xf32, #tpu.memory_space<hbm>>) target(%dma_start3A_367 : memref<512xf32, #tpu.memory_space<vmem>>) offsets(%dma_start3A_370 : memref<512xi32, #tpu.memory_space<vmem>>) semaphore(%arg8 : memref<!tpu.dma_semaphore, #tpu.memory_space<semaphore_mem>>)
        %mul3A_376 = arith.constant 16 : i32
        %mul3A_377 = arith.muli %add3A_307, %mul3A_376 : i32
        %add3A_378 = arith.constant 4 : i32
        %add3A_379 = arith.addi %mul3A_377, %add3A_378 : i32
        %dma_start3A_380 = arith.constant 1 : i32
        %dma_start3A_381 = arith.constant 4 : i32
        %dma_start3A_382 = arith.constant 0 : i32
        %dma_start3A_383 = tpu.memref_slice %arg6[%dma_start3A_380, %dma_start3A_381, %dma_start3A_382] : memref<2x16x512xf32, #tpu.memory_space<vmem>> -> memref<1x1x512xf32, #tpu.memory_space<vmem>>
        %dma_start3A_384 = tpu.memref_squeeze %dma_start3A_383 : memref<1x1x512xf32, #tpu.memory_space<vmem>> -> memref<512xf32, #tpu.memory_space<vmem>>
        %dma_start3A_385 = arith.constant 0 : i32
        %dma_start3A_386 = tpu.memref_slice %arg5[%add3A_307, %dma_start3A_385] : memref<13x512xi32, #tpu.memory_space<vmem>> -> memref<1x512xi32, #tpu.memory_space<vmem>>
        %dma_start3A_387 = tpu.memref_squeeze %dma_start3A_386 : memref<1x512xi32, #tpu.memory_space<vmem>> -> memref<512xi32, #tpu.memory_space<vmem>>
        %dma_start3A_388 = arith.constant 0 : i32
        %dma_start3A_389 = tpu.memref_slice %arg2[%add3A_379, %dma_start3A_388] : memref<208x100000xf32, #tpu.memory_space<hbm>> -> memref<1x100000xf32, #tpu.memory_space<hbm>>
        %dma_start3A_390 = tpu.memref_squeeze %dma_start3A_389 : memref<1x100000xf32, #tpu.memory_space<hbm>> -> memref<100000xf32, #tpu.memory_space<hbm>>
        %dma_start3A_391 = arith.constant 0 : i32
        %dma_start3A_392 = tpu.memref_slice %dma_start3A_390[%dma_start3A_391] : memref<100000xf32, #tpu.memory_space<hbm>> -> memref<100000xf32, #tpu.memory_space<hbm>>
        tpu.enqueue_indirect_dma source(%dma_start3A_392 : memref<100000xf32, #tpu.memory_space<hbm>>) target(%dma_start3A_384 : memref<512xf32, #tpu.memory_space<vmem>>) offsets(%dma_start3A_387 : memref<512xi32, #tpu.memory_space<vmem>>) semaphore(%arg8 : memref<!tpu.dma_semaphore, #tpu.memory_space<semaphore_mem>>)
        %mul3A_393 = arith.constant 16 : i32
        %mul3A_394 = arith.muli %add3A_307, %mul3A_393 : i32
        %add3A_395 = arith.constant 5 : i32
        %add3A_396 = arith.addi %mul3A_394, %add3A_395 : i32
        %dma_start3A_397 = arith.constant 1 : i32
        %dma_start3A_398 = arith.constant 5 : i32
        %dma_start3A_399 = arith.constant 0 : i32
        %dma_start3A_400 = tpu.memref_slice %arg6[%dma_start3A_397, %dma_start3A_398, %dma_start3A_399] : memref<2x16x512xf32, #tpu.memory_space<vmem>> -> memref<1x1x512xf32, #tpu.memory_space<vmem>>
        %dma_start3A_401 = tpu.memref_squeeze %dma_start3A_400 : memref<1x1x512xf32, #tpu.memory_space<vmem>> -> memref<512xf32, #tpu.memory_space<vmem>>
        %dma_start3A_402 = arith.constant 0 : i32
        %dma_start3A_403 = tpu.memref_slice %arg5[%add3A_307, %dma_start3A_402] : memref<13x512xi32, #tpu.memory_space<vmem>> -> memref<1x512xi32, #tpu.memory_space<vmem>>
        %dma_start3A_404 = tpu.memref_squeeze %dma_start3A_403 : memref<1x512xi32, #tpu.memory_space<vmem>> -> memref<512xi32, #tpu.memory_space<vmem>>
        %dma_start3A_405 = arith.constant 0 : i32
        %dma_start3A_406 = tpu.memref_slice %arg2[%add3A_396, %dma_start3A_405] : memref<208x100000xf32, #tpu.memory_space<hbm>> -> memref<1x100000xf32, #tpu.memory_space<hbm>>
        %dma_start3A_407 = tpu.memref_squeeze %dma_start3A_406 : memref<1x100000xf32, #tpu.memory_space<hbm>> -> memref<100000xf32, #tpu.memory_space<hbm>>
        %dma_start3A_408 = arith.constant 0 : i32
        %dma_start3A_409 = tpu.memref_slice %dma_start3A_407[%dma_start3A_408] : memref<100000xf32, #tpu.memory_space<hbm>> -> memref<100000xf32, #tpu.memory_space<hbm>>
        tpu.enqueue_indirect_dma source(%dma_start3A_409 : memref<100000xf32, #tpu.memory_space<hbm>>) target(%dma_start3A_401 : memref<512xf32, #tpu.memory_space<vmem>>) offsets(%dma_start3A_404 : memref<512xi32, #tpu.memory_space<vmem>>) semaphore(%arg8 : memref<!tpu.dma_semaphore, #tpu.memory_space<semaphore_mem>>)
        %mul3A_410 = arith.constant 16 : i32
        %mul3A_411 = arith.muli %add3A_307, %mul3A_410 : i32
        %add3A_412 = arith.constant 6 : i32
        %add3A_413 = arith.addi %mul3A_411, %add3A_412 : i32
        %dma_start3A_414 = arith.constant 1 : i32
        %dma_start3A_415 = arith.constant 6 : i32
        %dma_start3A_416 = arith.constant 0 : i32
        %dma_start3A_417 = tpu.memref_slice %arg6[%dma_start3A_414, %dma_start3A_415, %dma_start3A_416] : memref<2x16x512xf32, #tpu.memory_space<vmem>> -> memref<1x1x512xf32, #tpu.memory_space<vmem>>
        %dma_start3A_418 = tpu.memref_squeeze %dma_start3A_417 : memref<1x1x512xf32, #tpu.memory_space<vmem>> -> memref<512xf32, #tpu.memory_space<vmem>>
        %dma_start3A_419 = arith.constant 0 : i32
        %dma_start3A_420 = tpu.memref_slice %arg5[%add3A_307, %dma_start3A_419] : memref<13x512xi32, #tpu.memory_space<vmem>> -> memref<1x512xi32, #tpu.memory_space<vmem>>
        %dma_start3A_421 = tpu.memref_squeeze %dma_start3A_420 : memref<1x512xi32, #tpu.memory_space<vmem>> -> memref<512xi32, #tpu.memory_space<vmem>>
        %dma_start3A_422 = arith.constant 0 : i32
        %dma_start3A_423 = tpu.memref_slice %arg2[%add3A_413, %dma_start3A_422] : memref<208x100000xf32, #tpu.memory_space<hbm>> -> memref<1x100000xf32, #tpu.memory_space<hbm>>
        %dma_start3A_424 = tpu.memref_squeeze %dma_start3A_423 : memref<1x100000xf32, #tpu.memory_space<hbm>> -> memref<100000xf32, #tpu.memory_space<hbm>>
        %dma_start3A_425 = arith.constant 0 : i32
        %dma_start3A_426 = tpu.memref_slice %dma_start3A_424[%dma_start3A_425] : memref<100000xf32, #tpu.memory_space<hbm>> -> memref<100000xf32, #tpu.memory_space<hbm>>
        tpu.enqueue_indirect_dma source(%dma_start3A_426 : memref<100000xf32, #tpu.memory_space<hbm>>) target(%dma_start3A_418 : memref<512xf32, #tpu.memory_space<vmem>>) offsets(%dma_start3A_421 : memref<512xi32, #tpu.memory_space<vmem>>) semaphore(%arg8 : memref<!tpu.dma_semaphore, #tpu.memory_space<semaphore_mem>>)
        %mul3A_427 = arith.constant 16 : i32
        %mul3A_428 = arith.muli %add3A_307, %mul3A_427 : i32
        %add3A_429 = arith.constant 7 : i32
        %add3A_430 = arith.addi %mul3A_428, %add3A_429 : i32
        %dma_start3A_431 = arith.constant 1 : i32
        %dma_start3A_432 = arith.constant 7 : i32
        %dma_start3A_433 = arith.constant 0 : i32
        %dma_start3A_434 = tpu.memref_slice %arg6[%dma_start3A_431, %dma_start3A_432, %dma_start3A_433] : memref<2x16x512xf32, #tpu.memory_space<vmem>> -> memref<1x1x512xf32, #tpu.memory_space<vmem>>
        %dma_start3A_435 = tpu.memref_squeeze %dma_start3A_434 : memref<1x1x512xf32, #tpu.memory_space<vmem>> -> memref<512xf32, #tpu.memory_space<vmem>>
        %dma_start3A_436 = arith.constant 0 : i32
        %dma_start3A_437 = tpu.memref_slice %arg5[%add3A_307, %dma_start3A_436] : memref<13x512xi32, #tpu.memory_space<vmem>> -> memref<1x512xi32, #tpu.memory_space<vmem>>
        %dma_start3A_438 = tpu.memref_squeeze %dma_start3A_437 : memref<1x512xi32, #tpu.memory_space<vmem>> -> memref<512xi32, #tpu.memory_space<vmem>>
        %dma_start3A_439 = arith.constant 0 : i32
        %dma_start3A_440 = tpu.memref_slice %arg2[%add3A_430, %dma_start3A_439] : memref<208x100000xf32, #tpu.memory_space<hbm>> -> memref<1x100000xf32, #tpu.memory_space<hbm>>
        %dma_start3A_441 = tpu.memref_squeeze %dma_start3A_440 : memref<1x100000xf32, #tpu.memory_space<hbm>> -> memref<100000xf32, #tpu.memory_space<hbm>>
        %dma_start3A_442 = arith.constant 0 : i32
        %dma_start3A_443 = tpu.memref_slice %dma_start3A_441[%dma_start3A_442] : memref<100000xf32, #tpu.memory_space<hbm>> -> memref<100000xf32, #tpu.memory_space<hbm>>
        tpu.enqueue_indirect_dma source(%dma_start3A_443 : memref<100000xf32, #tpu.memory_space<hbm>>) target(%dma_start3A_435 : memref<512xf32, #tpu.memory_space<vmem>>) offsets(%dma_start3A_438 : memref<512xi32, #tpu.memory_space<vmem>>) semaphore(%arg8 : memref<!tpu.dma_semaphore, #tpu.memory_space<semaphore_mem>>)
        %mul3A_444 = arith.constant 16 : i32
        %mul3A_445 = arith.muli %add3A_307, %mul3A_444 : i32
        %add3A_446 = arith.constant 8 : i32
        %add3A_447 = arith.addi %mul3A_445, %add3A_446 : i32
        %dma_start3A_448 = arith.constant 1 : i32
        %dma_start3A_449 = arith.constant 8 : i32
        %dma_start3A_450 = arith.constant 0 : i32
        %dma_start3A_451 = tpu.memref_slice %arg6[%dma_start3A_448, %dma_start3A_449, %dma_start3A_450] : memref<2x16x512xf32, #tpu.memory_space<vmem>> -> memref<1x1x512xf32, #tpu.memory_space<vmem>>
        %dma_start3A_452 = tpu.memref_squeeze %dma_start3A_451 : memref<1x1x512xf32, #tpu.memory_space<vmem>> -> memref<512xf32, #tpu.memory_space<vmem>>
        %dma_start3A_453 = arith.constant 0 : i32
        %dma_start3A_454 = tpu.memref_slice %arg5[%add3A_307, %dma_start3A_453] : memref<13x512xi32, #tpu.memory_space<vmem>> -> memref<1x512xi32, #tpu.memory_space<vmem>>
        %dma_start3A_455 = tpu.memref_squeeze %dma_start3A_454 : memref<1x512xi32, #tpu.memory_space<vmem>> -> memref<512xi32, #tpu.memory_space<vmem>>
        %dma_start3A_456 = arith.constant 0 : i32
        %dma_start3A_457 = tpu.memref_slice %arg2[%add3A_447, %dma_start3A_456] : memref<208x100000xf32, #tpu.memory_space<hbm>> -> memref<1x100000xf32, #tpu.memory_space<hbm>>
        %dma_start3A_458 = tpu.memref_squeeze %dma_start3A_457 : memref<1x100000xf32, #tpu.memory_space<hbm>> -> memref<100000xf32, #tpu.memory_space<hbm>>
        %dma_start3A_459 = arith.constant 0 : i32
        %dma_start3A_460 = tpu.memref_slice %dma_start3A_458[%dma_start3A_459] : memref<100000xf32, #tpu.memory_space<hbm>> -> memref<100000xf32, #tpu.memory_space<hbm>>
        tpu.enqueue_indirect_dma source(%dma_start3A_460 : memref<100000xf32, #tpu.memory_space<hbm>>) target(%dma_start3A_452 : memref<512xf32, #tpu.memory_space<vmem>>) offsets(%dma_start3A_455 : memref<512xi32, #tpu.memory_space<vmem>>) semaphore(%arg8 : memref<!tpu.dma_semaphore, #tpu.memory_space<semaphore_mem>>)
        %mul3A_461 = arith.constant 16 : i32
        %mul3A_462 = arith.muli %add3A_307, %mul3A_461 : i32
        %add3A_463 = arith.constant 9 : i32
        %add3A_464 = arith.addi %mul3A_462, %add3A_463 : i32
        %dma_start3A_465 = arith.constant 1 : i32
        %dma_start3A_466 = arith.constant 9 : i32
        %dma_start3A_467 = arith.constant 0 : i32
        %dma_start3A_468 = tpu.memref_slice %arg6[%dma_start3A_465, %dma_start3A_466, %dma_start3A_467] : memref<2x16x512xf32, #tpu.memory_space<vmem>> -> memref<1x1x512xf32, #tpu.memory_space<vmem>>
        %dma_start3A_469 = tpu.memref_squeeze %dma_start3A_468 : memref<1x1x512xf32, #tpu.memory_space<vmem>> -> memref<512xf32, #tpu.memory_space<vmem>>
        %dma_start3A_470 = arith.constant 0 : i32
        %dma_start3A_471 = tpu.memref_slice %arg5[%add3A_307, %dma_start3A_470] : memref<13x512xi32, #tpu.memory_space<vmem>> -> memref<1x512xi32, #tpu.memory_space<vmem>>
        %dma_start3A_472 = tpu.memref_squeeze %dma_start3A_471 : memref<1x512xi32, #tpu.memory_space<vmem>> -> memref<512xi32, #tpu.memory_space<vmem>>
        %dma_start3A_473 = arith.constant 0 : i32
        %dma_start3A_474 = tpu.memref_slice %arg2[%add3A_464, %dma_start3A_473] : memref<208x100000xf32, #tpu.memory_space<hbm>> -> memref<1x100000xf32, #tpu.memory_space<hbm>>
        %dma_start3A_475 = tpu.memref_squeeze %dma_start3A_474 : memref<1x100000xf32, #tpu.memory_space<hbm>> -> memref<100000xf32, #tpu.memory_space<hbm>>
        %dma_start3A_476 = arith.constant 0 : i32
        %dma_start3A_477 = tpu.memref_slice %dma_start3A_475[%dma_start3A_476] : memref<100000xf32, #tpu.memory_space<hbm>> -> memref<100000xf32, #tpu.memory_space<hbm>>
        tpu.enqueue_indirect_dma source(%dma_start3A_477 : memref<100000xf32, #tpu.memory_space<hbm>>) target(%dma_start3A_469 : memref<512xf32, #tpu.memory_space<vmem>>) offsets(%dma_start3A_472 : memref<512xi32, #tpu.memory_space<vmem>>) semaphore(%arg8 : memref<!tpu.dma_semaphore, #tpu.memory_space<semaphore_mem>>)
        %mul3A_478 = arith.constant 16 : i32
        %mul3A_479 = arith.muli %add3A_307, %mul3A_478 : i32
        %add3A_480 = arith.constant 10 : i32
        %add3A_481 = arith.addi %mul3A_479, %add3A_480 : i32
        %dma_start3A_482 = arith.constant 1 : i32
        %dma_start3A_483 = arith.constant 10 : i32
        %dma_start3A_484 = arith.constant 0 : i32
        %dma_start3A_485 = tpu.memref_slice %arg6[%dma_start3A_482, %dma_start3A_483, %dma_start3A_484] : memref<2x16x512xf32, #tpu.memory_space<vmem>> -> memref<1x1x512xf32, #tpu.memory_space<vmem>>
        %dma_start3A_486 = tpu.memref_squeeze %dma_start3A_485 : memref<1x1x512xf32, #tpu.memory_space<vmem>> -> memref<512xf32, #tpu.memory_space<vmem>>
        %dma_start3A_487 = arith.constant 0 : i32
        %dma_start3A_488 = tpu.memref_slice %arg5[%add3A_307, %dma_start3A_487] : memref<13x512xi32, #tpu.memory_space<vmem>> -> memref<1x512xi32, #tpu.memory_space<vmem>>
        %dma_start3A_489 = tpu.memref_squeeze %dma_start3A_488 : memref<1x512xi32, #tpu.memory_space<vmem>> -> memref<512xi32, #tpu.memory_space<vmem>>
        %dma_start3A_490 = arith.constant 0 : i32
        %dma_start3A_491 = tpu.memref_slice %arg2[%add3A_481, %dma_start3A_490] : memref<208x100000xf32, #tpu.memory_space<hbm>> -> memref<1x100000xf32, #tpu.memory_space<hbm>>
        %dma_start3A_492 = tpu.memref_squeeze %dma_start3A_491 : memref<1x100000xf32, #tpu.memory_space<hbm>> -> memref<100000xf32, #tpu.memory_space<hbm>>
        %dma_start3A_493 = arith.constant 0 : i32
        %dma_start3A_494 = tpu.memref_slice %dma_start3A_492[%dma_start3A_493] : memref<100000xf32, #tpu.memory_space<hbm>> -> memref<100000xf32, #tpu.memory_space<hbm>>
        tpu.enqueue_indirect_dma source(%dma_start3A_494 : memref<100000xf32, #tpu.memory_space<hbm>>) target(%dma_start3A_486 : memref<512xf32, #tpu.memory_space<vmem>>) offsets(%dma_start3A_489 : memref<512xi32, #tpu.memory_space<vmem>>) semaphore(%arg8 : memref<!tpu.dma_semaphore, #tpu.memory_space<semaphore_mem>>)
        %mul3A_495 = arith.constant 16 : i32
        %mul3A_496 = arith.muli %add3A_307, %mul3A_495 : i32
        %add3A_497 = arith.constant 11 : i32
        %add3A_498 = arith.addi %mul3A_496, %add3A_497 : i32
        %dma_start3A_499 = arith.constant 1 : i32
        %dma_start3A_500 = arith.constant 11 : i32
        %dma_start3A_501 = arith.constant 0 : i32
        %dma_start3A_502 = tpu.memref_slice %arg6[%dma_start3A_499, %dma_start3A_500, %dma_start3A_501] : memref<2x16x512xf32, #tpu.memory_space<vmem>> -> memref<1x1x512xf32, #tpu.memory_space<vmem>>
        %dma_start3A_503 = tpu.memref_squeeze %dma_start3A_502 : memref<1x1x512xf32, #tpu.memory_space<vmem>> -> memref<512xf32, #tpu.memory_space<vmem>>
        %dma_start3A_504 = arith.constant 0 : i32
        %dma_start3A_505 = tpu.memref_slice %arg5[%add3A_307, %dma_start3A_504] : memref<13x512xi32, #tpu.memory_space<vmem>> -> memref<1x512xi32, #tpu.memory_space<vmem>>
        %dma_start3A_506 = tpu.memref_squeeze %dma_start3A_505 : memref<1x512xi32, #tpu.memory_space<vmem>> -> memref<512xi32, #tpu.memory_space<vmem>>
        %dma_start3A_507 = arith.constant 0 : i32
        %dma_start3A_508 = tpu.memref_slice %arg2[%add3A_498, %dma_start3A_507] : memref<208x100000xf32, #tpu.memory_space<hbm>> -> memref<1x100000xf32, #tpu.memory_space<hbm>>
        %dma_start3A_509 = tpu.memref_squeeze %dma_start3A_508 : memref<1x100000xf32, #tpu.memory_space<hbm>> -> memref<100000xf32, #tpu.memory_space<hbm>>
        %dma_start3A_510 = arith.constant 0 : i32
        %dma_start3A_511 = tpu.memref_slice %dma_start3A_509[%dma_start3A_510] : memref<100000xf32, #tpu.memory_space<hbm>> -> memref<100000xf32, #tpu.memory_space<hbm>>
        tpu.enqueue_indirect_dma source(%dma_start3A_511 : memref<100000xf32, #tpu.memory_space<hbm>>) target(%dma_start3A_503 : memref<512xf32, #tpu.memory_space<vmem>>) offsets(%dma_start3A_506 : memref<512xi32, #tpu.memory_space<vmem>>) semaphore(%arg8 : memref<!tpu.dma_semaphore, #tpu.memory_space<semaphore_mem>>)
        %mul3A_512 = arith.constant 16 : i32
        %mul3A_513 = arith.muli %add3A_307, %mul3A_512 : i32
        %add3A_514 = arith.constant 12 : i32
        %add3A_515 = arith.addi %mul3A_513, %add3A_514 : i32
        %dma_start3A_516 = arith.constant 1 : i32
        %dma_start3A_517 = arith.constant 12 : i32
        %dma_start3A_518 = arith.constant 0 : i32
        %dma_start3A_519 = tpu.memref_slice %arg6[%dma_start3A_516, %dma_start3A_517, %dma_start3A_518] : memref<2x16x512xf32, #tpu.memory_space<vmem>> -> memref<1x1x512xf32, #tpu.memory_space<vmem>>
        %dma_start3A_520 = tpu.memref_squeeze %dma_start3A_519 : memref<1x1x512xf32, #tpu.memory_space<vmem>> -> memref<512xf32, #tpu.memory_space<vmem>>
        %dma_start3A_521 = arith.constant 0 : i32
        %dma_start3A_522 = tpu.memref_slice %arg5[%add3A_307, %dma_start3A_521] : memref<13x512xi32, #tpu.memory_space<vmem>> -> memref<1x512xi32, #tpu.memory_space<vmem>>
        %dma_start3A_523 = tpu.memref_squeeze %dma_start3A_522 : memref<1x512xi32, #tpu.memory_space<vmem>> -> memref<512xi32, #tpu.memory_space<vmem>>
        %dma_start3A_524 = arith.constant 0 : i32
        %dma_start3A_525 = tpu.memref_slice %arg2[%add3A_515, %dma_start3A_524] : memref<208x100000xf32, #tpu.memory_space<hbm>> -> memref<1x100000xf32, #tpu.memory_space<hbm>>
        %dma_start3A_526 = tpu.memref_squeeze %dma_start3A_525 : memref<1x100000xf32, #tpu.memory_space<hbm>> -> memref<100000xf32, #tpu.memory_space<hbm>>
        %dma_start3A_527 = arith.constant 0 : i32
        %dma_start3A_528 = tpu.memref_slice %dma_start3A_526[%dma_start3A_527] : memref<100000xf32, #tpu.memory_space<hbm>> -> memref<100000xf32, #tpu.memory_space<hbm>>
        tpu.enqueue_indirect_dma source(%dma_start3A_528 : memref<100000xf32, #tpu.memory_space<hbm>>) target(%dma_start3A_520 : memref<512xf32, #tpu.memory_space<vmem>>) offsets(%dma_start3A_523 : memref<512xi32, #tpu.memory_space<vmem>>) semaphore(%arg8 : memref<!tpu.dma_semaphore, #tpu.memory_space<semaphore_mem>>)
        %mul3A_529 = arith.constant 16 : i32
        %mul3A_530 = arith.muli %add3A_307, %mul3A_529 : i32
        %add3A_531 = arith.constant 13 : i32
        %add3A_532 = arith.addi %mul3A_530, %add3A_531 : i32
        %dma_start3A_533 = arith.constant 1 : i32
        %dma_start3A_534 = arith.constant 13 : i32
        %dma_start3A_535 = arith.constant 0 : i32
        %dma_start3A_536 = tpu.memref_slice %arg6[%dma_start3A_533, %dma_start3A_534, %dma_start3A_535] : memref<2x16x512xf32, #tpu.memory_space<vmem>> -> memref<1x1x512xf32, #tpu.memory_space<vmem>>
        %dma_start3A_537 = tpu.memref_squeeze %dma_start3A_536 : memref<1x1x512xf32, #tpu.memory_space<vmem>> -> memref<512xf32, #tpu.memory_space<vmem>>
        %dma_start3A_538 = arith.constant 0 : i32
        %dma_start3A_539 = tpu.memref_slice %arg5[%add3A_307, %dma_start3A_538] : memref<13x512xi32, #tpu.memory_space<vmem>> -> memref<1x512xi32, #tpu.memory_space<vmem>>
        %dma_start3A_540 = tpu.memref_squeeze %dma_start3A_539 : memref<1x512xi32, #tpu.memory_space<vmem>> -> memref<512xi32, #tpu.memory_space<vmem>>
        %dma_start3A_541 = arith.constant 0 : i32
        %dma_start3A_542 = tpu.memref_slice %arg2[%add3A_532, %dma_start3A_541] : memref<208x100000xf32, #tpu.memory_space<hbm>> -> memref<1x100000xf32, #tpu.memory_space<hbm>>
        %dma_start3A_543 = tpu.memref_squeeze %dma_start3A_542 : memref<1x100000xf32, #tpu.memory_space<hbm>> -> memref<100000xf32, #tpu.memory_space<hbm>>
        %dma_start3A_544 = arith.constant 0 : i32
        %dma_start3A_545 = tpu.memref_slice %dma_start3A_543[%dma_start3A_544] : memref<100000xf32, #tpu.memory_space<hbm>> -> memref<100000xf32, #tpu.memory_space<hbm>>
        tpu.enqueue_indirect_dma source(%dma_start3A_545 : memref<100000xf32, #tpu.memory_space<hbm>>) target(%dma_start3A_537 : memref<512xf32, #tpu.memory_space<vmem>>) offsets(%dma_start3A_540 : memref<512xi32, #tpu.memory_space<vmem>>) semaphore(%arg8 : memref<!tpu.dma_semaphore, #tpu.memory_space<semaphore_mem>>)
        %mul3A_546 = arith.constant 16 : i32
        %mul3A_547 = arith.muli %add3A_307, %mul3A_546 : i32
        %add3A_548 = arith.constant 14 : i32
        %add3A_549 = arith.addi %mul3A_547, %add3A_548 : i32
        %dma_start3A_550 = arith.constant 1 : i32
        %dma_start3A_551 = arith.constant 14 : i32
        %dma_start3A_552 = arith.constant 0 : i32
        %dma_start3A_553 = tpu.memref_slice %arg6[%dma_start3A_550, %dma_start3A_551, %dma_start3A_552] : memref<2x16x512xf32, #tpu.memory_space<vmem>> -> memref<1x1x512xf32, #tpu.memory_space<vmem>>
        %dma_start3A_554 = tpu.memref_squeeze %dma_start3A_553 : memref<1x1x512xf32, #tpu.memory_space<vmem>> -> memref<512xf32, #tpu.memory_space<vmem>>
        %dma_start3A_555 = arith.constant 0 : i32
        %dma_start3A_556 = tpu.memref_slice %arg5[%add3A_307, %dma_start3A_555] : memref<13x512xi32, #tpu.memory_space<vmem>> -> memref<1x512xi32, #tpu.memory_space<vmem>>
        %dma_start3A_557 = tpu.memref_squeeze %dma_start3A_556 : memref<1x512xi32, #tpu.memory_space<vmem>> -> memref<512xi32, #tpu.memory_space<vmem>>
        %dma_start3A_558 = arith.constant 0 : i32
        %dma_start3A_559 = tpu.memref_slice %arg2[%add3A_549, %dma_start3A_558] : memref<208x100000xf32, #tpu.memory_space<hbm>> -> memref<1x100000xf32, #tpu.memory_space<hbm>>
        %dma_start3A_560 = tpu.memref_squeeze %dma_start3A_559 : memref<1x100000xf32, #tpu.memory_space<hbm>> -> memref<100000xf32, #tpu.memory_space<hbm>>
        %dma_start3A_561 = arith.constant 0 : i32
        %dma_start3A_562 = tpu.memref_slice %dma_start3A_560[%dma_start3A_561] : memref<100000xf32, #tpu.memory_space<hbm>> -> memref<100000xf32, #tpu.memory_space<hbm>>
        tpu.enqueue_indirect_dma source(%dma_start3A_562 : memref<100000xf32, #tpu.memory_space<hbm>>) target(%dma_start3A_554 : memref<512xf32, #tpu.memory_space<vmem>>) offsets(%dma_start3A_557 : memref<512xi32, #tpu.memory_space<vmem>>) semaphore(%arg8 : memref<!tpu.dma_semaphore, #tpu.memory_space<semaphore_mem>>)
        %mul3A_563 = arith.constant 16 : i32
        %mul3A_564 = arith.muli %add3A_307, %mul3A_563 : i32
        %add3A_565 = arith.constant 15 : i32
        %add3A_566 = arith.addi %mul3A_564, %add3A_565 : i32
        %dma_start3A_567 = arith.constant 1 : i32
        %dma_start3A_568 = arith.constant 15 : i32
        %dma_start3A_569 = arith.constant 0 : i32
        %dma_start3A_570 = tpu.memref_slice %arg6[%dma_start3A_567, %dma_start3A_568, %dma_start3A_569] : memref<2x16x512xf32, #tpu.memory_space<vmem>> -> memref<1x1x512xf32, #tpu.memory_space<vmem>>
        %dma_start3A_571 = tpu.memref_squeeze %dma_start3A_570 : memref<1x1x512xf32, #tpu.memory_space<vmem>> -> memref<512xf32, #tpu.memory_space<vmem>>
        %dma_start3A_572 = arith.constant 0 : i32
        %dma_start3A_573 = tpu.memref_slice %arg5[%add3A_307, %dma_start3A_572] : memref<13x512xi32, #tpu.memory_space<vmem>> -> memref<1x512xi32, #tpu.memory_space<vmem>>
        %dma_start3A_574 = tpu.memref_squeeze %dma_start3A_573 : memref<1x512xi32, #tpu.memory_space<vmem>> -> memref<512xi32, #tpu.memory_space<vmem>>
        %dma_start3A_575 = arith.constant 0 : i32
        %dma_start3A_576 = tpu.memref_slice %arg2[%add3A_566, %dma_start3A_575] : memref<208x100000xf32, #tpu.memory_space<hbm>> -> memref<1x100000xf32, #tpu.memory_space<hbm>>
        %dma_start3A_577 = tpu.memref_squeeze %dma_start3A_576 : memref<1x100000xf32, #tpu.memory_space<hbm>> -> memref<100000xf32, #tpu.memory_space<hbm>>
        %dma_start3A_578 = arith.constant 0 : i32
        %dma_start3A_579 = tpu.memref_slice %dma_start3A_577[%dma_start3A_578] : memref<100000xf32, #tpu.memory_space<hbm>> -> memref<100000xf32, #tpu.memory_space<hbm>>
        tpu.enqueue_indirect_dma source(%dma_start3A_579 : memref<100000xf32, #tpu.memory_space<hbm>>) target(%dma_start3A_571 : memref<512xf32, #tpu.memory_space<vmem>>) offsets(%dma_start3A_574 : memref<512xi32, #tpu.memory_space<vmem>>) semaphore(%arg8 : memref<!tpu.dma_semaphore, #tpu.memory_space<semaphore_mem>>)
      } else {
      }
      %add3A_274 = arith.constant 1 : i32
      %add3A_275 = arith.addi %scan3A_259, %add3A_274 : i32
      %lt3A_276 = arith.constant 13 : i32
      %lt3A_277 = arith.cmpi slt, %add3A_275, %lt3A_276 : i32
      %eq3A_278 = arith.constant 0 : i32
      %eq3A_279 = arith.cmpi eq, %rem3A_264, %eq3A_278 : i32
      %and3A_280 = arith.andi %lt3A_277, %eq3A_279 : i1
      %convert_element_type3A_281 = arith.extui %and3A_280 : i1 to i32
      %cond3A_282 = arith.constant 0 : i32
      %cond3A_283 = arith.cmpi ne, %convert_element_type3A_281, %cond3A_282 : i32
      scf.if %cond3A_283 {
        %add3A_306 = arith.constant 1 : i32
        %add3A_307 = arith.addi %scan3A_259, %add3A_306 : i32
        %mul3A_308 = arith.constant 16 : i32
        %mul3A_309 = arith.muli %add3A_307, %mul3A_308 : i32
        %add3A_310 = arith.constant 0 : i32
        %add3A_311 = arith.addi %mul3A_309, %add3A_310 : i32
        %dma_start3A_312 = arith.constant 0 : i32
        %dma_start3A_313 = arith.constant 0 : i32
        %dma_start3A_314 = arith.constant 0 : i32
        %dma_start3A_315 = tpu.memref_slice %arg6[%dma_start3A_312, %dma_start3A_313, %dma_start3A_314] : memref<2x16x512xf32, #tpu.memory_space<vmem>> -> memref<1x1x512xf32, #tpu.memory_space<vmem>>
        %dma_start3A_316 = tpu.memref_squeeze %dma_start3A_315 : memref<1x1x512xf32, #tpu.memory_space<vmem>> -> memref<512xf32, #tpu.memory_space<vmem>>
        %dma_start3A_317 = arith.constant 0 : i32
        %dma_start3A_318 = tpu.memref_slice %arg5[%add3A_307, %dma_start3A_317] : memref<13x512xi32, #tpu.memory_space<vmem>> -> memref<1x512xi32, #tpu.memory_space<vmem>>
        %dma_start3A_319 = tpu.memref_squeeze %dma_start3A_318 : memref<1x512xi32, #tpu.memory_space<vmem>> -> memref<512xi32, #tpu.memory_space<vmem>>
        %dma_start3A_320 = arith.constant 0 : i32
        %dma_start3A_321 = tpu.memref_slice %arg2[%add3A_311, %dma_start3A_320] : memref<208x100000xf32, #tpu.memory_space<hbm>> -> memref<1x100000xf32, #tpu.memory_space<hbm>>
        %dma_start3A_322 = tpu.memref_squeeze %dma_start3A_321 : memref<1x100000xf32, #tpu.memory_space<hbm>> -> memref<100000xf32, #tpu.memory_space<hbm>>
        %dma_start3A_323 = arith.constant 0 : i32
        %dma_start3A_324 = tpu.memref_slice %dma_start3A_322[%dma_start3A_323] : memref<100000xf32, #tpu.memory_space<hbm>> -> memref<100000xf32, #tpu.memory_space<hbm>>
        tpu.enqueue_indirect_dma source(%dma_start3A_324 : memref<100000xf32, #tpu.memory_space<hbm>>) target(%dma_start3A_316 : memref<512xf32, #tpu.memory_space<vmem>>) offsets(%dma_start3A_319 : memref<512xi32, #tpu.memory_space<vmem>>) semaphore(%arg7 : memref<!tpu.dma_semaphore, #tpu.memory_space<semaphore_mem>>)
        %mul3A_325 = arith.constant 16 : i32
        %mul3A_326 = arith.muli %add3A_307, %mul3A_325 : i32
        %add3A_327 = arith.constant 1 : i32
        %add3A_328 = arith.addi %mul3A_326, %add3A_327 : i32
        %dma_start3A_329 = arith.constant 0 : i32
        %dma_start3A_330 = arith.constant 1 : i32
        %dma_start3A_331 = arith.constant 0 : i32
        %dma_start3A_332 = tpu.memref_slice %arg6[%dma_start3A_329, %dma_start3A_330, %dma_start3A_331] : memref<2x16x512xf32, #tpu.memory_space<vmem>> -> memref<1x1x512xf32, #tpu.memory_space<vmem>>
        %dma_start3A_333 = tpu.memref_squeeze %dma_start3A_332 : memref<1x1x512xf32, #tpu.memory_space<vmem>> -> memref<512xf32, #tpu.memory_space<vmem>>
        %dma_start3A_334 = arith.constant 0 : i32
        %dma_start3A_335 = tpu.memref_slice %arg5[%add3A_307, %dma_start3A_334] : memref<13x512xi32, #tpu.memory_space<vmem>> -> memref<1x512xi32, #tpu.memory_space<vmem>>
        %dma_start3A_336 = tpu.memref_squeeze %dma_start3A_335 : memref<1x512xi32, #tpu.memory_space<vmem>> -> memref<512xi32, #tpu.memory_space<vmem>>
        %dma_start3A_337 = arith.constant 0 : i32
        %dma_start3A_338 = tpu.memref_slice %arg2[%add3A_328, %dma_start3A_337] : memref<208x100000xf32, #tpu.memory_space<hbm>> -> memref<1x100000xf32, #tpu.memory_space<hbm>>
        %dma_start3A_339 = tpu.memref_squeeze %dma_start3A_338 : memref<1x100000xf32, #tpu.memory_space<hbm>> -> memref<100000xf32, #tpu.memory_space<hbm>>
        %dma_start3A_340 = arith.constant 0 : i32
        %dma_start3A_341 = tpu.memref_slice %dma_start3A_339[%dma_start3A_340] : memref<100000xf32, #tpu.memory_space<hbm>> -> memref<100000xf32, #tpu.memory_space<hbm>>
        tpu.enqueue_indirect_dma source(%dma_start3A_341 : memref<100000xf32, #tpu.memory_space<hbm>>) target(%dma_start3A_333 : memref<512xf32, #tpu.memory_space<vmem>>) offsets(%dma_start3A_336 : memref<512xi32, #tpu.memory_space<vmem>>) semaphore(%arg7 : memref<!tpu.dma_semaphore, #tpu.memory_space<semaphore_mem>>)
        %mul3A_342 = arith.constant 16 : i32
        %mul3A_343 = arith.muli %add3A_307, %mul3A_342 : i32
        %add3A_344 = arith.constant 2 : i32
        %add3A_345 = arith.addi %mul3A_343, %add3A_344 : i32
        %dma_start3A_346 = arith.constant 0 : i32
        %dma_start3A_347 = arith.constant 2 : i32
        %dma_start3A_348 = arith.constant 0 : i32
        %dma_start3A_349 = tpu.memref_slice %arg6[%dma_start3A_346, %dma_start3A_347, %dma_start3A_348] : memref<2x16x512xf32, #tpu.memory_space<vmem>> -> memref<1x1x512xf32, #tpu.memory_space<vmem>>
        %dma_start3A_350 = tpu.memref_squeeze %dma_start3A_349 : memref<1x1x512xf32, #tpu.memory_space<vmem>> -> memref<512xf32, #tpu.memory_space<vmem>>
        %dma_start3A_351 = arith.constant 0 : i32
        %dma_start3A_352 = tpu.memref_slice %arg5[%add3A_307, %dma_start3A_351] : memref<13x512xi32, #tpu.memory_space<vmem>> -> memref<1x512xi32, #tpu.memory_space<vmem>>
        %dma_start3A_353 = tpu.memref_squeeze %dma_start3A_352 : memref<1x512xi32, #tpu.memory_space<vmem>> -> memref<512xi32, #tpu.memory_space<vmem>>
        %dma_start3A_354 = arith.constant 0 : i32
        %dma_start3A_355 = tpu.memref_slice %arg2[%add3A_345, %dma_start3A_354] : memref<208x100000xf32, #tpu.memory_space<hbm>> -> memref<1x100000xf32, #tpu.memory_space<hbm>>
        %dma_start3A_356 = tpu.memref_squeeze %dma_start3A_355 : memref<1x100000xf32, #tpu.memory_space<hbm>> -> memref<100000xf32, #tpu.memory_space<hbm>>
        %dma_start3A_357 = arith.constant 0 : i32
        %dma_start3A_358 = tpu.memref_slice %dma_start3A_356[%dma_start3A_357] : memref<100000xf32, #tpu.memory_space<hbm>> -> memref<100000xf32, #tpu.memory_space<hbm>>
        tpu.enqueue_indirect_dma source(%dma_start3A_358 : memref<100000xf32, #tpu.memory_space<hbm>>) target(%dma_start3A_350 : memref<512xf32, #tpu.memory_space<vmem>>) offsets(%dma_start3A_353 : memref<512xi32, #tpu.memory_space<vmem>>) semaphore(%arg7 : memref<!tpu.dma_semaphore, #tpu.memory_space<semaphore_mem>>)
        %mul3A_359 = arith.constant 16 : i32
        %mul3A_360 = arith.muli %add3A_307, %mul3A_359 : i32
        %add3A_361 = arith.constant 3 : i32
        %add3A_362 = arith.addi %mul3A_360, %add3A_361 : i32
        %dma_start3A_363 = arith.constant 0 : i32
        %dma_start3A_364 = arith.constant 3 : i32
        %dma_start3A_365 = arith.constant 0 : i32
        %dma_start3A_366 = tpu.memref_slice %arg6[%dma_start3A_363, %dma_start3A_364, %dma_start3A_365] : memref<2x16x512xf32, #tpu.memory_space<vmem>> -> memref<1x1x512xf32, #tpu.memory_space<vmem>>
        %dma_start3A_367 = tpu.memref_squeeze %dma_start3A_366 : memref<1x1x512xf32, #tpu.memory_space<vmem>> -> memref<512xf32, #tpu.memory_space<vmem>>
        %dma_start3A_368 = arith.constant 0 : i32
        %dma_start3A_369 = tpu.memref_slice %arg5[%add3A_307, %dma_start3A_368] : memref<13x512xi32, #tpu.memory_space<vmem>> -> memref<1x512xi32, #tpu.memory_space<vmem>>
        %dma_start3A_370 = tpu.memref_squeeze %dma_start3A_369 : memref<1x512xi32, #tpu.memory_space<vmem>> -> memref<512xi32, #tpu.memory_space<vmem>>
        %dma_start3A_371 = arith.constant 0 : i32
        %dma_start3A_372 = tpu.memref_slice %arg2[%add3A_362, %dma_start3A_371] : memref<208x100000xf32, #tpu.memory_space<hbm>> -> memref<1x100000xf32, #tpu.memory_space<hbm>>
        %dma_start3A_373 = tpu.memref_squeeze %dma_start3A_372 : memref<1x100000xf32, #tpu.memory_space<hbm>> -> memref<100000xf32, #tpu.memory_space<hbm>>
        %dma_start3A_374 = arith.constant 0 : i32
        %dma_start3A_375 = tpu.memref_slice %dma_start3A_373[%dma_start3A_374] : memref<100000xf32, #tpu.memory_space<hbm>> -> memref<100000xf32, #tpu.memory_space<hbm>>
        tpu.enqueue_indirect_dma source(%dma_start3A_375 : memref<100000xf32, #tpu.memory_space<hbm>>) target(%dma_start3A_367 : memref<512xf32, #tpu.memory_space<vmem>>) offsets(%dma_start3A_370 : memref<512xi32, #tpu.memory_space<vmem>>) semaphore(%arg7 : memref<!tpu.dma_semaphore, #tpu.memory_space<semaphore_mem>>)
        %mul3A_376 = arith.constant 16 : i32
        %mul3A_377 = arith.muli %add3A_307, %mul3A_376 : i32
        %add3A_378 = arith.constant 4 : i32
        %add3A_379 = arith.addi %mul3A_377, %add3A_378 : i32
        %dma_start3A_380 = arith.constant 0 : i32
        %dma_start3A_381 = arith.constant 4 : i32
        %dma_start3A_382 = arith.constant 0 : i32
        %dma_start3A_383 = tpu.memref_slice %arg6[%dma_start3A_380, %dma_start3A_381, %dma_start3A_382] : memref<2x16x512xf32, #tpu.memory_space<vmem>> -> memref<1x1x512xf32, #tpu.memory_space<vmem>>
        %dma_start3A_384 = tpu.memref_squeeze %dma_start3A_383 : memref<1x1x512xf32, #tpu.memory_space<vmem>> -> memref<512xf32, #tpu.memory_space<vmem>>
        %dma_start3A_385 = arith.constant 0 : i32
        %dma_start3A_386 = tpu.memref_slice %arg5[%add3A_307, %dma_start3A_385] : memref<13x512xi32, #tpu.memory_space<vmem>> -> memref<1x512xi32, #tpu.memory_space<vmem>>
        %dma_start3A_387 = tpu.memref_squeeze %dma_start3A_386 : memref<1x512xi32, #tpu.memory_space<vmem>> -> memref<512xi32, #tpu.memory_space<vmem>>
        %dma_start3A_388 = arith.constant 0 : i32
        %dma_start3A_389 = tpu.memref_slice %arg2[%add3A_379, %dma_start3A_388] : memref<208x100000xf32, #tpu.memory_space<hbm>> -> memref<1x100000xf32, #tpu.memory_space<hbm>>
        %dma_start3A_390 = tpu.memref_squeeze %dma_start3A_389 : memref<1x100000xf32, #tpu.memory_space<hbm>> -> memref<100000xf32, #tpu.memory_space<hbm>>
        %dma_start3A_391 = arith.constant 0 : i32
        %dma_start3A_392 = tpu.memref_slice %dma_start3A_390[%dma_start3A_391] : memref<100000xf32, #tpu.memory_space<hbm>> -> memref<100000xf32, #tpu.memory_space<hbm>>
        tpu.enqueue_indirect_dma source(%dma_start3A_392 : memref<100000xf32, #tpu.memory_space<hbm>>) target(%dma_start3A_384 : memref<512xf32, #tpu.memory_space<vmem>>) offsets(%dma_start3A_387 : memref<512xi32, #tpu.memory_space<vmem>>) semaphore(%arg7 : memref<!tpu.dma_semaphore, #tpu.memory_space<semaphore_mem>>)
        %mul3A_393 = arith.constant 16 : i32
        %mul3A_394 = arith.muli %add3A_307, %mul3A_393 : i32
        %add3A_395 = arith.constant 5 : i32
        %add3A_396 = arith.addi %mul3A_394, %add3A_395 : i32
        %dma_start3A_397 = arith.constant 0 : i32
        %dma_start3A_398 = arith.constant 5 : i32
        %dma_start3A_399 = arith.constant 0 : i32
        %dma_start3A_400 = tpu.memref_slice %arg6[%dma_start3A_397, %dma_start3A_398, %dma_start3A_399] : memref<2x16x512xf32, #tpu.memory_space<vmem>> -> memref<1x1x512xf32, #tpu.memory_space<vmem>>
        %dma_start3A_401 = tpu.memref_squeeze %dma_start3A_400 : memref<1x1x512xf32, #tpu.memory_space<vmem>> -> memref<512xf32, #tpu.memory_space<vmem>>
        %dma_start3A_402 = arith.constant 0 : i32
        %dma_start3A_403 = tpu.memref_slice %arg5[%add3A_307, %dma_start3A_402] : memref<13x512xi32, #tpu.memory_space<vmem>> -> memref<1x512xi32, #tpu.memory_space<vmem>>
        %dma_start3A_404 = tpu.memref_squeeze %dma_start3A_403 : memref<1x512xi32, #tpu.memory_space<vmem>> -> memref<512xi32, #tpu.memory_space<vmem>>
        %dma_start3A_405 = arith.constant 0 : i32
        %dma_start3A_406 = tpu.memref_slice %arg2[%add3A_396, %dma_start3A_405] : memref<208x100000xf32, #tpu.memory_space<hbm>> -> memref<1x100000xf32, #tpu.memory_space<hbm>>
        %dma_start3A_407 = tpu.memref_squeeze %dma_start3A_406 : memref<1x100000xf32, #tpu.memory_space<hbm>> -> memref<100000xf32, #tpu.memory_space<hbm>>
        %dma_start3A_408 = arith.constant 0 : i32
        %dma_start3A_409 = tpu.memref_slice %dma_start3A_407[%dma_start3A_408] : memref<100000xf32, #tpu.memory_space<hbm>> -> memref<100000xf32, #tpu.memory_space<hbm>>
        tpu.enqueue_indirect_dma source(%dma_start3A_409 : memref<100000xf32, #tpu.memory_space<hbm>>) target(%dma_start3A_401 : memref<512xf32, #tpu.memory_space<vmem>>) offsets(%dma_start3A_404 : memref<512xi32, #tpu.memory_space<vmem>>) semaphore(%arg7 : memref<!tpu.dma_semaphore, #tpu.memory_space<semaphore_mem>>)
        %mul3A_410 = arith.constant 16 : i32
        %mul3A_411 = arith.muli %add3A_307, %mul3A_410 : i32
        %add3A_412 = arith.constant 6 : i32
        %add3A_413 = arith.addi %mul3A_411, %add3A_412 : i32
        %dma_start3A_414 = arith.constant 0 : i32
        %dma_start3A_415 = arith.constant 6 : i32
        %dma_start3A_416 = arith.constant 0 : i32
        %dma_start3A_417 = tpu.memref_slice %arg6[%dma_start3A_414, %dma_start3A_415, %dma_start3A_416] : memref<2x16x512xf32, #tpu.memory_space<vmem>> -> memref<1x1x512xf32, #tpu.memory_space<vmem>>
        %dma_start3A_418 = tpu.memref_squeeze %dma_start3A_417 : memref<1x1x512xf32, #tpu.memory_space<vmem>> -> memref<512xf32, #tpu.memory_space<vmem>>
        %dma_start3A_419 = arith.constant 0 : i32
        %dma_start3A_420 = tpu.memref_slice %arg5[%add3A_307, %dma_start3A_419] : memref<13x512xi32, #tpu.memory_space<vmem>> -> memref<1x512xi32, #tpu.memory_space<vmem>>
        %dma_start3A_421 = tpu.memref_squeeze %dma_start3A_420 : memref<1x512xi32, #tpu.memory_space<vmem>> -> memref<512xi32, #tpu.memory_space<vmem>>
        %dma_start3A_422 = arith.constant 0 : i32
        %dma_start3A_423 = tpu.memref_slice %arg2[%add3A_413, %dma_start3A_422] : memref<208x100000xf32, #tpu.memory_space<hbm>> -> memref<1x100000xf32, #tpu.memory_space<hbm>>
        %dma_start3A_424 = tpu.memref_squeeze %dma_start3A_423 : memref<1x100000xf32, #tpu.memory_space<hbm>> -> memref<100000xf32, #tpu.memory_space<hbm>>
        %dma_start3A_425 = arith.constant 0 : i32
        %dma_start3A_426 = tpu.memref_slice %dma_start3A_424[%dma_start3A_425] : memref<100000xf32, #tpu.memory_space<hbm>> -> memref<100000xf32, #tpu.memory_space<hbm>>
        tpu.enqueue_indirect_dma source(%dma_start3A_426 : memref<100000xf32, #tpu.memory_space<hbm>>) target(%dma_start3A_418 : memref<512xf32, #tpu.memory_space<vmem>>) offsets(%dma_start3A_421 : memref<512xi32, #tpu.memory_space<vmem>>) semaphore(%arg7 : memref<!tpu.dma_semaphore, #tpu.memory_space<semaphore_mem>>)
        %mul3A_427 = arith.constant 16 : i32
        %mul3A_428 = arith.muli %add3A_307, %mul3A_427 : i32
        %add3A_429 = arith.constant 7 : i32
        %add3A_430 = arith.addi %mul3A_428, %add3A_429 : i32
        %dma_start3A_431 = arith.constant 0 : i32
        %dma_start3A_432 = arith.constant 7 : i32
        %dma_start3A_433 = arith.constant 0 : i32
        %dma_start3A_434 = tpu.memref_slice %arg6[%dma_start3A_431, %dma_start3A_432, %dma_start3A_433] : memref<2x16x512xf32, #tpu.memory_space<vmem>> -> memref<1x1x512xf32, #tpu.memory_space<vmem>>
        %dma_start3A_435 = tpu.memref_squeeze %dma_start3A_434 : memref<1x1x512xf32, #tpu.memory_space<vmem>> -> memref<512xf32, #tpu.memory_space<vmem>>
        %dma_start3A_436 = arith.constant 0 : i32
        %dma_start3A_437 = tpu.memref_slice %arg5[%add3A_307, %dma_start3A_436] : memref<13x512xi32, #tpu.memory_space<vmem>> -> memref<1x512xi32, #tpu.memory_space<vmem>>
        %dma_start3A_438 = tpu.memref_squeeze %dma_start3A_437 : memref<1x512xi32, #tpu.memory_space<vmem>> -> memref<512xi32, #tpu.memory_space<vmem>>
        %dma_start3A_439 = arith.constant 0 : i32
        %dma_start3A_440 = tpu.memref_slice %arg2[%add3A_430, %dma_start3A_439] : memref<208x100000xf32, #tpu.memory_space<hbm>> -> memref<1x100000xf32, #tpu.memory_space<hbm>>
        %dma_start3A_441 = tpu.memref_squeeze %dma_start3A_440 : memref<1x100000xf32, #tpu.memory_space<hbm>> -> memref<100000xf32, #tpu.memory_space<hbm>>
        %dma_start3A_442 = arith.constant 0 : i32
        %dma_start3A_443 = tpu.memref_slice %dma_start3A_441[%dma_start3A_442] : memref<100000xf32, #tpu.memory_space<hbm>> -> memref<100000xf32, #tpu.memory_space<hbm>>
        tpu.enqueue_indirect_dma source(%dma_start3A_443 : memref<100000xf32, #tpu.memory_space<hbm>>) target(%dma_start3A_435 : memref<512xf32, #tpu.memory_space<vmem>>) offsets(%dma_start3A_438 : memref<512xi32, #tpu.memory_space<vmem>>) semaphore(%arg7 : memref<!tpu.dma_semaphore, #tpu.memory_space<semaphore_mem>>)
        %mul3A_444 = arith.constant 16 : i32
        %mul3A_445 = arith.muli %add3A_307, %mul3A_444 : i32
        %add3A_446 = arith.constant 8 : i32
        %add3A_447 = arith.addi %mul3A_445, %add3A_446 : i32
        %dma_start3A_448 = arith.constant 0 : i32
        %dma_start3A_449 = arith.constant 8 : i32
        %dma_start3A_450 = arith.constant 0 : i32
        %dma_start3A_451 = tpu.memref_slice %arg6[%dma_start3A_448, %dma_start3A_449, %dma_start3A_450] : memref<2x16x512xf32, #tpu.memory_space<vmem>> -> memref<1x1x512xf32, #tpu.memory_space<vmem>>
        %dma_start3A_452 = tpu.memref_squeeze %dma_start3A_451 : memref<1x1x512xf32, #tpu.memory_space<vmem>> -> memref<512xf32, #tpu.memory_space<vmem>>
        %dma_start3A_453 = arith.constant 0 : i32
        %dma_start3A_454 = tpu.memref_slice %arg5[%add3A_307, %dma_start3A_453] : memref<13x512xi32, #tpu.memory_space<vmem>> -> memref<1x512xi32, #tpu.memory_space<vmem>>
        %dma_start3A_455 = tpu.memref_squeeze %dma_start3A_454 : memref<1x512xi32, #tpu.memory_space<vmem>> -> memref<512xi32, #tpu.memory_space<vmem>>
        %dma_start3A_456 = arith.constant 0 : i32
        %dma_start3A_457 = tpu.memref_slice %arg2[%add3A_447, %dma_start3A_456] : memref<208x100000xf32, #tpu.memory_space<hbm>> -> memref<1x100000xf32, #tpu.memory_space<hbm>>
        %dma_start3A_458 = tpu.memref_squeeze %dma_start3A_457 : memref<1x100000xf32, #tpu.memory_space<hbm>> -> memref<100000xf32, #tpu.memory_space<hbm>>
        %dma_start3A_459 = arith.constant 0 : i32
        %dma_start3A_460 = tpu.memref_slice %dma_start3A_458[%dma_start3A_459] : memref<100000xf32, #tpu.memory_space<hbm>> -> memref<100000xf32, #tpu.memory_space<hbm>>
        tpu.enqueue_indirect_dma source(%dma_start3A_460 : memref<100000xf32, #tpu.memory_space<hbm>>) target(%dma_start3A_452 : memref<512xf32, #tpu.memory_space<vmem>>) offsets(%dma_start3A_455 : memref<512xi32, #tpu.memory_space<vmem>>) semaphore(%arg7 : memref<!tpu.dma_semaphore, #tpu.memory_space<semaphore_mem>>)
        %mul3A_461 = arith.constant 16 : i32
        %mul3A_462 = arith.muli %add3A_307, %mul3A_461 : i32
        %add3A_463 = arith.constant 9 : i32
        %add3A_464 = arith.addi %mul3A_462, %add3A_463 : i32
        %dma_start3A_465 = arith.constant 0 : i32
        %dma_start3A_466 = arith.constant 9 : i32
        %dma_start3A_467 = arith.constant 0 : i32
        %dma_start3A_468 = tpu.memref_slice %arg6[%dma_start3A_465, %dma_start3A_466, %dma_start3A_467] : memref<2x16x512xf32, #tpu.memory_space<vmem>> -> memref<1x1x512xf32, #tpu.memory_space<vmem>>
        %dma_start3A_469 = tpu.memref_squeeze %dma_start3A_468 : memref<1x1x512xf32, #tpu.memory_space<vmem>> -> memref<512xf32, #tpu.memory_space<vmem>>
        %dma_start3A_470 = arith.constant 0 : i32
        %dma_start3A_471 = tpu.memref_slice %arg5[%add3A_307, %dma_start3A_470] : memref<13x512xi32, #tpu.memory_space<vmem>> -> memref<1x512xi32, #tpu.memory_space<vmem>>
        %dma_start3A_472 = tpu.memref_squeeze %dma_start3A_471 : memref<1x512xi32, #tpu.memory_space<vmem>> -> memref<512xi32, #tpu.memory_space<vmem>>
        %dma_start3A_473 = arith.constant 0 : i32
        %dma_start3A_474 = tpu.memref_slice %arg2[%add3A_464, %dma_start3A_473] : memref<208x100000xf32, #tpu.memory_space<hbm>> -> memref<1x100000xf32, #tpu.memory_space<hbm>>
        %dma_start3A_475 = tpu.memref_squeeze %dma_start3A_474 : memref<1x100000xf32, #tpu.memory_space<hbm>> -> memref<100000xf32, #tpu.memory_space<hbm>>
        %dma_start3A_476 = arith.constant 0 : i32
        %dma_start3A_477 = tpu.memref_slice %dma_start3A_475[%dma_start3A_476] : memref<100000xf32, #tpu.memory_space<hbm>> -> memref<100000xf32, #tpu.memory_space<hbm>>
        tpu.enqueue_indirect_dma source(%dma_start3A_477 : memref<100000xf32, #tpu.memory_space<hbm>>) target(%dma_start3A_469 : memref<512xf32, #tpu.memory_space<vmem>>) offsets(%dma_start3A_472 : memref<512xi32, #tpu.memory_space<vmem>>) semaphore(%arg7 : memref<!tpu.dma_semaphore, #tpu.memory_space<semaphore_mem>>)
        %mul3A_478 = arith.constant 16 : i32
        %mul3A_479 = arith.muli %add3A_307, %mul3A_478 : i32
        %add3A_480 = arith.constant 10 : i32
        %add3A_481 = arith.addi %mul3A_479, %add3A_480 : i32
        %dma_start3A_482 = arith.constant 0 : i32
        %dma_start3A_483 = arith.constant 10 : i32
        %dma_start3A_484 = arith.constant 0 : i32
        %dma_start3A_485 = tpu.memref_slice %arg6[%dma_start3A_482, %dma_start3A_483, %dma_start3A_484] : memref<2x16x512xf32, #tpu.memory_space<vmem>> -> memref<1x1x512xf32, #tpu.memory_space<vmem>>
        %dma_start3A_486 = tpu.memref_squeeze %dma_start3A_485 : memref<1x1x512xf32, #tpu.memory_space<vmem>> -> memref<512xf32, #tpu.memory_space<vmem>>
        %dma_start3A_487 = arith.constant 0 : i32
        %dma_start3A_488 = tpu.memref_slice %arg5[%add3A_307, %dma_start3A_487] : memref<13x512xi32, #tpu.memory_space<vmem>> -> memref<1x512xi32, #tpu.memory_space<vmem>>
        %dma_start3A_489 = tpu.memref_squeeze %dma_start3A_488 : memref<1x512xi32, #tpu.memory_space<vmem>> -> memref<512xi32, #tpu.memory_space<vmem>>
        %dma_start3A_490 = arith.constant 0 : i32
        %dma_start3A_491 = tpu.memref_slice %arg2[%add3A_481, %dma_start3A_490] : memref<208x100000xf32, #tpu.memory_space<hbm>> -> memref<1x100000xf32, #tpu.memory_space<hbm>>
        %dma_start3A_492 = tpu.memref_squeeze %dma_start3A_491 : memref<1x100000xf32, #tpu.memory_space<hbm>> -> memref<100000xf32, #tpu.memory_space<hbm>>
        %dma_start3A_493 = arith.constant 0 : i32
        %dma_start3A_494 = tpu.memref_slice %dma_start3A_492[%dma_start3A_493] : memref<100000xf32, #tpu.memory_space<hbm>> -> memref<100000xf32, #tpu.memory_space<hbm>>
        tpu.enqueue_indirect_dma source(%dma_start3A_494 : memref<100000xf32, #tpu.memory_space<hbm>>) target(%dma_start3A_486 : memref<512xf32, #tpu.memory_space<vmem>>) offsets(%dma_start3A_489 : memref<512xi32, #tpu.memory_space<vmem>>) semaphore(%arg7 : memref<!tpu.dma_semaphore, #tpu.memory_space<semaphore_mem>>)
        %mul3A_495 = arith.constant 16 : i32
        %mul3A_496 = arith.muli %add3A_307, %mul3A_495 : i32
        %add3A_497 = arith.constant 11 : i32
        %add3A_498 = arith.addi %mul3A_496, %add3A_497 : i32
        %dma_start3A_499 = arith.constant 0 : i32
        %dma_start3A_500 = arith.constant 11 : i32
        %dma_start3A_501 = arith.constant 0 : i32
        %dma_start3A_502 = tpu.memref_slice %arg6[%dma_start3A_499, %dma_start3A_500, %dma_start3A_501] : memref<2x16x512xf32, #tpu.memory_space<vmem>> -> memref<1x1x512xf32, #tpu.memory_space<vmem>>
        %dma_start3A_503 = tpu.memref_squeeze %dma_start3A_502 : memref<1x1x512xf32, #tpu.memory_space<vmem>> -> memref<512xf32, #tpu.memory_space<vmem>>
        %dma_start3A_504 = arith.constant 0 : i32
        %dma_start3A_505 = tpu.memref_slice %arg5[%add3A_307, %dma_start3A_504] : memref<13x512xi32, #tpu.memory_space<vmem>> -> memref<1x512xi32, #tpu.memory_space<vmem>>
        %dma_start3A_506 = tpu.memref_squeeze %dma_start3A_505 : memref<1x512xi32, #tpu.memory_space<vmem>> -> memref<512xi32, #tpu.memory_space<vmem>>
        %dma_start3A_507 = arith.constant 0 : i32
        %dma_start3A_508 = tpu.memref_slice %arg2[%add3A_498, %dma_start3A_507] : memref<208x100000xf32, #tpu.memory_space<hbm>> -> memref<1x100000xf32, #tpu.memory_space<hbm>>
        %dma_start3A_509 = tpu.memref_squeeze %dma_start3A_508 : memref<1x100000xf32, #tpu.memory_space<hbm>> -> memref<100000xf32, #tpu.memory_space<hbm>>
        %dma_start3A_510 = arith.constant 0 : i32
        %dma_start3A_511 = tpu.memref_slice %dma_start3A_509[%dma_start3A_510] : memref<100000xf32, #tpu.memory_space<hbm>> -> memref<100000xf32, #tpu.memory_space<hbm>>
        tpu.enqueue_indirect_dma source(%dma_start3A_511 : memref<100000xf32, #tpu.memory_space<hbm>>) target(%dma_start3A_503 : memref<512xf32, #tpu.memory_space<vmem>>) offsets(%dma_start3A_506 : memref<512xi32, #tpu.memory_space<vmem>>) semaphore(%arg7 : memref<!tpu.dma_semaphore, #tpu.memory_space<semaphore_mem>>)
        %mul3A_512 = arith.constant 16 : i32
        %mul3A_513 = arith.muli %add3A_307, %mul3A_512 : i32
        %add3A_514 = arith.constant 12 : i32
        %add3A_515 = arith.addi %mul3A_513, %add3A_514 : i32
        %dma_start3A_516 = arith.constant 0 : i32
        %dma_start3A_517 = arith.constant 12 : i32
        %dma_start3A_518 = arith.constant 0 : i32
        %dma_start3A_519 = tpu.memref_slice %arg6[%dma_start3A_516, %dma_start3A_517, %dma_start3A_518] : memref<2x16x512xf32, #tpu.memory_space<vmem>> -> memref<1x1x512xf32, #tpu.memory_space<vmem>>
        %dma_start3A_520 = tpu.memref_squeeze %dma_start3A_519 : memref<1x1x512xf32, #tpu.memory_space<vmem>> -> memref<512xf32, #tpu.memory_space<vmem>>
        %dma_start3A_521 = arith.constant 0 : i32
        %dma_start3A_522 = tpu.memref_slice %arg5[%add3A_307, %dma_start3A_521] : memref<13x512xi32, #tpu.memory_space<vmem>> -> memref<1x512xi32, #tpu.memory_space<vmem>>
        %dma_start3A_523 = tpu.memref_squeeze %dma_start3A_522 : memref<1x512xi32, #tpu.memory_space<vmem>> -> memref<512xi32, #tpu.memory_space<vmem>>
        %dma_start3A_524 = arith.constant 0 : i32
        %dma_start3A_525 = tpu.memref_slice %arg2[%add3A_515, %dma_start3A_524] : memref<208x100000xf32, #tpu.memory_space<hbm>> -> memref<1x100000xf32, #tpu.memory_space<hbm>>
        %dma_start3A_526 = tpu.memref_squeeze %dma_start3A_525 : memref<1x100000xf32, #tpu.memory_space<hbm>> -> memref<100000xf32, #tpu.memory_space<hbm>>
        %dma_start3A_527 = arith.constant 0 : i32
        %dma_start3A_528 = tpu.memref_slice %dma_start3A_526[%dma_start3A_527] : memref<100000xf32, #tpu.memory_space<hbm>> -> memref<100000xf32, #tpu.memory_space<hbm>>
        tpu.enqueue_indirect_dma source(%dma_start3A_528 : memref<100000xf32, #tpu.memory_space<hbm>>) target(%dma_start3A_520 : memref<512xf32, #tpu.memory_space<vmem>>) offsets(%dma_start3A_523 : memref<512xi32, #tpu.memory_space<vmem>>) semaphore(%arg7 : memref<!tpu.dma_semaphore, #tpu.memory_space<semaphore_mem>>)
        %mul3A_529 = arith.constant 16 : i32
        %mul3A_530 = arith.muli %add3A_307, %mul3A_529 : i32
        %add3A_531 = arith.constant 13 : i32
        %add3A_532 = arith.addi %mul3A_530, %add3A_531 : i32
        %dma_start3A_533 = arith.constant 0 : i32
        %dma_start3A_534 = arith.constant 13 : i32
        %dma_start3A_535 = arith.constant 0 : i32
        %dma_start3A_536 = tpu.memref_slice %arg6[%dma_start3A_533, %dma_start3A_534, %dma_start3A_535] : memref<2x16x512xf32, #tpu.memory_space<vmem>> -> memref<1x1x512xf32, #tpu.memory_space<vmem>>
        %dma_start3A_537 = tpu.memref_squeeze %dma_start3A_536 : memref<1x1x512xf32, #tpu.memory_space<vmem>> -> memref<512xf32, #tpu.memory_space<vmem>>
        %dma_start3A_538 = arith.constant 0 : i32
        %dma_start3A_539 = tpu.memref_slice %arg5[%add3A_307, %dma_start3A_538] : memref<13x512xi32, #tpu.memory_space<vmem>> -> memref<1x512xi32, #tpu.memory_space<vmem>>
        %dma_start3A_540 = tpu.memref_squeeze %dma_start3A_539 : memref<1x512xi32, #tpu.memory_space<vmem>> -> memref<512xi32, #tpu.memory_space<vmem>>
        %dma_start3A_541 = arith.constant 0 : i32
        %dma_start3A_542 = tpu.memref_slice %arg2[%add3A_532, %dma_start3A_541] : memref<208x100000xf32, #tpu.memory_space<hbm>> -> memref<1x100000xf32, #tpu.memory_space<hbm>>
        %dma_start3A_543 = tpu.memref_squeeze %dma_start3A_542 : memref<1x100000xf32, #tpu.memory_space<hbm>> -> memref<100000xf32, #tpu.memory_space<hbm>>
        %dma_start3A_544 = arith.constant 0 : i32
        %dma_start3A_545 = tpu.memref_slice %dma_start3A_543[%dma_start3A_544] : memref<100000xf32, #tpu.memory_space<hbm>> -> memref<100000xf32, #tpu.memory_space<hbm>>
        tpu.enqueue_indirect_dma source(%dma_start3A_545 : memref<100000xf32, #tpu.memory_space<hbm>>) target(%dma_start3A_537 : memref<512xf32, #tpu.memory_space<vmem>>) offsets(%dma_start3A_540 : memref<512xi32, #tpu.memory_space<vmem>>) semaphore(%arg7 : memref<!tpu.dma_semaphore, #tpu.memory_space<semaphore_mem>>)
        %mul3A_546 = arith.constant 16 : i32
        %mul3A_547 = arith.muli %add3A_307, %mul3A_546 : i32
        %add3A_548 = arith.constant 14 : i32
        %add3A_549 = arith.addi %mul3A_547, %add3A_548 : i32
        %dma_start3A_550 = arith.constant 0 : i32
        %dma_start3A_551 = arith.constant 14 : i32
        %dma_start3A_552 = arith.constant 0 : i32
        %dma_start3A_553 = tpu.memref_slice %arg6[%dma_start3A_550, %dma_start3A_551, %dma_start3A_552] : memref<2x16x512xf32, #tpu.memory_space<vmem>> -> memref<1x1x512xf32, #tpu.memory_space<vmem>>
        %dma_start3A_554 = tpu.memref_squeeze %dma_start3A_553 : memref<1x1x512xf32, #tpu.memory_space<vmem>> -> memref<512xf32, #tpu.memory_space<vmem>>
        %dma_start3A_555 = arith.constant 0 : i32
        %dma_start3A_556 = tpu.memref_slice %arg5[%add3A_307, %dma_start3A_555] : memref<13x512xi32, #tpu.memory_space<vmem>> -> memref<1x512xi32, #tpu.memory_space<vmem>>
        %dma_start3A_557 = tpu.memref_squeeze %dma_start3A_556 : memref<1x512xi32, #tpu.memory_space<vmem>> -> memref<512xi32, #tpu.memory_space<vmem>>
        %dma_start3A_558 = arith.constant 0 : i32
        %dma_start3A_559 = tpu.memref_slice %arg2[%add3A_549, %dma_start3A_558] : memref<208x100000xf32, #tpu.memory_space<hbm>> -> memref<1x100000xf32, #tpu.memory_space<hbm>>
        %dma_start3A_560 = tpu.memref_squeeze %dma_start3A_559 : memref<1x100000xf32, #tpu.memory_space<hbm>> -> memref<100000xf32, #tpu.memory_space<hbm>>
        %dma_start3A_561 = arith.constant 0 : i32
        %dma_start3A_562 = tpu.memref_slice %dma_start3A_560[%dma_start3A_561] : memref<100000xf32, #tpu.memory_space<hbm>> -> memref<100000xf32, #tpu.memory_space<hbm>>
        tpu.enqueue_indirect_dma source(%dma_start3A_562 : memref<100000xf32, #tpu.memory_space<hbm>>) target(%dma_start3A_554 : memref<512xf32, #tpu.memory_space<vmem>>) offsets(%dma_start3A_557 : memref<512xi32, #tpu.memory_space<vmem>>) semaphore(%arg7 : memref<!tpu.dma_semaphore, #tpu.memory_space<semaphore_mem>>)
        %mul3A_563 = arith.constant 16 : i32
        %mul3A_564 = arith.muli %add3A_307, %mul3A_563 : i32
        %add3A_565 = arith.constant 15 : i32
        %add3A_566 = arith.addi %mul3A_564, %add3A_565 : i32
        %dma_start3A_567 = arith.constant 0 : i32
        %dma_start3A_568 = arith.constant 15 : i32
        %dma_start3A_569 = arith.constant 0 : i32
        %dma_start3A_570 = tpu.memref_slice %arg6[%dma_start3A_567, %dma_start3A_568, %dma_start3A_569] : memref<2x16x512xf32, #tpu.memory_space<vmem>> -> memref<1x1x512xf32, #tpu.memory_space<vmem>>
        %dma_start3A_571 = tpu.memref_squeeze %dma_start3A_570 : memref<1x1x512xf32, #tpu.memory_space<vmem>> -> memref<512xf32, #tpu.memory_space<vmem>>
        %dma_start3A_572 = arith.constant 0 : i32
        %dma_start3A_573 = tpu.memref_slice %arg5[%add3A_307, %dma_start3A_572] : memref<13x512xi32, #tpu.memory_space<vmem>> -> memref<1x512xi32, #tpu.memory_space<vmem>>
        %dma_start3A_574 = tpu.memref_squeeze %dma_start3A_573 : memref<1x512xi32, #tpu.memory_space<vmem>> -> memref<512xi32, #tpu.memory_space<vmem>>
        %dma_start3A_575 = arith.constant 0 : i32
        %dma_start3A_576 = tpu.memref_slice %arg2[%add3A_566, %dma_start3A_575] : memref<208x100000xf32, #tpu.memory_space<hbm>> -> memref<1x100000xf32, #tpu.memory_space<hbm>>
        %dma_start3A_577 = tpu.memref_squeeze %dma_start3A_576 : memref<1x100000xf32, #tpu.memory_space<hbm>> -> memref<100000xf32, #tpu.memory_space<hbm>>
        %dma_start3A_578 = arith.constant 0 : i32
        %dma_start3A_579 = tpu.memref_slice %dma_start3A_577[%dma_start3A_578] : memref<100000xf32, #tpu.memory_space<hbm>> -> memref<100000xf32, #tpu.memory_space<hbm>>
        tpu.enqueue_indirect_dma source(%dma_start3A_579 : memref<100000xf32, #tpu.memory_space<hbm>>) target(%dma_start3A_571 : memref<512xf32, #tpu.memory_space<vmem>>) offsets(%dma_start3A_574 : memref<512xi32, #tpu.memory_space<vmem>>) semaphore(%arg7 : memref<!tpu.dma_semaphore, #tpu.memory_space<semaphore_mem>>)
      } else {
      }
      %eq3A_284 = arith.constant 0 : i32
      %eq3A_285 = arith.cmpi eq, %rem3A_260, %eq3A_284 : i32
      %convert_element_type3A_286 = arith.extui %eq3A_285 : i1 to i32
      %cond3A_287 = arith.constant 0 : i32
      %cond3A_288 = arith.cmpi ne, %convert_element_type3A_286, %cond3A_287 : i32
      scf.if %cond3A_288 {
        %dma_wait3A_306 = arith.constant 0 : i32
        %dma_wait3A_307 = arith.constant 0 : i32
        %dma_wait3A_308 = arith.constant 0 : i32
        %dma_wait3A_309 = tpu.memref_slice %arg6[%dma_wait3A_306, %dma_wait3A_307, %dma_wait3A_308] : memref<2x16x512xf32, #tpu.memory_space<vmem>> -> memref<1x16x512xf32, #tpu.memory_space<vmem>>
        %dma_wait3A_310 = tpu.memref_squeeze %dma_wait3A_309 : memref<1x16x512xf32, #tpu.memory_space<vmem>> -> memref<16x512xf32, #tpu.memory_space<vmem>>
        %dma_wait3A_311 = arith.constant 0 : i32
        %dma_wait3A_312 = arith.constant 0 : i32
        %dma_wait3A_313 = tpu.memref_slice %arg4[%dma_wait3A_311, %dma_wait3A_312] : memref<208x16384xf32, #tpu.memory_space<hbm>> -> memref<16x512xf32, #tpu.memory_space<hbm>>
        %dma_wait3A_314 = arith.constant 0 : i32
        %dma_wait3A_315 = arith.constant 0 : i32
        %dma_wait3A_316 = tpu.memref_slice %arg6[%dma_wait3A_306, %dma_wait3A_314, %dma_wait3A_315] : memref<2x16x512xf32, #tpu.memory_space<vmem>> -> memref<1x16x512xf32, #tpu.memory_space<vmem>>
        %dma_wait3A_317 = tpu.memref_squeeze %dma_wait3A_316 : memref<1x16x512xf32, #tpu.memory_space<vmem>> -> memref<16x512xf32, #tpu.memory_space<vmem>>
        %dma_wait3A_318 = arith.constant 0 : i32
        %dma_wait3A_319 = arith.constant 0 : i32
        %dma_wait3A_320 = tpu.memref_slice %arg4[%dma_wait3A_318, %dma_wait3A_319] : memref<208x16384xf32, #tpu.memory_space<hbm>> -> memref<16x512xf32, #tpu.memory_space<hbm>>
        tpu.wait_dma2 semaphore(%arg7 : memref<!tpu.dma_semaphore, #tpu.memory_space<semaphore_mem>>) src(%dma_wait3A_320 : memref<16x512xf32, #tpu.memory_space<hbm>>) dst(%dma_wait3A_317 : memref<16x512xf32, #tpu.memory_space<vmem>>)
      } else {
      }
      %eq3A_289 = arith.constant 1 : i32
      %eq3A_290 = arith.cmpi eq, %rem3A_260, %eq3A_289 : i32
      %convert_element_type3A_291 = arith.extui %eq3A_290 : i1 to i32
      %cond3A_292 = arith.constant 0 : i32
      %cond3A_293 = arith.cmpi ne, %convert_element_type3A_291, %cond3A_292 : i32
      scf.if %cond3A_293 {
        %dma_wait3A_306 = arith.constant 1 : i32
        %dma_wait3A_307 = arith.constant 0 : i32
        %dma_wait3A_308 = arith.constant 0 : i32
        %dma_wait3A_309 = tpu.memref_slice %arg6[%dma_wait3A_306, %dma_wait3A_307, %dma_wait3A_308] : memref<2x16x512xf32, #tpu.memory_space<vmem>> -> memref<1x16x512xf32, #tpu.memory_space<vmem>>
        %dma_wait3A_310 = tpu.memref_squeeze %dma_wait3A_309 : memref<1x16x512xf32, #tpu.memory_space<vmem>> -> memref<16x512xf32, #tpu.memory_space<vmem>>
        %dma_wait3A_311 = arith.constant 0 : i32
        %dma_wait3A_312 = arith.constant 0 : i32
        %dma_wait3A_313 = tpu.memref_slice %arg4[%dma_wait3A_311, %dma_wait3A_312] : memref<208x16384xf32, #tpu.memory_space<hbm>> -> memref<16x512xf32, #tpu.memory_space<hbm>>
        %dma_wait3A_314 = arith.constant 0 : i32
        %dma_wait3A_315 = arith.constant 0 : i32
        %dma_wait3A_316 = tpu.memref_slice %arg6[%dma_wait3A_306, %dma_wait3A_314, %dma_wait3A_315] : memref<2x16x512xf32, #tpu.memory_space<vmem>> -> memref<1x16x512xf32, #tpu.memory_space<vmem>>
        %dma_wait3A_317 = tpu.memref_squeeze %dma_wait3A_316 : memref<1x16x512xf32, #tpu.memory_space<vmem>> -> memref<16x512xf32, #tpu.memory_space<vmem>>
        %dma_wait3A_318 = arith.constant 0 : i32
        %dma_wait3A_319 = arith.constant 0 : i32
        %dma_wait3A_320 = tpu.memref_slice %arg4[%dma_wait3A_318, %dma_wait3A_319] : memref<208x16384xf32, #tpu.memory_space<hbm>> -> memref<16x512xf32, #tpu.memory_space<hbm>>
        tpu.wait_dma2 semaphore(%arg8 : memref<!tpu.dma_semaphore, #tpu.memory_space<semaphore_mem>>) src(%dma_wait3A_320 : memref<16x512xf32, #tpu.memory_space<hbm>>) dst(%dma_wait3A_317 : memref<16x512xf32, #tpu.memory_space<vmem>>)
      } else {
      }
      %mul3A_294 = arith.constant 16 : i32
      %mul3A_295 = arith.muli %scan3A_259, %mul3A_294 : i32
      %dma_start3A_296 = arith.constant 0 : i32
      %dma_start3A_297 = arith.constant 0 : i32
      %dma_start3A_298 = tpu.memref_slice %arg6[%rem3A_260, %dma_start3A_296, %dma_start3A_297] : memref<2x16x512xf32, #tpu.memory_space<vmem>> -> memref<1x16x512xf32, #tpu.memory_space<vmem>>
      %dma_start3A_299 = tpu.memref_squeeze %dma_start3A_298 : memref<1x16x512xf32, #tpu.memory_space<vmem>> -> memref<16x512xf32, #tpu.memory_space<vmem>>
      %dma_start3A_300 = tpu.memref_slice %arg4[%mul3A_295, %mul3A_2] : memref<208x16384xf32, #tpu.memory_space<hbm>> -> memref<16x512xf32, #tpu.memory_space<hbm>>
      %dma_start3A_301 = tpu.memref_slice %arg4[%mul3A_295, %mul3A_2] : memref<208x16384xf32, #tpu.memory_space<hbm>> -> memref<16x512xf32, #tpu.memory_space<hbm>>
      %dma_start3A_302 = arith.constant 0 : i32
      %dma_start3A_303 = arith.constant 0 : i32
      %dma_start3A_304 = tpu.memref_slice %arg6[%rem3A_260, %dma_start3A_302, %dma_start3A_303] : memref<2x16x512xf32, #tpu.memory_space<vmem>> -> memref<1x16x512xf32, #tpu.memory_space<vmem>>
      %dma_start3A_305 = tpu.memref_squeeze %dma_start3A_304 : memref<1x16x512xf32, #tpu.memory_space<vmem>> -> memref<16x512xf32, #tpu.memory_space<vmem>>
      tpu.enqueue_dma source(%dma_start3A_305 : memref<16x512xf32, #tpu.memory_space<vmem>>) target(%dma_start3A_301 : memref<16x512xf32, #tpu.memory_space<hbm>>) target_semaphore(%arg9 : memref<!tpu.dma_semaphore, #tpu.memory_space<semaphore_mem>>)
    }
    %scan3A_246 = arith.constant 13 : i32
    %dma_wait3A = arith.constant 0 : i32
    %dma_wait3A_247 = arith.constant 0 : i32
    %dma_wait3A_248 = arith.constant 0 : i32
    %dma_wait3A_249 = tpu.memref_slice %arg6[%dma_wait3A, %dma_wait3A_247, %dma_wait3A_248] : memref<2x16x512xf32, #tpu.memory_space<vmem>> -> memref<1x16x512xf32, #tpu.memory_space<vmem>>
    %dma_wait3A_250 = tpu.memref_squeeze %dma_wait3A_249 : memref<1x16x512xf32, #tpu.memory_space<vmem>> -> memref<16x512xf32, #tpu.memory_space<vmem>>
    %dma_wait3A_251 = arith.constant 192 : i32
    %dma_wait3A_252 = tpu.memref_slice %arg4[%dma_wait3A_251, %mul3A_2] : memref<208x16384xf32, #tpu.memory_space<hbm>> -> memref<16x512xf32, #tpu.memory_space<hbm>>
    %dma_wait3A_253 = arith.constant 192 : i32
    %dma_wait3A_254 = tpu.memref_slice %arg4[%dma_wait3A_253, %mul3A_2] : memref<208x16384xf32, #tpu.memory_space<hbm>> -> memref<16x512xf32, #tpu.memory_space<hbm>>
    %dma_wait3A_255 = arith.constant 0 : i32
    %dma_wait3A_256 = arith.constant 0 : i32
    %dma_wait3A_257 = tpu.memref_slice %arg6[%dma_wait3A, %dma_wait3A_255, %dma_wait3A_256] : memref<2x16x512xf32, #tpu.memory_space<vmem>> -> memref<1x16x512xf32, #tpu.memory_space<vmem>>
    %dma_wait3A_258 = tpu.memref_squeeze %dma_wait3A_257 : memref<1x16x512xf32, #tpu.memory_space<vmem>> -> memref<16x512xf32, #tpu.memory_space<vmem>>
    tpu.wait_dma2 semaphore(%arg9 : memref<!tpu.dma_semaphore, #tpu.memory_space<semaphore_mem>>) src(%dma_wait3A_258 : memref<16x512xf32, #tpu.memory_space<vmem>>) dst(%dma_wait3A_254 : memref<16x512xf32, #tpu.memory_space<hbm>>)
    return
  }
}

#map = affine_map<(d0, d1) -> (0, 0)>
module attributes {stable_mosaic.version = 14 : i64} {
  func.func @_gather_body(%arg0: i32, %arg1: i32, %arg2: memref<208x100000xf32, #tpu.memory_space<hbm>>, %arg3: memref<13x16384xi32, #tpu.memory_space<hbm>>, %arg4: memref<208x16384xf32, #tpu.memory_space<hbm>>, %arg5: memref<13x512xi32, #tpu.memory_space<vmem>>, %arg6: memref<2x16x512xf32, #tpu.memory_space<vmem>>, %arg7: memref<!tpu.dma_semaphore, #tpu.memory_space<semaphore_mem>>, %arg8: memref<!tpu.dma_semaphore, #tpu.memory_space<semaphore_mem>>, %arg9: memref<!tpu.dma_semaphore, #tpu.memory_space<semaphore_mem>>) attributes {dimension_semantics = [#tpu.dimension_semantics<core_parallel>, #tpu.dimension_semantics<subcore_parallel>], iteration_bounds = array<i64: 2, 16>, scalar_prefetch = 0 : i64, scratch_operands = 5 : i64, tpu.core_type = #tpu.core_type<sc_vector_subcore>, window_params = [{transform_indices = #map}, {transform_indices = #map}, {transform_indices = #map}]} {
    %mul3A = arith.constant 2 : i32
    %mul3A_0 = arith.muli %arg1, %mul3A : i32
    %add3A = arith.addi %mul3A_0, %arg0 : i32
    %mul3A_1 = arith.constant 512 : i32
    %mul3A_2 = arith.muli %add3A, %mul3A_1 : i32
    "tpu.region"() ({
      %run_scoped3A = tpu.sem_alloc : memref<!tpu.dma_semaphore, #tpu.memory_space<semaphore_mem>>
      %dma_start3A_259 = arith.constant 0 : i32
      %dma_start3A_260 = tpu.memref_slice %arg3[%dma_start3A_259, %mul3A_2] : memref<13x16384xi32, #tpu.memory_space<hbm>> -> memref<13x512xi32, #tpu.memory_space<hbm>>
      %dma_start3A_261 = arith.constant 0 : i32
      %dma_start3A_262 = tpu.memref_slice %arg3[%dma_start3A_261, %mul3A_2] : memref<13x16384xi32, #tpu.memory_space<hbm>> -> memref<13x512xi32, #tpu.memory_space<hbm>>
      tpu.enqueue_dma source(%dma_start3A_262 : memref<13x512xi32, #tpu.memory_space<hbm>>) target(%arg5 : memref<13x512xi32, #tpu.memory_space<vmem>>) target_semaphore(%run_scoped3A : memref<!tpu.dma_semaphore, #tpu.memory_space<semaphore_mem>>)
      %dma_wait3A_263 = arith.constant 0 : i32
      %dma_wait3A_264 = tpu.memref_slice %arg3[%dma_wait3A_263, %mul3A_2] : memref<13x16384xi32, #tpu.memory_space<hbm>> -> memref<13x512xi32, #tpu.memory_space<hbm>>
      %dma_wait3A_265 = arith.constant 0 : i32
      %dma_wait3A_266 = tpu.memref_slice %arg3[%dma_wait3A_265, %mul3A_2] : memref<13x16384xi32, #tpu.memory_space<hbm>> -> memref<13x512xi32, #tpu.memory_space<hbm>>
      tpu.wait_dma2 semaphore(%run_scoped3A : memref<!tpu.dma_semaphore, #tpu.memory_space<semaphore_mem>>) src(%dma_wait3A_266 : memref<13x512xi32, #tpu.memory_space<hbm>>) dst(%arg5 : memref<13x512xi32, #tpu.memory_space<vmem>>)
      tpu.yield
    }) : () -> ()
    %dma_start3A = arith.constant 0 : i32
    %dma_start3A_3 = arith.constant 0 : i32
    %dma_start3A_4 = arith.constant 0 : i32
    %dma_start3A_5 = arith.constant 0 : i32
    %dma_start3A_6 = arith.constant 0 : i32
    %dma_start3A_7 = tpu.memref_slice %arg6[%dma_start3A_4, %dma_start3A_5, %dma_start3A_6] : memref<2x16x512xf32, #tpu.memory_space<vmem>> -> memref<1x1x512xf32, #tpu.memory_space<vmem>>
    %dma_start3A_8 = tpu.memref_squeeze %dma_start3A_7 : memref<1x1x512xf32, #tpu.memory_space<vmem>> -> memref<512xf32, #tpu.memory_space<vmem>>
    %dma_start3A_9 = arith.constant 0 : i32
    %dma_start3A_10 = tpu.memref_slice %arg5[%dma_start3A_3, %dma_start3A_9] : memref<13x512xi32, #tpu.memory_space<vmem>> -> memref<1x512xi32, #tpu.memory_space<vmem>>
    %dma_start3A_11 = tpu.memref_squeeze %dma_start3A_10 : memref<1x512xi32, #tpu.memory_space<vmem>> -> memref<512xi32, #tpu.memory_space<vmem>>
    %dma_start3A_12 = arith.constant 0 : i32
    %dma_start3A_13 = tpu.memref_slice %arg2[%dma_start3A, %dma_start3A_12] : memref<208x100000xf32, #tpu.memory_space<hbm>> -> memref<1x100000xf32, #tpu.memory_space<hbm>>
    %dma_start3A_14 = tpu.memref_squeeze %dma_start3A_13 : memref<1x100000xf32, #tpu.memory_space<hbm>> -> memref<100000xf32, #tpu.memory_space<hbm>>
    %dma_start3A_15 = arith.constant 0 : i32
    %dma_start3A_16 = tpu.memref_slice %dma_start3A_14[%dma_start3A_15] : memref<100000xf32, #tpu.memory_space<hbm>> -> memref<100000xf32, #tpu.memory_space<hbm>>
    tpu.enqueue_indirect_dma source(%dma_start3A_16 : memref<100000xf32, #tpu.memory_space<hbm>>) target(%dma_start3A_8 : memref<512xf32, #tpu.memory_space<vmem>>) offsets(%dma_start3A_11 : memref<512xi32, #tpu.memory_space<vmem>>) semaphore(%arg7 : memref<!tpu.dma_semaphore, #tpu.memory_space<semaphore_mem>>)
    %dma_start3A_17 = arith.constant 1 : i32
    %dma_start3A_18 = arith.constant 0 : i32
    %dma_start3A_19 = arith.constant 0 : i32
    %dma_start3A_20 = arith.constant 1 : i32
    %dma_start3A_21 = arith.constant 0 : i32
    %dma_start3A_22 = tpu.memref_slice %arg6[%dma_start3A_19, %dma_start3A_20, %dma_start3A_21] : memref<2x16x512xf32, #tpu.memory_space<vmem>> -> memref<1x1x512xf32, #tpu.memory_space<vmem>>
    %dma_start3A_23 = tpu.memref_squeeze %dma_start3A_22 : memref<1x1x512xf32, #tpu.memory_space<vmem>> -> memref<512xf32, #tpu.memory_space<vmem>>
    %dma_start3A_24 = arith.constant 0 : i32
    %dma_start3A_25 = tpu.memref_slice %arg5[%dma_start3A_18, %dma_start3A_24] : memref<13x512xi32, #tpu.memory_space<vmem>> -> memref<1x512xi32, #tpu.memory_space<vmem>>
    %dma_start3A_26 = tpu.memref_squeeze %dma_start3A_25 : memref<1x512xi32, #tpu.memory_space<vmem>> -> memref<512xi32, #tpu.memory_space<vmem>>
    %dma_start3A_27 = arith.constant 0 : i32
    %dma_start3A_28 = tpu.memref_slice %arg2[%dma_start3A_17, %dma_start3A_27] : memref<208x100000xf32, #tpu.memory_space<hbm>> -> memref<1x100000xf32, #tpu.memory_space<hbm>>
    %dma_start3A_29 = tpu.memref_squeeze %dma_start3A_28 : memref<1x100000xf32, #tpu.memory_space<hbm>> -> memref<100000xf32, #tpu.memory_space<hbm>>
    %dma_start3A_30 = arith.constant 0 : i32
    %dma_start3A_31 = tpu.memref_slice %dma_start3A_29[%dma_start3A_30] : memref<100000xf32, #tpu.memory_space<hbm>> -> memref<100000xf32, #tpu.memory_space<hbm>>
    tpu.enqueue_indirect_dma source(%dma_start3A_31 : memref<100000xf32, #tpu.memory_space<hbm>>) target(%dma_start3A_23 : memref<512xf32, #tpu.memory_space<vmem>>) offsets(%dma_start3A_26 : memref<512xi32, #tpu.memory_space<vmem>>) semaphore(%arg7 : memref<!tpu.dma_semaphore, #tpu.memory_space<semaphore_mem>>)
    %dma_start3A_32 = arith.constant 2 : i32
    %dma_start3A_33 = arith.constant 0 : i32
    %dma_start3A_34 = arith.constant 0 : i32
    %dma_start3A_35 = arith.constant 2 : i32
    %dma_start3A_36 = arith.constant 0 : i32
    %dma_start3A_37 = tpu.memref_slice %arg6[%dma_start3A_34, %dma_start3A_35, %dma_start3A_36] : memref<2x16x512xf32, #tpu.memory_space<vmem>> -> memref<1x1x512xf32, #tpu.memory_space<vmem>>
    %dma_start3A_38 = tpu.memref_squeeze %dma_start3A_37 : memref<1x1x512xf32, #tpu.memory_space<vmem>> -> memref<512xf32, #tpu.memory_space<vmem>>
    %dma_start3A_39 = arith.constant 0 : i32
    %dma_start3A_40 = tpu.memref_slice %arg5[%dma_start3A_33, %dma_start3A_39] : memref<13x512xi32, #tpu.memory_space<vmem>> -> memref<1x512xi32, #tpu.memory_space<vmem>>
    %dma_start3A_41 = tpu.memref_squeeze %dma_start3A_40 : memref<1x512xi32, #tpu.memory_space<vmem>> -> memref<512xi32, #tpu.memory_space<vmem>>
    %dma_start3A_42 = arith.constant 0 : i32
    %dma_start3A_43 = tpu.memref_slice %arg2[%dma_start3A_32, %dma_start3A_42] : memref<208x100000xf32, #tpu.memory_space<hbm>> -> memref<1x100000xf32, #tpu.memory_space<hbm>>
    %dma_start3A_44 = tpu.memref_squeeze %dma_start3A_43 : memref<1x100000xf32, #tpu.memory_space<hbm>> -> memref<100000xf32, #tpu.memory_space<hbm>>
    %dma_start3A_45 = arith.constant 0 : i32
    %dma_start3A_46 = tpu.memref_slice %dma_start3A_44[%dma_start3A_45] : memref<100000xf32, #tpu.memory_space<hbm>> -> memref<100000xf32, #tpu.memory_space<hbm>>
    tpu.enqueue_indirect_dma source(%dma_start3A_46 : memref<100000xf32, #tpu.memory_space<hbm>>) target(%dma_start3A_38 : memref<512xf32, #tpu.memory_space<vmem>>) offsets(%dma_start3A_41 : memref<512xi32, #tpu.memory_space<vmem>>) semaphore(%arg7 : memref<!tpu.dma_semaphore, #tpu.memory_space<semaphore_mem>>)
    %dma_start3A_47 = arith.constant 3 : i32
    %dma_start3A_48 = arith.constant 0 : i32
    %dma_start3A_49 = arith.constant 0 : i32
    %dma_start3A_50 = arith.constant 3 : i32
    %dma_start3A_51 = arith.constant 0 : i32
    %dma_start3A_52 = tpu.memref_slice %arg6[%dma_start3A_49, %dma_start3A_50, %dma_start3A_51] : memref<2x16x512xf32, #tpu.memory_space<vmem>> -> memref<1x1x512xf32, #tpu.memory_space<vmem>>
    %dma_start3A_53 = tpu.memref_squeeze %dma_start3A_52 : memref<1x1x512xf32, #tpu.memory_space<vmem>> -> memref<512xf32, #tpu.memory_space<vmem>>
    %dma_start3A_54 = arith.constant 0 : i32
    %dma_start3A_55 = tpu.memref_slice %arg5[%dma_start3A_48, %dma_start3A_54] : memref<13x512xi32, #tpu.memory_space<vmem>> -> memref<1x512xi32, #tpu.memory_space<vmem>>
    %dma_start3A_56 = tpu.memref_squeeze %dma_start3A_55 : memref<1x512xi32, #tpu.memory_space<vmem>> -> memref<512xi32, #tpu.memory_space<vmem>>
    %dma_start3A_57 = arith.constant 0 : i32
    %dma_start3A_58 = tpu.memref_slice %arg2[%dma_start3A_47, %dma_start3A_57] : memref<208x100000xf32, #tpu.memory_space<hbm>> -> memref<1x100000xf32, #tpu.memory_space<hbm>>
    %dma_start3A_59 = tpu.memref_squeeze %dma_start3A_58 : memref<1x100000xf32, #tpu.memory_space<hbm>> -> memref<100000xf32, #tpu.memory_space<hbm>>
    %dma_start3A_60 = arith.constant 0 : i32
    %dma_start3A_61 = tpu.memref_slice %dma_start3A_59[%dma_start3A_60] : memref<100000xf32, #tpu.memory_space<hbm>> -> memref<100000xf32, #tpu.memory_space<hbm>>
    tpu.enqueue_indirect_dma source(%dma_start3A_61 : memref<100000xf32, #tpu.memory_space<hbm>>) target(%dma_start3A_53 : memref<512xf32, #tpu.memory_space<vmem>>) offsets(%dma_start3A_56 : memref<512xi32, #tpu.memory_space<vmem>>) semaphore(%arg7 : memref<!tpu.dma_semaphore, #tpu.memory_space<semaphore_mem>>)
    %dma_start3A_62 = arith.constant 4 : i32
    %dma_start3A_63 = arith.constant 0 : i32
    %dma_start3A_64 = arith.constant 0 : i32
    %dma_start3A_65 = arith.constant 4 : i32
    %dma_start3A_66 = arith.constant 0 : i32
    %dma_start3A_67 = tpu.memref_slice %arg6[%dma_start3A_64, %dma_start3A_65, %dma_start3A_66] : memref<2x16x512xf32, #tpu.memory_space<vmem>> -> memref<1x1x512xf32, #tpu.memory_space<vmem>>
    %dma_start3A_68 = tpu.memref_squeeze %dma_start3A_67 : memref<1x1x512xf32, #tpu.memory_space<vmem>> -> memref<512xf32, #tpu.memory_space<vmem>>
    %dma_start3A_69 = arith.constant 0 : i32
    %dma_start3A_70 = tpu.memref_slice %arg5[%dma_start3A_63, %dma_start3A_69] : memref<13x512xi32, #tpu.memory_space<vmem>> -> memref<1x512xi32, #tpu.memory_space<vmem>>
    %dma_start3A_71 = tpu.memref_squeeze %dma_start3A_70 : memref<1x512xi32, #tpu.memory_space<vmem>> -> memref<512xi32, #tpu.memory_space<vmem>>
    %dma_start3A_72 = arith.constant 0 : i32
    %dma_start3A_73 = tpu.memref_slice %arg2[%dma_start3A_62, %dma_start3A_72] : memref<208x100000xf32, #tpu.memory_space<hbm>> -> memref<1x100000xf32, #tpu.memory_space<hbm>>
    %dma_start3A_74 = tpu.memref_squeeze %dma_start3A_73 : memref<1x100000xf32, #tpu.memory_space<hbm>> -> memref<100000xf32, #tpu.memory_space<hbm>>
    %dma_start3A_75 = arith.constant 0 : i32
    %dma_start3A_76 = tpu.memref_slice %dma_start3A_74[%dma_start3A_75] : memref<100000xf32, #tpu.memory_space<hbm>> -> memref<100000xf32, #tpu.memory_space<hbm>>
    tpu.enqueue_indirect_dma source(%dma_start3A_76 : memref<100000xf32, #tpu.memory_space<hbm>>) target(%dma_start3A_68 : memref<512xf32, #tpu.memory_space<vmem>>) offsets(%dma_start3A_71 : memref<512xi32, #tpu.memory_space<vmem>>) semaphore(%arg7 : memref<!tpu.dma_semaphore, #tpu.memory_space<semaphore_mem>>)
    %dma_start3A_77 = arith.constant 5 : i32
    %dma_start3A_78 = arith.constant 0 : i32
    %dma_start3A_79 = arith.constant 0 : i32
    %dma_start3A_80 = arith.constant 5 : i32
    %dma_start3A_81 = arith.constant 0 : i32
    %dma_start3A_82 = tpu.memref_slice %arg6[%dma_start3A_79, %dma_start3A_80, %dma_start3A_81] : memref<2x16x512xf32, #tpu.memory_space<vmem>> -> memref<1x1x512xf32, #tpu.memory_space<vmem>>
    %dma_start3A_83 = tpu.memref_squeeze %dma_start3A_82 : memref<1x1x512xf32, #tpu.memory_space<vmem>> -> memref<512xf32, #tpu.memory_space<vmem>>
    %dma_start3A_84 = arith.constant 0 : i32
    %dma_start3A_85 = tpu.memref_slice %arg5[%dma_start3A_78, %dma_start3A_84] : memref<13x512xi32, #tpu.memory_space<vmem>> -> memref<1x512xi32, #tpu.memory_space<vmem>>
    %dma_start3A_86 = tpu.memref_squeeze %dma_start3A_85 : memref<1x512xi32, #tpu.memory_space<vmem>> -> memref<512xi32, #tpu.memory_space<vmem>>
    %dma_start3A_87 = arith.constant 0 : i32
    %dma_start3A_88 = tpu.memref_slice %arg2[%dma_start3A_77, %dma_start3A_87] : memref<208x100000xf32, #tpu.memory_space<hbm>> -> memref<1x100000xf32, #tpu.memory_space<hbm>>
    %dma_start3A_89 = tpu.memref_squeeze %dma_start3A_88 : memref<1x100000xf32, #tpu.memory_space<hbm>> -> memref<100000xf32, #tpu.memory_space<hbm>>
    %dma_start3A_90 = arith.constant 0 : i32
    %dma_start3A_91 = tpu.memref_slice %dma_start3A_89[%dma_start3A_90] : memref<100000xf32, #tpu.memory_space<hbm>> -> memref<100000xf32, #tpu.memory_space<hbm>>
    tpu.enqueue_indirect_dma source(%dma_start3A_91 : memref<100000xf32, #tpu.memory_space<hbm>>) target(%dma_start3A_83 : memref<512xf32, #tpu.memory_space<vmem>>) offsets(%dma_start3A_86 : memref<512xi32, #tpu.memory_space<vmem>>) semaphore(%arg7 : memref<!tpu.dma_semaphore, #tpu.memory_space<semaphore_mem>>)
    %dma_start3A_92 = arith.constant 6 : i32
    %dma_start3A_93 = arith.constant 0 : i32
    %dma_start3A_94 = arith.constant 0 : i32
    %dma_start3A_95 = arith.constant 6 : i32
    %dma_start3A_96 = arith.constant 0 : i32
    %dma_start3A_97 = tpu.memref_slice %arg6[%dma_start3A_94, %dma_start3A_95, %dma_start3A_96] : memref<2x16x512xf32, #tpu.memory_space<vmem>> -> memref<1x1x512xf32, #tpu.memory_space<vmem>>
    %dma_start3A_98 = tpu.memref_squeeze %dma_start3A_97 : memref<1x1x512xf32, #tpu.memory_space<vmem>> -> memref<512xf32, #tpu.memory_space<vmem>>
    %dma_start3A_99 = arith.constant 0 : i32
    %dma_start3A_100 = tpu.memref_slice %arg5[%dma_start3A_93, %dma_start3A_99] : memref<13x512xi32, #tpu.memory_space<vmem>> -> memref<1x512xi32, #tpu.memory_space<vmem>>
    %dma_start3A_101 = tpu.memref_squeeze %dma_start3A_100 : memref<1x512xi32, #tpu.memory_space<vmem>> -> memref<512xi32, #tpu.memory_space<vmem>>
    %dma_start3A_102 = arith.constant 0 : i32
    %dma_start3A_103 = tpu.memref_slice %arg2[%dma_start3A_92, %dma_start3A_102] : memref<208x100000xf32, #tpu.memory_space<hbm>> -> memref<1x100000xf32, #tpu.memory_space<hbm>>
    %dma_start3A_104 = tpu.memref_squeeze %dma_start3A_103 : memref<1x100000xf32, #tpu.memory_space<hbm>> -> memref<100000xf32, #tpu.memory_space<hbm>>
    %dma_start3A_105 = arith.constant 0 : i32
    %dma_start3A_106 = tpu.memref_slice %dma_start3A_104[%dma_start3A_105] : memref<100000xf32, #tpu.memory_space<hbm>> -> memref<100000xf32, #tpu.memory_space<hbm>>
    tpu.enqueue_indirect_dma source(%dma_start3A_106 : memref<100000xf32, #tpu.memory_space<hbm>>) target(%dma_start3A_98 : memref<512xf32, #tpu.memory_space<vmem>>) offsets(%dma_start3A_101 : memref<512xi32, #tpu.memory_space<vmem>>) semaphore(%arg7 : memref<!tpu.dma_semaphore, #tpu.memory_space<semaphore_mem>>)
    %dma_start3A_107 = arith.constant 7 : i32
    %dma_start3A_108 = arith.constant 0 : i32
    %dma_start3A_109 = arith.constant 0 : i32
    %dma_start3A_110 = arith.constant 7 : i32
    %dma_start3A_111 = arith.constant 0 : i32
    %dma_start3A_112 = tpu.memref_slice %arg6[%dma_start3A_109, %dma_start3A_110, %dma_start3A_111] : memref<2x16x512xf32, #tpu.memory_space<vmem>> -> memref<1x1x512xf32, #tpu.memory_space<vmem>>
    %dma_start3A_113 = tpu.memref_squeeze %dma_start3A_112 : memref<1x1x512xf32, #tpu.memory_space<vmem>> -> memref<512xf32, #tpu.memory_space<vmem>>
    %dma_start3A_114 = arith.constant 0 : i32
    %dma_start3A_115 = tpu.memref_slice %arg5[%dma_start3A_108, %dma_start3A_114] : memref<13x512xi32, #tpu.memory_space<vmem>> -> memref<1x512xi32, #tpu.memory_space<vmem>>
    %dma_start3A_116 = tpu.memref_squeeze %dma_start3A_115 : memref<1x512xi32, #tpu.memory_space<vmem>> -> memref<512xi32, #tpu.memory_space<vmem>>
    %dma_start3A_117 = arith.constant 0 : i32
    %dma_start3A_118 = tpu.memref_slice %arg2[%dma_start3A_107, %dma_start3A_117] : memref<208x100000xf32, #tpu.memory_space<hbm>> -> memref<1x100000xf32, #tpu.memory_space<hbm>>
    %dma_start3A_119 = tpu.memref_squeeze %dma_start3A_118 : memref<1x100000xf32, #tpu.memory_space<hbm>> -> memref<100000xf32, #tpu.memory_space<hbm>>
    %dma_start3A_120 = arith.constant 0 : i32
    %dma_start3A_121 = tpu.memref_slice %dma_start3A_119[%dma_start3A_120] : memref<100000xf32, #tpu.memory_space<hbm>> -> memref<100000xf32, #tpu.memory_space<hbm>>
    tpu.enqueue_indirect_dma source(%dma_start3A_121 : memref<100000xf32, #tpu.memory_space<hbm>>) target(%dma_start3A_113 : memref<512xf32, #tpu.memory_space<vmem>>) offsets(%dma_start3A_116 : memref<512xi32, #tpu.memory_space<vmem>>) semaphore(%arg7 : memref<!tpu.dma_semaphore, #tpu.memory_space<semaphore_mem>>)
    %dma_start3A_122 = arith.constant 8 : i32
    %dma_start3A_123 = arith.constant 0 : i32
    %dma_start3A_124 = arith.constant 0 : i32
    %dma_start3A_125 = arith.constant 8 : i32
    %dma_start3A_126 = arith.constant 0 : i32
    %dma_start3A_127 = tpu.memref_slice %arg6[%dma_start3A_124, %dma_start3A_125, %dma_start3A_126] : memref<2x16x512xf32, #tpu.memory_space<vmem>> -> memref<1x1x512xf32, #tpu.memory_space<vmem>>
    %dma_start3A_128 = tpu.memref_squeeze %dma_start3A_127 : memref<1x1x512xf32, #tpu.memory_space<vmem>> -> memref<512xf32, #tpu.memory_space<vmem>>
    %dma_start3A_129 = arith.constant 0 : i32
    %dma_start3A_130 = tpu.memref_slice %arg5[%dma_start3A_123, %dma_start3A_129] : memref<13x512xi32, #tpu.memory_space<vmem>> -> memref<1x512xi32, #tpu.memory_space<vmem>>
    %dma_start3A_131 = tpu.memref_squeeze %dma_start3A_130 : memref<1x512xi32, #tpu.memory_space<vmem>> -> memref<512xi32, #tpu.memory_space<vmem>>
    %dma_start3A_132 = arith.constant 0 : i32
    %dma_start3A_133 = tpu.memref_slice %arg2[%dma_start3A_122, %dma_start3A_132] : memref<208x100000xf32, #tpu.memory_space<hbm>> -> memref<1x100000xf32, #tpu.memory_space<hbm>>
    %dma_start3A_134 = tpu.memref_squeeze %dma_start3A_133 : memref<1x100000xf32, #tpu.memory_space<hbm>> -> memref<100000xf32, #tpu.memory_space<hbm>>
    %dma_start3A_135 = arith.constant 0 : i32
    %dma_start3A_136 = tpu.memref_slice %dma_start3A_134[%dma_start3A_135] : memref<100000xf32, #tpu.memory_space<hbm>> -> memref<100000xf32, #tpu.memory_space<hbm>>
    tpu.enqueue_indirect_dma source(%dma_start3A_136 : memref<100000xf32, #tpu.memory_space<hbm>>) target(%dma_start3A_128 : memref<512xf32, #tpu.memory_space<vmem>>) offsets(%dma_start3A_131 : memref<512xi32, #tpu.memory_space<vmem>>) semaphore(%arg7 : memref<!tpu.dma_semaphore, #tpu.memory_space<semaphore_mem>>)
    %dma_start3A_137 = arith.constant 9 : i32
    %dma_start3A_138 = arith.constant 0 : i32
    %dma_start3A_139 = arith.constant 0 : i32
    %dma_start3A_140 = arith.constant 9 : i32
    %dma_start3A_141 = arith.constant 0 : i32
    %dma_start3A_142 = tpu.memref_slice %arg6[%dma_start3A_139, %dma_start3A_140, %dma_start3A_141] : memref<2x16x512xf32, #tpu.memory_space<vmem>> -> memref<1x1x512xf32, #tpu.memory_space<vmem>>
    %dma_start3A_143 = tpu.memref_squeeze %dma_start3A_142 : memref<1x1x512xf32, #tpu.memory_space<vmem>> -> memref<512xf32, #tpu.memory_space<vmem>>
    %dma_start3A_144 = arith.constant 0 : i32
    %dma_start3A_145 = tpu.memref_slice %arg5[%dma_start3A_138, %dma_start3A_144] : memref<13x512xi32, #tpu.memory_space<vmem>> -> memref<1x512xi32, #tpu.memory_space<vmem>>
    %dma_start3A_146 = tpu.memref_squeeze %dma_start3A_145 : memref<1x512xi32, #tpu.memory_space<vmem>> -> memref<512xi32, #tpu.memory_space<vmem>>
    %dma_start3A_147 = arith.constant 0 : i32
    %dma_start3A_148 = tpu.memref_slice %arg2[%dma_start3A_137, %dma_start3A_147] : memref<208x100000xf32, #tpu.memory_space<hbm>> -> memref<1x100000xf32, #tpu.memory_space<hbm>>
    %dma_start3A_149 = tpu.memref_squeeze %dma_start3A_148 : memref<1x100000xf32, #tpu.memory_space<hbm>> -> memref<100000xf32, #tpu.memory_space<hbm>>
    %dma_start3A_150 = arith.constant 0 : i32
    %dma_start3A_151 = tpu.memref_slice %dma_start3A_149[%dma_start3A_150] : memref<100000xf32, #tpu.memory_space<hbm>> -> memref<100000xf32, #tpu.memory_space<hbm>>
    tpu.enqueue_indirect_dma source(%dma_start3A_151 : memref<100000xf32, #tpu.memory_space<hbm>>) target(%dma_start3A_143 : memref<512xf32, #tpu.memory_space<vmem>>) offsets(%dma_start3A_146 : memref<512xi32, #tpu.memory_space<vmem>>) semaphore(%arg7 : memref<!tpu.dma_semaphore, #tpu.memory_space<semaphore_mem>>)
    %dma_start3A_152 = arith.constant 10 : i32
    %dma_start3A_153 = arith.constant 0 : i32
    %dma_start3A_154 = arith.constant 0 : i32
    %dma_start3A_155 = arith.constant 10 : i32
    %dma_start3A_156 = arith.constant 0 : i32
    %dma_start3A_157 = tpu.memref_slice %arg6[%dma_start3A_154, %dma_start3A_155, %dma_start3A_156] : memref<2x16x512xf32, #tpu.memory_space<vmem>> -> memref<1x1x512xf32, #tpu.memory_space<vmem>>
    %dma_start3A_158 = tpu.memref_squeeze %dma_start3A_157 : memref<1x1x512xf32, #tpu.memory_space<vmem>> -> memref<512xf32, #tpu.memory_space<vmem>>
    %dma_start3A_159 = arith.constant 0 : i32
    %dma_start3A_160 = tpu.memref_slice %arg5[%dma_start3A_153, %dma_start3A_159] : memref<13x512xi32, #tpu.memory_space<vmem>> -> memref<1x512xi32, #tpu.memory_space<vmem>>
    %dma_start3A_161 = tpu.memref_squeeze %dma_start3A_160 : memref<1x512xi32, #tpu.memory_space<vmem>> -> memref<512xi32, #tpu.memory_space<vmem>>
    %dma_start3A_162 = arith.constant 0 : i32
    %dma_start3A_163 = tpu.memref_slice %arg2[%dma_start3A_152, %dma_start3A_162] : memref<208x100000xf32, #tpu.memory_space<hbm>> -> memref<1x100000xf32, #tpu.memory_space<hbm>>
    %dma_start3A_164 = tpu.memref_squeeze %dma_start3A_163 : memref<1x100000xf32, #tpu.memory_space<hbm>> -> memref<100000xf32, #tpu.memory_space<hbm>>
    %dma_start3A_165 = arith.constant 0 : i32
    %dma_start3A_166 = tpu.memref_slice %dma_start3A_164[%dma_start3A_165] : memref<100000xf32, #tpu.memory_space<hbm>> -> memref<100000xf32, #tpu.memory_space<hbm>>
    tpu.enqueue_indirect_dma source(%dma_start3A_166 : memref<100000xf32, #tpu.memory_space<hbm>>) target(%dma_start3A_158 : memref<512xf32, #tpu.memory_space<vmem>>) offsets(%dma_start3A_161 : memref<512xi32, #tpu.memory_space<vmem>>) semaphore(%arg7 : memref<!tpu.dma_semaphore, #tpu.memory_space<semaphore_mem>>)
    %dma_start3A_167 = arith.constant 11 : i32
    %dma_start3A_168 = arith.constant 0 : i32
    %dma_start3A_169 = arith.constant 0 : i32
    %dma_start3A_170 = arith.constant 11 : i32
    %dma_start3A_171 = arith.constant 0 : i32
    %dma_start3A_172 = tpu.memref_slice %arg6[%dma_start3A_169, %dma_start3A_170, %dma_start3A_171] : memref<2x16x512xf32, #tpu.memory_space<vmem>> -> memref<1x1x512xf32, #tpu.memory_space<vmem>>
    %dma_start3A_173 = tpu.memref_squeeze %dma_start3A_172 : memref<1x1x512xf32, #tpu.memory_space<vmem>> -> memref<512xf32, #tpu.memory_space<vmem>>
    %dma_start3A_174 = arith.constant 0 : i32
    %dma_start3A_175 = tpu.memref_slice %arg5[%dma_start3A_168, %dma_start3A_174] : memref<13x512xi32, #tpu.memory_space<vmem>> -> memref<1x512xi32, #tpu.memory_space<vmem>>
    %dma_start3A_176 = tpu.memref_squeeze %dma_start3A_175 : memref<1x512xi32, #tpu.memory_space<vmem>> -> memref<512xi32, #tpu.memory_space<vmem>>
    %dma_start3A_177 = arith.constant 0 : i32
    %dma_start3A_178 = tpu.memref_slice %arg2[%dma_start3A_167, %dma_start3A_177] : memref<208x100000xf32, #tpu.memory_space<hbm>> -> memref<1x100000xf32, #tpu.memory_space<hbm>>
    %dma_start3A_179 = tpu.memref_squeeze %dma_start3A_178 : memref<1x100000xf32, #tpu.memory_space<hbm>> -> memref<100000xf32, #tpu.memory_space<hbm>>
    %dma_start3A_180 = arith.constant 0 : i32
    %dma_start3A_181 = tpu.memref_slice %dma_start3A_179[%dma_start3A_180] : memref<100000xf32, #tpu.memory_space<hbm>> -> memref<100000xf32, #tpu.memory_space<hbm>>
    tpu.enqueue_indirect_dma source(%dma_start3A_181 : memref<100000xf32, #tpu.memory_space<hbm>>) target(%dma_start3A_173 : memref<512xf32, #tpu.memory_space<vmem>>) offsets(%dma_start3A_176 : memref<512xi32, #tpu.memory_space<vmem>>) semaphore(%arg7 : memref<!tpu.dma_semaphore, #tpu.memory_space<semaphore_mem>>)
    %dma_start3A_182 = arith.constant 12 : i32
    %dma_start3A_183 = arith.constant 0 : i32
    %dma_start3A_184 = arith.constant 0 : i32
    %dma_start3A_185 = arith.constant 12 : i32
    %dma_start3A_186 = arith.constant 0 : i32
    %dma_start3A_187 = tpu.memref_slice %arg6[%dma_start3A_184, %dma_start3A_185, %dma_start3A_186] : memref<2x16x512xf32, #tpu.memory_space<vmem>> -> memref<1x1x512xf32, #tpu.memory_space<vmem>>
    %dma_start3A_188 = tpu.memref_squeeze %dma_start3A_187 : memref<1x1x512xf32, #tpu.memory_space<vmem>> -> memref<512xf32, #tpu.memory_space<vmem>>
    %dma_start3A_189 = arith.constant 0 : i32
    %dma_start3A_190 = tpu.memref_slice %arg5[%dma_start3A_183, %dma_start3A_189] : memref<13x512xi32, #tpu.memory_space<vmem>> -> memref<1x512xi32, #tpu.memory_space<vmem>>
    %dma_start3A_191 = tpu.memref_squeeze %dma_start3A_190 : memref<1x512xi32, #tpu.memory_space<vmem>> -> memref<512xi32, #tpu.memory_space<vmem>>
    %dma_start3A_192 = arith.constant 0 : i32
    %dma_start3A_193 = tpu.memref_slice %arg2[%dma_start3A_182, %dma_start3A_192] : memref<208x100000xf32, #tpu.memory_space<hbm>> -> memref<1x100000xf32, #tpu.memory_space<hbm>>
    %dma_start3A_194 = tpu.memref_squeeze %dma_start3A_193 : memref<1x100000xf32, #tpu.memory_space<hbm>> -> memref<100000xf32, #tpu.memory_space<hbm>>
    %dma_start3A_195 = arith.constant 0 : i32
    %dma_start3A_196 = tpu.memref_slice %dma_start3A_194[%dma_start3A_195] : memref<100000xf32, #tpu.memory_space<hbm>> -> memref<100000xf32, #tpu.memory_space<hbm>>
    tpu.enqueue_indirect_dma source(%dma_start3A_196 : memref<100000xf32, #tpu.memory_space<hbm>>) target(%dma_start3A_188 : memref<512xf32, #tpu.memory_space<vmem>>) offsets(%dma_start3A_191 : memref<512xi32, #tpu.memory_space<vmem>>) semaphore(%arg7 : memref<!tpu.dma_semaphore, #tpu.memory_space<semaphore_mem>>)
    %dma_start3A_197 = arith.constant 13 : i32
    %dma_start3A_198 = arith.constant 0 : i32
    %dma_start3A_199 = arith.constant 0 : i32
    %dma_start3A_200 = arith.constant 13 : i32
    %dma_start3A_201 = arith.constant 0 : i32
    %dma_start3A_202 = tpu.memref_slice %arg6[%dma_start3A_199, %dma_start3A_200, %dma_start3A_201] : memref<2x16x512xf32, #tpu.memory_space<vmem>> -> memref<1x1x512xf32, #tpu.memory_space<vmem>>
    %dma_start3A_203 = tpu.memref_squeeze %dma_start3A_202 : memref<1x1x512xf32, #tpu.memory_space<vmem>> -> memref<512xf32, #tpu.memory_space<vmem>>
    %dma_start3A_204 = arith.constant 0 : i32
    %dma_start3A_205 = tpu.memref_slice %arg5[%dma_start3A_198, %dma_start3A_204] : memref<13x512xi32, #tpu.memory_space<vmem>> -> memref<1x512xi32, #tpu.memory_space<vmem>>
    %dma_start3A_206 = tpu.memref_squeeze %dma_start3A_205 : memref<1x512xi32, #tpu.memory_space<vmem>> -> memref<512xi32, #tpu.memory_space<vmem>>
    %dma_start3A_207 = arith.constant 0 : i32
    %dma_start3A_208 = tpu.memref_slice %arg2[%dma_start3A_197, %dma_start3A_207] : memref<208x100000xf32, #tpu.memory_space<hbm>> -> memref<1x100000xf32, #tpu.memory_space<hbm>>
    %dma_start3A_209 = tpu.memref_squeeze %dma_start3A_208 : memref<1x100000xf32, #tpu.memory_space<hbm>> -> memref<100000xf32, #tpu.memory_space<hbm>>
    %dma_start3A_210 = arith.constant 0 : i32
    %dma_start3A_211 = tpu.memref_slice %dma_start3A_209[%dma_start3A_210] : memref<100000xf32, #tpu.memory_space<hbm>> -> memref<100000xf32, #tpu.memory_space<hbm>>
    tpu.enqueue_indirect_dma source(%dma_start3A_211 : memref<100000xf32, #tpu.memory_space<hbm>>) target(%dma_start3A_203 : memref<512xf32, #tpu.memory_space<vmem>>) offsets(%dma_start3A_206 : memref<512xi32, #tpu.memory_space<vmem>>) semaphore(%arg7 : memref<!tpu.dma_semaphore, #tpu.memory_space<semaphore_mem>>)
    %dma_start3A_212 = arith.constant 14 : i32
    %dma_start3A_213 = arith.constant 0 : i32
    %dma_start3A_214 = arith.constant 0 : i32
    %dma_start3A_215 = arith.constant 14 : i32
    %dma_start3A_216 = arith.constant 0 : i32
    %dma_start3A_217 = tpu.memref_slice %arg6[%dma_start3A_214, %dma_start3A_215, %dma_start3A_216] : memref<2x16x512xf32, #tpu.memory_space<vmem>> -> memref<1x1x512xf32, #tpu.memory_space<vmem>>
    %dma_start3A_218 = tpu.memref_squeeze %dma_start3A_217 : memref<1x1x512xf32, #tpu.memory_space<vmem>> -> memref<512xf32, #tpu.memory_space<vmem>>
    %dma_start3A_219 = arith.constant 0 : i32
    %dma_start3A_220 = tpu.memref_slice %arg5[%dma_start3A_213, %dma_start3A_219] : memref<13x512xi32, #tpu.memory_space<vmem>> -> memref<1x512xi32, #tpu.memory_space<vmem>>
    %dma_start3A_221 = tpu.memref_squeeze %dma_start3A_220 : memref<1x512xi32, #tpu.memory_space<vmem>> -> memref<512xi32, #tpu.memory_space<vmem>>
    %dma_start3A_222 = arith.constant 0 : i32
    %dma_start3A_223 = tpu.memref_slice %arg2[%dma_start3A_212, %dma_start3A_222] : memref<208x100000xf32, #tpu.memory_space<hbm>> -> memref<1x100000xf32, #tpu.memory_space<hbm>>
    %dma_start3A_224 = tpu.memref_squeeze %dma_start3A_223 : memref<1x100000xf32, #tpu.memory_space<hbm>> -> memref<100000xf32, #tpu.memory_space<hbm>>
    %dma_start3A_225 = arith.constant 0 : i32
    %dma_start3A_226 = tpu.memref_slice %dma_start3A_224[%dma_start3A_225] : memref<100000xf32, #tpu.memory_space<hbm>> -> memref<100000xf32, #tpu.memory_space<hbm>>
    tpu.enqueue_indirect_dma source(%dma_start3A_226 : memref<100000xf32, #tpu.memory_space<hbm>>) target(%dma_start3A_218 : memref<512xf32, #tpu.memory_space<vmem>>) offsets(%dma_start3A_221 : memref<512xi32, #tpu.memory_space<vmem>>) semaphore(%arg7 : memref<!tpu.dma_semaphore, #tpu.memory_space<semaphore_mem>>)
    %dma_start3A_227 = arith.constant 15 : i32
    %dma_start3A_228 = arith.constant 0 : i32
    %dma_start3A_229 = arith.constant 0 : i32
    %dma_start3A_230 = arith.constant 15 : i32
    %dma_start3A_231 = arith.constant 0 : i32
    %dma_start3A_232 = tpu.memref_slice %arg6[%dma_start3A_229, %dma_start3A_230, %dma_start3A_231] : memref<2x16x512xf32, #tpu.memory_space<vmem>> -> memref<1x1x512xf32, #tpu.memory_space<vmem>>
    %dma_start3A_233 = tpu.memref_squeeze %dma_start3A_232 : memref<1x1x512xf32, #tpu.memory_space<vmem>> -> memref<512xf32, #tpu.memory_space<vmem>>
    %dma_start3A_234 = arith.constant 0 : i32
    %dma_start3A_235 = tpu.memref_slice %arg5[%dma_start3A_228, %dma_start3A_234] : memref<13x512xi32, #tpu.memory_space<vmem>> -> memref<1x512xi32, #tpu.memory_space<vmem>>
    %dma_start3A_236 = tpu.memref_squeeze %dma_start3A_235 : memref<1x512xi32, #tpu.memory_space<vmem>> -> memref<512xi32, #tpu.memory_space<vmem>>
    %dma_start3A_237 = arith.constant 0 : i32
    %dma_start3A_238 = tpu.memref_slice %arg2[%dma_start3A_227, %dma_start3A_237] : memref<208x100000xf32, #tpu.memory_space<hbm>> -> memref<1x100000xf32, #tpu.memory_space<hbm>>
    %dma_start3A_239 = tpu.memref_squeeze %dma_start3A_238 : memref<1x100000xf32, #tpu.memory_space<hbm>> -> memref<100000xf32, #tpu.memory_space<hbm>>
    %dma_start3A_240 = arith.constant 0 : i32
    %dma_start3A_241 = tpu.memref_slice %dma_start3A_239[%dma_start3A_240] : memref<100000xf32, #tpu.memory_space<hbm>> -> memref<100000xf32, #tpu.memory_space<hbm>>
    tpu.enqueue_indirect_dma source(%dma_start3A_241 : memref<100000xf32, #tpu.memory_space<hbm>>) target(%dma_start3A_233 : memref<512xf32, #tpu.memory_space<vmem>>) offsets(%dma_start3A_236 : memref<512xi32, #tpu.memory_space<vmem>>) semaphore(%arg7 : memref<!tpu.dma_semaphore, #tpu.memory_space<semaphore_mem>>)
    %scan3A = arith.constant 0 : i32
    %scan3A_242 = arith.constant 0 : i32
    %scan3A_243 = arith.constant 13 : i32
    %scan3A_244 = arith.addi %scan3A_242, %scan3A_243 : i32
    %scan3A_245 = arith.constant 1 : i32
    scf.for %scan3A_259 = %scan3A_242 to %scan3A_244 step %scan3A_245  : i32 {
      %rem3A = arith.constant 2 : i32
      %rem3A_260 = arith.remsi %scan3A_259, %rem3A : i32
      %add3A_261 = arith.constant 1 : i32
      %add3A_262 = arith.addi %scan3A_259, %add3A_261 : i32
      %rem3A_263 = arith.constant 2 : i32
      %rem3A_264 = arith.remsi %add3A_262, %rem3A_263 : i32
      %ge3A = arith.constant 1 : i32
      %ge3A_265 = arith.cmpi sge, %scan3A_259, %ge3A : i32
      %convert_element_type3A = arith.extui %ge3A_265 : i1 to i32
      %cond3A = arith.constant 0 : i32
      %cond3A_266 = arith.cmpi ne, %convert_element_type3A, %cond3A : i32
      scf.if %cond3A_266 {
        %sub3A = arith.constant 1 : i32
        %sub3A_306 = arith.subi %scan3A_259, %sub3A : i32
        %mul3A_307 = arith.constant 16 : i32
        %mul3A_308 = arith.muli %sub3A_306, %mul3A_307 : i32
        %dma_wait3A_309 = arith.constant 0 : i32
        %dma_wait3A_310 = arith.constant 0 : i32
        %dma_wait3A_311 = tpu.memref_slice %arg6[%rem3A_264, %dma_wait3A_309, %dma_wait3A_310] : memref<2x16x512xf32, #tpu.memory_space<vmem>> -> memref<1x16x512xf32, #tpu.memory_space<vmem>>
        %dma_wait3A_312 = tpu.memref_squeeze %dma_wait3A_311 : memref<1x16x512xf32, #tpu.memory_space<vmem>> -> memref<16x512xf32, #tpu.memory_space<vmem>>
        %dma_wait3A_313 = tpu.memref_slice %arg4[%mul3A_308, %mul3A_2] : memref<208x16384xf32, #tpu.memory_space<hbm>> -> memref<16x512xf32, #tpu.memory_space<hbm>>
        %dma_wait3A_314 = tpu.memref_slice %arg4[%mul3A_308, %mul3A_2] : memref<208x16384xf32, #tpu.memory_space<hbm>> -> memref<16x512xf32, #tpu.memory_space<hbm>>
        %dma_wait3A_315 = arith.constant 0 : i32
        %dma_wait3A_316 = arith.constant 0 : i32
        %dma_wait3A_317 = tpu.memref_slice %arg6[%rem3A_264, %dma_wait3A_315, %dma_wait3A_316] : memref<2x16x512xf32, #tpu.memory_space<vmem>> -> memref<1x16x512xf32, #tpu.memory_space<vmem>>
        %dma_wait3A_318 = tpu.memref_squeeze %dma_wait3A_317 : memref<1x16x512xf32, #tpu.memory_space<vmem>> -> memref<16x512xf32, #tpu.memory_space<vmem>>
        tpu.wait_dma2 semaphore(%arg9 : memref<!tpu.dma_semaphore, #tpu.memory_space<semaphore_mem>>) src(%dma_wait3A_318 : memref<16x512xf32, #tpu.memory_space<vmem>>) dst(%dma_wait3A_314 : memref<16x512xf32, #tpu.memory_space<hbm>>)
      } else {
      }
      %add3A_267 = arith.constant 1 : i32
      %add3A_268 = arith.addi %scan3A_259, %add3A_267 : i32
      %lt3A = arith.constant 13 : i32
      %lt3A_269 = arith.cmpi slt, %add3A_268, %lt3A : i32
      %eq3A = arith.constant 1 : i32
      %eq3A_270 = arith.cmpi eq, %rem3A_264, %eq3A : i32
      %and3A = arith.andi %lt3A_269, %eq3A_270 : i1
      %convert_element_type3A_271 = arith.extui %and3A : i1 to i32
      %cond3A_272 = arith.constant 0 : i32
      %cond3A_273 = arith.cmpi ne, %convert_element_type3A_271, %cond3A_272 : i32
      scf.if %cond3A_273 {
        %add3A_306 = arith.constant 1 : i32
        %add3A_307 = arith.addi %scan3A_259, %add3A_306 : i32
        %mul3A_308 = arith.constant 16 : i32
        %mul3A_309 = arith.muli %add3A_307, %mul3A_308 : i32
        %add3A_310 = arith.constant 0 : i32
        %add3A_311 = arith.addi %mul3A_309, %add3A_310 : i32
        %dma_start3A_312 = arith.constant 1 : i32
        %dma_start3A_313 = arith.constant 0 : i32
        %dma_start3A_314 = arith.constant 0 : i32
        %dma_start3A_315 = tpu.memref_slice %arg6[%dma_start3A_312, %dma_start3A_313, %dma_start3A_314] : memref<2x16x512xf32, #tpu.memory_space<vmem>> -> memref<1x1x512xf32, #tpu.memory_space<vmem>>
        %dma_start3A_316 = tpu.memref_squeeze %dma_start3A_315 : memref<1x1x512xf32, #tpu.memory_space<vmem>> -> memref<512xf32, #tpu.memory_space<vmem>>
        %dma_start3A_317 = arith.constant 0 : i32
        %dma_start3A_318 = tpu.memref_slice %arg5[%add3A_307, %dma_start3A_317] : memref<13x512xi32, #tpu.memory_space<vmem>> -> memref<1x512xi32, #tpu.memory_space<vmem>>
        %dma_start3A_319 = tpu.memref_squeeze %dma_start3A_318 : memref<1x512xi32, #tpu.memory_space<vmem>> -> memref<512xi32, #tpu.memory_space<vmem>>
        %dma_start3A_320 = arith.constant 0 : i32
        %dma_start3A_321 = tpu.memref_slice %arg2[%add3A_311, %dma_start3A_320] : memref<208x100000xf32, #tpu.memory_space<hbm>> -> memref<1x100000xf32, #tpu.memory_space<hbm>>
        %dma_start3A_322 = tpu.memref_squeeze %dma_start3A_321 : memref<1x100000xf32, #tpu.memory_space<hbm>> -> memref<100000xf32, #tpu.memory_space<hbm>>
        %dma_start3A_323 = arith.constant 0 : i32
        %dma_start3A_324 = tpu.memref_slice %dma_start3A_322[%dma_start3A_323] : memref<100000xf32, #tpu.memory_space<hbm>> -> memref<100000xf32, #tpu.memory_space<hbm>>
        tpu.enqueue_indirect_dma source(%dma_start3A_324 : memref<100000xf32, #tpu.memory_space<hbm>>) target(%dma_start3A_316 : memref<512xf32, #tpu.memory_space<vmem>>) offsets(%dma_start3A_319 : memref<512xi32, #tpu.memory_space<vmem>>) semaphore(%arg8 : memref<!tpu.dma_semaphore, #tpu.memory_space<semaphore_mem>>)
        %mul3A_325 = arith.constant 16 : i32
        %mul3A_326 = arith.muli %add3A_307, %mul3A_325 : i32
        %add3A_327 = arith.constant 1 : i32
        %add3A_328 = arith.addi %mul3A_326, %add3A_327 : i32
        %dma_start3A_329 = arith.constant 1 : i32
        %dma_start3A_330 = arith.constant 1 : i32
        %dma_start3A_331 = arith.constant 0 : i32
        %dma_start3A_332 = tpu.memref_slice %arg6[%dma_start3A_329, %dma_start3A_330, %dma_start3A_331] : memref<2x16x512xf32, #tpu.memory_space<vmem>> -> memref<1x1x512xf32, #tpu.memory_space<vmem>>
        %dma_start3A_333 = tpu.memref_squeeze %dma_start3A_332 : memref<1x1x512xf32, #tpu.memory_space<vmem>> -> memref<512xf32, #tpu.memory_space<vmem>>
        %dma_start3A_334 = arith.constant 0 : i32
        %dma_start3A_335 = tpu.memref_slice %arg5[%add3A_307, %dma_start3A_334] : memref<13x512xi32, #tpu.memory_space<vmem>> -> memref<1x512xi32, #tpu.memory_space<vmem>>
        %dma_start3A_336 = tpu.memref_squeeze %dma_start3A_335 : memref<1x512xi32, #tpu.memory_space<vmem>> -> memref<512xi32, #tpu.memory_space<vmem>>
        %dma_start3A_337 = arith.constant 0 : i32
        %dma_start3A_338 = tpu.memref_slice %arg2[%add3A_328, %dma_start3A_337] : memref<208x100000xf32, #tpu.memory_space<hbm>> -> memref<1x100000xf32, #tpu.memory_space<hbm>>
        %dma_start3A_339 = tpu.memref_squeeze %dma_start3A_338 : memref<1x100000xf32, #tpu.memory_space<hbm>> -> memref<100000xf32, #tpu.memory_space<hbm>>
        %dma_start3A_340 = arith.constant 0 : i32
        %dma_start3A_341 = tpu.memref_slice %dma_start3A_339[%dma_start3A_340] : memref<100000xf32, #tpu.memory_space<hbm>> -> memref<100000xf32, #tpu.memory_space<hbm>>
        tpu.enqueue_indirect_dma source(%dma_start3A_341 : memref<100000xf32, #tpu.memory_space<hbm>>) target(%dma_start3A_333 : memref<512xf32, #tpu.memory_space<vmem>>) offsets(%dma_start3A_336 : memref<512xi32, #tpu.memory_space<vmem>>) semaphore(%arg8 : memref<!tpu.dma_semaphore, #tpu.memory_space<semaphore_mem>>)
        %mul3A_342 = arith.constant 16 : i32
        %mul3A_343 = arith.muli %add3A_307, %mul3A_342 : i32
        %add3A_344 = arith.constant 2 : i32
        %add3A_345 = arith.addi %mul3A_343, %add3A_344 : i32
        %dma_start3A_346 = arith.constant 1 : i32
        %dma_start3A_347 = arith.constant 2 : i32
        %dma_start3A_348 = arith.constant 0 : i32
        %dma_start3A_349 = tpu.memref_slice %arg6[%dma_start3A_346, %dma_start3A_347, %dma_start3A_348] : memref<2x16x512xf32, #tpu.memory_space<vmem>> -> memref<1x1x512xf32, #tpu.memory_space<vmem>>
        %dma_start3A_350 = tpu.memref_squeeze %dma_start3A_349 : memref<1x1x512xf32, #tpu.memory_space<vmem>> -> memref<512xf32, #tpu.memory_space<vmem>>
        %dma_start3A_351 = arith.constant 0 : i32
        %dma_start3A_352 = tpu.memref_slice %arg5[%add3A_307, %dma_start3A_351] : memref<13x512xi32, #tpu.memory_space<vmem>> -> memref<1x512xi32, #tpu.memory_space<vmem>>
        %dma_start3A_353 = tpu.memref_squeeze %dma_start3A_352 : memref<1x512xi32, #tpu.memory_space<vmem>> -> memref<512xi32, #tpu.memory_space<vmem>>
        %dma_start3A_354 = arith.constant 0 : i32
        %dma_start3A_355 = tpu.memref_slice %arg2[%add3A_345, %dma_start3A_354] : memref<208x100000xf32, #tpu.memory_space<hbm>> -> memref<1x100000xf32, #tpu.memory_space<hbm>>
        %dma_start3A_356 = tpu.memref_squeeze %dma_start3A_355 : memref<1x100000xf32, #tpu.memory_space<hbm>> -> memref<100000xf32, #tpu.memory_space<hbm>>
        %dma_start3A_357 = arith.constant 0 : i32
        %dma_start3A_358 = tpu.memref_slice %dma_start3A_356[%dma_start3A_357] : memref<100000xf32, #tpu.memory_space<hbm>> -> memref<100000xf32, #tpu.memory_space<hbm>>
        tpu.enqueue_indirect_dma source(%dma_start3A_358 : memref<100000xf32, #tpu.memory_space<hbm>>) target(%dma_start3A_350 : memref<512xf32, #tpu.memory_space<vmem>>) offsets(%dma_start3A_353 : memref<512xi32, #tpu.memory_space<vmem>>) semaphore(%arg8 : memref<!tpu.dma_semaphore, #tpu.memory_space<semaphore_mem>>)
        %mul3A_359 = arith.constant 16 : i32
        %mul3A_360 = arith.muli %add3A_307, %mul3A_359 : i32
        %add3A_361 = arith.constant 3 : i32
        %add3A_362 = arith.addi %mul3A_360, %add3A_361 : i32
        %dma_start3A_363 = arith.constant 1 : i32
        %dma_start3A_364 = arith.constant 3 : i32
        %dma_start3A_365 = arith.constant 0 : i32
        %dma_start3A_366 = tpu.memref_slice %arg6[%dma_start3A_363, %dma_start3A_364, %dma_start3A_365] : memref<2x16x512xf32, #tpu.memory_space<vmem>> -> memref<1x1x512xf32, #tpu.memory_space<vmem>>
        %dma_start3A_367 = tpu.memref_squeeze %dma_start3A_366 : memref<1x1x512xf32, #tpu.memory_space<vmem>> -> memref<512xf32, #tpu.memory_space<vmem>>
        %dma_start3A_368 = arith.constant 0 : i32
        %dma_start3A_369 = tpu.memref_slice %arg5[%add3A_307, %dma_start3A_368] : memref<13x512xi32, #tpu.memory_space<vmem>> -> memref<1x512xi32, #tpu.memory_space<vmem>>
        %dma_start3A_370 = tpu.memref_squeeze %dma_start3A_369 : memref<1x512xi32, #tpu.memory_space<vmem>> -> memref<512xi32, #tpu.memory_space<vmem>>
        %dma_start3A_371 = arith.constant 0 : i32
        %dma_start3A_372 = tpu.memref_slice %arg2[%add3A_362, %dma_start3A_371] : memref<208x100000xf32, #tpu.memory_space<hbm>> -> memref<1x100000xf32, #tpu.memory_space<hbm>>
        %dma_start3A_373 = tpu.memref_squeeze %dma_start3A_372 : memref<1x100000xf32, #tpu.memory_space<hbm>> -> memref<100000xf32, #tpu.memory_space<hbm>>
        %dma_start3A_374 = arith.constant 0 : i32
        %dma_start3A_375 = tpu.memref_slice %dma_start3A_373[%dma_start3A_374] : memref<100000xf32, #tpu.memory_space<hbm>> -> memref<100000xf32, #tpu.memory_space<hbm>>
        tpu.enqueue_indirect_dma source(%dma_start3A_375 : memref<100000xf32, #tpu.memory_space<hbm>>) target(%dma_start3A_367 : memref<512xf32, #tpu.memory_space<vmem>>) offsets(%dma_start3A_370 : memref<512xi32, #tpu.memory_space<vmem>>) semaphore(%arg8 : memref<!tpu.dma_semaphore, #tpu.memory_space<semaphore_mem>>)
        %mul3A_376 = arith.constant 16 : i32
        %mul3A_377 = arith.muli %add3A_307, %mul3A_376 : i32
        %add3A_378 = arith.constant 4 : i32
        %add3A_379 = arith.addi %mul3A_377, %add3A_378 : i32
        %dma_start3A_380 = arith.constant 1 : i32
        %dma_start3A_381 = arith.constant 4 : i32
        %dma_start3A_382 = arith.constant 0 : i32
        %dma_start3A_383 = tpu.memref_slice %arg6[%dma_start3A_380, %dma_start3A_381, %dma_start3A_382] : memref<2x16x512xf32, #tpu.memory_space<vmem>> -> memref<1x1x512xf32, #tpu.memory_space<vmem>>
        %dma_start3A_384 = tpu.memref_squeeze %dma_start3A_383 : memref<1x1x512xf32, #tpu.memory_space<vmem>> -> memref<512xf32, #tpu.memory_space<vmem>>
        %dma_start3A_385 = arith.constant 0 : i32
        %dma_start3A_386 = tpu.memref_slice %arg5[%add3A_307, %dma_start3A_385] : memref<13x512xi32, #tpu.memory_space<vmem>> -> memref<1x512xi32, #tpu.memory_space<vmem>>
        %dma_start3A_387 = tpu.memref_squeeze %dma_start3A_386 : memref<1x512xi32, #tpu.memory_space<vmem>> -> memref<512xi32, #tpu.memory_space<vmem>>
        %dma_start3A_388 = arith.constant 0 : i32
        %dma_start3A_389 = tpu.memref_slice %arg2[%add3A_379, %dma_start3A_388] : memref<208x100000xf32, #tpu.memory_space<hbm>> -> memref<1x100000xf32, #tpu.memory_space<hbm>>
        %dma_start3A_390 = tpu.memref_squeeze %dma_start3A_389 : memref<1x100000xf32, #tpu.memory_space<hbm>> -> memref<100000xf32, #tpu.memory_space<hbm>>
        %dma_start3A_391 = arith.constant 0 : i32
        %dma_start3A_392 = tpu.memref_slice %dma_start3A_390[%dma_start3A_391] : memref<100000xf32, #tpu.memory_space<hbm>> -> memref<100000xf32, #tpu.memory_space<hbm>>
        tpu.enqueue_indirect_dma source(%dma_start3A_392 : memref<100000xf32, #tpu.memory_space<hbm>>) target(%dma_start3A_384 : memref<512xf32, #tpu.memory_space<vmem>>) offsets(%dma_start3A_387 : memref<512xi32, #tpu.memory_space<vmem>>) semaphore(%arg8 : memref<!tpu.dma_semaphore, #tpu.memory_space<semaphore_mem>>)
        %mul3A_393 = arith.constant 16 : i32
        %mul3A_394 = arith.muli %add3A_307, %mul3A_393 : i32
        %add3A_395 = arith.constant 5 : i32
        %add3A_396 = arith.addi %mul3A_394, %add3A_395 : i32
        %dma_start3A_397 = arith.constant 1 : i32
        %dma_start3A_398 = arith.constant 5 : i32
        %dma_start3A_399 = arith.constant 0 : i32
        %dma_start3A_400 = tpu.memref_slice %arg6[%dma_start3A_397, %dma_start3A_398, %dma_start3A_399] : memref<2x16x512xf32, #tpu.memory_space<vmem>> -> memref<1x1x512xf32, #tpu.memory_space<vmem>>
        %dma_start3A_401 = tpu.memref_squeeze %dma_start3A_400 : memref<1x1x512xf32, #tpu.memory_space<vmem>> -> memref<512xf32, #tpu.memory_space<vmem>>
        %dma_start3A_402 = arith.constant 0 : i32
        %dma_start3A_403 = tpu.memref_slice %arg5[%add3A_307, %dma_start3A_402] : memref<13x512xi32, #tpu.memory_space<vmem>> -> memref<1x512xi32, #tpu.memory_space<vmem>>
        %dma_start3A_404 = tpu.memref_squeeze %dma_start3A_403 : memref<1x512xi32, #tpu.memory_space<vmem>> -> memref<512xi32, #tpu.memory_space<vmem>>
        %dma_start3A_405 = arith.constant 0 : i32
        %dma_start3A_406 = tpu.memref_slice %arg2[%add3A_396, %dma_start3A_405] : memref<208x100000xf32, #tpu.memory_space<hbm>> -> memref<1x100000xf32, #tpu.memory_space<hbm>>
        %dma_start3A_407 = tpu.memref_squeeze %dma_start3A_406 : memref<1x100000xf32, #tpu.memory_space<hbm>> -> memref<100000xf32, #tpu.memory_space<hbm>>
        %dma_start3A_408 = arith.constant 0 : i32
        %dma_start3A_409 = tpu.memref_slice %dma_start3A_407[%dma_start3A_408] : memref<100000xf32, #tpu.memory_space<hbm>> -> memref<100000xf32, #tpu.memory_space<hbm>>
        tpu.enqueue_indirect_dma source(%dma_start3A_409 : memref<100000xf32, #tpu.memory_space<hbm>>) target(%dma_start3A_401 : memref<512xf32, #tpu.memory_space<vmem>>) offsets(%dma_start3A_404 : memref<512xi32, #tpu.memory_space<vmem>>) semaphore(%arg8 : memref<!tpu.dma_semaphore, #tpu.memory_space<semaphore_mem>>)
        %mul3A_410 = arith.constant 16 : i32
        %mul3A_411 = arith.muli %add3A_307, %mul3A_410 : i32
        %add3A_412 = arith.constant 6 : i32
        %add3A_413 = arith.addi %mul3A_411, %add3A_412 : i32
        %dma_start3A_414 = arith.constant 1 : i32
        %dma_start3A_415 = arith.constant 6 : i32
        %dma_start3A_416 = arith.constant 0 : i32
        %dma_start3A_417 = tpu.memref_slice %arg6[%dma_start3A_414, %dma_start3A_415, %dma_start3A_416] : memref<2x16x512xf32, #tpu.memory_space<vmem>> -> memref<1x1x512xf32, #tpu.memory_space<vmem>>
        %dma_start3A_418 = tpu.memref_squeeze %dma_start3A_417 : memref<1x1x512xf32, #tpu.memory_space<vmem>> -> memref<512xf32, #tpu.memory_space<vmem>>
        %dma_start3A_419 = arith.constant 0 : i32
        %dma_start3A_420 = tpu.memref_slice %arg5[%add3A_307, %dma_start3A_419] : memref<13x512xi32, #tpu.memory_space<vmem>> -> memref<1x512xi32, #tpu.memory_space<vmem>>
        %dma_start3A_421 = tpu.memref_squeeze %dma_start3A_420 : memref<1x512xi32, #tpu.memory_space<vmem>> -> memref<512xi32, #tpu.memory_space<vmem>>
        %dma_start3A_422 = arith.constant 0 : i32
        %dma_start3A_423 = tpu.memref_slice %arg2[%add3A_413, %dma_start3A_422] : memref<208x100000xf32, #tpu.memory_space<hbm>> -> memref<1x100000xf32, #tpu.memory_space<hbm>>
        %dma_start3A_424 = tpu.memref_squeeze %dma_start3A_423 : memref<1x100000xf32, #tpu.memory_space<hbm>> -> memref<100000xf32, #tpu.memory_space<hbm>>
        %dma_start3A_425 = arith.constant 0 : i32
        %dma_start3A_426 = tpu.memref_slice %dma_start3A_424[%dma_start3A_425] : memref<100000xf32, #tpu.memory_space<hbm>> -> memref<100000xf32, #tpu.memory_space<hbm>>
        tpu.enqueue_indirect_dma source(%dma_start3A_426 : memref<100000xf32, #tpu.memory_space<hbm>>) target(%dma_start3A_418 : memref<512xf32, #tpu.memory_space<vmem>>) offsets(%dma_start3A_421 : memref<512xi32, #tpu.memory_space<vmem>>) semaphore(%arg8 : memref<!tpu.dma_semaphore, #tpu.memory_space<semaphore_mem>>)
        %mul3A_427 = arith.constant 16 : i32
        %mul3A_428 = arith.muli %add3A_307, %mul3A_427 : i32
        %add3A_429 = arith.constant 7 : i32
        %add3A_430 = arith.addi %mul3A_428, %add3A_429 : i32
        %dma_start3A_431 = arith.constant 1 : i32
        %dma_start3A_432 = arith.constant 7 : i32
        %dma_start3A_433 = arith.constant 0 : i32
        %dma_start3A_434 = tpu.memref_slice %arg6[%dma_start3A_431, %dma_start3A_432, %dma_start3A_433] : memref<2x16x512xf32, #tpu.memory_space<vmem>> -> memref<1x1x512xf32, #tpu.memory_space<vmem>>
        %dma_start3A_435 = tpu.memref_squeeze %dma_start3A_434 : memref<1x1x512xf32, #tpu.memory_space<vmem>> -> memref<512xf32, #tpu.memory_space<vmem>>
        %dma_start3A_436 = arith.constant 0 : i32
        %dma_start3A_437 = tpu.memref_slice %arg5[%add3A_307, %dma_start3A_436] : memref<13x512xi32, #tpu.memory_space<vmem>> -> memref<1x512xi32, #tpu.memory_space<vmem>>
        %dma_start3A_438 = tpu.memref_squeeze %dma_start3A_437 : memref<1x512xi32, #tpu.memory_space<vmem>> -> memref<512xi32, #tpu.memory_space<vmem>>
        %dma_start3A_439 = arith.constant 0 : i32
        %dma_start3A_440 = tpu.memref_slice %arg2[%add3A_430, %dma_start3A_439] : memref<208x100000xf32, #tpu.memory_space<hbm>> -> memref<1x100000xf32, #tpu.memory_space<hbm>>
        %dma_start3A_441 = tpu.memref_squeeze %dma_start3A_440 : memref<1x100000xf32, #tpu.memory_space<hbm>> -> memref<100000xf32, #tpu.memory_space<hbm>>
        %dma_start3A_442 = arith.constant 0 : i32
        %dma_start3A_443 = tpu.memref_slice %dma_start3A_441[%dma_start3A_442] : memref<100000xf32, #tpu.memory_space<hbm>> -> memref<100000xf32, #tpu.memory_space<hbm>>
        tpu.enqueue_indirect_dma source(%dma_start3A_443 : memref<100000xf32, #tpu.memory_space<hbm>>) target(%dma_start3A_435 : memref<512xf32, #tpu.memory_space<vmem>>) offsets(%dma_start3A_438 : memref<512xi32, #tpu.memory_space<vmem>>) semaphore(%arg8 : memref<!tpu.dma_semaphore, #tpu.memory_space<semaphore_mem>>)
        %mul3A_444 = arith.constant 16 : i32
        %mul3A_445 = arith.muli %add3A_307, %mul3A_444 : i32
        %add3A_446 = arith.constant 8 : i32
        %add3A_447 = arith.addi %mul3A_445, %add3A_446 : i32
        %dma_start3A_448 = arith.constant 1 : i32
        %dma_start3A_449 = arith.constant 8 : i32
        %dma_start3A_450 = arith.constant 0 : i32
        %dma_start3A_451 = tpu.memref_slice %arg6[%dma_start3A_448, %dma_start3A_449, %dma_start3A_450] : memref<2x16x512xf32, #tpu.memory_space<vmem>> -> memref<1x1x512xf32, #tpu.memory_space<vmem>>
        %dma_start3A_452 = tpu.memref_squeeze %dma_start3A_451 : memref<1x1x512xf32, #tpu.memory_space<vmem>> -> memref<512xf32, #tpu.memory_space<vmem>>
        %dma_start3A_453 = arith.constant 0 : i32
        %dma_start3A_454 = tpu.memref_slice %arg5[%add3A_307, %dma_start3A_453] : memref<13x512xi32, #tpu.memory_space<vmem>> -> memref<1x512xi32, #tpu.memory_space<vmem>>
        %dma_start3A_455 = tpu.memref_squeeze %dma_start3A_454 : memref<1x512xi32, #tpu.memory_space<vmem>> -> memref<512xi32, #tpu.memory_space<vmem>>
        %dma_start3A_456 = arith.constant 0 : i32
        %dma_start3A_457 = tpu.memref_slice %arg2[%add3A_447, %dma_start3A_456] : memref<208x100000xf32, #tpu.memory_space<hbm>> -> memref<1x100000xf32, #tpu.memory_space<hbm>>
        %dma_start3A_458 = tpu.memref_squeeze %dma_start3A_457 : memref<1x100000xf32, #tpu.memory_space<hbm>> -> memref<100000xf32, #tpu.memory_space<hbm>>
        %dma_start3A_459 = arith.constant 0 : i32
        %dma_start3A_460 = tpu.memref_slice %dma_start3A_458[%dma_start3A_459] : memref<100000xf32, #tpu.memory_space<hbm>> -> memref<100000xf32, #tpu.memory_space<hbm>>
        tpu.enqueue_indirect_dma source(%dma_start3A_460 : memref<100000xf32, #tpu.memory_space<hbm>>) target(%dma_start3A_452 : memref<512xf32, #tpu.memory_space<vmem>>) offsets(%dma_start3A_455 : memref<512xi32, #tpu.memory_space<vmem>>) semaphore(%arg8 : memref<!tpu.dma_semaphore, #tpu.memory_space<semaphore_mem>>)
        %mul3A_461 = arith.constant 16 : i32
        %mul3A_462 = arith.muli %add3A_307, %mul3A_461 : i32
        %add3A_463 = arith.constant 9 : i32
        %add3A_464 = arith.addi %mul3A_462, %add3A_463 : i32
        %dma_start3A_465 = arith.constant 1 : i32
        %dma_start3A_466 = arith.constant 9 : i32
        %dma_start3A_467 = arith.constant 0 : i32
        %dma_start3A_468 = tpu.memref_slice %arg6[%dma_start3A_465, %dma_start3A_466, %dma_start3A_467] : memref<2x16x512xf32, #tpu.memory_space<vmem>> -> memref<1x1x512xf32, #tpu.memory_space<vmem>>
        %dma_start3A_469 = tpu.memref_squeeze %dma_start3A_468 : memref<1x1x512xf32, #tpu.memory_space<vmem>> -> memref<512xf32, #tpu.memory_space<vmem>>
        %dma_start3A_470 = arith.constant 0 : i32
        %dma_start3A_471 = tpu.memref_slice %arg5[%add3A_307, %dma_start3A_470] : memref<13x512xi32, #tpu.memory_space<vmem>> -> memref<1x512xi32, #tpu.memory_space<vmem>>
        %dma_start3A_472 = tpu.memref_squeeze %dma_start3A_471 : memref<1x512xi32, #tpu.memory_space<vmem>> -> memref<512xi32, #tpu.memory_space<vmem>>
        %dma_start3A_473 = arith.constant 0 : i32
        %dma_start3A_474 = tpu.memref_slice %arg2[%add3A_464, %dma_start3A_473] : memref<208x100000xf32, #tpu.memory_space<hbm>> -> memref<1x100000xf32, #tpu.memory_space<hbm>>
        %dma_start3A_475 = tpu.memref_squeeze %dma_start3A_474 : memref<1x100000xf32, #tpu.memory_space<hbm>> -> memref<100000xf32, #tpu.memory_space<hbm>>
        %dma_start3A_476 = arith.constant 0 : i32
        %dma_start3A_477 = tpu.memref_slice %dma_start3A_475[%dma_start3A_476] : memref<100000xf32, #tpu.memory_space<hbm>> -> memref<100000xf32, #tpu.memory_space<hbm>>
        tpu.enqueue_indirect_dma source(%dma_start3A_477 : memref<100000xf32, #tpu.memory_space<hbm>>) target(%dma_start3A_469 : memref<512xf32, #tpu.memory_space<vmem>>) offsets(%dma_start3A_472 : memref<512xi32, #tpu.memory_space<vmem>>) semaphore(%arg8 : memref<!tpu.dma_semaphore, #tpu.memory_space<semaphore_mem>>)
        %mul3A_478 = arith.constant 16 : i32
        %mul3A_479 = arith.muli %add3A_307, %mul3A_478 : i32
        %add3A_480 = arith.constant 10 : i32
        %add3A_481 = arith.addi %mul3A_479, %add3A_480 : i32
        %dma_start3A_482 = arith.constant 1 : i32
        %dma_start3A_483 = arith.constant 10 : i32
        %dma_start3A_484 = arith.constant 0 : i32
        %dma_start3A_485 = tpu.memref_slice %arg6[%dma_start3A_482, %dma_start3A_483, %dma_start3A_484] : memref<2x16x512xf32, #tpu.memory_space<vmem>> -> memref<1x1x512xf32, #tpu.memory_space<vmem>>
        %dma_start3A_486 = tpu.memref_squeeze %dma_start3A_485 : memref<1x1x512xf32, #tpu.memory_space<vmem>> -> memref<512xf32, #tpu.memory_space<vmem>>
        %dma_start3A_487 = arith.constant 0 : i32
        %dma_start3A_488 = tpu.memref_slice %arg5[%add3A_307, %dma_start3A_487] : memref<13x512xi32, #tpu.memory_space<vmem>> -> memref<1x512xi32, #tpu.memory_space<vmem>>
        %dma_start3A_489 = tpu.memref_squeeze %dma_start3A_488 : memref<1x512xi32, #tpu.memory_space<vmem>> -> memref<512xi32, #tpu.memory_space<vmem>>
        %dma_start3A_490 = arith.constant 0 : i32
        %dma_start3A_491 = tpu.memref_slice %arg2[%add3A_481, %dma_start3A_490] : memref<208x100000xf32, #tpu.memory_space<hbm>> -> memref<1x100000xf32, #tpu.memory_space<hbm>>
        %dma_start3A_492 = tpu.memref_squeeze %dma_start3A_491 : memref<1x100000xf32, #tpu.memory_space<hbm>> -> memref<100000xf32, #tpu.memory_space<hbm>>
        %dma_start3A_493 = arith.constant 0 : i32
        %dma_start3A_494 = tpu.memref_slice %dma_start3A_492[%dma_start3A_493] : memref<100000xf32, #tpu.memory_space<hbm>> -> memref<100000xf32, #tpu.memory_space<hbm>>
        tpu.enqueue_indirect_dma source(%dma_start3A_494 : memref<100000xf32, #tpu.memory_space<hbm>>) target(%dma_start3A_486 : memref<512xf32, #tpu.memory_space<vmem>>) offsets(%dma_start3A_489 : memref<512xi32, #tpu.memory_space<vmem>>) semaphore(%arg8 : memref<!tpu.dma_semaphore, #tpu.memory_space<semaphore_mem>>)
        %mul3A_495 = arith.constant 16 : i32
        %mul3A_496 = arith.muli %add3A_307, %mul3A_495 : i32
        %add3A_497 = arith.constant 11 : i32
        %add3A_498 = arith.addi %mul3A_496, %add3A_497 : i32
        %dma_start3A_499 = arith.constant 1 : i32
        %dma_start3A_500 = arith.constant 11 : i32
        %dma_start3A_501 = arith.constant 0 : i32
        %dma_start3A_502 = tpu.memref_slice %arg6[%dma_start3A_499, %dma_start3A_500, %dma_start3A_501] : memref<2x16x512xf32, #tpu.memory_space<vmem>> -> memref<1x1x512xf32, #tpu.memory_space<vmem>>
        %dma_start3A_503 = tpu.memref_squeeze %dma_start3A_502 : memref<1x1x512xf32, #tpu.memory_space<vmem>> -> memref<512xf32, #tpu.memory_space<vmem>>
        %dma_start3A_504 = arith.constant 0 : i32
        %dma_start3A_505 = tpu.memref_slice %arg5[%add3A_307, %dma_start3A_504] : memref<13x512xi32, #tpu.memory_space<vmem>> -> memref<1x512xi32, #tpu.memory_space<vmem>>
        %dma_start3A_506 = tpu.memref_squeeze %dma_start3A_505 : memref<1x512xi32, #tpu.memory_space<vmem>> -> memref<512xi32, #tpu.memory_space<vmem>>
        %dma_start3A_507 = arith.constant 0 : i32
        %dma_start3A_508 = tpu.memref_slice %arg2[%add3A_498, %dma_start3A_507] : memref<208x100000xf32, #tpu.memory_space<hbm>> -> memref<1x100000xf32, #tpu.memory_space<hbm>>
        %dma_start3A_509 = tpu.memref_squeeze %dma_start3A_508 : memref<1x100000xf32, #tpu.memory_space<hbm>> -> memref<100000xf32, #tpu.memory_space<hbm>>
        %dma_start3A_510 = arith.constant 0 : i32
        %dma_start3A_511 = tpu.memref_slice %dma_start3A_509[%dma_start3A_510] : memref<100000xf32, #tpu.memory_space<hbm>> -> memref<100000xf32, #tpu.memory_space<hbm>>
        tpu.enqueue_indirect_dma source(%dma_start3A_511 : memref<100000xf32, #tpu.memory_space<hbm>>) target(%dma_start3A_503 : memref<512xf32, #tpu.memory_space<vmem>>) offsets(%dma_start3A_506 : memref<512xi32, #tpu.memory_space<vmem>>) semaphore(%arg8 : memref<!tpu.dma_semaphore, #tpu.memory_space<semaphore_mem>>)
        %mul3A_512 = arith.constant 16 : i32
        %mul3A_513 = arith.muli %add3A_307, %mul3A_512 : i32
        %add3A_514 = arith.constant 12 : i32
        %add3A_515 = arith.addi %mul3A_513, %add3A_514 : i32
        %dma_start3A_516 = arith.constant 1 : i32
        %dma_start3A_517 = arith.constant 12 : i32
        %dma_start3A_518 = arith.constant 0 : i32
        %dma_start3A_519 = tpu.memref_slice %arg6[%dma_start3A_516, %dma_start3A_517, %dma_start3A_518] : memref<2x16x512xf32, #tpu.memory_space<vmem>> -> memref<1x1x512xf32, #tpu.memory_space<vmem>>
        %dma_start3A_520 = tpu.memref_squeeze %dma_start3A_519 : memref<1x1x512xf32, #tpu.memory_space<vmem>> -> memref<512xf32, #tpu.memory_space<vmem>>
        %dma_start3A_521 = arith.constant 0 : i32
        %dma_start3A_522 = tpu.memref_slice %arg5[%add3A_307, %dma_start3A_521] : memref<13x512xi32, #tpu.memory_space<vmem>> -> memref<1x512xi32, #tpu.memory_space<vmem>>
        %dma_start3A_523 = tpu.memref_squeeze %dma_start3A_522 : memref<1x512xi32, #tpu.memory_space<vmem>> -> memref<512xi32, #tpu.memory_space<vmem>>
        %dma_start3A_524 = arith.constant 0 : i32
        %dma_start3A_525 = tpu.memref_slice %arg2[%add3A_515, %dma_start3A_524] : memref<208x100000xf32, #tpu.memory_space<hbm>> -> memref<1x100000xf32, #tpu.memory_space<hbm>>
        %dma_start3A_526 = tpu.memref_squeeze %dma_start3A_525 : memref<1x100000xf32, #tpu.memory_space<hbm>> -> memref<100000xf32, #tpu.memory_space<hbm>>
        %dma_start3A_527 = arith.constant 0 : i32
        %dma_start3A_528 = tpu.memref_slice %dma_start3A_526[%dma_start3A_527] : memref<100000xf32, #tpu.memory_space<hbm>> -> memref<100000xf32, #tpu.memory_space<hbm>>
        tpu.enqueue_indirect_dma source(%dma_start3A_528 : memref<100000xf32, #tpu.memory_space<hbm>>) target(%dma_start3A_520 : memref<512xf32, #tpu.memory_space<vmem>>) offsets(%dma_start3A_523 : memref<512xi32, #tpu.memory_space<vmem>>) semaphore(%arg8 : memref<!tpu.dma_semaphore, #tpu.memory_space<semaphore_mem>>)
        %mul3A_529 = arith.constant 16 : i32
        %mul3A_530 = arith.muli %add3A_307, %mul3A_529 : i32
        %add3A_531 = arith.constant 13 : i32
        %add3A_532 = arith.addi %mul3A_530, %add3A_531 : i32
        %dma_start3A_533 = arith.constant 1 : i32
        %dma_start3A_534 = arith.constant 13 : i32
        %dma_start3A_535 = arith.constant 0 : i32
        %dma_start3A_536 = tpu.memref_slice %arg6[%dma_start3A_533, %dma_start3A_534, %dma_start3A_535] : memref<2x16x512xf32, #tpu.memory_space<vmem>> -> memref<1x1x512xf32, #tpu.memory_space<vmem>>
        %dma_start3A_537 = tpu.memref_squeeze %dma_start3A_536 : memref<1x1x512xf32, #tpu.memory_space<vmem>> -> memref<512xf32, #tpu.memory_space<vmem>>
        %dma_start3A_538 = arith.constant 0 : i32
        %dma_start3A_539 = tpu.memref_slice %arg5[%add3A_307, %dma_start3A_538] : memref<13x512xi32, #tpu.memory_space<vmem>> -> memref<1x512xi32, #tpu.memory_space<vmem>>
        %dma_start3A_540 = tpu.memref_squeeze %dma_start3A_539 : memref<1x512xi32, #tpu.memory_space<vmem>> -> memref<512xi32, #tpu.memory_space<vmem>>
        %dma_start3A_541 = arith.constant 0 : i32
        %dma_start3A_542 = tpu.memref_slice %arg2[%add3A_532, %dma_start3A_541] : memref<208x100000xf32, #tpu.memory_space<hbm>> -> memref<1x100000xf32, #tpu.memory_space<hbm>>
        %dma_start3A_543 = tpu.memref_squeeze %dma_start3A_542 : memref<1x100000xf32, #tpu.memory_space<hbm>> -> memref<100000xf32, #tpu.memory_space<hbm>>
        %dma_start3A_544 = arith.constant 0 : i32
        %dma_start3A_545 = tpu.memref_slice %dma_start3A_543[%dma_start3A_544] : memref<100000xf32, #tpu.memory_space<hbm>> -> memref<100000xf32, #tpu.memory_space<hbm>>
        tpu.enqueue_indirect_dma source(%dma_start3A_545 : memref<100000xf32, #tpu.memory_space<hbm>>) target(%dma_start3A_537 : memref<512xf32, #tpu.memory_space<vmem>>) offsets(%dma_start3A_540 : memref<512xi32, #tpu.memory_space<vmem>>) semaphore(%arg8 : memref<!tpu.dma_semaphore, #tpu.memory_space<semaphore_mem>>)
        %mul3A_546 = arith.constant 16 : i32
        %mul3A_547 = arith.muli %add3A_307, %mul3A_546 : i32
        %add3A_548 = arith.constant 14 : i32
        %add3A_549 = arith.addi %mul3A_547, %add3A_548 : i32
        %dma_start3A_550 = arith.constant 1 : i32
        %dma_start3A_551 = arith.constant 14 : i32
        %dma_start3A_552 = arith.constant 0 : i32
        %dma_start3A_553 = tpu.memref_slice %arg6[%dma_start3A_550, %dma_start3A_551, %dma_start3A_552] : memref<2x16x512xf32, #tpu.memory_space<vmem>> -> memref<1x1x512xf32, #tpu.memory_space<vmem>>
        %dma_start3A_554 = tpu.memref_squeeze %dma_start3A_553 : memref<1x1x512xf32, #tpu.memory_space<vmem>> -> memref<512xf32, #tpu.memory_space<vmem>>
        %dma_start3A_555 = arith.constant 0 : i32
        %dma_start3A_556 = tpu.memref_slice %arg5[%add3A_307, %dma_start3A_555] : memref<13x512xi32, #tpu.memory_space<vmem>> -> memref<1x512xi32, #tpu.memory_space<vmem>>
        %dma_start3A_557 = tpu.memref_squeeze %dma_start3A_556 : memref<1x512xi32, #tpu.memory_space<vmem>> -> memref<512xi32, #tpu.memory_space<vmem>>
        %dma_start3A_558 = arith.constant 0 : i32
        %dma_start3A_559 = tpu.memref_slice %arg2[%add3A_549, %dma_start3A_558] : memref<208x100000xf32, #tpu.memory_space<hbm>> -> memref<1x100000xf32, #tpu.memory_space<hbm>>
        %dma_start3A_560 = tpu.memref_squeeze %dma_start3A_559 : memref<1x100000xf32, #tpu.memory_space<hbm>> -> memref<100000xf32, #tpu.memory_space<hbm>>
        %dma_start3A_561 = arith.constant 0 : i32
        %dma_start3A_562 = tpu.memref_slice %dma_start3A_560[%dma_start3A_561] : memref<100000xf32, #tpu.memory_space<hbm>> -> memref<100000xf32, #tpu.memory_space<hbm>>
        tpu.enqueue_indirect_dma source(%dma_start3A_562 : memref<100000xf32, #tpu.memory_space<hbm>>) target(%dma_start3A_554 : memref<512xf32, #tpu.memory_space<vmem>>) offsets(%dma_start3A_557 : memref<512xi32, #tpu.memory_space<vmem>>) semaphore(%arg8 : memref<!tpu.dma_semaphore, #tpu.memory_space<semaphore_mem>>)
        %mul3A_563 = arith.constant 16 : i32
        %mul3A_564 = arith.muli %add3A_307, %mul3A_563 : i32
        %add3A_565 = arith.constant 15 : i32
        %add3A_566 = arith.addi %mul3A_564, %add3A_565 : i32
        %dma_start3A_567 = arith.constant 1 : i32
        %dma_start3A_568 = arith.constant 15 : i32
        %dma_start3A_569 = arith.constant 0 : i32
        %dma_start3A_570 = tpu.memref_slice %arg6[%dma_start3A_567, %dma_start3A_568, %dma_start3A_569] : memref<2x16x512xf32, #tpu.memory_space<vmem>> -> memref<1x1x512xf32, #tpu.memory_space<vmem>>
        %dma_start3A_571 = tpu.memref_squeeze %dma_start3A_570 : memref<1x1x512xf32, #tpu.memory_space<vmem>> -> memref<512xf32, #tpu.memory_space<vmem>>
        %dma_start3A_572 = arith.constant 0 : i32
        %dma_start3A_573 = tpu.memref_slice %arg5[%add3A_307, %dma_start3A_572] : memref<13x512xi32, #tpu.memory_space<vmem>> -> memref<1x512xi32, #tpu.memory_space<vmem>>
        %dma_start3A_574 = tpu.memref_squeeze %dma_start3A_573 : memref<1x512xi32, #tpu.memory_space<vmem>> -> memref<512xi32, #tpu.memory_space<vmem>>
        %dma_start3A_575 = arith.constant 0 : i32
        %dma_start3A_576 = tpu.memref_slice %arg2[%add3A_566, %dma_start3A_575] : memref<208x100000xf32, #tpu.memory_space<hbm>> -> memref<1x100000xf32, #tpu.memory_space<hbm>>
        %dma_start3A_577 = tpu.memref_squeeze %dma_start3A_576 : memref<1x100000xf32, #tpu.memory_space<hbm>> -> memref<100000xf32, #tpu.memory_space<hbm>>
        %dma_start3A_578 = arith.constant 0 : i32
        %dma_start3A_579 = tpu.memref_slice %dma_start3A_577[%dma_start3A_578] : memref<100000xf32, #tpu.memory_space<hbm>> -> memref<100000xf32, #tpu.memory_space<hbm>>
        tpu.enqueue_indirect_dma source(%dma_start3A_579 : memref<100000xf32, #tpu.memory_space<hbm>>) target(%dma_start3A_571 : memref<512xf32, #tpu.memory_space<vmem>>) offsets(%dma_start3A_574 : memref<512xi32, #tpu.memory_space<vmem>>) semaphore(%arg8 : memref<!tpu.dma_semaphore, #tpu.memory_space<semaphore_mem>>)
      } else {
      }
      %add3A_274 = arith.constant 1 : i32
      %add3A_275 = arith.addi %scan3A_259, %add3A_274 : i32
      %lt3A_276 = arith.constant 13 : i32
      %lt3A_277 = arith.cmpi slt, %add3A_275, %lt3A_276 : i32
      %eq3A_278 = arith.constant 0 : i32
      %eq3A_279 = arith.cmpi eq, %rem3A_264, %eq3A_278 : i32
      %and3A_280 = arith.andi %lt3A_277, %eq3A_279 : i1
      %convert_element_type3A_281 = arith.extui %and3A_280 : i1 to i32
      %cond3A_282 = arith.constant 0 : i32
      %cond3A_283 = arith.cmpi ne, %convert_element_type3A_281, %cond3A_282 : i32
      scf.if %cond3A_283 {
        %add3A_306 = arith.constant 1 : i32
        %add3A_307 = arith.addi %scan3A_259, %add3A_306 : i32
        %mul3A_308 = arith.constant 16 : i32
        %mul3A_309 = arith.muli %add3A_307, %mul3A_308 : i32
        %add3A_310 = arith.constant 0 : i32
        %add3A_311 = arith.addi %mul3A_309, %add3A_310 : i32
        %dma_start3A_312 = arith.constant 0 : i32
        %dma_start3A_313 = arith.constant 0 : i32
        %dma_start3A_314 = arith.constant 0 : i32
        %dma_start3A_315 = tpu.memref_slice %arg6[%dma_start3A_312, %dma_start3A_313, %dma_start3A_314] : memref<2x16x512xf32, #tpu.memory_space<vmem>> -> memref<1x1x512xf32, #tpu.memory_space<vmem>>
        %dma_start3A_316 = tpu.memref_squeeze %dma_start3A_315 : memref<1x1x512xf32, #tpu.memory_space<vmem>> -> memref<512xf32, #tpu.memory_space<vmem>>
        %dma_start3A_317 = arith.constant 0 : i32
        %dma_start3A_318 = tpu.memref_slice %arg5[%add3A_307, %dma_start3A_317] : memref<13x512xi32, #tpu.memory_space<vmem>> -> memref<1x512xi32, #tpu.memory_space<vmem>>
        %dma_start3A_319 = tpu.memref_squeeze %dma_start3A_318 : memref<1x512xi32, #tpu.memory_space<vmem>> -> memref<512xi32, #tpu.memory_space<vmem>>
        %dma_start3A_320 = arith.constant 0 : i32
        %dma_start3A_321 = tpu.memref_slice %arg2[%add3A_311, %dma_start3A_320] : memref<208x100000xf32, #tpu.memory_space<hbm>> -> memref<1x100000xf32, #tpu.memory_space<hbm>>
        %dma_start3A_322 = tpu.memref_squeeze %dma_start3A_321 : memref<1x100000xf32, #tpu.memory_space<hbm>> -> memref<100000xf32, #tpu.memory_space<hbm>>
        %dma_start3A_323 = arith.constant 0 : i32
        %dma_start3A_324 = tpu.memref_slice %dma_start3A_322[%dma_start3A_323] : memref<100000xf32, #tpu.memory_space<hbm>> -> memref<100000xf32, #tpu.memory_space<hbm>>
        tpu.enqueue_indirect_dma source(%dma_start3A_324 : memref<100000xf32, #tpu.memory_space<hbm>>) target(%dma_start3A_316 : memref<512xf32, #tpu.memory_space<vmem>>) offsets(%dma_start3A_319 : memref<512xi32, #tpu.memory_space<vmem>>) semaphore(%arg7 : memref<!tpu.dma_semaphore, #tpu.memory_space<semaphore_mem>>)
        %mul3A_325 = arith.constant 16 : i32
        %mul3A_326 = arith.muli %add3A_307, %mul3A_325 : i32
        %add3A_327 = arith.constant 1 : i32
        %add3A_328 = arith.addi %mul3A_326, %add3A_327 : i32
        %dma_start3A_329 = arith.constant 0 : i32
        %dma_start3A_330 = arith.constant 1 : i32
        %dma_start3A_331 = arith.constant 0 : i32
        %dma_start3A_332 = tpu.memref_slice %arg6[%dma_start3A_329, %dma_start3A_330, %dma_start3A_331] : memref<2x16x512xf32, #tpu.memory_space<vmem>> -> memref<1x1x512xf32, #tpu.memory_space<vmem>>
        %dma_start3A_333 = tpu.memref_squeeze %dma_start3A_332 : memref<1x1x512xf32, #tpu.memory_space<vmem>> -> memref<512xf32, #tpu.memory_space<vmem>>
        %dma_start3A_334 = arith.constant 0 : i32
        %dma_start3A_335 = tpu.memref_slice %arg5[%add3A_307, %dma_start3A_334] : memref<13x512xi32, #tpu.memory_space<vmem>> -> memref<1x512xi32, #tpu.memory_space<vmem>>
        %dma_start3A_336 = tpu.memref_squeeze %dma_start3A_335 : memref<1x512xi32, #tpu.memory_space<vmem>> -> memref<512xi32, #tpu.memory_space<vmem>>
        %dma_start3A_337 = arith.constant 0 : i32
        %dma_start3A_338 = tpu.memref_slice %arg2[%add3A_328, %dma_start3A_337] : memref<208x100000xf32, #tpu.memory_space<hbm>> -> memref<1x100000xf32, #tpu.memory_space<hbm>>
        %dma_start3A_339 = tpu.memref_squeeze %dma_start3A_338 : memref<1x100000xf32, #tpu.memory_space<hbm>> -> memref<100000xf32, #tpu.memory_space<hbm>>
        %dma_start3A_340 = arith.constant 0 : i32
        %dma_start3A_341 = tpu.memref_slice %dma_start3A_339[%dma_start3A_340] : memref<100000xf32, #tpu.memory_space<hbm>> -> memref<100000xf32, #tpu.memory_space<hbm>>
        tpu.enqueue_indirect_dma source(%dma_start3A_341 : memref<100000xf32, #tpu.memory_space<hbm>>) target(%dma_start3A_333 : memref<512xf32, #tpu.memory_space<vmem>>) offsets(%dma_start3A_336 : memref<512xi32, #tpu.memory_space<vmem>>) semaphore(%arg7 : memref<!tpu.dma_semaphore, #tpu.memory_space<semaphore_mem>>)
        %mul3A_342 = arith.constant 16 : i32
        %mul3A_343 = arith.muli %add3A_307, %mul3A_342 : i32
        %add3A_344 = arith.constant 2 : i32
        %add3A_345 = arith.addi %mul3A_343, %add3A_344 : i32
        %dma_start3A_346 = arith.constant 0 : i32
        %dma_start3A_347 = arith.constant 2 : i32
        %dma_start3A_348 = arith.constant 0 : i32
        %dma_start3A_349 = tpu.memref_slice %arg6[%dma_start3A_346, %dma_start3A_347, %dma_start3A_348] : memref<2x16x512xf32, #tpu.memory_space<vmem>> -> memref<1x1x512xf32, #tpu.memory_space<vmem>>
        %dma_start3A_350 = tpu.memref_squeeze %dma_start3A_349 : memref<1x1x512xf32, #tpu.memory_space<vmem>> -> memref<512xf32, #tpu.memory_space<vmem>>
        %dma_start3A_351 = arith.constant 0 : i32
        %dma_start3A_352 = tpu.memref_slice %arg5[%add3A_307, %dma_start3A_351] : memref<13x512xi32, #tpu.memory_space<vmem>> -> memref<1x512xi32, #tpu.memory_space<vmem>>
        %dma_start3A_353 = tpu.memref_squeeze %dma_start3A_352 : memref<1x512xi32, #tpu.memory_space<vmem>> -> memref<512xi32, #tpu.memory_space<vmem>>
        %dma_start3A_354 = arith.constant 0 : i32
        %dma_start3A_355 = tpu.memref_slice %arg2[%add3A_345, %dma_start3A_354] : memref<208x100000xf32, #tpu.memory_space<hbm>> -> memref<1x100000xf32, #tpu.memory_space<hbm>>
        %dma_start3A_356 = tpu.memref_squeeze %dma_start3A_355 : memref<1x100000xf32, #tpu.memory_space<hbm>> -> memref<100000xf32, #tpu.memory_space<hbm>>
        %dma_start3A_357 = arith.constant 0 : i32
        %dma_start3A_358 = tpu.memref_slice %dma_start3A_356[%dma_start3A_357] : memref<100000xf32, #tpu.memory_space<hbm>> -> memref<100000xf32, #tpu.memory_space<hbm>>
        tpu.enqueue_indirect_dma source(%dma_start3A_358 : memref<100000xf32, #tpu.memory_space<hbm>>) target(%dma_start3A_350 : memref<512xf32, #tpu.memory_space<vmem>>) offsets(%dma_start3A_353 : memref<512xi32, #tpu.memory_space<vmem>>) semaphore(%arg7 : memref<!tpu.dma_semaphore, #tpu.memory_space<semaphore_mem>>)
        %mul3A_359 = arith.constant 16 : i32
        %mul3A_360 = arith.muli %add3A_307, %mul3A_359 : i32
        %add3A_361 = arith.constant 3 : i32
        %add3A_362 = arith.addi %mul3A_360, %add3A_361 : i32
        %dma_start3A_363 = arith.constant 0 : i32
        %dma_start3A_364 = arith.constant 3 : i32
        %dma_start3A_365 = arith.constant 0 : i32
        %dma_start3A_366 = tpu.memref_slice %arg6[%dma_start3A_363, %dma_start3A_364, %dma_start3A_365] : memref<2x16x512xf32, #tpu.memory_space<vmem>> -> memref<1x1x512xf32, #tpu.memory_space<vmem>>
        %dma_start3A_367 = tpu.memref_squeeze %dma_start3A_366 : memref<1x1x512xf32, #tpu.memory_space<vmem>> -> memref<512xf32, #tpu.memory_space<vmem>>
        %dma_start3A_368 = arith.constant 0 : i32
        %dma_start3A_369 = tpu.memref_slice %arg5[%add3A_307, %dma_start3A_368] : memref<13x512xi32, #tpu.memory_space<vmem>> -> memref<1x512xi32, #tpu.memory_space<vmem>>
        %dma_start3A_370 = tpu.memref_squeeze %dma_start3A_369 : memref<1x512xi32, #tpu.memory_space<vmem>> -> memref<512xi32, #tpu.memory_space<vmem>>
        %dma_start3A_371 = arith.constant 0 : i32
        %dma_start3A_372 = tpu.memref_slice %arg2[%add3A_362, %dma_start3A_371] : memref<208x100000xf32, #tpu.memory_space<hbm>> -> memref<1x100000xf32, #tpu.memory_space<hbm>>
        %dma_start3A_373 = tpu.memref_squeeze %dma_start3A_372 : memref<1x100000xf32, #tpu.memory_space<hbm>> -> memref<100000xf32, #tpu.memory_space<hbm>>
        %dma_start3A_374 = arith.constant 0 : i32
        %dma_start3A_375 = tpu.memref_slice %dma_start3A_373[%dma_start3A_374] : memref<100000xf32, #tpu.memory_space<hbm>> -> memref<100000xf32, #tpu.memory_space<hbm>>
        tpu.enqueue_indirect_dma source(%dma_start3A_375 : memref<100000xf32, #tpu.memory_space<hbm>>) target(%dma_start3A_367 : memref<512xf32, #tpu.memory_space<vmem>>) offsets(%dma_start3A_370 : memref<512xi32, #tpu.memory_space<vmem>>) semaphore(%arg7 : memref<!tpu.dma_semaphore, #tpu.memory_space<semaphore_mem>>)
        %mul3A_376 = arith.constant 16 : i32
        %mul3A_377 = arith.muli %add3A_307, %mul3A_376 : i32
        %add3A_378 = arith.constant 4 : i32
        %add3A_379 = arith.addi %mul3A_377, %add3A_378 : i32
        %dma_start3A_380 = arith.constant 0 : i32
        %dma_start3A_381 = arith.constant 4 : i32
        %dma_start3A_382 = arith.constant 0 : i32
        %dma_start3A_383 = tpu.memref_slice %arg6[%dma_start3A_380, %dma_start3A_381, %dma_start3A_382] : memref<2x16x512xf32, #tpu.memory_space<vmem>> -> memref<1x1x512xf32, #tpu.memory_space<vmem>>
        %dma_start3A_384 = tpu.memref_squeeze %dma_start3A_383 : memref<1x1x512xf32, #tpu.memory_space<vmem>> -> memref<512xf32, #tpu.memory_space<vmem>>
        %dma_start3A_385 = arith.constant 0 : i32
        %dma_start3A_386 = tpu.memref_slice %arg5[%add3A_307, %dma_start3A_385] : memref<13x512xi32, #tpu.memory_space<vmem>> -> memref<1x512xi32, #tpu.memory_space<vmem>>
        %dma_start3A_387 = tpu.memref_squeeze %dma_start3A_386 : memref<1x512xi32, #tpu.memory_space<vmem>> -> memref<512xi32, #tpu.memory_space<vmem>>
        %dma_start3A_388 = arith.constant 0 : i32
        %dma_start3A_389 = tpu.memref_slice %arg2[%add3A_379, %dma_start3A_388] : memref<208x100000xf32, #tpu.memory_space<hbm>> -> memref<1x100000xf32, #tpu.memory_space<hbm>>
        %dma_start3A_390 = tpu.memref_squeeze %dma_start3A_389 : memref<1x100000xf32, #tpu.memory_space<hbm>> -> memref<100000xf32, #tpu.memory_space<hbm>>
        %dma_start3A_391 = arith.constant 0 : i32
        %dma_start3A_392 = tpu.memref_slice %dma_start3A_390[%dma_start3A_391] : memref<100000xf32, #tpu.memory_space<hbm>> -> memref<100000xf32, #tpu.memory_space<hbm>>
        tpu.enqueue_indirect_dma source(%dma_start3A_392 : memref<100000xf32, #tpu.memory_space<hbm>>) target(%dma_start3A_384 : memref<512xf32, #tpu.memory_space<vmem>>) offsets(%dma_start3A_387 : memref<512xi32, #tpu.memory_space<vmem>>) semaphore(%arg7 : memref<!tpu.dma_semaphore, #tpu.memory_space<semaphore_mem>>)
        %mul3A_393 = arith.constant 16 : i32
        %mul3A_394 = arith.muli %add3A_307, %mul3A_393 : i32
        %add3A_395 = arith.constant 5 : i32
        %add3A_396 = arith.addi %mul3A_394, %add3A_395 : i32
        %dma_start3A_397 = arith.constant 0 : i32
        %dma_start3A_398 = arith.constant 5 : i32
        %dma_start3A_399 = arith.constant 0 : i32
        %dma_start3A_400 = tpu.memref_slice %arg6[%dma_start3A_397, %dma_start3A_398, %dma_start3A_399] : memref<2x16x512xf32, #tpu.memory_space<vmem>> -> memref<1x1x512xf32, #tpu.memory_space<vmem>>
        %dma_start3A_401 = tpu.memref_squeeze %dma_start3A_400 : memref<1x1x512xf32, #tpu.memory_space<vmem>> -> memref<512xf32, #tpu.memory_space<vmem>>
        %dma_start3A_402 = arith.constant 0 : i32
        %dma_start3A_403 = tpu.memref_slice %arg5[%add3A_307, %dma_start3A_402] : memref<13x512xi32, #tpu.memory_space<vmem>> -> memref<1x512xi32, #tpu.memory_space<vmem>>
        %dma_start3A_404 = tpu.memref_squeeze %dma_start3A_403 : memref<1x512xi32, #tpu.memory_space<vmem>> -> memref<512xi32, #tpu.memory_space<vmem>>
        %dma_start3A_405 = arith.constant 0 : i32
        %dma_start3A_406 = tpu.memref_slice %arg2[%add3A_396, %dma_start3A_405] : memref<208x100000xf32, #tpu.memory_space<hbm>> -> memref<1x100000xf32, #tpu.memory_space<hbm>>
        %dma_start3A_407 = tpu.memref_squeeze %dma_start3A_406 : memref<1x100000xf32, #tpu.memory_space<hbm>> -> memref<100000xf32, #tpu.memory_space<hbm>>
        %dma_start3A_408 = arith.constant 0 : i32
        %dma_start3A_409 = tpu.memref_slice %dma_start3A_407[%dma_start3A_408] : memref<100000xf32, #tpu.memory_space<hbm>> -> memref<100000xf32, #tpu.memory_space<hbm>>
        tpu.enqueue_indirect_dma source(%dma_start3A_409 : memref<100000xf32, #tpu.memory_space<hbm>>) target(%dma_start3A_401 : memref<512xf32, #tpu.memory_space<vmem>>) offsets(%dma_start3A_404 : memref<512xi32, #tpu.memory_space<vmem>>) semaphore(%arg7 : memref<!tpu.dma_semaphore, #tpu.memory_space<semaphore_mem>>)
        %mul3A_410 = arith.constant 16 : i32
        %mul3A_411 = arith.muli %add3A_307, %mul3A_410 : i32
        %add3A_412 = arith.constant 6 : i32
        %add3A_413 = arith.addi %mul3A_411, %add3A_412 : i32
        %dma_start3A_414 = arith.constant 0 : i32
        %dma_start3A_415 = arith.constant 6 : i32
        %dma_start3A_416 = arith.constant 0 : i32
        %dma_start3A_417 = tpu.memref_slice %arg6[%dma_start3A_414, %dma_start3A_415, %dma_start3A_416] : memref<2x16x512xf32, #tpu.memory_space<vmem>> -> memref<1x1x512xf32, #tpu.memory_space<vmem>>
        %dma_start3A_418 = tpu.memref_squeeze %dma_start3A_417 : memref<1x1x512xf32, #tpu.memory_space<vmem>> -> memref<512xf32, #tpu.memory_space<vmem>>
        %dma_start3A_419 = arith.constant 0 : i32
        %dma_start3A_420 = tpu.memref_slice %arg5[%add3A_307, %dma_start3A_419] : memref<13x512xi32, #tpu.memory_space<vmem>> -> memref<1x512xi32, #tpu.memory_space<vmem>>
        %dma_start3A_421 = tpu.memref_squeeze %dma_start3A_420 : memref<1x512xi32, #tpu.memory_space<vmem>> -> memref<512xi32, #tpu.memory_space<vmem>>
        %dma_start3A_422 = arith.constant 0 : i32
        %dma_start3A_423 = tpu.memref_slice %arg2[%add3A_413, %dma_start3A_422] : memref<208x100000xf32, #tpu.memory_space<hbm>> -> memref<1x100000xf32, #tpu.memory_space<hbm>>
        %dma_start3A_424 = tpu.memref_squeeze %dma_start3A_423 : memref<1x100000xf32, #tpu.memory_space<hbm>> -> memref<100000xf32, #tpu.memory_space<hbm>>
        %dma_start3A_425 = arith.constant 0 : i32
        %dma_start3A_426 = tpu.memref_slice %dma_start3A_424[%dma_start3A_425] : memref<100000xf32, #tpu.memory_space<hbm>> -> memref<100000xf32, #tpu.memory_space<hbm>>
        tpu.enqueue_indirect_dma source(%dma_start3A_426 : memref<100000xf32, #tpu.memory_space<hbm>>) target(%dma_start3A_418 : memref<512xf32, #tpu.memory_space<vmem>>) offsets(%dma_start3A_421 : memref<512xi32, #tpu.memory_space<vmem>>) semaphore(%arg7 : memref<!tpu.dma_semaphore, #tpu.memory_space<semaphore_mem>>)
        %mul3A_427 = arith.constant 16 : i32
        %mul3A_428 = arith.muli %add3A_307, %mul3A_427 : i32
        %add3A_429 = arith.constant 7 : i32
        %add3A_430 = arith.addi %mul3A_428, %add3A_429 : i32
        %dma_start3A_431 = arith.constant 0 : i32
        %dma_start3A_432 = arith.constant 7 : i32
        %dma_start3A_433 = arith.constant 0 : i32
        %dma_start3A_434 = tpu.memref_slice %arg6[%dma_start3A_431, %dma_start3A_432, %dma_start3A_433] : memref<2x16x512xf32, #tpu.memory_space<vmem>> -> memref<1x1x512xf32, #tpu.memory_space<vmem>>
        %dma_start3A_435 = tpu.memref_squeeze %dma_start3A_434 : memref<1x1x512xf32, #tpu.memory_space<vmem>> -> memref<512xf32, #tpu.memory_space<vmem>>
        %dma_start3A_436 = arith.constant 0 : i32
        %dma_start3A_437 = tpu.memref_slice %arg5[%add3A_307, %dma_start3A_436] : memref<13x512xi32, #tpu.memory_space<vmem>> -> memref<1x512xi32, #tpu.memory_space<vmem>>
        %dma_start3A_438 = tpu.memref_squeeze %dma_start3A_437 : memref<1x512xi32, #tpu.memory_space<vmem>> -> memref<512xi32, #tpu.memory_space<vmem>>
        %dma_start3A_439 = arith.constant 0 : i32
        %dma_start3A_440 = tpu.memref_slice %arg2[%add3A_430, %dma_start3A_439] : memref<208x100000xf32, #tpu.memory_space<hbm>> -> memref<1x100000xf32, #tpu.memory_space<hbm>>
        %dma_start3A_441 = tpu.memref_squeeze %dma_start3A_440 : memref<1x100000xf32, #tpu.memory_space<hbm>> -> memref<100000xf32, #tpu.memory_space<hbm>>
        %dma_start3A_442 = arith.constant 0 : i32
        %dma_start3A_443 = tpu.memref_slice %dma_start3A_441[%dma_start3A_442] : memref<100000xf32, #tpu.memory_space<hbm>> -> memref<100000xf32, #tpu.memory_space<hbm>>
        tpu.enqueue_indirect_dma source(%dma_start3A_443 : memref<100000xf32, #tpu.memory_space<hbm>>) target(%dma_start3A_435 : memref<512xf32, #tpu.memory_space<vmem>>) offsets(%dma_start3A_438 : memref<512xi32, #tpu.memory_space<vmem>>) semaphore(%arg7 : memref<!tpu.dma_semaphore, #tpu.memory_space<semaphore_mem>>)
        %mul3A_444 = arith.constant 16 : i32
        %mul3A_445 = arith.muli %add3A_307, %mul3A_444 : i32
        %add3A_446 = arith.constant 8 : i32
        %add3A_447 = arith.addi %mul3A_445, %add3A_446 : i32
        %dma_start3A_448 = arith.constant 0 : i32
        %dma_start3A_449 = arith.constant 8 : i32
        %dma_start3A_450 = arith.constant 0 : i32
        %dma_start3A_451 = tpu.memref_slice %arg6[%dma_start3A_448, %dma_start3A_449, %dma_start3A_450] : memref<2x16x512xf32, #tpu.memory_space<vmem>> -> memref<1x1x512xf32, #tpu.memory_space<vmem>>
        %dma_start3A_452 = tpu.memref_squeeze %dma_start3A_451 : memref<1x1x512xf32, #tpu.memory_space<vmem>> -> memref<512xf32, #tpu.memory_space<vmem>>
        %dma_start3A_453 = arith.constant 0 : i32
        %dma_start3A_454 = tpu.memref_slice %arg5[%add3A_307, %dma_start3A_453] : memref<13x512xi32, #tpu.memory_space<vmem>> -> memref<1x512xi32, #tpu.memory_space<vmem>>
        %dma_start3A_455 = tpu.memref_squeeze %dma_start3A_454 : memref<1x512xi32, #tpu.memory_space<vmem>> -> memref<512xi32, #tpu.memory_space<vmem>>
        %dma_start3A_456 = arith.constant 0 : i32
        %dma_start3A_457 = tpu.memref_slice %arg2[%add3A_447, %dma_start3A_456] : memref<208x100000xf32, #tpu.memory_space<hbm>> -> memref<1x100000xf32, #tpu.memory_space<hbm>>
        %dma_start3A_458 = tpu.memref_squeeze %dma_start3A_457 : memref<1x100000xf32, #tpu.memory_space<hbm>> -> memref<100000xf32, #tpu.memory_space<hbm>>
        %dma_start3A_459 = arith.constant 0 : i32
        %dma_start3A_460 = tpu.memref_slice %dma_start3A_458[%dma_start3A_459] : memref<100000xf32, #tpu.memory_space<hbm>> -> memref<100000xf32, #tpu.memory_space<hbm>>
        tpu.enqueue_indirect_dma source(%dma_start3A_460 : memref<100000xf32, #tpu.memory_space<hbm>>) target(%dma_start3A_452 : memref<512xf32, #tpu.memory_space<vmem>>) offsets(%dma_start3A_455 : memref<512xi32, #tpu.memory_space<vmem>>) semaphore(%arg7 : memref<!tpu.dma_semaphore, #tpu.memory_space<semaphore_mem>>)
        %mul3A_461 = arith.constant 16 : i32
        %mul3A_462 = arith.muli %add3A_307, %mul3A_461 : i32
        %add3A_463 = arith.constant 9 : i32
        %add3A_464 = arith.addi %mul3A_462, %add3A_463 : i32
        %dma_start3A_465 = arith.constant 0 : i32
        %dma_start3A_466 = arith.constant 9 : i32
        %dma_start3A_467 = arith.constant 0 : i32
        %dma_start3A_468 = tpu.memref_slice %arg6[%dma_start3A_465, %dma_start3A_466, %dma_start3A_467] : memref<2x16x512xf32, #tpu.memory_space<vmem>> -> memref<1x1x512xf32, #tpu.memory_space<vmem>>
        %dma_start3A_469 = tpu.memref_squeeze %dma_start3A_468 : memref<1x1x512xf32, #tpu.memory_space<vmem>> -> memref<512xf32, #tpu.memory_space<vmem>>
        %dma_start3A_470 = arith.constant 0 : i32
        %dma_start3A_471 = tpu.memref_slice %arg5[%add3A_307, %dma_start3A_470] : memref<13x512xi32, #tpu.memory_space<vmem>> -> memref<1x512xi32, #tpu.memory_space<vmem>>
        %dma_start3A_472 = tpu.memref_squeeze %dma_start3A_471 : memref<1x512xi32, #tpu.memory_space<vmem>> -> memref<512xi32, #tpu.memory_space<vmem>>
        %dma_start3A_473 = arith.constant 0 : i32
        %dma_start3A_474 = tpu.memref_slice %arg2[%add3A_464, %dma_start3A_473] : memref<208x100000xf32, #tpu.memory_space<hbm>> -> memref<1x100000xf32, #tpu.memory_space<hbm>>
        %dma_start3A_475 = tpu.memref_squeeze %dma_start3A_474 : memref<1x100000xf32, #tpu.memory_space<hbm>> -> memref<100000xf32, #tpu.memory_space<hbm>>
        %dma_start3A_476 = arith.constant 0 : i32
        %dma_start3A_477 = tpu.memref_slice %dma_start3A_475[%dma_start3A_476] : memref<100000xf32, #tpu.memory_space<hbm>> -> memref<100000xf32, #tpu.memory_space<hbm>>
        tpu.enqueue_indirect_dma source(%dma_start3A_477 : memref<100000xf32, #tpu.memory_space<hbm>>) target(%dma_start3A_469 : memref<512xf32, #tpu.memory_space<vmem>>) offsets(%dma_start3A_472 : memref<512xi32, #tpu.memory_space<vmem>>) semaphore(%arg7 : memref<!tpu.dma_semaphore, #tpu.memory_space<semaphore_mem>>)
        %mul3A_478 = arith.constant 16 : i32
        %mul3A_479 = arith.muli %add3A_307, %mul3A_478 : i32
        %add3A_480 = arith.constant 10 : i32
        %add3A_481 = arith.addi %mul3A_479, %add3A_480 : i32
        %dma_start3A_482 = arith.constant 0 : i32
        %dma_start3A_483 = arith.constant 10 : i32
        %dma_start3A_484 = arith.constant 0 : i32
        %dma_start3A_485 = tpu.memref_slice %arg6[%dma_start3A_482, %dma_start3A_483, %dma_start3A_484] : memref<2x16x512xf32, #tpu.memory_space<vmem>> -> memref<1x1x512xf32, #tpu.memory_space<vmem>>
        %dma_start3A_486 = tpu.memref_squeeze %dma_start3A_485 : memref<1x1x512xf32, #tpu.memory_space<vmem>> -> memref<512xf32, #tpu.memory_space<vmem>>
        %dma_start3A_487 = arith.constant 0 : i32
        %dma_start3A_488 = tpu.memref_slice %arg5[%add3A_307, %dma_start3A_487] : memref<13x512xi32, #tpu.memory_space<vmem>> -> memref<1x512xi32, #tpu.memory_space<vmem>>
        %dma_start3A_489 = tpu.memref_squeeze %dma_start3A_488 : memref<1x512xi32, #tpu.memory_space<vmem>> -> memref<512xi32, #tpu.memory_space<vmem>>
        %dma_start3A_490 = arith.constant 0 : i32
        %dma_start3A_491 = tpu.memref_slice %arg2[%add3A_481, %dma_start3A_490] : memref<208x100000xf32, #tpu.memory_space<hbm>> -> memref<1x100000xf32, #tpu.memory_space<hbm>>
        %dma_start3A_492 = tpu.memref_squeeze %dma_start3A_491 : memref<1x100000xf32, #tpu.memory_space<hbm>> -> memref<100000xf32, #tpu.memory_space<hbm>>
        %dma_start3A_493 = arith.constant 0 : i32
        %dma_start3A_494 = tpu.memref_slice %dma_start3A_492[%dma_start3A_493] : memref<100000xf32, #tpu.memory_space<hbm>> -> memref<100000xf32, #tpu.memory_space<hbm>>
        tpu.enqueue_indirect_dma source(%dma_start3A_494 : memref<100000xf32, #tpu.memory_space<hbm>>) target(%dma_start3A_486 : memref<512xf32, #tpu.memory_space<vmem>>) offsets(%dma_start3A_489 : memref<512xi32, #tpu.memory_space<vmem>>) semaphore(%arg7 : memref<!tpu.dma_semaphore, #tpu.memory_space<semaphore_mem>>)
        %mul3A_495 = arith.constant 16 : i32
        %mul3A_496 = arith.muli %add3A_307, %mul3A_495 : i32
        %add3A_497 = arith.constant 11 : i32
        %add3A_498 = arith.addi %mul3A_496, %add3A_497 : i32
        %dma_start3A_499 = arith.constant 0 : i32
        %dma_start3A_500 = arith.constant 11 : i32
        %dma_start3A_501 = arith.constant 0 : i32
        %dma_start3A_502 = tpu.memref_slice %arg6[%dma_start3A_499, %dma_start3A_500, %dma_start3A_501] : memref<2x16x512xf32, #tpu.memory_space<vmem>> -> memref<1x1x512xf32, #tpu.memory_space<vmem>>
        %dma_start3A_503 = tpu.memref_squeeze %dma_start3A_502 : memref<1x1x512xf32, #tpu.memory_space<vmem>> -> memref<512xf32, #tpu.memory_space<vmem>>
        %dma_start3A_504 = arith.constant 0 : i32
        %dma_start3A_505 = tpu.memref_slice %arg5[%add3A_307, %dma_start3A_504] : memref<13x512xi32, #tpu.memory_space<vmem>> -> memref<1x512xi32, #tpu.memory_space<vmem>>
        %dma_start3A_506 = tpu.memref_squeeze %dma_start3A_505 : memref<1x512xi32, #tpu.memory_space<vmem>> -> memref<512xi32, #tpu.memory_space<vmem>>
        %dma_start3A_507 = arith.constant 0 : i32
        %dma_start3A_508 = tpu.memref_slice %arg2[%add3A_498, %dma_start3A_507] : memref<208x100000xf32, #tpu.memory_space<hbm>> -> memref<1x100000xf32, #tpu.memory_space<hbm>>
        %dma_start3A_509 = tpu.memref_squeeze %dma_start3A_508 : memref<1x100000xf32, #tpu.memory_space<hbm>> -> memref<100000xf32, #tpu.memory_space<hbm>>
        %dma_start3A_510 = arith.constant 0 : i32
        %dma_start3A_511 = tpu.memref_slice %dma_start3A_509[%dma_start3A_510] : memref<100000xf32, #tpu.memory_space<hbm>> -> memref<100000xf32, #tpu.memory_space<hbm>>
        tpu.enqueue_indirect_dma source(%dma_start3A_511 : memref<100000xf32, #tpu.memory_space<hbm>>) target(%dma_start3A_503 : memref<512xf32, #tpu.memory_space<vmem>>) offsets(%dma_start3A_506 : memref<512xi32, #tpu.memory_space<vmem>>) semaphore(%arg7 : memref<!tpu.dma_semaphore, #tpu.memory_space<semaphore_mem>>)
        %mul3A_512 = arith.constant 16 : i32
        %mul3A_513 = arith.muli %add3A_307, %mul3A_512 : i32
        %add3A_514 = arith.constant 12 : i32
        %add3A_515 = arith.addi %mul3A_513, %add3A_514 : i32
        %dma_start3A_516 = arith.constant 0 : i32
        %dma_start3A_517 = arith.constant 12 : i32
        %dma_start3A_518 = arith.constant 0 : i32
        %dma_start3A_519 = tpu.memref_slice %arg6[%dma_start3A_516, %dma_start3A_517, %dma_start3A_518] : memref<2x16x512xf32, #tpu.memory_space<vmem>> -> memref<1x1x512xf32, #tpu.memory_space<vmem>>
        %dma_start3A_520 = tpu.memref_squeeze %dma_start3A_519 : memref<1x1x512xf32, #tpu.memory_space<vmem>> -> memref<512xf32, #tpu.memory_space<vmem>>
        %dma_start3A_521 = arith.constant 0 : i32
        %dma_start3A_522 = tpu.memref_slice %arg5[%add3A_307, %dma_start3A_521] : memref<13x512xi32, #tpu.memory_space<vmem>> -> memref<1x512xi32, #tpu.memory_space<vmem>>
        %dma_start3A_523 = tpu.memref_squeeze %dma_start3A_522 : memref<1x512xi32, #tpu.memory_space<vmem>> -> memref<512xi32, #tpu.memory_space<vmem>>
        %dma_start3A_524 = arith.constant 0 : i32
        %dma_start3A_525 = tpu.memref_slice %arg2[%add3A_515, %dma_start3A_524] : memref<208x100000xf32, #tpu.memory_space<hbm>> -> memref<1x100000xf32, #tpu.memory_space<hbm>>
        %dma_start3A_526 = tpu.memref_squeeze %dma_start3A_525 : memref<1x100000xf32, #tpu.memory_space<hbm>> -> memref<100000xf32, #tpu.memory_space<hbm>>
        %dma_start3A_527 = arith.constant 0 : i32
        %dma_start3A_528 = tpu.memref_slice %dma_start3A_526[%dma_start3A_527] : memref<100000xf32, #tpu.memory_space<hbm>> -> memref<100000xf32, #tpu.memory_space<hbm>>
        tpu.enqueue_indirect_dma source(%dma_start3A_528 : memref<100000xf32, #tpu.memory_space<hbm>>) target(%dma_start3A_520 : memref<512xf32, #tpu.memory_space<vmem>>) offsets(%dma_start3A_523 : memref<512xi32, #tpu.memory_space<vmem>>) semaphore(%arg7 : memref<!tpu.dma_semaphore, #tpu.memory_space<semaphore_mem>>)
        %mul3A_529 = arith.constant 16 : i32
        %mul3A_530 = arith.muli %add3A_307, %mul3A_529 : i32
        %add3A_531 = arith.constant 13 : i32
        %add3A_532 = arith.addi %mul3A_530, %add3A_531 : i32
        %dma_start3A_533 = arith.constant 0 : i32
        %dma_start3A_534 = arith.constant 13 : i32
        %dma_start3A_535 = arith.constant 0 : i32
        %dma_start3A_536 = tpu.memref_slice %arg6[%dma_start3A_533, %dma_start3A_534, %dma_start3A_535] : memref<2x16x512xf32, #tpu.memory_space<vmem>> -> memref<1x1x512xf32, #tpu.memory_space<vmem>>
        %dma_start3A_537 = tpu.memref_squeeze %dma_start3A_536 : memref<1x1x512xf32, #tpu.memory_space<vmem>> -> memref<512xf32, #tpu.memory_space<vmem>>
        %dma_start3A_538 = arith.constant 0 : i32
        %dma_start3A_539 = tpu.memref_slice %arg5[%add3A_307, %dma_start3A_538] : memref<13x512xi32, #tpu.memory_space<vmem>> -> memref<1x512xi32, #tpu.memory_space<vmem>>
        %dma_start3A_540 = tpu.memref_squeeze %dma_start3A_539 : memref<1x512xi32, #tpu.memory_space<vmem>> -> memref<512xi32, #tpu.memory_space<vmem>>
        %dma_start3A_541 = arith.constant 0 : i32
        %dma_start3A_542 = tpu.memref_slice %arg2[%add3A_532, %dma_start3A_541] : memref<208x100000xf32, #tpu.memory_space<hbm>> -> memref<1x100000xf32, #tpu.memory_space<hbm>>
        %dma_start3A_543 = tpu.memref_squeeze %dma_start3A_542 : memref<1x100000xf32, #tpu.memory_space<hbm>> -> memref<100000xf32, #tpu.memory_space<hbm>>
        %dma_start3A_544 = arith.constant 0 : i32
        %dma_start3A_545 = tpu.memref_slice %dma_start3A_543[%dma_start3A_544] : memref<100000xf32, #tpu.memory_space<hbm>> -> memref<100000xf32, #tpu.memory_space<hbm>>
        tpu.enqueue_indirect_dma source(%dma_start3A_545 : memref<100000xf32, #tpu.memory_space<hbm>>) target(%dma_start3A_537 : memref<512xf32, #tpu.memory_space<vmem>>) offsets(%dma_start3A_540 : memref<512xi32, #tpu.memory_space<vmem>>) semaphore(%arg7 : memref<!tpu.dma_semaphore, #tpu.memory_space<semaphore_mem>>)
        %mul3A_546 = arith.constant 16 : i32
        %mul3A_547 = arith.muli %add3A_307, %mul3A_546 : i32
        %add3A_548 = arith.constant 14 : i32
        %add3A_549 = arith.addi %mul3A_547, %add3A_548 : i32
        %dma_start3A_550 = arith.constant 0 : i32
        %dma_start3A_551 = arith.constant 14 : i32
        %dma_start3A_552 = arith.constant 0 : i32
        %dma_start3A_553 = tpu.memref_slice %arg6[%dma_start3A_550, %dma_start3A_551, %dma_start3A_552] : memref<2x16x512xf32, #tpu.memory_space<vmem>> -> memref<1x1x512xf32, #tpu.memory_space<vmem>>
        %dma_start3A_554 = tpu.memref_squeeze %dma_start3A_553 : memref<1x1x512xf32, #tpu.memory_space<vmem>> -> memref<512xf32, #tpu.memory_space<vmem>>
        %dma_start3A_555 = arith.constant 0 : i32
        %dma_start3A_556 = tpu.memref_slice %arg5[%add3A_307, %dma_start3A_555] : memref<13x512xi32, #tpu.memory_space<vmem>> -> memref<1x512xi32, #tpu.memory_space<vmem>>
        %dma_start3A_557 = tpu.memref_squeeze %dma_start3A_556 : memref<1x512xi32, #tpu.memory_space<vmem>> -> memref<512xi32, #tpu.memory_space<vmem>>
        %dma_start3A_558 = arith.constant 0 : i32
        %dma_start3A_559 = tpu.memref_slice %arg2[%add3A_549, %dma_start3A_558] : memref<208x100000xf32, #tpu.memory_space<hbm>> -> memref<1x100000xf32, #tpu.memory_space<hbm>>
        %dma_start3A_560 = tpu.memref_squeeze %dma_start3A_559 : memref<1x100000xf32, #tpu.memory_space<hbm>> -> memref<100000xf32, #tpu.memory_space<hbm>>
        %dma_start3A_561 = arith.constant 0 : i32
        %dma_start3A_562 = tpu.memref_slice %dma_start3A_560[%dma_start3A_561] : memref<100000xf32, #tpu.memory_space<hbm>> -> memref<100000xf32, #tpu.memory_space<hbm>>
        tpu.enqueue_indirect_dma source(%dma_start3A_562 : memref<100000xf32, #tpu.memory_space<hbm>>) target(%dma_start3A_554 : memref<512xf32, #tpu.memory_space<vmem>>) offsets(%dma_start3A_557 : memref<512xi32, #tpu.memory_space<vmem>>) semaphore(%arg7 : memref<!tpu.dma_semaphore, #tpu.memory_space<semaphore_mem>>)
        %mul3A_563 = arith.constant 16 : i32
        %mul3A_564 = arith.muli %add3A_307, %mul3A_563 : i32
        %add3A_565 = arith.constant 15 : i32
        %add3A_566 = arith.addi %mul3A_564, %add3A_565 : i32
        %dma_start3A_567 = arith.constant 0 : i32
        %dma_start3A_568 = arith.constant 15 : i32
        %dma_start3A_569 = arith.constant 0 : i32
        %dma_start3A_570 = tpu.memref_slice %arg6[%dma_start3A_567, %dma_start3A_568, %dma_start3A_569] : memref<2x16x512xf32, #tpu.memory_space<vmem>> -> memref<1x1x512xf32, #tpu.memory_space<vmem>>
        %dma_start3A_571 = tpu.memref_squeeze %dma_start3A_570 : memref<1x1x512xf32, #tpu.memory_space<vmem>> -> memref<512xf32, #tpu.memory_space<vmem>>
        %dma_start3A_572 = arith.constant 0 : i32
        %dma_start3A_573 = tpu.memref_slice %arg5[%add3A_307, %dma_start3A_572] : memref<13x512xi32, #tpu.memory_space<vmem>> -> memref<1x512xi32, #tpu.memory_space<vmem>>
        %dma_start3A_574 = tpu.memref_squeeze %dma_start3A_573 : memref<1x512xi32, #tpu.memory_space<vmem>> -> memref<512xi32, #tpu.memory_space<vmem>>
        %dma_start3A_575 = arith.constant 0 : i32
        %dma_start3A_576 = tpu.memref_slice %arg2[%add3A_566, %dma_start3A_575] : memref<208x100000xf32, #tpu.memory_space<hbm>> -> memref<1x100000xf32, #tpu.memory_space<hbm>>
        %dma_start3A_577 = tpu.memref_squeeze %dma_start3A_576 : memref<1x100000xf32, #tpu.memory_space<hbm>> -> memref<100000xf32, #tpu.memory_space<hbm>>
        %dma_start3A_578 = arith.constant 0 : i32
        %dma_start3A_579 = tpu.memref_slice %dma_start3A_577[%dma_start3A_578] : memref<100000xf32, #tpu.memory_space<hbm>> -> memref<100000xf32, #tpu.memory_space<hbm>>
        tpu.enqueue_indirect_dma source(%dma_start3A_579 : memref<100000xf32, #tpu.memory_space<hbm>>) target(%dma_start3A_571 : memref<512xf32, #tpu.memory_space<vmem>>) offsets(%dma_start3A_574 : memref<512xi32, #tpu.memory_space<vmem>>) semaphore(%arg7 : memref<!tpu.dma_semaphore, #tpu.memory_space<semaphore_mem>>)
      } else {
      }
      %eq3A_284 = arith.constant 0 : i32
      %eq3A_285 = arith.cmpi eq, %rem3A_260, %eq3A_284 : i32
      %convert_element_type3A_286 = arith.extui %eq3A_285 : i1 to i32
      %cond3A_287 = arith.constant 0 : i32
      %cond3A_288 = arith.cmpi ne, %convert_element_type3A_286, %cond3A_287 : i32
      scf.if %cond3A_288 {
        %dma_wait3A_306 = arith.constant 0 : i32
        %dma_wait3A_307 = arith.constant 0 : i32
        %dma_wait3A_308 = arith.constant 0 : i32
        %dma_wait3A_309 = tpu.memref_slice %arg6[%dma_wait3A_306, %dma_wait3A_307, %dma_wait3A_308] : memref<2x16x512xf32, #tpu.memory_space<vmem>> -> memref<1x16x512xf32, #tpu.memory_space<vmem>>
        %dma_wait3A_310 = tpu.memref_squeeze %dma_wait3A_309 : memref<1x16x512xf32, #tpu.memory_space<vmem>> -> memref<16x512xf32, #tpu.memory_space<vmem>>
        %dma_wait3A_311 = arith.constant 0 : i32
        %dma_wait3A_312 = arith.constant 0 : i32
        %dma_wait3A_313 = tpu.memref_slice %arg4[%dma_wait3A_311, %dma_wait3A_312] : memref<208x16384xf32, #tpu.memory_space<hbm>> -> memref<16x512xf32, #tpu.memory_space<hbm>>
        %dma_wait3A_314 = arith.constant 0 : i32
        %dma_wait3A_315 = arith.constant 0 : i32
        %dma_wait3A_316 = tpu.memref_slice %arg6[%dma_wait3A_306, %dma_wait3A_314, %dma_wait3A_315] : memref<2x16x512xf32, #tpu.memory_space<vmem>> -> memref<1x16x512xf32, #tpu.memory_space<vmem>>
        %dma_wait3A_317 = tpu.memref_squeeze %dma_wait3A_316 : memref<1x16x512xf32, #tpu.memory_space<vmem>> -> memref<16x512xf32, #tpu.memory_space<vmem>>
        %dma_wait3A_318 = arith.constant 0 : i32
        %dma_wait3A_319 = arith.constant 0 : i32
        %dma_wait3A_320 = tpu.memref_slice %arg4[%dma_wait3A_318, %dma_wait3A_319] : memref<208x16384xf32, #tpu.memory_space<hbm>> -> memref<16x512xf32, #tpu.memory_space<hbm>>
        tpu.wait_dma2 semaphore(%arg7 : memref<!tpu.dma_semaphore, #tpu.memory_space<semaphore_mem>>) src(%dma_wait3A_320 : memref<16x512xf32, #tpu.memory_space<hbm>>) dst(%dma_wait3A_317 : memref<16x512xf32, #tpu.memory_space<vmem>>)
      } else {
      }
      %eq3A_289 = arith.constant 1 : i32
      %eq3A_290 = arith.cmpi eq, %rem3A_260, %eq3A_289 : i32
      %convert_element_type3A_291 = arith.extui %eq3A_290 : i1 to i32
      %cond3A_292 = arith.constant 0 : i32
      %cond3A_293 = arith.cmpi ne, %convert_element_type3A_291, %cond3A_292 : i32
      scf.if %cond3A_293 {
        %dma_wait3A_306 = arith.constant 1 : i32
        %dma_wait3A_307 = arith.constant 0 : i32
        %dma_wait3A_308 = arith.constant 0 : i32
        %dma_wait3A_309 = tpu.memref_slice %arg6[%dma_wait3A_306, %dma_wait3A_307, %dma_wait3A_308] : memref<2x16x512xf32, #tpu.memory_space<vmem>> -> memref<1x16x512xf32, #tpu.memory_space<vmem>>
        %dma_wait3A_310 = tpu.memref_squeeze %dma_wait3A_309 : memref<1x16x512xf32, #tpu.memory_space<vmem>> -> memref<16x512xf32, #tpu.memory_space<vmem>>
        %dma_wait3A_311 = arith.constant 0 : i32
        %dma_wait3A_312 = arith.constant 0 : i32
        %dma_wait3A_313 = tpu.memref_slice %arg4[%dma_wait3A_311, %dma_wait3A_312] : memref<208x16384xf32, #tpu.memory_space<hbm>> -> memref<16x512xf32, #tpu.memory_space<hbm>>
        %dma_wait3A_314 = arith.constant 0 : i32
        %dma_wait3A_315 = arith.constant 0 : i32
        %dma_wait3A_316 = tpu.memref_slice %arg6[%dma_wait3A_306, %dma_wait3A_314, %dma_wait3A_315] : memref<2x16x512xf32, #tpu.memory_space<vmem>> -> memref<1x16x512xf32, #tpu.memory_space<vmem>>
        %dma_wait3A_317 = tpu.memref_squeeze %dma_wait3A_316 : memref<1x16x512xf32, #tpu.memory_space<vmem>> -> memref<16x512xf32, #tpu.memory_space<vmem>>
        %dma_wait3A_318 = arith.constant 0 : i32
        %dma_wait3A_319 = arith.constant 0 : i32
        %dma_wait3A_320 = tpu.memref_slice %arg4[%dma_wait3A_318, %dma_wait3A_319] : memref<208x16384xf32, #tpu.memory_space<hbm>> -> memref<16x512xf32, #tpu.memory_space<hbm>>
        tpu.wait_dma2 semaphore(%arg8 : memref<!tpu.dma_semaphore, #tpu.memory_space<semaphore_mem>>) src(%dma_wait3A_320 : memref<16x512xf32, #tpu.memory_space<hbm>>) dst(%dma_wait3A_317 : memref<16x512xf32, #tpu.memory_space<vmem>>)
      } else {
      }
      %mul3A_294 = arith.constant 16 : i32
      %mul3A_295 = arith.muli %scan3A_259, %mul3A_294 : i32
      %dma_start3A_296 = arith.constant 0 : i32
      %dma_start3A_297 = arith.constant 0 : i32
      %dma_start3A_298 = tpu.memref_slice %arg6[%rem3A_260, %dma_start3A_296, %dma_start3A_297] : memref<2x16x512xf32, #tpu.memory_space<vmem>> -> memref<1x16x512xf32, #tpu.memory_space<vmem>>
      %dma_start3A_299 = tpu.memref_squeeze %dma_start3A_298 : memref<1x16x512xf32, #tpu.memory_space<vmem>> -> memref<16x512xf32, #tpu.memory_space<vmem>>
      %dma_start3A_300 = tpu.memref_slice %arg4[%mul3A_295, %mul3A_2] : memref<208x16384xf32, #tpu.memory_space<hbm>> -> memref<16x512xf32, #tpu.memory_space<hbm>>
      %dma_start3A_301 = tpu.memref_slice %arg4[%mul3A_295, %mul3A_2] : memref<208x16384xf32, #tpu.memory_space<hbm>> -> memref<16x512xf32, #tpu.memory_space<hbm>>
      %dma_start3A_302 = arith.constant 0 : i32
      %dma_start3A_303 = arith.constant 0 : i32
      %dma_start3A_304 = tpu.memref_slice %arg6[%rem3A_260, %dma_start3A_302, %dma_start3A_303] : memref<2x16x512xf32, #tpu.memory_space<vmem>> -> memref<1x16x512xf32, #tpu.memory_space<vmem>>
      %dma_start3A_305 = tpu.memref_squeeze %dma_start3A_304 : memref<1x16x512xf32, #tpu.memory_space<vmem>> -> memref<16x512xf32, #tpu.memory_space<vmem>>
      tpu.enqueue_dma source(%dma_start3A_305 : memref<16x512xf32, #tpu.memory_space<vmem>>) target(%dma_start3A_301 : memref<16x512xf32, #tpu.memory_space<hbm>>) target_semaphore(%arg9 : memref<!tpu.dma_semaphore, #tpu.memory_space<semaphore_mem>>)
    }
    %scan3A_246 = arith.constant 13 : i32
    %dma_wait3A = arith.constant 0 : i32
    %dma_wait3A_247 = arith.constant 0 : i32
    %dma_wait3A_248 = arith.constant 0 : i32
    %dma_wait3A_249 = tpu.memref_slice %arg6[%dma_wait3A, %dma_wait3A_247, %dma_wait3A_248] : memref<2x16x512xf32, #tpu.memory_space<vmem>> -> memref<1x16x512xf32, #tpu.memory_space<vmem>>
    %dma_wait3A_250 = tpu.memref_squeeze %dma_wait3A_249 : memref<1x16x512xf32, #tpu.memory_space<vmem>> -> memref<16x512xf32, #tpu.memory_space<vmem>>
    %dma_wait3A_251 = arith.constant 192 : i32
    %dma_wait3A_252 = tpu.memref_slice %arg4[%dma_wait3A_251, %mul3A_2] : memref<208x16384xf32, #tpu.memory_space<hbm>> -> memref<16x512xf32, #tpu.memory_space<hbm>>
    %dma_wait3A_253 = arith.constant 192 : i32
    %dma_wait3A_254 = tpu.memref_slice %arg4[%dma_wait3A_253, %mul3A_2] : memref<208x16384xf32, #tpu.memory_space<hbm>> -> memref<16x512xf32, #tpu.memory_space<hbm>>
    %dma_wait3A_255 = arith.constant 0 : i32
    %dma_wait3A_256 = arith.constant 0 : i32
    %dma_wait3A_257 = tpu.memref_slice %arg6[%dma_wait3A, %dma_wait3A_255, %dma_wait3A_256] : memref<2x16x512xf32, #tpu.memory_space<vmem>> -> memref<1x16x512xf32, #tpu.memory_space<vmem>>
    %dma_wait3A_258 = tpu.memref_squeeze %dma_wait3A_257 : memref<1x16x512xf32, #tpu.memory_space<vmem>> -> memref<16x512xf32, #tpu.memory_space<vmem>>
    tpu.wait_dma2 semaphore(%arg9 : memref<!tpu.dma_semaphore, #tpu.memory_space<semaphore_mem>>) src(%dma_wait3A_258 : memref<16x512xf32, #tpu.memory_space<vmem>>) dst(%dma_wait3A_254 : memref<16x512xf32, #tpu.memory_space<hbm>>)
    return
  }
}

module attributes {stable_mosaic.version = 14 : i64} {
  func.func @_k1_body(%arg0: i32, %arg1: memref<13x16384xf32, #tpu.memory_space<vmem>>, %arg2: memref<208x2048xf32, #tpu.memory_space<vmem>>, %arg3: memref<208x2048xf32, #tpu.memory_space<vmem>>, %arg4: memref<208x512xf32, #tpu.memory_space<vmem>>, %arg5: memref<208x512xf32, #tpu.memory_space<vmem>>, %arg6: memref<13x512xf32, #tpu.memory_space<vmem>>, %arg7: memref<512x1xf32, #tpu.memory_space<vmem>>, %arg8: memref<13x1xf32, #tpu.memory_space<vmem>>, %arg9: memref<13x1xf32, #tpu.memory_space<vmem>>, %arg10: memref<512x2048xf32, #tpu.memory_space<vmem>>, %arg11: memref<2x512xf32, #tpu.memory_space<vmem>>, %arg12: memref<2x512xf32, #tpu.memory_space<vmem>>, %arg13: memref<13x2xf32, #tpu.memory_space<vmem>>) attributes {dimension_semantics = [#tpu.dimension_semantics<arbitrary>], iteration_bounds = array<i64: 8>, scalar_prefetch = 0 : i64, scratch_operands = 2 : i64, tpu.core_type = #tpu.core_type<tc>, window_params = [{pipeline_mode = #tpu.pipeline_mode<synchronous>, transform_indices = @transform_0, window_bounds = array<i64: 13, 16384>}, {transform_indices = @transform_1, window_bounds = array<i64: 208, 2048>}, {transform_indices = @transform_2, window_bounds = array<i64: 208, 2048>}, {pipeline_mode = #tpu.pipeline_mode<synchronous>, transform_indices = @transform_3, window_bounds = array<i64: 208, 512>}, {pipeline_mode = #tpu.pipeline_mode<synchronous>, transform_indices = @transform_4, window_bounds = array<i64: 208, 512>}, {pipeline_mode = #tpu.pipeline_mode<synchronous>, transform_indices = @transform_5, window_bounds = array<i64: 13, 512>}, {pipeline_mode = #tpu.pipeline_mode<synchronous>, transform_indices = @transform_6, window_bounds = array<i64: 512, 1>}, {pipeline_mode = #tpu.pipeline_mode<synchronous>, transform_indices = @transform_7, window_bounds = array<i64: 13, 1>}, {pipeline_mode = #tpu.pipeline_mode<synchronous>, transform_indices = @transform_8, window_bounds = array<i64: 13, 1>}, {transform_indices = @transform_9, window_bounds = array<i64: 512, 2048>}, {pipeline_mode = #tpu.pipeline_mode<synchronous>, transform_indices = @transform_10, window_bounds = array<i64: 2, 512>}]} {
    %eq3A = arith.constant 0 : i32
    %eq3A_0 = arith.cmpi eq, %arg0, %eq3A : i32
    %convert_element_type3A = arith.extui %eq3A_0 : i1 to i32
    %cond3A = arith.constant 0 : i32
    %cond3A_1 = arith.cmpi ne, %convert_element_type3A, %cond3A : i32
    scf.if %cond3A_1 {
      %get3A_77 = arith.constant 0 : index
      %get3A_78 = arith.constant 0 : index
      %get3A_79 = vector.load %arg1[%get3A_77, %get3A_78] : memref<13x16384xf32, #tpu.memory_space<vmem>>, vector<13x16384xf32>
      %reduce_sum3A_80 = arith.constant dense<0.000000e+00> : vector<13xf32>
      %reduce_sum3A_81 = vector.multi_reduction <add>, %get3A_79, %reduce_sum3A_80 [1] : vector<13x16384xf32> to vector<13xf32>
      %div3A = arith.constant 1.638400e+04 : f32
      %div3A_82 = vector.broadcast %div3A : f32 to vector<13xf32>
      %div3A_83 = arith.divf %reduce_sum3A_81, %div3A_82 : vector<13xf32>
      %mul3A_84 = arith.mulf %get3A_79, %get3A_79 : vector<13x16384xf32>
      %reduce_sum3A_85 = arith.constant dense<0.000000e+00> : vector<13xf32>
      %reduce_sum3A_86 = vector.multi_reduction <add>, %mul3A_84, %reduce_sum3A_85 [1] : vector<13x16384xf32> to vector<13xf32>
      %div3A_87 = arith.constant 1.638400e+04 : f32
      %div3A_88 = vector.broadcast %div3A_87 : f32 to vector<13xf32>
      %div3A_89 = arith.divf %reduce_sum3A_86, %div3A_88 : vector<13xf32>
      %mul3A_90 = arith.mulf %div3A_83, %div3A_83 : vector<13xf32>
      %sub3A = arith.subf %div3A_89, %mul3A_90 : vector<13xf32>
      %get3A_91 = arith.constant 0 : index
      %get3A_92 = arith.constant 0 : index
      %get3A_93 = vector.load %arg8[%get3A_91, %get3A_92] : memref<13x1xf32, #tpu.memory_space<vmem>>, vector<13x1xf32>
      %get3A_94 = vector.shape_cast %get3A_93 : vector<13x1xf32> to vector<13xf32>
      %add3A_95 = arith.constant 9.99999974E-6 : f32
      %add3A_96 = vector.broadcast %add3A_95 : f32 to vector<13xf32>
      %add3A_97 = arith.addf %sub3A, %add3A_96 : vector<13xf32>
      %rsqrt3A = math.rsqrt %add3A_97 : vector<13xf32>
      %mul3A_98 = arith.mulf %get3A_94, %rsqrt3A : vector<13xf32>
      %swap3A_99 = arith.constant 0 : index
      %swap3A_100 = arith.constant 0 : index
      %swap3A_101 = vector.load %arg13[%swap3A_99, %swap3A_100] : memref<13x2xf32, #tpu.memory_space<vmem>>, vector<13x1xf32>
      %swap3A_102 = vector.shape_cast %swap3A_101 : vector<13x1xf32> to vector<13xf32>
      %swap3A_103 = vector.shape_cast %mul3A_98 : vector<13xf32> to vector<13x1xf32>
      tpu.vector_store %arg13[%swap3A_99, %swap3A_100], %swap3A_103 {strides = array<i32>} : memref<13x2xf32, #tpu.memory_space<vmem>>, vector<13x1xf32>,
      %get3A_104 = arith.constant 0 : index
      %get3A_105 = arith.constant 0 : index
      %get3A_106 = vector.load %arg9[%get3A_104, %get3A_105] : memref<13x1xf32, #tpu.memory_space<vmem>>, vector<13x1xf32>
      %get3A_107 = vector.shape_cast %get3A_106 : vector<13x1xf32> to vector<13xf32>
      %mul3A_108 = arith.mulf %div3A_83, %mul3A_98 : vector<13xf32>
      %sub3A_109 = arith.subf %get3A_107, %mul3A_108 : vector<13xf32>
      %swap3A_110 = arith.constant 0 : index
      %swap3A_111 = arith.constant 1 : index
      %swap3A_112 = vector.load %arg13[%swap3A_110, %swap3A_111] : memref<13x2xf32, #tpu.memory_space<vmem>>, vector<13x1xf32>
      %swap3A_113 = vector.shape_cast %swap3A_112 : vector<13x1xf32> to vector<13xf32>
      %swap3A_114 = vector.shape_cast %sub3A_109 : vector<13xf32> to vector<13x1xf32>
      tpu.vector_store %arg13[%swap3A_110, %swap3A_111], %swap3A_114 {strides = array<i32>} : memref<13x2xf32, #tpu.memory_space<vmem>>, vector<13x1xf32>,
      %broadcast_in_dim3A_115 = arith.constant 0.000000e+00 : f32
      %broadcast_in_dim3A_116 = vector.broadcast %broadcast_in_dim3A_115 : f32 to vector<2x512xf32>
      %swap3A_117 = arith.constant 0 : index
      %swap3A_118 = arith.constant 0 : index
      %swap3A_119 = vector.load %arg12[%swap3A_117, %swap3A_118] : memref<2x512xf32, #tpu.memory_space<vmem>>, vector<2x512xf32>
      tpu.vector_store %arg12[%swap3A_117, %swap3A_118], %broadcast_in_dim3A_116 {strides = array<i32>} : memref<2x512xf32, #tpu.memory_space<vmem>>, vector<2x512xf32>,
    } else {
    }
    %mul3A = arith.constant 2048 : i32
    %mul3A_2 = arith.muli %arg0, %mul3A : i32
    %get3A = arith.constant 0 : index
    %get3A_3 = arith.index_cast %mul3A_2 : i32 to index
    %get3A_4 = vector.load %arg1[%get3A, %get3A_3] : memref<13x16384xf32, #tpu.memory_space<vmem>>, vector<13x2048xf32>
    %get3A_5 = arith.constant 0 : index
    %get3A_6 = arith.constant 0 : index
    %get3A_7 = vector.load %arg13[%get3A_5, %get3A_6] : memref<13x2xf32, #tpu.memory_space<vmem>>, vector<13x1xf32>
    %get3A_8 = vector.shape_cast %get3A_7 : vector<13x1xf32> to vector<13xf32>
    %broadcast_in_dim3A = vector.shape_cast %get3A_8 : vector<13xf32> to vector<13x1xf32>
    %mul3A_9 = vector.broadcast %broadcast_in_dim3A : vector<13x1xf32> to vector<13x2048xf32>
    %mul3A_10 = arith.mulf %get3A_4, %mul3A_9 : vector<13x2048xf32>
    %get3A_11 = arith.constant 0 : index
    %get3A_12 = arith.constant 1 : index
    %get3A_13 = vector.load %arg13[%get3A_11, %get3A_12] : memref<13x2xf32, #tpu.memory_space<vmem>>, vector<13x1xf32>
    %get3A_14 = vector.shape_cast %get3A_13 : vector<13x1xf32> to vector<13xf32>
    %broadcast_in_dim3A_15 = vector.shape_cast %get3A_14 : vector<13xf32> to vector<13x1xf32>
    %add3A = vector.broadcast %broadcast_in_dim3A_15 : vector<13x1xf32> to vector<13x2048xf32>
    %add3A_16 = arith.addf %mul3A_10, %add3A : vector<13x2048xf32>
    %get3A_17 = arith.constant 0 : index
    %get3A_18 = arith.constant 0 : index
    %get3A_19 = vector.load %arg4[%get3A_17, %get3A_18] : memref<208x512xf32, #tpu.memory_space<vmem>>, vector<208x512xf32>
    %get3A_20 = arith.constant 0 : index
    %get3A_21 = arith.constant 0 : index
    %get3A_22 = vector.load %arg2[%get3A_20, %get3A_21] : memref<208x2048xf32, #tpu.memory_space<vmem>>, vector<208x2048xf32>
    %dot_general3A = arith.constant dense<0.000000e+00> : vector<512x2048xf32>
    %dot_general3A_23 = tpu.matmul %get3A_19, %get3A_22, %dot_general3A {dimension_numbers = #tpu.dot_dimension_numbers<[0], [0], [1], [1], [0, 1, 1, 1], [], []>, transpose_lhs_hint = false} : vector<208x512xf32>, vector<208x2048xf32>, vector<512x2048xf32> -> vector<512x2048xf32>
    %get3A_24 = arith.constant 0 : index
    %get3A_25 = arith.constant 0 : index
    %get3A_26 = vector.load %arg5[%get3A_24, %get3A_25] : memref<208x512xf32, #tpu.memory_space<vmem>>, vector<208x512xf32>
    %get3A_27 = arith.constant 0 : index
    %get3A_28 = arith.constant 0 : index
    %get3A_29 = vector.load %arg3[%get3A_27, %get3A_28] : memref<208x2048xf32, #tpu.memory_space<vmem>>, vector<208x2048xf32>
    %dot_general3A_30 = arith.constant dense<0.000000e+00> : vector<512x2048xf32>
    %dot_general3A_31 = tpu.matmul %get3A_26, %get3A_29, %dot_general3A_30 {dimension_numbers = #tpu.dot_dimension_numbers<[0], [0], [1], [1], [0, 1, 1, 1], [], []>, transpose_lhs_hint = false} : vector<208x512xf32>, vector<208x2048xf32>, vector<512x2048xf32> -> vector<512x2048xf32>
    %add3A_32 = arith.addf %dot_general3A_23, %dot_general3A_31 : vector<512x2048xf32>
    %get3A_33 = arith.constant 0 : index
    %get3A_34 = arith.constant 0 : index
    %get3A_35 = vector.load %arg6[%get3A_33, %get3A_34] : memref<13x512xf32, #tpu.memory_space<vmem>>, vector<13x512xf32>
    %dot_general3A_36 = arith.constant dense<0.000000e+00> : vector<512x2048xf32>
    %dot_general3A_37 = tpu.matmul %get3A_35, %add3A_16, %dot_general3A_36 {dimension_numbers = #tpu.dot_dimension_numbers<[0], [0], [1], [1], [0, 1, 1, 1], [], []>, transpose_lhs_hint = false} : vector<13x512xf32>, vector<13x2048xf32>, vector<512x2048xf32> -> vector<512x2048xf32>
    %add3A_38 = arith.addf %add3A_32, %dot_general3A_37 : vector<512x2048xf32>
    %get3A_39 = arith.constant 0 : index
    %get3A_40 = arith.constant 0 : index
    %get3A_41 = vector.load %arg7[%get3A_39, %get3A_40] : memref<512x1xf32, #tpu.memory_space<vmem>>, vector<512x1xf32>
    %add3A_42 = vector.broadcast %get3A_41 : vector<512x1xf32> to vector<512x2048xf32>
    %add3A_43 = arith.addf %add3A_38, %add3A_42 : vector<512x2048xf32>
    %max3A = arith.constant 0.000000e+00 : f32
    %max3A_44 = vector.broadcast %max3A : f32 to vector<512x2048xf32>
    %max3A_45 = arith.maximumf %add3A_43, %max3A_44 : vector<512x2048xf32>
    %swap3A = arith.constant 0 : index
    %swap3A_46 = arith.constant 0 : index
    %swap3A_47 = vector.load %arg10[%swap3A, %swap3A_46] : memref<512x2048xf32, #tpu.memory_space<vmem>>, vector<512x2048xf32>
    tpu.vector_store %arg10[%swap3A, %swap3A_46], %max3A_45 {strides = array<i32>} : memref<512x2048xf32, #tpu.memory_space<vmem>>, vector<512x2048xf32>,
    %get3A_48 = arith.constant 0 : index
    %get3A_49 = arith.constant 0 : index
    %get3A_50 = vector.load %arg12[%get3A_48, %get3A_49] : memref<2x512xf32, #tpu.memory_space<vmem>>, vector<1x512xf32>
    %get3A_51 = vector.shape_cast %get3A_50 : vector<1x512xf32> to vector<512xf32>
    %reduce_sum3A = arith.constant dense<0.000000e+00> : vector<512xf32>
    %reduce_sum3A_52 = vector.multi_reduction <add>, %max3A_45, %reduce_sum3A [1] : vector<512x2048xf32> to vector<512xf32>
    %add3A_53 = arith.addf %get3A_51, %reduce_sum3A_52 : vector<512xf32>
    %swap3A_54 = arith.constant 0 : index
    %swap3A_55 = arith.constant 0 : index
    %swap3A_56 = vector.load %arg12[%swap3A_54, %swap3A_55] : memref<2x512xf32, #tpu.memory_space<vmem>>, vector<1x512xf32>
    %swap3A_57 = vector.shape_cast %swap3A_56 : vector<1x512xf32> to vector<512xf32>
    %swap3A_58 = vector.shape_cast %add3A_53 : vector<512xf32> to vector<1x512xf32>
    tpu.vector_store %arg12[%swap3A_54, %swap3A_55], %swap3A_58 {strides = array<i32>} : memref<2x512xf32, #tpu.memory_space<vmem>>, vector<1x512xf32>,
    %get3A_59 = arith.constant 1 : index
    %get3A_60 = arith.constant 0 : index
    %get3A_61 = vector.load %arg12[%get3A_59, %get3A_60] : memref<2x512xf32, #tpu.memory_space<vmem>>, vector<1x512xf32>
    %get3A_62 = vector.shape_cast %get3A_61 : vector<1x512xf32> to vector<512xf32>
    %mul3A_63 = arith.mulf %max3A_45, %max3A_45 : vector<512x2048xf32>
    %reduce_sum3A_64 = arith.constant dense<0.000000e+00> : vector<512xf32>
    %reduce_sum3A_65 = vector.multi_reduction <add>, %mul3A_63, %reduce_sum3A_64 [1] : vector<512x2048xf32> to vector<512xf32>
    %add3A_66 = arith.addf %get3A_62, %reduce_sum3A_65 : vector<512xf32>
    %swap3A_67 = arith.constant 1 : index
    %swap3A_68 = arith.constant 0 : index
    %swap3A_69 = vector.load %arg12[%swap3A_67, %swap3A_68] : memref<2x512xf32, #tpu.memory_space<vmem>>, vector<1x512xf32>
    %swap3A_70 = vector.shape_cast %swap3A_69 : vector<1x512xf32> to vector<512xf32>
    %swap3A_71 = vector.shape_cast %add3A_66 : vector<512xf32> to vector<1x512xf32>
    tpu.vector_store %arg12[%swap3A_67, %swap3A_68], %swap3A_71 {strides = array<i32>} : memref<2x512xf32, #tpu.memory_space<vmem>>, vector<1x512xf32>,
    %eq3A_72 = arith.constant 7 : i32
    %eq3A_73 = arith.cmpi eq, %arg0, %eq3A_72 : i32
    %convert_element_type3A_74 = arith.extui %eq3A_73 : i1 to i32
    %cond3A_75 = arith.constant 0 : i32
    %cond3A_76 = arith.cmpi ne, %convert_element_type3A_74, %cond3A_75 : i32
    scf.if %cond3A_76 {
      %get3A_77 = arith.constant 0 : index
      %get3A_78 = arith.constant 0 : index
      %get3A_79 = vector.load %arg12[%get3A_77, %get3A_78] : memref<2x512xf32, #tpu.memory_space<vmem>>, vector<2x512xf32>
      %swap3A_80 = arith.constant 0 : index
      %swap3A_81 = arith.constant 0 : index
      %swap3A_82 = vector.load %arg11[%swap3A_80, %swap3A_81] : memref<2x512xf32, #tpu.memory_space<vmem>>, vector<2x512xf32>
      tpu.vector_store %arg11[%swap3A_80, %swap3A_81], %get3A_79 {strides = array<i32>} : memref<2x512xf32, #tpu.memory_space<vmem>>, vector<2x512xf32>,
    } else {
    }
    return
  }
  func.func @transform_0(%arg0: i32) -> (i32, i32) {
    %c0_i32 = arith.constant 0 : i32
    %c0_i32_0 = arith.constant 0 : i32
    %c0_i32_1 = arith.constant 0 : i32
    return %c0_i32, %c0_i32_0 : i32, i32
  }
  func.func @transform_1(%arg0: i32) -> (i32, i32) {
    %c0_i32 = arith.constant 0 : i32
    %c0_i32_0 = arith.constant 0 : i32
    return %c0_i32, %arg0 : i32, i32
  }
  func.func @transform_2(%arg0: i32) -> (i32, i32) {
    %c0_i32 = arith.constant 0 : i32
    %c0_i32_0 = arith.constant 0 : i32
    return %c0_i32, %arg0 : i32, i32
  }
  func.func @transform_3(%arg0: i32) -> (i32, i32) {
    %c0_i32 = arith.constant 0 : i32
    %c0_i32_0 = arith.constant 0 : i32
    %c0_i32_1 = arith.constant 0 : i32
    return %c0_i32, %c0_i32_0 : i32, i32
  }
  func.func @transform_4(%arg0: i32) -> (i32, i32) {
    %c0_i32 = arith.constant 0 : i32
    %c0_i32_0 = arith.constant 0 : i32
    %c0_i32_1 = arith.constant 0 : i32
    return %c0_i32, %c0_i32_0 : i32, i32
  }
  func.func @transform_5(%arg0: i32) -> (i32, i32) {
    %c0_i32 = arith.constant 0 : i32
    %c0_i32_0 = arith.constant 0 : i32
    %c0_i32_1 = arith.constant 0 : i32
    return %c0_i32, %c0_i32_0 : i32, i32
  }
  func.func @transform_6(%arg0: i32) -> (i32, i32) {
    %c0_i32 = arith.constant 0 : i32
    %c0_i32_0 = arith.constant 0 : i32
    %c0_i32_1 = arith.constant 0 : i32
    return %c0_i32, %c0_i32_0 : i32, i32
  }
  func.func @transform_7(%arg0: i32) -> (i32, i32) {
    %c0_i32 = arith.constant 0 : i32
    %c0_i32_0 = arith.constant 0 : i32
    %c0_i32_1 = arith.constant 0 : i32
    return %c0_i32, %c0_i32_0 : i32, i32
  }
  func.func @transform_8(%arg0: i32) -> (i32, i32) {
    %c0_i32 = arith.constant 0 : i32
    %c0_i32_0 = arith.constant 0 : i32
    %c0_i32_1 = arith.constant 0 : i32
    return %c0_i32, %c0_i32_0 : i32, i32
  }
  func.func @transform_9(%arg0: i32) -> (i32, i32) {
    %c0_i32 = arith.constant 0 : i32
    %c0_i32_0 = arith.constant 0 : i32
    return %c0_i32, %arg0 : i32, i32
  }
  func.func @transform_10(%arg0: i32) -> (i32, i32) {
    %c0_i32 = arith.constant 0 : i32
    %c0_i32_0 = arith.constant 0 : i32
    %c0_i32_1 = arith.constant 0 : i32
    return %c0_i32, %c0_i32_0 : i32, i32
  }
}

module attributes {stable_mosaic.version = 14 : i64} {
  func.func @_k2_body(%arg0: i32, %arg1: memref<512x2048xf32, #tpu.memory_space<vmem>>, %arg2: memref<2x512xf32, #tpu.memory_space<vmem>>, %arg3: memref<512x1xf32, #tpu.memory_space<vmem>>, %arg4: memref<512x1xf32, #tpu.memory_space<vmem>>, %arg5: memref<512x256xf32, #tpu.memory_space<vmem>>, %arg6: memref<256x1xf32, #tpu.memory_space<vmem>>, %arg7: memref<256x2048xf32, #tpu.memory_space<vmem>>, %arg8: memref<2x256xf32, #tpu.memory_space<vmem>>, %arg9: memref<2x256xf32, #tpu.memory_space<vmem>>) attributes {dimension_semantics = [#tpu.dimension_semantics<arbitrary>], iteration_bounds = array<i64: 8>, scalar_prefetch = 0 : i64, scratch_operands = 1 : i64, tpu.core_type = #tpu.core_type<tc>, window_params = [{transform_indices = @transform_0, window_bounds = array<i64: 512, 2048>}, {pipeline_mode = #tpu.pipeline_mode<synchronous>, transform_indices = @transform_1, window_bounds = array<i64: 2, 512>}, {pipeline_mode = #tpu.pipeline_mode<synchronous>, transform_indices = @transform_2, window_bounds = array<i64: 512, 1>}, {pipeline_mode = #tpu.pipeline_mode<synchronous>, transform_indices = @transform_3, window_bounds = array<i64: 512, 1>}, {pipeline_mode = #tpu.pipeline_mode<synchronous>, transform_indices = @transform_4, window_bounds = array<i64: 512, 256>}, {pipeline_mode = #tpu.pipeline_mode<synchronous>, transform_indices = @transform_5, window_bounds = array<i64: 256, 1>}, {transform_indices = @transform_6, window_bounds = array<i64: 256, 2048>}, {pipeline_mode = #tpu.pipeline_mode<synchronous>, transform_indices = @transform_7, window_bounds = array<i64: 2, 256>}]} {
    %eq3A = arith.constant 0 : i32
    %eq3A_0 = arith.cmpi eq, %arg0, %eq3A : i32
    %convert_element_type3A = arith.extui %eq3A_0 : i1 to i32
    %cond3A = arith.constant 0 : i32
    %cond3A_1 = arith.cmpi ne, %convert_element_type3A, %cond3A : i32
    scf.if %cond3A_1 {
      %broadcast_in_dim3A_78 = arith.constant 0.000000e+00 : f32
      %broadcast_in_dim3A_79 = vector.broadcast %broadcast_in_dim3A_78 : f32 to vector<2x256xf32>
      %swap3A_80 = arith.constant 0 : index
      %swap3A_81 = arith.constant 0 : index
      %swap3A_82 = vector.load %arg9[%swap3A_80, %swap3A_81] : memref<2x256xf32, #tpu.memory_space<vmem>>, vector<2x256xf32>
      tpu.vector_store %arg9[%swap3A_80, %swap3A_81], %broadcast_in_dim3A_79 {strides = array<i32>} : memref<2x256xf32, #tpu.memory_space<vmem>>, vector<2x256xf32>,
    } else {
    }
    %get3A = arith.constant 0 : index
    %get3A_2 = arith.constant 0 : index
    %get3A_3 = vector.load %arg2[%get3A, %get3A_2] : memref<2x512xf32, #tpu.memory_space<vmem>>, vector<1x512xf32>
    %get3A_4 = vector.shape_cast %get3A_3 : vector<1x512xf32> to vector<512xf32>
    %mul3A = arith.constant 6.10351563E-5 : f32
    %mul3A_5 = vector.broadcast %mul3A : f32 to vector<512xf32>
    %mul3A_6 = arith.mulf %get3A_4, %mul3A_5 : vector<512xf32>
    %get3A_7 = arith.constant 1 : index
    %get3A_8 = arith.constant 0 : index
    %get3A_9 = vector.load %arg2[%get3A_7, %get3A_8] : memref<2x512xf32, #tpu.memory_space<vmem>>, vector<1x512xf32>
    %get3A_10 = vector.shape_cast %get3A_9 : vector<1x512xf32> to vector<512xf32>
    %mul3A_11 = arith.constant 6.10351563E-5 : f32
    %mul3A_12 = vector.broadcast %mul3A_11 : f32 to vector<512xf32>
    %mul3A_13 = arith.mulf %get3A_10, %mul3A_12 : vector<512xf32>
    %mul3A_14 = arith.mulf %mul3A_6, %mul3A_6 : vector<512xf32>
    %sub3A = arith.subf %mul3A_13, %mul3A_14 : vector<512xf32>
    %get3A_15 = arith.constant 0 : index
    %get3A_16 = arith.constant 0 : index
    %get3A_17 = vector.load %arg3[%get3A_15, %get3A_16] : memref<512x1xf32, #tpu.memory_space<vmem>>, vector<512x1xf32>
    %get3A_18 = vector.shape_cast %get3A_17 : vector<512x1xf32> to vector<512xf32>
    %add3A = arith.constant 9.99999974E-6 : f32
    %add3A_19 = vector.broadcast %add3A : f32 to vector<512xf32>
    %add3A_20 = arith.addf %sub3A, %add3A_19 : vector<512xf32>
    %rsqrt3A = math.rsqrt %add3A_20 : vector<512xf32>
    %mul3A_21 = arith.mulf %get3A_18, %rsqrt3A : vector<512xf32>
    %get3A_22 = arith.constant 0 : index
    %get3A_23 = arith.constant 0 : index
    %get3A_24 = vector.load %arg4[%get3A_22, %get3A_23] : memref<512x1xf32, #tpu.memory_space<vmem>>, vector<512x1xf32>
    %get3A_25 = vector.shape_cast %get3A_24 : vector<512x1xf32> to vector<512xf32>
    %mul3A_26 = arith.mulf %mul3A_6, %mul3A_21 : vector<512xf32>
    %sub3A_27 = arith.subf %get3A_25, %mul3A_26 : vector<512xf32>
    %get3A_28 = arith.constant 0 : index
    %get3A_29 = arith.constant 0 : index
    %get3A_30 = vector.load %arg1[%get3A_28, %get3A_29] : memref<512x2048xf32, #tpu.memory_space<vmem>>, vector<512x2048xf32>
    %broadcast_in_dim3A = vector.shape_cast %mul3A_21 : vector<512xf32> to vector<512x1xf32>
    %mul3A_31 = vector.broadcast %broadcast_in_dim3A : vector<512x1xf32> to vector<512x2048xf32>
    %mul3A_32 = arith.mulf %get3A_30, %mul3A_31 : vector<512x2048xf32>
    %broadcast_in_dim3A_33 = vector.shape_cast %sub3A_27 : vector<512xf32> to vector<512x1xf32>
    %add3A_34 = vector.broadcast %broadcast_in_dim3A_33 : vector<512x1xf32> to vector<512x2048xf32>
    %add3A_35 = arith.addf %mul3A_32, %add3A_34 : vector<512x2048xf32>
    %get3A_36 = arith.constant 0 : index
    %get3A_37 = arith.constant 0 : index
    %get3A_38 = vector.load %arg5[%get3A_36, %get3A_37] : memref<512x256xf32, #tpu.memory_space<vmem>>, vector<512x256xf32>
    %dot_general3A = arith.constant dense<0.000000e+00> : vector<256x2048xf32>
    %dot_general3A_39 = tpu.matmul %get3A_38, %add3A_35, %dot_general3A {dimension_numbers = #tpu.dot_dimension_numbers<[0], [0], [1], [1], [0, 1, 1, 1], [], []>, transpose_lhs_hint = false} : vector<512x256xf32>, vector<512x2048xf32>, vector<256x2048xf32> -> vector<256x2048xf32>
    %get3A_40 = arith.constant 0 : index
    %get3A_41 = arith.constant 0 : index
    %get3A_42 = vector.load %arg6[%get3A_40, %get3A_41] : memref<256x1xf32, #tpu.memory_space<vmem>>, vector<256x1xf32>
    %add3A_43 = vector.broadcast %get3A_42 : vector<256x1xf32> to vector<256x2048xf32>
    %add3A_44 = arith.addf %dot_general3A_39, %add3A_43 : vector<256x2048xf32>
    %max3A = arith.constant 0.000000e+00 : f32
    %max3A_45 = vector.broadcast %max3A : f32 to vector<256x2048xf32>
    %max3A_46 = arith.maximumf %add3A_44, %max3A_45 : vector<256x2048xf32>
    %swap3A = arith.constant 0 : index
    %swap3A_47 = arith.constant 0 : index
    %swap3A_48 = vector.load %arg7[%swap3A, %swap3A_47] : memref<256x2048xf32, #tpu.memory_space<vmem>>, vector<256x2048xf32>
    tpu.vector_store %arg7[%swap3A, %swap3A_47], %max3A_46 {strides = array<i32>} : memref<256x2048xf32, #tpu.memory_space<vmem>>, vector<256x2048xf32>,
    %get3A_49 = arith.constant 0 : index
    %get3A_50 = arith.constant 0 : index
    %get3A_51 = vector.load %arg9[%get3A_49, %get3A_50] : memref<2x256xf32, #tpu.memory_space<vmem>>, vector<1x256xf32>
    %get3A_52 = vector.shape_cast %get3A_51 : vector<1x256xf32> to vector<256xf32>
    %reduce_sum3A = arith.constant dense<0.000000e+00> : vector<256xf32>
    %reduce_sum3A_53 = vector.multi_reduction <add>, %max3A_46, %reduce_sum3A [1] : vector<256x2048xf32> to vector<256xf32>
    %add3A_54 = arith.addf %get3A_52, %reduce_sum3A_53 : vector<256xf32>
    %swap3A_55 = arith.constant 0 : index
    %swap3A_56 = arith.constant 0 : index
    %swap3A_57 = vector.load %arg9[%swap3A_55, %swap3A_56] : memref<2x256xf32, #tpu.memory_space<vmem>>, vector<1x256xf32>
    %swap3A_58 = vector.shape_cast %swap3A_57 : vector<1x256xf32> to vector<256xf32>
    %swap3A_59 = vector.shape_cast %add3A_54 : vector<256xf32> to vector<1x256xf32>
    tpu.vector_store %arg9[%swap3A_55, %swap3A_56], %swap3A_59 {strides = array<i32>} : memref<2x256xf32, #tpu.memory_space<vmem>>, vector<1x256xf32>,
    %get3A_60 = arith.constant 1 : index
    %get3A_61 = arith.constant 0 : index
    %get3A_62 = vector.load %arg9[%get3A_60, %get3A_61] : memref<2x256xf32, #tpu.memory_space<vmem>>, vector<1x256xf32>
    %get3A_63 = vector.shape_cast %get3A_62 : vector<1x256xf32> to vector<256xf32>
    %mul3A_64 = arith.mulf %max3A_46, %max3A_46 : vector<256x2048xf32>
    %reduce_sum3A_65 = arith.constant dense<0.000000e+00> : vector<256xf32>
    %reduce_sum3A_66 = vector.multi_reduction <add>, %mul3A_64, %reduce_sum3A_65 [1] : vector<256x2048xf32> to vector<256xf32>
    %add3A_67 = arith.addf %get3A_63, %reduce_sum3A_66 : vector<256xf32>
    %swap3A_68 = arith.constant 1 : index
    %swap3A_69 = arith.constant 0 : index
    %swap3A_70 = vector.load %arg9[%swap3A_68, %swap3A_69] : memref<2x256xf32, #tpu.memory_space<vmem>>, vector<1x256xf32>
    %swap3A_71 = vector.shape_cast %swap3A_70 : vector<1x256xf32> to vector<256xf32>
    %swap3A_72 = vector.shape_cast %add3A_67 : vector<256xf32> to vector<1x256xf32>
    tpu.vector_store %arg9[%swap3A_68, %swap3A_69], %swap3A_72 {strides = array<i32>} : memref<2x256xf32, #tpu.memory_space<vmem>>, vector<1x256xf32>,
    %eq3A_73 = arith.constant 7 : i32
    %eq3A_74 = arith.cmpi eq, %arg0, %eq3A_73 : i32
    %convert_element_type3A_75 = arith.extui %eq3A_74 : i1 to i32
    %cond3A_76 = arith.constant 0 : i32
    %cond3A_77 = arith.cmpi ne, %convert_element_type3A_75, %cond3A_76 : i32
    scf.if %cond3A_77 {
      %get3A_78 = arith.constant 0 : index
      %get3A_79 = arith.constant 0 : index
      %get3A_80 = vector.load %arg9[%get3A_78, %get3A_79] : memref<2x256xf32, #tpu.memory_space<vmem>>, vector<2x256xf32>
      %swap3A_81 = arith.constant 0 : index
      %swap3A_82 = arith.constant 0 : index
      %swap3A_83 = vector.load %arg8[%swap3A_81, %swap3A_82] : memref<2x256xf32, #tpu.memory_space<vmem>>, vector<2x256xf32>
      tpu.vector_store %arg8[%swap3A_81, %swap3A_82], %get3A_80 {strides = array<i32>} : memref<2x256xf32, #tpu.memory_space<vmem>>, vector<2x256xf32>,
    } else {
    }
    return
  }
  func.func @transform_0(%arg0: i32) -> (i32, i32) {
    %c0_i32 = arith.constant 0 : i32
    %c0_i32_0 = arith.constant 0 : i32
    return %c0_i32, %arg0 : i32, i32
  }
  func.func @transform_1(%arg0: i32) -> (i32, i32) {
    %c0_i32 = arith.constant 0 : i32
    %c0_i32_0 = arith.constant 0 : i32
    %c0_i32_1 = arith.constant 0 : i32
    return %c0_i32, %c0_i32_0 : i32, i32
  }
  func.func @transform_2(%arg0: i32) -> (i32, i32) {
    %c0_i32 = arith.constant 0 : i32
    %c0_i32_0 = arith.constant 0 : i32
    %c0_i32_1 = arith.constant 0 : i32
    return %c0_i32, %c0_i32_0 : i32, i32
  }
  func.func @transform_3(%arg0: i32) -> (i32, i32) {
    %c0_i32 = arith.constant 0 : i32
    %c0_i32_0 = arith.constant 0 : i32
    %c0_i32_1 = arith.constant 0 : i32
    return %c0_i32, %c0_i32_0 : i32, i32
  }
  func.func @transform_4(%arg0: i32) -> (i32, i32) {
    %c0_i32 = arith.constant 0 : i32
    %c0_i32_0 = arith.constant 0 : i32
    %c0_i32_1 = arith.constant 0 : i32
    return %c0_i32, %c0_i32_0 : i32, i32
  }
  func.func @transform_5(%arg0: i32) -> (i32, i32) {
    %c0_i32 = arith.constant 0 : i32
    %c0_i32_0 = arith.constant 0 : i32
    %c0_i32_1 = arith.constant 0 : i32
    return %c0_i32, %c0_i32_0 : i32, i32
  }
  func.func @transform_6(%arg0: i32) -> (i32, i32) {
    %c0_i32 = arith.constant 0 : i32
    %c0_i32_0 = arith.constant 0 : i32
    return %c0_i32, %arg0 : i32, i32
  }
  func.func @transform_7(%arg0: i32) -> (i32, i32) {
    %c0_i32 = arith.constant 0 : i32
    %c0_i32_0 = arith.constant 0 : i32
    %c0_i32_1 = arith.constant 0 : i32
    return %c0_i32, %c0_i32_0 : i32, i32
  }
}

module attributes {stable_mosaic.version = 14 : i64} {
  func.func @_k3_body(%arg0: i32, %arg1: memref<256x2048xf32, #tpu.memory_space<vmem>>, %arg2: memref<2x256xf32, #tpu.memory_space<vmem>>, %arg3: memref<256x1xf32, #tpu.memory_space<vmem>>, %arg4: memref<256x1xf32, #tpu.memory_space<vmem>>, %arg5: memref<256x1xf32, #tpu.memory_space<vmem>>, %arg6: memref<1x1xf32, #tpu.memory_space<vmem>>, %arg7: memref<1x2048xf32, #tpu.memory_space<vmem>>) attributes {dimension_semantics = [#tpu.dimension_semantics<arbitrary>], iteration_bounds = array<i64: 8>, scalar_prefetch = 0 : i64, scratch_operands = 0 : i64, tpu.core_type = #tpu.core_type<tc>, window_params = [{transform_indices = @transform_0, window_bounds = array<i64: 256, 2048>}, {pipeline_mode = #tpu.pipeline_mode<synchronous>, transform_indices = @transform_1, window_bounds = array<i64: 2, 256>}, {pipeline_mode = #tpu.pipeline_mode<synchronous>, transform_indices = @transform_2, window_bounds = array<i64: 256, 1>}, {pipeline_mode = #tpu.pipeline_mode<synchronous>, transform_indices = @transform_3, window_bounds = array<i64: 256, 1>}, {pipeline_mode = #tpu.pipeline_mode<synchronous>, transform_indices = @transform_4, window_bounds = array<i64: 256, 1>}, {pipeline_mode = #tpu.pipeline_mode<synchronous>, transform_indices = @transform_5, window_bounds = array<i64: 1, 1>}, {transform_indices = @transform_6, window_bounds = array<i64: 1, 2048>}]} {
    %get3A = arith.constant 0 : index
    %get3A_0 = arith.constant 0 : index
    %get3A_1 = vector.load %arg2[%get3A, %get3A_0] : memref<2x256xf32, #tpu.memory_space<vmem>>, vector<1x256xf32>
    %get3A_2 = vector.shape_cast %get3A_1 : vector<1x256xf32> to vector<256xf32>
    %mul3A = arith.constant 6.10351563E-5 : f32
    %mul3A_3 = vector.broadcast %mul3A : f32 to vector<256xf32>
    %mul3A_4 = arith.mulf %get3A_2, %mul3A_3 : vector<256xf32>
    %get3A_5 = arith.constant 1 : index
    %get3A_6 = arith.constant 0 : index
    %get3A_7 = vector.load %arg2[%get3A_5, %get3A_6] : memref<2x256xf32, #tpu.memory_space<vmem>>, vector<1x256xf32>
    %get3A_8 = vector.shape_cast %get3A_7 : vector<1x256xf32> to vector<256xf32>
    %mul3A_9 = arith.constant 6.10351563E-5 : f32
    %mul3A_10 = vector.broadcast %mul3A_9 : f32 to vector<256xf32>
    %mul3A_11 = arith.mulf %get3A_8, %mul3A_10 : vector<256xf32>
    %mul3A_12 = arith.mulf %mul3A_4, %mul3A_4 : vector<256xf32>
    %sub3A = arith.subf %mul3A_11, %mul3A_12 : vector<256xf32>
    %get3A_13 = arith.constant 0 : index
    %get3A_14 = arith.constant 0 : index
    %get3A_15 = vector.load %arg3[%get3A_13, %get3A_14] : memref<256x1xf32, #tpu.memory_space<vmem>>, vector<256x1xf32>
    %get3A_16 = vector.shape_cast %get3A_15 : vector<256x1xf32> to vector<256xf32>
    %add3A = arith.constant 9.99999974E-6 : f32
    %add3A_17 = vector.broadcast %add3A : f32 to vector<256xf32>
    %add3A_18 = arith.addf %sub3A, %add3A_17 : vector<256xf32>
    %rsqrt3A = math.rsqrt %add3A_18 : vector<256xf32>
    %mul3A_19 = arith.mulf %get3A_16, %rsqrt3A : vector<256xf32>
    %get3A_20 = arith.constant 0 : index
    %get3A_21 = arith.constant 0 : index
    %get3A_22 = vector.load %arg4[%get3A_20, %get3A_21] : memref<256x1xf32, #tpu.memory_space<vmem>>, vector<256x1xf32>
    %get3A_23 = vector.shape_cast %get3A_22 : vector<256x1xf32> to vector<256xf32>
    %mul3A_24 = arith.mulf %mul3A_4, %mul3A_19 : vector<256xf32>
    %sub3A_25 = arith.subf %get3A_23, %mul3A_24 : vector<256xf32>
    %get3A_26 = arith.constant 0 : index
    %get3A_27 = arith.constant 0 : index
    %get3A_28 = vector.load %arg1[%get3A_26, %get3A_27] : memref<256x2048xf32, #tpu.memory_space<vmem>>, vector<256x2048xf32>
    %broadcast_in_dim3A = vector.shape_cast %mul3A_19 : vector<256xf32> to vector<256x1xf32>
    %mul3A_29 = vector.broadcast %broadcast_in_dim3A : vector<256x1xf32> to vector<256x2048xf32>
    %mul3A_30 = arith.mulf %get3A_28, %mul3A_29 : vector<256x2048xf32>
    %broadcast_in_dim3A_31 = vector.shape_cast %sub3A_25 : vector<256xf32> to vector<256x1xf32>
    %add3A_32 = vector.broadcast %broadcast_in_dim3A_31 : vector<256x1xf32> to vector<256x2048xf32>
    %add3A_33 = arith.addf %mul3A_30, %add3A_32 : vector<256x2048xf32>
    %get3A_34 = arith.constant 0 : index
    %get3A_35 = arith.constant 0 : index
    %get3A_36 = vector.load %arg5[%get3A_34, %get3A_35] : memref<256x1xf32, #tpu.memory_space<vmem>>, vector<256x1xf32>
    %dot_general3A = arith.constant dense<0.000000e+00> : vector<1x2048xf32>
    %dot_general3A_37 = tpu.matmul %get3A_36, %add3A_33, %dot_general3A {dimension_numbers = #tpu.dot_dimension_numbers<[0], [0], [1], [1], [0, 1, 1, 1], [], []>, transpose_lhs_hint = false} : vector<256x1xf32>, vector<256x2048xf32>, vector<1x2048xf32> -> vector<1x2048xf32>
    %get3A_38 = arith.constant 0 : index
    %get3A_39 = arith.constant 0 : index
    %get3A_40 = vector.load %arg6[%get3A_38, %get3A_39] : memref<1x1xf32, #tpu.memory_space<vmem>>, vector<1x1xf32>
    %add3A_41 = vector.broadcast %get3A_40 : vector<1x1xf32> to vector<1x2048xf32>
    %add3A_42 = arith.addf %dot_general3A_37, %add3A_41 : vector<1x2048xf32>
    %swap3A = arith.constant 0 : index
    %swap3A_43 = arith.constant 0 : index
    %swap3A_44 = vector.load %arg7[%swap3A, %swap3A_43] : memref<1x2048xf32, #tpu.memory_space<vmem>>, vector<1x2048xf32>
    tpu.vector_store %arg7[%swap3A, %swap3A_43], %add3A_42 {strides = array<i32>} : memref<1x2048xf32, #tpu.memory_space<vmem>>, vector<1x2048xf32>,
    return
  }
  func.func @transform_0(%arg0: i32) -> (i32, i32) {
    %c0_i32 = arith.constant 0 : i32
    %c0_i32_0 = arith.constant 0 : i32
    return %c0_i32, %arg0 : i32, i32
  }
  func.func @transform_1(%arg0: i32) -> (i32, i32) {
    %c0_i32 = arith.constant 0 : i32
    %c0_i32_0 = arith.constant 0 : i32
    %c0_i32_1 = arith.constant 0 : i32
    return %c0_i32, %c0_i32_0 : i32, i32
  }
  func.func @transform_2(%arg0: i32) -> (i32, i32) {
    %c0_i32 = arith.constant 0 : i32
    %c0_i32_0 = arith.constant 0 : i32
    %c0_i32_1 = arith.constant 0 : i32
    return %c0_i32, %c0_i32_0 : i32, i32
  }
  func.func @transform_3(%arg0: i32) -> (i32, i32) {
    %c0_i32 = arith.constant 0 : i32
    %c0_i32_0 = arith.constant 0 : i32
    %c0_i32_1 = arith.constant 0 : i32
    return %c0_i32, %c0_i32_0 : i32, i32
  }
  func.func @transform_4(%arg0: i32) -> (i32, i32) {
    %c0_i32 = arith.constant 0 : i32
    %c0_i32_0 = arith.constant 0 : i32
    %c0_i32_1 = arith.constant 0 : i32
    return %c0_i32, %c0_i32_0 : i32, i32
  }
  func.func @transform_5(%arg0: i32) -> (i32, i32) {
    %c0_i32 = arith.constant 0 : i32
    %c0_i32_0 = arith.constant 0 : i32
    %c0_i32_1 = arith.constant 0 : i32
    return %c0_i32, %c0_i32_0 : i32, i32
  }
  func.func @transform_6(%arg0: i32) -> (i32, i32) {
    %c0_i32 = arith.constant 0 : i32
    %c0_i32_0 = arith.constant 0 : i32
    return %c0_i32, %arg0 : i32, i32
  }
}

</mosaic_0001>

<sc_bundles>
// kernel: kernel.10.cloned.1.call-start
scs
__scs_entry_jumppad:
0x0: {  	(pc) =	sbr.rel $0x88, $3  }
0x1: {  	(tag) =	ssettag $0x0;
	lr =	simm.s32 $0x1  }
0x2: {  	[smem:$0x3F92] =	sst lr;
	_ =	strace $0xD0000000  }
0x3: {  	_ = 	snop  }
0x4: {  	_ = 	snop  }
0x5: {  	_ = 	snop  }
0x6: {  	_ = 	snop  }
0x7: {  	_ = 	snop  }
__scs_overlays_trampoline_lowered:
0x8: {  	[smem:$0x3FA1] =	sst s0  }
0x9: {  	[smem:$0x3FA2] =	sst s1  }
0xa: {  	[smem:$0x3FA3] =	sst s2  }
0xb: {  	[smem:$0x3FA4] =	sst s3  }
0xc: {  	[smem:$0x3FA5] =	sst s4  }
0xd: {  	[smem:$0x3FA6] =	sst s5  }
0xe: {  	[smem:$0x3FA7] =	sst s6  }
0xf: {  	[smem:$0x3FA8] =	sst s7  }
0x10: {  	[smem:$0x3FA9] =	sst s8  }
0x11: {  	[smem:$0x3FAA] =	sst s9;
	s0 =	simm.s32 @!p0 $0x0  }
0x12: {  	s1 =	sld [smem:$0x3F90];
	s0 =	simm.s32 @p0 $0x1  }
0x13: {  	[smem:$0x3FAB] =	sst s0;
	s0 =	simm.s32 @!p1 $0x0  }
0x14: {  	s2 =	sld [smem:$0x3F8F];
	s0 =	simm.s32 @p1 $0x1  }
0x15: {  	[smem:$0x3FAC] =	sst s0;
	s0 =	simm.s32 @!p2 $0x0  }
0x16: {  	s3 =	sld [smem:$0x3FDB];
	s0 =	simm.s32 @p2 $0x1  }
0x17: {  	s4 =	simm.s32 $0x1BF5;
	[smem:$0x3FAE] =	sst s0  }
0x18: {  	s0 =	sld [smem:$0x3F91];
	_ =	swait.ge [sflag:s4], $0x0  }
0x19: {  	s7 =	sld [smem:$0x3F92]  }
0x1a: {  	s8 =	sadd.s32 $0xFFFFE003, lr  }
0x1b: {  	s9 =	sadd.s32 $0xFFFFFEF7, lr;
	s5 =	simm.s32 $0xFFFFFFFF;
	p2 =	slt.u32 s8, $0xFFFFF086  }
0x1c: {  	p1 =	slt.u32 s9, $0xF7A;
	s5 =	simm.s32 @!p2 $0x0  }
0x1d: {  	s5 =	simm.s32 @p1 $0x1;
	p0 =	seq.s32 s7, s2  }
0x1e: {  	s7 =	smul.u32 @!p0 $0xF7A, s2;
	p2 =	seq.s32 @!p0 s5, $0x0  }
0x1f: {  	s9 =	smul.u32 $0xF7A, s1;
	s8 =	simm.s32 @!p0 $0x1BF5;
	p2 =	por !p2, p0  }
0x20: {  	[sflag:s8] =	ssyncset.s32 @!p0 $0xFFFFF086;
	s6 =	sadd.s32 @!p0 s3, s7;
	s7 =	simm.s32 @!p0 $0x108  }
0x21: {  	s3 =	sadd.s32 s3, s9;
	s6 =	sadd.s32 @!p0 $0x88, s6;
	s7 =	simm.s32 @p2 $0x1082  }
0x22: {  	[simem:s7], [sflag:s8] =	dma.local @!p0 [hbm:s6], $0xF7A  }
0x23: {  	s9 =	sor.u32 $0xD0000000, s2;
	s6 =	simm.s32 $0x108;
	_ =	swait.ge @!p0 [sflag:s8], $0x0  }
0x24: {  	s3 =	sadd.s32 $0x88, s3;
	s6 =	simm.s32 @!p1 $0x1082;
	[sflag:s4] =	ssyncset.s32 $0xFFFFF086  }
0x25: {  	[simem:s6], [sflag:s4] =	dma.local [hbm:s3], $0xF7A  }
0x26: {  	[smem:$0x3F92] =	sst s1;
	(tag) =	ssettag s2;
	_ =	strace s9  }
0x27: {  	s1 =	sld [smem:$0x3FA2]  }
0x28: {  	s2 =	sld [smem:$0x3FA3]  }
0x29: {  	s4 =	sld [smem:$0x3FA5]  }
0x2a: {  	p0 =	seq.s32 s5, $0x0;
	s5 =	sld [smem:$0x3FA6]  }
0x2b: {  	s6 =	sld [smem:$0x3FA7]  }
0x2c: {  	s7 =	sld [smem:$0x3FA8]  }
0x2d: {  	s3 =	simm.s32 $0x108;
	s8 =	sld [smem:$0x3FA9]  }
0x2e: {  	s3 =	simm.s32 @!p0 $0x1082;
	s9 =	sld [smem:$0x3FAA]  }
0x2f: {  	lr =	sadd.s32 s0, s3;
	s0 =	sld [smem:$0x3FA1]  }
0x30: {  	s3 =	sld [smem:$0x3FA4]  }
0x31: {  	[smem:$0x3FAD] =	sst s10  }
0x32: {  	s10 =	sld [smem:$0x3FAB];
	_ =	sdelay $0x3  }
0x33: {  	p0 =	seq.s32 s10, $0x1;
	s10 =	sld [smem:$0x3FAD];
	_ =	sdelay $0x3  }
0x34: {  	[smem:$0x3FAD] =	sst s10  }
0x35: {  	s10 =	sld [smem:$0x3FAC];
	_ =	sdelay $0x3  }
0x36: {  	p1 =	seq.s32 s10, $0x1;
	s10 =	sld [smem:$0x3FAD];
	_ =	sdelay $0x3  }
0x37: {  	[smem:$0x3FAD] =	sst s10  }
0x38: {  	s10 =	sld [smem:$0x3FAE]  }
0x39: {  	_ = 	snop;
	(pc) =	sbr.ind lr, $3  }
0x3a: {  	_ = 	snop  }
0x3b: {  	_ = 	snop  }
0x3c: {  	p2 =	seq.s32 s10, $0x1;
	s10 =	sld [smem:$0x3FAD]  }
0x3d: {  	_ =	shalt  }
0x3e: {  	_ =	shalt  }
0x3f: {  	_ =	shalt  }
0x40: {  	_ =	shalt  }
0x41: {  	_ =	shalt  }
0x42: {  	_ =	shalt  }
0x43: {  	_ =	shalt  }
0x44: {  	_ =	shalt  }
0x45: {  	_ =	shalt  }
0x46: {  	_ =	shalt  }
0x47: {  	_ =	shalt  }
0x48: {  	_ =	shalt  }
0x49: {  	_ =	shalt  }
0x4a: {  	_ =	shalt  }
0x4b: {  	_ =	shalt  }
0x4c: {  	_ =	shalt  }
0x4d: {  	_ =	shalt  }
0x4e: {  	_ =	shalt  }
0x4f: {  	_ =	shalt  }
0x50: {  	_ =	shalt  }
0x51: {  	_ =	shalt  }
0x52: {  	_ =	shalt  }
0x53: {  	_ =	shalt  }
0x54: {  	_ =	shalt  }
0x55: {  	_ =	shalt  }
0x56: {  	_ =	shalt  }
0x57: {  	_ =	shalt  }
0x58: {  	_ =	shalt  }
0x59: {  	_ =	shalt  }
0x5a: {  	_ =	shalt  }
0x5b: {  	_ =	shalt  }
0x5c: {  	_ =	shalt  }
0x5d: {  	_ =	shalt  }
0x5e: {  	_ =	shalt  }
0x5f: {  	_ =	shalt  }
0x60: {  	_ =	shalt  }
0x61: {  	_ =	shalt  }
0x62: {  	_ =	shalt  }
0x63: {  	_ =	shalt  }
0x64: {  	_ =	shalt  }
0x65: {  	_ =	shalt  }
0x66: {  	_ =	shalt  }
0x67: {  	_ =	shalt  }
0x68: {  	_ =	shalt  }
0x69: {  	_ =	shalt  }
0x6a: {  	_ =	shalt  }
0x6b: {  	_ =	shalt  }
0x6c: {  	_ =	shalt  }
0x6d: {  	_ =	shalt  }
0x6e: {  	_ =	shalt  }
0x6f: {  	_ =	shalt  }
0x70: {  	_ =	shalt  }
0x71: {  	_ =	shalt  }
0x72: {  	_ =	shalt  }
0x73: {  	_ =	shalt  }
0x74: {  	_ =	shalt  }
0x75: {  	_ =	shalt  }
0x76: {  	_ =	shalt  }
0x77: {  	_ =	shalt  }
0x78: {  	_ =	shalt  }
0x79: {  	_ =	shalt  }
0x7a: {  	_ =	shalt  }
0x7b: {  	_ =	shalt  }
0x7c: {  	_ =	shalt  }
0x7d: {  	_ =	shalt  }
0x7e: {  	_ =	shalt  }
0x7f: {  	_ =	shalt  }
0x80: {  	_ =	shalt  }
0x81: {  	_ =	shalt  }
0x82: {  	_ =	shalt  }
0x83: {  	_ =	shalt  }
0x84: {  	_ =	shalt  }
0x85: {  	_ =	shalt  }
0x86: {  	_ =	shalt  }
0x87: {  	_ =	shalt  }
.Lfunc_end0:
.L_simem_size_0:
called_computation.1_lowered:
.L_overlay_start_0:
0x88: {  	s2 =	sld [smem:$0x3FD9]  }
0x89: {  	s3 =	sld [smem:$0x3FFE];
	_ =	sdelay $0x1  }
0x8a: {  	s1 =	srdreg.scid  }
0x8b: {  	s0 =	sand.u32 $0x1, s1  }
0x8c: {  	s16 =	sshll.u32 s0, $0xA;
	s2 =	sadd.s32 s3, s2  }
0x8d: {  	s2 =	sadd.s32 s2, s16  }
0x8e: {  	[smem:$0x3FB9] =	sst s2  }
0x8f: {  	_ = 	snop  }
0x90: {  	(tm) =	ssettm $0x1  }
0x91: {  	s17 =	sld [smem:$0x3FFB];
	_ =	sdelay $0x3  }
0x92: {  	_ =	strace s17  }
0x93: {  	s2 =	sld [smem:$0x3FFC];
	_ =	sdelay $0x3  }
0x94: {  	_ =	strace s2  }
0x95: {  	s2 =	sld [smem:$0x3FFD];
	_ =	sdelay $0x3  }
0x96: {  	_ =	strace s2  }
0x97: {  	_ =	strace $0x8FFFFFFF  }
0x98: {  	s18 =	sld [smem:$0x3FDB];
	_ =	sdelay $0x1  }
0x99: {  	s19 =	simm.s32 $_scs_section_size  }
0x9a: {  	s4 =	simm.s32 $_size__tile_overlayer_lowered;
	s5 =	simm.s32 $_tile_overlayer_lowered  }
0x9b: {  	s22 =	simm.s32 $0x1BFF;
	s21 =	sshll.u32 s5, $0x1;
	s2 =	sadd.s32 s19, s18  }
0x9c: {  	s6 =	simm.s32 $0x0;
	s20 =	sshll.u32 s4, $0x1;
	s4 =	sadd.s32 s21, s2  }
0x9d: {  	[timem:s6], [sflag:s22] =	dma.local [hbm:s4], s20  }
0x9e: {  	_ =	swait.ge [sflag:s22], s20  }
0x9f: {  	s3 =	ssub.s32 $0x0, s20;
	[sflag:s22] =	ssyncset.done $0x0  }
0xa0: {  	[sflag:s22] =	ssyncadd.s32 s3;
	_ =	sdelay $0x1  }
0xa1: {  	s23 =	simm.s32 $0x1B8B  }
0xa2: {  	_ =	swait.ge [sflag:s23], $0x1  }
0xa3: {  	[sflag:s23] =	ssyncset.done $0x0  }
0xa4: {  	s25 =	simm.s32 $0x1B8E;
	s24 =	sld [smem:$0x3FFE];
	[sflag:s23] =	ssyncadd.s32 $0xFFFFFFFF  }
0xa5: {  	s26 =	simm.s32 $execute0_lowered;
	[smem:$0x3FD2] =	sst s25  }
0xa6: {  	s4 =	sshll.u32 s26, $0x1;
	_ =	strace $0x80000046;
	[dreg:$0x1] =	wrdreg $0xFFFFFFFF  }
0xa7: {  	s28 =	simm.s32 $_size_execute0_lowered;
	s2 =	sadd.s32 s2, s4;
	[dreg:$0x0] =	wrdreg $0x0  }
0xa8: {  	s4 =	sshll.u32 s28, $0x1;
	[dreg:$0x2] =	wrdreg s2  }
0xa9: {  	[dreg:$0x3] =	wrdreg s4  }
0xaa: {  	[dreg:$0x4] =	wrdreg $0xC0  }
0xab: {  	_ =	task [dreg:s6], $0x5FFFF  }
0xac: {  	[dreg:$0x1] =	wrdreg $0xFFFFFFFF  }
0xad: {  	[dreg:$0x0] =	wrdreg $0x60  }
0xae: {  	[dreg:$0x2] =	wrdreg s24  }
0xaf: {  	[dreg:$0x3] =	wrdreg $0xA  }
0xb0: {  	_ =	task.clear_ibuf [dreg:s6], $0x4FFFF;
	_ =	strace $0x90000046  }
0xb1: {  	s29 =	simm.s32 $0xA;
	_ =	strace $0x80000048  }
0xb2: {  	_ =	swait.ge [sflag:s29], $0x1  }
0xb3: {  	[sflag:s29] =	ssyncadd.s32 $0xFFFFFFFF  }
0xb4: {  	_ =	strace $0x90000048  }
0xb5: {  	_ =	sfence  }
0xb6: {  	s30 =	sld [smem:$0x0];
	_ =	sdelay $0x2  }
0xb7: {  	s31 =	sshll.u32 s1, $0xD;
	s1 =	sshrl.u32 s1, $0x2  }
0xb8: {  	s3 =	sand.u32 $0x4000, s31;
	s1 =	sadd.s32 s1, s30  }
0xb9: {  	s0 =	sor.u32 s3, s0;
	s1 =	sshll.u32 s1, $0x11  }
0xba: {  	s0 =	sor.u32 s1, s0  }
0xbb: {  	s0 =	sadd.s32 $0x8F2B, s0  }
0xbc: {  	[sflag:s0] =	ssyncadd.remote.s32 $0x1  }
0xbd: {  	_ =	sfence.sel $0xFFFF  }
0xbe: {  	[dreg:$0x0] =	wrdreg $0xFFFFFFFF;
	(pc) =	sbr.abs _section_cstart, $3  }
0xbf: {  	[dreg:$0x1] =	wrdreg $0xFFFFFFFF  }
0xc0: {  	_ =	task.clear_ibuf [dreg:s6], $0x2FFFF;
	_ =	strace $0x9FFFFFFF  }
0xc1: {  	(tm) =	ssettm $0x7FFFFFFF  }
tec
execute0_lowered:
.L_overlay_start_1:
0x0: {  	(tag) =	ssettag $0x1  }
0x1: {  	s0 =	rddreg [dreg:$0x0];
	s2 =	simm.s32 $0x0  }
0x2: {  	[smem:$0x7FF] =	sst s2;
	s6 =	sadd.s32 $0x4FCCD4, s0  }
0x3: {  	s14 =	sadd.s32 $0x4FFDA8, s0;
	_ =	strace $0x80000047;
	[dreg:$0x3] =	wrdreg s6  }
0x4: {  	s15 =	sadd.s32 $0x502E7C, s0;
	[dreg:$0x4] =	wrdreg s14  }
0x5: {  	s16 =	sadd.s32 $0x505F50, s0;
	[dreg:$0x5] =	wrdreg s15  }
0x6: {  	s17 =	sadd.s32 $0x509024, s0;
	[dreg:$0x6] =	wrdreg s16  }
0x7: {  	s18 =	sadd.s32 $0x50C0F8, s0;
	[dreg:$0x7] =	wrdreg s17  }
0x8: {  	s1 =	srdreg.scid;
	s19 =	sadd.s32 $0x50F1CC, s0;
	[dreg:$0x8] =	wrdreg s18  }
0x9: {  	s4 =	stileid.u32;
	s20 =	sadd.s32 $0x5122A0, s0;
	[dreg:$0x9] =	wrdreg s19  }
0xa: {  	s1 =	sand.u32 $0x1, s1;
	s21 =	sadd.s32 $0x515374, s0;
	[dreg:$0xa] =	wrdreg s20  }
0xb: {  	s3 =	sadd.s32 $0x4F9C00, s0;
	s22 =	sadd.s32 $0x518448, s0;
	[dreg:$0xb] =	wrdreg s21  }
0xc: {  	s4 =	sshll.u32 s4, $0xA;
	s24 =	sadd.s32 $0x51B51C, s0;
	[dreg:$0xc] =	wrdreg s22  }
0xd: {  	s25 =	sadd.s32 $0x51E5F0, s0;
	s26 =	sadd.s32 $0x5216C4, s0;
	[dreg:$0xd] =	wrdreg s24  }
0xe: {  	s28 =	sadd.s32 $0x524798, s0;
	s5 =	sshll.u32 s1, $0x9;
	[dreg:$0xe] =	wrdreg s25  }
0xf: {  	s1 =	ssub.s32 $0x2, s1;
	[dreg:$0xf] =	wrdreg s26;
	s4 =	sor.u32 s5, s4  }
0x10: {  	[dreg:$0x10] =	wrdreg s28;
	s23 =	sshrl.u32 s1, $0x1;
	s4 =	sshrl.u32 s4, $0x3  }
0x11: {  	s1 =	ssub.s32 s1, s23;
	s4 =	sadd.s32 s4, s0;
	s0 =	sadd.s32 $0x52786C, s0  }
0x12: {  	s1 =	smax.u32 s1, $0x1;
	[dreg:$0x12] =	wrdreg s0  }
0x13: {  	s31 =	simm.s32 $0x200;
	s29 =	sadd.s32 $0x3000, s4;
	[dreg:$0x13] =	wrdreg s1  }
0x14: {  	s21 =	simm.s32 $0x4000;
	s30 =	sadd.s32 $0x9800, s4;
	[dreg:$0x11] =	wrdreg s29  }
0x15: {  	s0 =	simm.s32 $0x3;
	s1 =	simm.s32 $0x0;
	[dreg:$0x2] =	wrdreg s30  }
.LBB2_1:
0x16: {  	s4 =	rddreg [dreg:$0x11];
	s14 =	simm.s32 $0x4  }
0x17: {  	[tilespmem:s2], [sflag:$0x4] =	stream.strided.gather [hbm4b:s4+s31], $0x1A00, s21, s31, $0x38;
	[tilespmem:$0x5A00] =	vst v63  }
0x18: {  	_ =	swait.ge [sflag:s14], $0x1A00  }
0x19: {  	[sflag:s14] =	ssyncset.done $0x0  }
0x1a: {  	s15 =	simm.s32 $0x1A00;
	s16 =	rddreg [dreg:$0x3];
	[sflag:s14] =	ssyncadd.s32 $0xFFFFE600  }
0x1b: {  	[tilespmem:s15], [sflag:$0x1] =	stream.indirect.gather [hbm4b:s3+s31], $0x1, s2, s31, $0xb8;
	[tilespmem:$0x5A00] =	vst v63  }
0x1c: {  	s5 =	simm.s32 $0x1C00;
	s17 =	rddreg [dreg:$0x4]  }
0x1d: {  	[tilespmem:s5], [sflag:$0x1] =	stream.indirect.gather [hbm4b:s16+s31], $0x1, s2, s31, $0xb8;
	[tilespmem:$0x5A00] =	vst v63  }
0x1e: {  	s18 =	simm.s32 $0x1E00;
	s19 =	rddreg [dreg:$0x5]  }
0x1f: {  	[tilespmem:s18], [sflag:$0x1] =	stream.indirect.gather [hbm4b:s17+s31], $0x1, s2, s31, $0xb8;
	[tilespmem:$0x5A00] =	vst v63  }
0x20: {  	s20 =	simm.s32 $0x2000;
	s22 =	rddreg [dreg:$0x6]  }
0x21: {  	[tilespmem:s20], [sflag:$0x1] =	stream.indirect.gather [hbm4b:s19+s31], $0x1, s2, s31, $0xb8;
	[tilespmem:$0x5A00] =	vst v63  }
0x22: {  	s23 =	simm.s32 $0x2200;
	s24 =	rddreg [dreg:$0x7]  }
0x23: {  	[tilespmem:s23], [sflag:$0x1] =	stream.indirect.gather [hbm4b:s22+s31], $0x1, s2, s31, $0xb8;
	[tilespmem:$0x5A00] =	vst v63  }
0x24: {  	s25 =	simm.s32 $0x2400;
	s26 =	rddreg [dreg:$0x8]  }
0x25: {  	[tilespmem:s25], [sflag:$0x1] =	stream.indirect.gather [hbm4b:s24+s31], $0x1, s2, s31, $0xb8;
	[tilespmem:$0x5A00] =	vst v63  }
0x26: {  	s29 =	simm.s32 $0x2600;
	s7 =	rddreg [dreg:$0xa]  }
0x27: {  	[tilespmem:s29], [sflag:$0x1] =	stream.indirect.gather [hbm4b:s26+s31], $0x1, s2, s31, $0xb8;
	[tilespmem:$0x5A00] =	vst v63  }
0x28: {  	s6 =	simm.s32 $0x2800;
	s5 =	rddreg [dreg:$0x9]  }
0x29: {  	[tilespmem:s6], [sflag:$0x1] =	stream.indirect.gather [hbm4b:s5+s31], $0x1, s2, s31, $0xb8;
	[tilespmem:$0x5A00] =	vst v63  }
0x2a: {  	s8 =	simm.s32 $0x2A00;
	s10 =	simm.s32 $0x2C00;
	s9 =	rddreg [dreg:$0xb]  }
0x2b: {  	[tilespmem:s8], [sflag:$0x1] =	stream.indirect.gather [hbm4b:s7+s31], $0x1, s2, s31, $0xb8;
	[tilespmem:$0x5A00] =	vst v63  }
0x2c: {  	s12 =	simm.s32 $0x2E00;
	p0 =	por $0x1, $0x1;
	s11 =	rddreg [dreg:$0xc]  }
0x2d: {  	[tilespmem:s10], [sflag:$0x1] =	stream.indirect.gather [hbm4b:s9+s31], $0x1, s2, s31, $0xb8;
	[tilespmem:$0x5A00] =	vst v63  }
0x2e: {  	p1 =	por $0x0, $0x0;
	p2 =	por p0, p0;
	s13 =	rddreg [dreg:$0xd]  }
0x2f: {  	[tilespmem:s12], [sflag:$0x1] =	stream.indirect.gather [hbm4b:s11+s31], $0x1, s2, s31, $0xb8;
	[tilespmem:$0x5A00] =	vst v63  }
0x30: {  	p3 =	por p1, p1;
	s14 =	simm.s32 $0x3000;
	s15 =	rddreg [dreg:$0xe]  }
0x31: {  	[tilespmem:s14], [sflag:$0x1] =	stream.indirect.gather [hbm4b:s13+s31], $0x1, s2, s31, $0xb8;
	[tilespmem:$0x5A00] =	vst v63  }
0x32: {  	s16 =	simm.s32 $0x3200;
	s17 =	rddreg [dreg:$0xf];
	s24 =	simm.s32 $0x1  }
0x33: {  	[tilespmem:s16], [sflag:$0x1] =	stream.indirect.gather [hbm4b:s15+s31], $0x1, s2, s31, $0xb8;
	[tilespmem:$0x5A00] =	vst v63  }
0x34: {  	s18 =	simm.s32 $0x3400;
	s19 =	rddreg [dreg:$0x10];
	s4 =	sand.u32 $0x1, s24  }
0x35: {  	[tilespmem:s18], [sflag:$0x1] =	stream.indirect.gather [hbm4b:s17+s31], $0x1, s2, s31, $0xb8;
	[tilespmem:$0x5A00] =	vst v63  }
0x36: {  	s20 =	simm.s32 $0x3600;
	s22 =	rddreg [dreg:$0x12];
	p4 =	seq.s32 s4, $0x1  }
0x37: {  	[tilespmem:s20], [sflag:$0x1] =	stream.indirect.gather [hbm4b:s19+s31], $0x1, s2, s31, $0xb8;
	[tilespmem:$0x5A00] =	vst v63  }
0x38: {  	s23 =	simm.s32 $0x3800;
	s4 =	simm.s32 @!p2 $0x3;
	p0 =	por !p4, p3  }
0x39: {  	[tilespmem:s23], [sflag:$0x1] =	stream.indirect.gather [hbm4b:s22+s31], $0x1, s2, s31, $0xb8;
	[tilespmem:$0x5A00] =	vst v63  }
0x3a: {  	s5 =	sadd.s32 @!p0 $0x0, s3;
	_ =	swait.ge @!p2 [sflag:s4], $0x2000  }
0x3b: {  	s6 =	sadd.s32 @!p0 $0x30D40, s5;
	[sflag:s4] =	ssyncset.done @!p2 $0x0  }
0x3c: {  	s7 =	simm.s32 @!p0 $0x3A00;
	[sflag:s4] =	ssyncadd.s32 @!p2 $0xFFFFE000;
	s4 =	simm.s32 @!p0 $0x200  }
0x3d: {  	[tilespmem:s7], [sflag:$0x2] =	stream.indirect.gather @!p0 [hbm4b:s6+s4], $0x1, s31, s4, $0xb8;
	[tilespmem:$0x5A00] =	vst v63  }
0x3e: {  	s6 =	sadd.s32 @!p0 $0x33E14, s5;
	s7 =	simm.s32 @!p0 $0x3C00  }
0x3f: {  	[tilespmem:s7], [sflag:$0x2] =	stream.indirect.gather @!p0 [hbm4b:s6+s4], $0x1, s31, s4, $0xb8;
	[tilespmem:$0x5A00] =	vst v63  }
0x40: {  	s6 =	sadd.s32 @!p0 $0x36EE8, s5;
	s7 =	simm.s32 @!p0 $0x3E00  }
0x41: {  	[tilespmem:s7], [sflag:$0x2] =	stream.indirect.gather @!p0 [hbm4b:s6+s4], $0x1, s31, s4, $0xb8;
	[tilespmem:$0x5A00] =	vst v63  }
0x42: {  	s6 =	sadd.s32 @!p0 $0x39FBC, s5;
	s7 =	simm.s32 @!p0 $0x4000  }
0x43: {  	[tilespmem:s7], [sflag:$0x2] =	stream.indirect.gather @!p0 [hbm4b:s6+s4], $0x1, s31, s4, $0xb8;
	[tilespmem:$0x5A00] =	vst v63  }
0x44: {  	s6 =	sadd.s32 @!p0 $0x3D090, s5;
	s7 =	simm.s32 @!p0 $0x4200  }
0x45: {  	[tilespmem:s7], [sflag:$0x2] =	stream.indirect.gather @!p0 [hbm4b:s6+s4], $0x1, s31, s4, $0xb8;
	[tilespmem:$0x5A00] =	vst v63  }
0x46: {  	s6 =	sadd.s32 @!p0 $0x40164, s5;
	s7 =	simm.s32 @!p0 $0x4400  }
0x47: {  	[tilespmem:s7], [sflag:$0x2] =	stream.indirect.gather @!p0 [hbm4b:s6+s4], $0x1, s31, s4, $0xb8;
	[tilespmem:$0x5A00] =	vst v63  }
0x48: {  	s6 =	sadd.s32 @!p0 $0x43238, s5;
	s7 =	simm.s32 @!p0 $0x4600  }
0x49: {  	[tilespmem:s7], [sflag:$0x2] =	stream.indirect.gather @!p0 [hbm4b:s6+s4], $0x1, s31, s4, $0xb8;
	[tilespmem:$0x5A00] =	vst v63  }
0x4a: {  	s6 =	sadd.s32 @!p0 $0x4630C, s5;
	s7 =	simm.s32 @!p0 $0x4800  }
0x4b: {  	[tilespmem:s7], [sflag:$0x2] =	stream.indirect.gather @!p0 [hbm4b:s6+s4], $0x1, s31, s4, $0xb8;
	[tilespmem:$0x5A00] =	vst v63  }
0x4c: {  	s6 =	sadd.s32 @!p0 $0x493E0, s5;
	s7 =	simm.s32 @!p0 $0x4A00  }
0x4d: {  	[tilespmem:s7], [sflag:$0x2] =	stream.indirect.gather @!p0 [hbm4b:s6+s4], $0x1, s31, s4, $0xb8;
	[tilespmem:$0x5A00] =	vst v63  }
0x4e: {  	s6 =	sadd.s32 @!p0 $0x4C4B4, s5;
	s7 =	simm.s32 @!p0 $0x4C00  }
0x4f: {  	[tilespmem:s7], [sflag:$0x2] =	stream.indirect.gather @!p0 [hbm4b:s6+s4], $0x1, s31, s4, $0xb8;
	[tilespmem:$0x5A00] =	vst v63  }
0x50: {  	s6 =	sadd.s32 @!p0 $0x4F588, s5;
	s7 =	simm.s32 @!p0 $0x4E00  }
0x51: {  	[tilespmem:s7], [sflag:$0x2] =	stream.indirect.gather @!p0 [hbm4b:s6+s4], $0x1, s31, s4, $0xb8;
	[tilespmem:$0x5A00] =	vst v63  }
0x52: {  	s6 =	sadd.s32 @!p0 $0x5265C, s5;
	s7 =	simm.s32 @!p0 $0x5000  }
0x53: {  	[tilespmem:s7], [sflag:$0x2] =	stream.indirect.gather @!p0 [hbm4b:s6+s4], $0x1, s31, s4, $0xb8;
	[tilespmem:$0x5A00] =	vst v63  }
0x54: {  	s25 =	simm.s32 $0x0;
	s8 =	simm.s32 @!p0 $0x5200;
	s6 =	sadd.s32 @!p0 $0x55730, s5  }
0x55: {  	[tilespmem:s8], [sflag:$0x2] =	stream.indirect.gather @!p0 [hbm4b:s6+s4], $0x1, s31, s4, $0xb8;
	[tilespmem:$0x5A00] =	vst v63  }
0x56: {  	s7 =	sand.u32 $0x1, s25;
	s6 =	sadd.s32 @!p0 $0x58804, s5;
	s8 =	simm.s32 @!p0 $0x5400  }
0x57: {  	[tilespmem:s8], [sflag:$0x2] =	stream.indirect.gather @!p0 [hbm4b:s6+s4], $0x1, s31, s4, $0xb8;
	[tilespmem:$0x5A00] =	vst v63  }
0x58: {  	p2 =	seq.s32 s7, $0x0;
	s6 =	sadd.s32 @!p0 $0x5B8D8, s5;
	s8 =	simm.s32 @!p0 $0x5600  }
0x59: {  	[tilespmem:s8], [sflag:$0x2] =	stream.indirect.gather @!p0 [hbm4b:s6+s4], $0x1, s31, s4, $0xb8;
	[tilespmem:$0x5A00] =	vst v63  }
0x5a: {  	s7 =	sadd.s32 @!p2 $0x0, s3;
	s5 =	sadd.s32 @!p0 $0x5E9AC, s5;
	s6 =	simm.s32 @!p0 $0x5800  }
0x5b: {  	[tilespmem:s6], [sflag:$0x2] =	stream.indirect.gather @!p0 [hbm4b:s5+s4], $0x1, s31, s4, $0xb8;
	[tilespmem:$0x5A00] =	vst v63  }
0x5c: {  	s4 =	sadd.s32 @!p2 $0x30D40, s7;
	s6 =	simm.s32 @!p2 $0x200;
	s5 =	simm.s32 @!p2 $0x1A00  }
0x5d: {  	[tilespmem:s5], [sflag:$0x1] =	stream.indirect.gather @!p2 [hbm4b:s4+s6], $0x1, s31, s6, $0xb8;
	[tilespmem:$0x5A00] =	vst v63  }
0x5e: {  	s4 =	sadd.s32 @!p2 $0x33E14, s7;
	s5 =	simm.s32 @!p2 $0x1C00  }
0x5f: {  	[tilespmem:s5], [sflag:$0x1] =	stream.indirect.gather @!p2 [hbm4b:s4+s6], $0x1, s31, s6, $0xb8;
	[tilespmem:$0x5A00] =	vst v63  }
0x60: {  	p5 =	por $0x0, $0x0;
	s4 =	sadd.s32 @!p2 $0x36EE8, s7;
	s5 =	simm.s32 @!p2 $0x1E00  }
0x61: {  	[tilespmem:s5], [sflag:$0x1] =	stream.indirect.gather @!p2 [hbm4b:s4+s6], $0x1, s31, s6, $0xb8;
	[tilespmem:$0x5A00] =	vst v63  }
0x62: {  	p6 =	por $0x0, $0x0;
	s4 =	sadd.s32 @!p2 $0x39FBC, s7;
	s5 =	simm.s32 @!p2 $0x2000  }
0x63: {  	[tilespmem:s5], [sflag:$0x1] =	stream.indirect.gather @!p2 [hbm4b:s4+s6], $0x1, s31, s6, $0xb8;
	[tilespmem:$0x5A00] =	vst v63  }
0x64: {  	s28 =	simm.s32 $0x61A80;
	s4 =	sadd.s32 @!p2 $0x3D090, s7;
	s5 =	simm.s32 @!p2 $0x2200  }
0x65: {  	[tilespmem:s5], [sflag:$0x1] =	stream.indirect.gather @!p2 [hbm4b:s4+s6], $0x1, s31, s6, $0xb8;
	[tilespmem:$0x5A00] =	vst v63  }
0x66: {  	s30 =	simm.s32 $0x0;
	s4 =	sadd.s32 @!p2 $0x40164, s7;
	s5 =	simm.s32 @!p2 $0x2400  }
0x67: {  	[tilespmem:s5], [sflag:$0x1] =	stream.indirect.gather @!p2 [hbm4b:s4+s6], $0x1, s31, s6, $0xb8;
	[tilespmem:$0x5A00] =	vst v63  }
0x68: {  	p1 =	por p6, p6;
	s4 =	sadd.s32 @!p2 $0x43238, s7;
	s5 =	simm.s32 @!p2 $0x2600  }
0x69: {  	[tilespmem:s5], [sflag:$0x1] =	stream.indirect.gather @!p2 [hbm4b:s4+s6], $0x1, s31, s6, $0xb8;
	[tilespmem:$0x5A00] =	vst v63  }
0x6a: {  	s24 =	simm.s32 $0x400;
	s4 =	sadd.s32 @!p2 $0x4630C, s7;
	s5 =	simm.s32 @!p2 $0x2800  }
0x6b: {  	[tilespmem:s5], [sflag:$0x1] =	stream.indirect.gather @!p2 [hbm4b:s4+s6], $0x1, s31, s6, $0xb8;
	[tilespmem:$0x5A00] =	vst v63  }
0x6c: {  	s26 =	sand.u32 $0x8000, s2;
	s4 =	sadd.s32 @!p2 $0x493E0, s7;
	s5 =	simm.s32 @!p2 $0x2A00  }
0x6d: {  	[tilespmem:s5], [sflag:$0x1] =	stream.indirect.gather @!p2 [hbm4b:s4+s6], $0x1, s31, s6, $0xb8;
	[tilespmem:$0x5A00] =	vst v63  }
0x6e: {  	s29 =	sshrl.u32 s26, $0x2;
	s8 =	simm.s32 @!p2 $0x2C00;
	s5 =	sadd.s32 @!p2 $0x4C4B4, s7  }
0x6f: {  	[tilespmem:s8], [sflag:$0x1] =	stream.indirect.gather @!p2 [hbm4b:s5+s6], $0x1, s31, s6, $0xb8;
	[tilespmem:$0x5A00] =	vst v63  }
0x70: {  	s26 =	simm.s32 $0x2;
	s4 =	sadd.s32 @!p2 $0x4F588, s7;
	s8 =	simm.s32 @!p2 $0x2E00  }
0x71: {  	[tilespmem:s8], [sflag:$0x1] =	stream.indirect.gather @!p2 [hbm4b:s4+s6], $0x1, s31, s6, $0xb8;
	[tilespmem:$0x5A00] =	vst v63  }
0x72: {  	s25 =	simm.s32 $0x30D40;
	s4 =	sadd.s32 @!p2 $0x5265C, s7;
	s8 =	simm.s32 @!p2 $0x3000  }
0x73: {  	[tilespmem:s8], [sflag:$0x1] =	stream.indirect.gather @!p2 [hbm4b:s4+s6], $0x1, s31, s6, $0xb8;
	[tilespmem:$0x5A00] =	vst v63  }
0x74: {  	s23 =	simm.s32 @!p2 $0x3400;
	s4 =	sadd.s32 @!p2 $0x55730, s7;
	s8 =	simm.s32 @!p2 $0x3200  }
0x75: {  	[tilespmem:s8], [sflag:$0x1] =	stream.indirect.gather @!p2 [hbm4b:s4+s6], $0x1, s31, s6, $0xb8;
	[tilespmem:$0x5A00] =	vst v63  }
0x76: {  	p0 =	por p5, p5;
	s5 =	sor.u32 $0x1A00, s29;
	s8 =	sadd.s32 @!p2 $0x58804, s7  }
0x77: {  	[tilespmem:s23], [sflag:$0x1] =	stream.indirect.gather @!p2 [hbm4b:s8+s6], $0x1, s31, s6, $0xb8;
	[tilespmem:$0x5A00] =	vst v63  }
0x78: {  	s4 =	simm.s32 @!p2 $0x2;
	s8 =	sadd.s32 @!p2 $0x5B8D8, s7;
	s23 =	simm.s32 @!p2 $0x3600  }
0x79: {  	[tilespmem:s23], [sflag:$0x1] =	stream.indirect.gather @!p2 [hbm4b:s8+s6], $0x1, s31, s6, $0xb8;
	[tilespmem:$0x5A00] =	vst v63  }
0x7a: {  	s4 =	simm.s32 @p2 $0x1;
	s7 =	sadd.s32 @!p2 $0x5E9AC, s7;
	s8 =	simm.s32 @!p2 $0x3800  }
0x7b: {  	[tilespmem:s8], [sflag:$0x1] =	stream.indirect.gather @!p2 [hbm4b:s7+s6], $0x1, s31, s6, $0xb8;
	[tilespmem:$0x5A00] =	vst v63  }
0x7c: {  	s23 =	simm.s32 $0x8000;
	s7 =	simm.s32 @!p0 $0x3;
	s8 =	sand.u32 $0x1, s26  }
.LBB2_2:
0x7d: {  	_ =	swait.ge [sflag:s4], $0x2000  }
0x7e: {  	p2 =	seq.s32 s8, $0x1;
	[sflag:s4] =	ssyncset.done $0x0;
	s9 =	rddreg [dreg:$0x2]  }
0x7f: {  	p3 =	por !p2, p1;
	[sflag:s4] =	ssyncadd.s32 $0xFFFFE000;
	s9 =	sadd.s32 s30, s9  }
0x80: {  	[hbm4b:s9+s31] =	stream.strided.scatter [tilespmem:s5], [sflag:$0x3], $0x2000, s21, s31, $0x38;
	[tilespmem:$0x5A00] =	vst v63  }
0x81: {  	s8 =	sadd.s32 @!p3 s25, s3;
	_ =	swait.ge @!p0 [sflag:s7], $0x2000  }
0x82: {  	s4 =	sadd.s32 @!p3 $0x30D40, s8;
	[sflag:s7] =	ssyncset.done @!p0 $0x0  }
0x83: {  	s5 =	simm.s32 @!p3 $0x3A00;
	[sflag:s7] =	ssyncadd.s32 @!p0 $0xFFFFE000;
	s7 =	simm.s32 @!p3 $0x200  }
0x84: {  	[tilespmem:s5], [sflag:$0x2] =	stream.indirect.gather @!p3 [hbm4b:s4+s7], $0x1, s24, s7, $0xb8;
	[tilespmem:$0x5A00] =	vst v63  }
0x85: {  	s10 =	sadd.s32 @!p3 $0x33E14, s8;
	s4 =	simm.s32 @!p3 $0x3C00  }
0x86: {  	[tilespmem:s4], [sflag:$0x2] =	stream.indirect.gather @!p3 [hbm4b:s10+s7], $0x1, s24, s7, $0xb8;
	[tilespmem:$0x5A00] =	vst v63  }
0x87: {  	s12 =	sadd.s32 @!p3 $0x36EE8, s8;
	s4 =	simm.s32 @!p3 $0x3E00  }
0x88: {  	[tilespmem:s4], [sflag:$0x2] =	stream.indirect.gather @!p3 [hbm4b:s12+s7], $0x1, s24, s7, $0xb8;
	[tilespmem:$0x5A00] =	vst v63  }
0x89: {  	s11 =	sadd.s32 @!p3 $0x39FBC, s8;
	s4 =	simm.s32 @!p3 $0x4000  }
0x8a: {  	[tilespmem:s4], [sflag:$0x2] =	stream.indirect.gather @!p3 [hbm4b:s11+s7], $0x1, s24, s7, $0xb8;
	[tilespmem:$0x5A00] =	vst v63  }
0x8b: {  	s13 =	sadd.s32 @!p3 $0x3D090, s8;
	s4 =	simm.s32 @!p3 $0x4200  }
0x8c: {  	[tilespmem:s4], [sflag:$0x2] =	stream.indirect.gather @!p3 [hbm4b:s13+s7], $0x1, s24, s7, $0xb8;
	[tilespmem:$0x5A00] =	vst v63  }
0x8d: {  	s14 =	sadd.s32 @!p3 $0x40164, s8;
	s4 =	simm.s32 @!p3 $0x4400  }
0x8e: {  	[tilespmem:s4], [sflag:$0x2] =	stream.indirect.gather @!p3 [hbm4b:s14+s7], $0x1, s24, s7, $0xb8;
	[tilespmem:$0x5A00] =	vst v63  }
0x8f: {  	s15 =	sadd.s32 @!p3 $0x43238, s8;
	s4 =	simm.s32 @!p3 $0x4600  }
0x90: {  	[tilespmem:s4], [sflag:$0x2] =	stream.indirect.gather @!p3 [hbm4b:s15+s7], $0x1, s24, s7, $0xb8;
	[tilespmem:$0x5A00] =	vst v63  }
0x91: {  	s9 =	sadd.s32 @!p3 $0x4630C, s8;
	s4 =	simm.s32 @!p3 $0x4800  }
0x92: {  	[tilespmem:s4], [sflag:$0x2] =	stream.indirect.gather @!p3 [hbm4b:s9+s7], $0x1, s24, s7, $0xb8;
	[tilespmem:$0x5A00] =	vst v63  }
0x93: {  	p4 =	seq.s32 s28, $0x249F00;
	s16 =	sadd.s32 @!p3 $0x493E0, s8;
	s4 =	simm.s32 @!p3 $0x4A00  }
0x94: {  	[tilespmem:s4], [sflag:$0x2] =	stream.indirect.gather @!p3 [hbm4b:s16+s7], $0x1, s24, s7, $0xb8;
	[tilespmem:$0x5A00] =	vst v63  }
0x95: {  	s6 =	smov.u32 s28;
	s17 =	sadd.s32 @!p3 $0x4C4B4, s8;
	s4 =	simm.s32 @!p3 $0x4C00  }
0x96: {  	[tilespmem:s4], [sflag:$0x2] =	stream.indirect.gather @!p3 [hbm4b:s17+s7], $0x1, s24, s7, $0xb8;
	[tilespmem:$0x5A00] =	vst v63  }
0x97: {  	p1 =	por p4, p4;
	s18 =	sadd.s32 @!p3 $0x4F588, s8;
	s4 =	simm.s32 @!p3 $0x4E00  }
0x98: {  	[tilespmem:s4], [sflag:$0x2] =	stream.indirect.gather @!p3 [hbm4b:s18+s7], $0x1, s24, s7, $0xb8;
	[tilespmem:$0x5A00] =	vst v63  }
0x99: {  	s19 =	sadd.s32 @!p3 $0x5265C, s8;
	s20 =	sadd.s32 @!p3 $0x55730, s8;
	s9 =	simm.s32 @!p3 $0x5000  }
0x9a: {  	[tilespmem:s9], [sflag:$0x2] =	stream.indirect.gather @!p3 [hbm4b:s19+s7], $0x1, s24, s7, $0xb8;
	[tilespmem:$0x5A00] =	vst v63  }
0x9b: {  	s22 =	sadd.s32 @!p3 $0x5B8D8, s8;
	s18 =	sadd.s32 $0xFFFFFFFF, s26;
	s9 =	simm.s32 @!p3 $0x5200  }
0x9c: {  	[tilespmem:s9], [sflag:$0x2] =	stream.indirect.gather @!p3 [hbm4b:s20+s7], $0x1, s24, s7, $0xb8;
	[tilespmem:$0x5A00] =	vst v63  }
0x9d: {  	s10 =	sadd.s32 @!p3 $0x58804, s8;
	s4 =	sand.u32 $0x1, s18;
	s9 =	simm.s32 @!p3 $0x5400  }
0x9e: {  	[tilespmem:s9], [sflag:$0x2] =	stream.indirect.gather @!p3 [hbm4b:s10+s7], $0x1, s24, s7, $0xb8;
	[tilespmem:$0x5A00] =	vst v63  }
0x9f: {  	s8 =	sadd.s32 @!p3 $0x5E9AC, s8;
	p4 =	seq.s32 s4, $0x0;
	s9 =	simm.s32 @!p3 $0x5600  }
0xa0: {  	[tilespmem:s9], [sflag:$0x2] =	stream.indirect.gather @!p3 [hbm4b:s22+s7], $0x1, s24, s7, $0xb8;
	[tilespmem:$0x5A00] =	vst v63  }
0xa1: {  	s10 =	simm.s32 @!p3 $0x5800;
	s9 =	sadd.s32 @!p4 s25, s3;
	s25 =	smov.u32 s6  }
0xa2: {  	[tilespmem:s10], [sflag:$0x2] =	stream.indirect.gather @!p3 [hbm4b:s8+s7], $0x1, s24, s7, $0xb8;
	[tilespmem:$0x5A00] =	vst v63  }
0xa3: {  	s6 =	simm.s32 @!p4 $0x200;
	s7 =	sadd.s32 @!p4 $0x30D40, s9;
	s8 =	simm.s32 @!p4 $0x1A00  }
0xa4: {  	[tilespmem:s8], [sflag:$0x1] =	stream.indirect.gather @!p4 [hbm4b:s7+s6], $0x1, s24, s6, $0xb8;
	[tilespmem:$0x5A00] =	vst v63  }
0xa5: {  	s7 =	sadd.s32 @!p4 $0x33E14, s9;
	s8 =	simm.s32 @!p4 $0x1C00  }
0xa6: {  	[tilespmem:s8], [sflag:$0x1] =	stream.indirect.gather @!p4 [hbm4b:s7+s6], $0x1, s24, s6, $0xb8;
	[tilespmem:$0x5A00] =	vst v63  }
0xa7: {  	p5 =	seq.s32 s28, $0x0;
	s10 =	sadd.s32 @!p4 $0x36EE8, s9;
	s7 =	simm.s32 @!p4 $0x1E00  }
0xa8: {  	[tilespmem:s7], [sflag:$0x1] =	stream.indirect.gather @!p4 [hbm4b:s10+s6], $0x1, s24, s6, $0xb8;
	[tilespmem:$0x5A00] =	vst v63  }
0xa9: {  	s29 =	smov.u32 s24;
	s8 =	sadd.s32 @!p4 $0x39FBC, s9;
	s7 =	simm.s32 @!p4 $0x2000  }
0xaa: {  	[tilespmem:s7], [sflag:$0x1] =	stream.indirect.gather @!p4 [hbm4b:s8+s6], $0x1, s24, s6, $0xb8;
	[tilespmem:$0x5A00] =	vst v63  }
0xab: {  	s28 =	sadd.s32 $0x30D40, s28;
	s11 =	sadd.s32 @!p4 $0x3D090, s9;
	s7 =	simm.s32 @!p4 $0x2200  }
0xac: {  	[tilespmem:s7], [sflag:$0x1] =	stream.indirect.gather @!p4 [hbm4b:s11+s6], $0x1, s24, s6, $0xb8;
	[tilespmem:$0x5A00] =	vst v63  }
0xad: {  	s12 =	sand.u32 $0x8000, s23;
	s10 =	sadd.s32 @!p4 $0x40164, s9;
	s7 =	simm.s32 @!p4 $0x2400  }
0xae: {  	[tilespmem:s7], [sflag:$0x1] =	stream.indirect.gather @!p4 [hbm4b:s10+s6], $0x1, s24, s6, $0xb8;
	[tilespmem:$0x5A00] =	vst v63  }
0xaf: {  	s5 =	sshrl.u32 s12, $0x2;
	s12 =	sadd.s32 @!p4 $0x43238, s9;
	s7 =	simm.s32 @!p4 $0x2600  }
0xb0: {  	[tilespmem:s7], [sflag:$0x1] =	stream.indirect.gather @!p4 [hbm4b:s12+s6], $0x1, s24, s6, $0xb8;
	[tilespmem:$0x5A00] =	vst v63  }
0xb1: {  	p2 =	sne.s32 s28, $0x27AC40;
	s8 =	sadd.s32 @!p4 $0x4630C, s9;
	s7 =	simm.s32 @!p4 $0x2800  }
0xb2: {  	[tilespmem:s7], [sflag:$0x1] =	stream.indirect.gather @!p4 [hbm4b:s8+s6], $0x1, s24, s6, $0xb8;
	[tilespmem:$0x5A00] =	vst v63  }
0xb3: {  	s30 =	smov.u32 s23;
	s13 =	sadd.s32 @!p4 $0x493E0, s9;
	s7 =	simm.s32 @!p4 $0x2A00  }
0xb4: {  	[tilespmem:s7], [sflag:$0x1] =	stream.indirect.gather @!p4 [hbm4b:s13+s6], $0x1, s24, s6, $0xb8;
	[tilespmem:$0x5A00] =	vst v63  }
0xb5: {  	p0 =	por p5, p5;
	s11 =	sadd.s32 @!p4 $0x4C4B4, s9;
	s7 =	simm.s32 @!p4 $0x2C00  }
0xb6: {  	[tilespmem:s7], [sflag:$0x1] =	stream.indirect.gather @!p4 [hbm4b:s11+s6], $0x1, s24, s6, $0xb8;
	[tilespmem:$0x5A00] =	vst v63  }
0xb7: {  	s23 =	sadd.s32 $0x8000, s23;
	s14 =	sadd.s32 @!p4 $0x4F588, s9;
	s7 =	simm.s32 @!p4 $0x2E00  }
0xb8: {  	[tilespmem:s7], [sflag:$0x1] =	stream.indirect.gather @!p4 [hbm4b:s14+s6], $0x1, s24, s6, $0xb8;
	[tilespmem:$0x5A00] =	vst v63  }
0xb9: {  	s5 =	sor.u32 $0x1A00, s5;
	s10 =	sadd.s32 @!p4 $0x5265C, s9;
	s7 =	simm.s32 @!p4 $0x3000  }
0xba: {  	[tilespmem:s7], [sflag:$0x1] =	stream.indirect.gather @!p4 [hbm4b:s10+s6], $0x1, s24, s6, $0xb8;
	[tilespmem:$0x5A00] =	vst v63  }
0xbb: {  	s26 =	sadd.s32 $0x1, s26;
	s15 =	sadd.s32 @!p4 $0x55730, s9;
	s7 =	simm.s32 @!p4 $0x3200  }
0xbc: {  	[tilespmem:s7], [sflag:$0x1] =	stream.indirect.gather @!p4 [hbm4b:s15+s6], $0x1, s24, s6, $0xb8;
	[tilespmem:$0x5A00] =	vst v63  }
0xbd: {  	s4 =	simm.s32 @!p4 $0x2;
	s12 =	sadd.s32 @!p4 $0x58804, s9;
	s7 =	simm.s32 @!p4 $0x3400  }
0xbe: {  	[tilespmem:s7], [sflag:$0x1] =	stream.indirect.gather @!p4 [hbm4b:s12+s6], $0x1, s29, s6, $0xb8;
	[tilespmem:$0x5A00] =	vst v63  }
.Ltmp0:
0xbf: {  	s4 =	simm.s32 @p4 $0x1;
	s16 =	sadd.s32 @!p4 $0x5B8D8, s9;
	(pc) =	sbr.rel @p2 .LBB2_2-.Ltmp0, $4  }
0xc0: {  	s9 =	sadd.s32 @!p4 $0x5E9AC, s9;
	s8 =	sand.u32 $0x1, s26;
	s7 =	simm.s32 @!p4 $0x3600  }
0xc1: {  	[tilespmem:s7], [sflag:$0x1] =	stream.indirect.gather @!p4 [hbm4b:s16+s6], $0x1, s29, s6, $0xb8;
	[tilespmem:$0x5A00] =	vst v63  }
0xc2: {  	s10 =	simm.s32 @!p4 $0x3800;
	s24 =	sadd.s32 $0x200, s24;
	s7 =	simm.s32 @!p0 $0x3  }
0xc3: {  	[tilespmem:s10], [sflag:$0x1] =	stream.indirect.gather @!p4 [hbm4b:s9+s6], $0x1, s29, s6, $0xb8;
	[tilespmem:$0x5A00] =	vst v63  }
0xc4: {  	_ =	swait.ge [sflag:s4], $0x2000  }
0xc5: {  	s6 =	rddreg [dreg:$0x2];
	[sflag:s4] =	ssyncset.done $0x0  }
0xc6: {  	p2 =	seq.s32 s8, $0x1;
	[sflag:s4] =	ssyncadd.s32 $0xFFFFE000;
	s20 =	sadd.s32 s30, s6  }
0xc7: {  	[hbm4b:s20+s31] =	stream.strided.scatter [tilespmem:s5], [sflag:$0x3], $0x2000, s21, s31, $0x38;
	[tilespmem:$0x5A00] =	vst v63  }
0xc8: {  	p1 =	por !p2, p1;
	_ =	swait.ge @!p0 [sflag:s7], $0x2000  }
0xc9: {  	s4 =	sadd.s32 @!p1 s25, s3;
	s6 =	simm.s32 @!p1 $0x200;
	[sflag:s7] =	ssyncset.done @!p0 $0x0  }
0xca: {  	s5 =	sadd.s32 @!p1 $0x30D40, s4;
	[sflag:s7] =	ssyncadd.s32 @!p0 $0xFFFFE000;
	s7 =	simm.s32 @!p1 $0x3A00  }
0xcb: {  	[tilespmem:s7], [sflag:$0x2] =	stream.indirect.gather @!p1 [hbm4b:s5+s6], $0x1, s24, s6, $0xb8;
	[tilespmem:$0x5A00] =	vst v63  }
0xcc: {  	s5 =	sadd.s32 @!p1 $0x33E14, s4;
	s7 =	simm.s32 @!p1 $0x3C00  }
0xcd: {  	[tilespmem:s7], [sflag:$0x2] =	stream.indirect.gather @!p1 [hbm4b:s5+s6], $0x1, s24, s6, $0xb8;
	[tilespmem:$0x5A00] =	vst v63  }
0xce: {  	s5 =	sadd.s32 @!p1 $0x36EE8, s4;
	s7 =	simm.s32 @!p1 $0x3E00  }
0xcf: {  	[tilespmem:s7], [sflag:$0x2] =	stream.indirect.gather @!p1 [hbm4b:s5+s6], $0x1, s24, s6, $0xb8;
	[tilespmem:$0x5A00] =	vst v63  }
0xd0: {  	s5 =	sadd.s32 @!p1 $0x39FBC, s4;
	s7 =	simm.s32 @!p1 $0x4000  }
0xd1: {  	[tilespmem:s7], [sflag:$0x2] =	stream.indirect.gather @!p1 [hbm4b:s5+s6], $0x1, s24, s6, $0xb8;
	[tilespmem:$0x5A00] =	vst v63  }
0xd2: {  	s5 =	sadd.s32 @!p1 $0x3D090, s4;
	s7 =	simm.s32 @!p1 $0x4200  }
0xd3: {  	[tilespmem:s7], [sflag:$0x2] =	stream.indirect.gather @!p1 [hbm4b:s5+s6], $0x1, s24, s6, $0xb8;
	[tilespmem:$0x5A00] =	vst v63  }
0xd4: {  	s5 =	sadd.s32 @!p1 $0x40164, s4;
	s7 =	simm.s32 @!p1 $0x4400  }
0xd5: {  	[tilespmem:s7], [sflag:$0x2] =	stream.indirect.gather @!p1 [hbm4b:s5+s6], $0x1, s24, s6, $0xb8;
	[tilespmem:$0x5A00] =	vst v63  }
0xd6: {  	s5 =	sadd.s32 @!p1 $0x43238, s4;
	s7 =	simm.s32 @!p1 $0x4600  }
0xd7: {  	[tilespmem:s7], [sflag:$0x2] =	stream.indirect.gather @!p1 [hbm4b:s5+s6], $0x1, s24, s6, $0xb8;
	[tilespmem:$0x5A00] =	vst v63  }
0xd8: {  	s5 =	sadd.s32 @!p1 $0x4630C, s4;
	s7 =	simm.s32 @!p1 $0x4800  }
0xd9: {  	[tilespmem:s7], [sflag:$0x2] =	stream.indirect.gather @!p1 [hbm4b:s5+s6], $0x1, s24, s6, $0xb8;
	[tilespmem:$0x5A00] =	vst v63  }
0xda: {  	s5 =	sadd.s32 @!p1 $0x493E0, s4;
	s7 =	simm.s32 @!p1 $0x4A00  }
0xdb: {  	[tilespmem:s7], [sflag:$0x2] =	stream.indirect.gather @!p1 [hbm4b:s5+s6], $0x1, s24, s6, $0xb8;
	[tilespmem:$0x5A00] =	vst v63  }
0xdc: {  	s5 =	sadd.s32 @!p1 $0x4C4B4, s4;
	s7 =	simm.s32 @!p1 $0x4C00  }
0xdd: {  	[tilespmem:s7], [sflag:$0x2] =	stream.indirect.gather @!p1 [hbm4b:s5+s6], $0x1, s24, s6, $0xb8;
	[tilespmem:$0x5A00] =	vst v63  }
0xde: {  	s5 =	sadd.s32 @!p1 $0x4F588, s4;
	s7 =	simm.s32 @!p1 $0x4E00  }
0xdf: {  	[tilespmem:s7], [sflag:$0x2] =	stream.indirect.gather @!p1 [hbm4b:s5+s6], $0x1, s24, s6, $0xb8;
	[tilespmem:$0x5A00] =	vst v63  }
0xe0: {  	s5 =	sadd.s32 @!p1 $0x5265C, s4;
	s7 =	simm.s32 @!p1 $0x5000  }
0xe1: {  	[tilespmem:s7], [sflag:$0x2] =	stream.indirect.gather @!p1 [hbm4b:s5+s6], $0x1, s24, s6, $0xb8;
	[tilespmem:$0x5A00] =	vst v63  }
0xe2: {  	s22 =	sadd.s32 $0xFFFFFFFF, s26;
	s8 =	simm.s32 @!p1 $0x5200;
	s5 =	sadd.s32 @!p1 $0x55730, s4  }
0xe3: {  	[tilespmem:s8], [sflag:$0x2] =	stream.indirect.gather @!p1 [hbm4b:s5+s6], $0x1, s24, s6, $0xb8;
	[tilespmem:$0x5A00] =	vst v63  }
0xe4: {  	s7 =	sand.u32 $0x1, s22;
	s5 =	sadd.s32 @!p1 $0x58804, s4;
	s8 =	simm.s32 @!p1 $0x5400  }
0xe5: {  	[tilespmem:s8], [sflag:$0x2] =	stream.indirect.gather @!p1 [hbm4b:s5+s6], $0x1, s24, s6, $0xb8;
	[tilespmem:$0x5A00] =	vst v63  }
0xe6: {  	p0 =	seq.s32 s7, $0x0;
	s5 =	sadd.s32 @!p1 $0x5B8D8, s4;
	s8 =	simm.s32 @!p1 $0x5600  }
0xe7: {  	[tilespmem:s8], [sflag:$0x2] =	stream.indirect.gather @!p1 [hbm4b:s5+s6], $0x1, s24, s6, $0xb8;
	[tilespmem:$0x5A00] =	vst v63  }
0xe8: {  	s7 =	sadd.s32 @!p0 s25, s3;
	s4 =	sadd.s32 @!p1 $0x5E9AC, s4;
	s5 =	simm.s32 @!p1 $0x5800  }
0xe9: {  	[tilespmem:s5], [sflag:$0x2] =	stream.indirect.gather @!p1 [hbm4b:s4+s6], $0x1, s24, s6, $0xb8;
	[tilespmem:$0x5A00] =	vst v63  }
0xea: {  	s4 =	sadd.s32 @!p0 $0x30D40, s7;
	s5 =	simm.s32 @!p0 $0x200;
	s6 =	simm.s32 @!p0 $0x1A00  }
0xeb: {  	[tilespmem:s6], [sflag:$0x1] =	stream.indirect.gather @!p0 [hbm4b:s4+s5], $0x1, s24, s5, $0xb8;
	[tilespmem:$0x5A00] =	vst v63  }
0xec: {  	s4 =	sadd.s32 @!p0 $0x33E14, s7;
	s6 =	simm.s32 @!p0 $0x1C00  }
0xed: {  	[tilespmem:s6], [sflag:$0x1] =	stream.indirect.gather @!p0 [hbm4b:s4+s5], $0x1, s24, s5, $0xb8;
	[tilespmem:$0x5A00] =	vst v63  }
0xee: {  	s4 =	sadd.s32 @!p0 $0x36EE8, s7;
	s6 =	simm.s32 @!p0 $0x1E00  }
0xef: {  	[tilespmem:s6], [sflag:$0x1] =	stream.indirect.gather @!p0 [hbm4b:s4+s5], $0x1, s24, s5, $0xb8;
	[tilespmem:$0x5A00] =	vst v63  }
0xf0: {  	s4 =	sadd.s32 @!p0 $0x39FBC, s7;
	s6 =	simm.s32 @!p0 $0x2000  }
0xf1: {  	[tilespmem:s6], [sflag:$0x1] =	stream.indirect.gather @!p0 [hbm4b:s4+s5], $0x1, s24, s5, $0xb8;
	[tilespmem:$0x5A00] =	vst v63  }
0xf2: {  	s4 =	sadd.s32 @!p0 $0x3D090, s7;
	s6 =	simm.s32 @!p0 $0x2200  }
0xf3: {  	[tilespmem:s6], [sflag:$0x1] =	stream.indirect.gather @!p0 [hbm4b:s4+s5], $0x1, s24, s5, $0xb8;
	[tilespmem:$0x5A00] =	vst v63  }
0xf4: {  	s4 =	sadd.s32 @!p0 $0x40164, s7;
	s6 =	simm.s32 @!p0 $0x2400  }
0xf5: {  	[tilespmem:s6], [sflag:$0x1] =	stream.indirect.gather @!p0 [hbm4b:s4+s5], $0x1, s24, s5, $0xb8;
	[tilespmem:$0x5A00] =	vst v63  }
0xf6: {  	s4 =	sadd.s32 @!p0 $0x43238, s7;
	s6 =	simm.s32 @!p0 $0x2600  }
0xf7: {  	[tilespmem:s6], [sflag:$0x1] =	stream.indirect.gather @!p0 [hbm4b:s4+s5], $0x1, s24, s5, $0xb8;
	[tilespmem:$0x5A00] =	vst v63  }
0xf8: {  	s4 =	sadd.s32 @!p0 $0x4630C, s7;
	s6 =	simm.s32 @!p0 $0x2800  }
0xf9: {  	[tilespmem:s6], [sflag:$0x1] =	stream.indirect.gather @!p0 [hbm4b:s4+s5], $0x1, s24, s5, $0xb8;
	[tilespmem:$0x5A00] =	vst v63  }
0xfa: {  	s4 =	sadd.s32 @!p0 $0x493E0, s7;
	s6 =	simm.s32 @!p0 $0x2A00  }
0xfb: {  	[tilespmem:s6], [sflag:$0x1] =	stream.indirect.gather @!p0 [hbm4b:s4+s5], $0x1, s24, s5, $0xb8;
	[tilespmem:$0x5A00] =	vst v63  }
0xfc: {  	s4 =	sadd.s32 @!p0 $0x4C4B4, s7;
	s6 =	simm.s32 @!p0 $0x2C00  }
0xfd: {  	[tilespmem:s6], [sflag:$0x1] =	stream.indirect.gather @!p0 [hbm4b:s4+s5], $0x1, s24, s5, $0xb8;
	[tilespmem:$0x5A00] =	vst v63  }
0xfe: {  	s4 =	sadd.s32 @!p0 $0x4F588, s7;
	s6 =	simm.s32 @!p0 $0x2E00  }
0xff: {  	[tilespmem:s6], [sflag:$0x1] =	stream.indirect.gather @!p0 [hbm4b:s4+s5], $0x1, s24, s5, $0xb8;
	[tilespmem:$0x5A00] =	vst v63  }
0x100: {  	s4 =	sadd.s32 @!p0 $0x5265C, s7;
	s6 =	simm.s32 @!p0 $0x3000  }
0x101: {  	[tilespmem:s6], [sflag:$0x1] =	stream.indirect.gather @!p0 [hbm4b:s4+s5], $0x1, s24, s5, $0xb8;
	[tilespmem:$0x5A00] =	vst v63  }
0x102: {  	s4 =	sadd.s32 @!p0 $0x55730, s7;
	s6 =	simm.s32 @!p0 $0x3200  }
0x103: {  	[tilespmem:s6], [sflag:$0x1] =	stream.indirect.gather @!p0 [hbm4b:s4+s5], $0x1, s24, s5, $0xb8;
	[tilespmem:$0x5A00] =	vst v63  }
0x104: {  	s4 =	sadd.s32 @!p0 $0x58804, s7;
	s6 =	simm.s32 @!p0 $0x3400  }
0x105: {  	[tilespmem:s6], [sflag:$0x1] =	stream.indirect.gather @!p0 [hbm4b:s4+s5], $0x1, s24, s5, $0xb8;
	[tilespmem:$0x5A00] =	vst v63  }
0x106: {  	s8 =	simm.s32 @!p0 $0x3600;
	s4 =	simm.s32 @!p0 $0x2;
	s6 =	sadd.s32 @!p0 $0x5B8D8, s7  }
0x107: {  	[tilespmem:s8], [sflag:$0x1] =	stream.indirect.gather @!p0 [hbm4b:s6+s5], $0x1, s24, s5, $0xb8;
	[tilespmem:$0x5A00] =	vst v63  }
0x108: {  	s4 =	simm.s32 @p0 $0x1;
	s6 =	sadd.s32 @!p0 $0x5E9AC, s7;
	s7 =	simm.s32 @!p0 $0x3800  }
0x109: {  	[tilespmem:s7], [sflag:$0x1] =	stream.indirect.gather @!p0 [hbm4b:s6+s5], $0x1, s24, s5, $0xb8;
	[tilespmem:$0x5A00] =	vst v63  }
0x10a: {  	s28 =	sand.u32 $0x8000, s23;
	_ =	swait.ge [sflag:s4], $0x2000  }
0x10b: {  	s6 =	sshrl.u32 s28, $0x2;
	s26 =	rddreg [dreg:$0x2];
	[sflag:s4] =	ssyncset.done $0x0  }
0x10c: {  	s6 =	sor.u32 $0x1A00, s6;
	[sflag:s4] =	ssyncadd.s32 $0xFFFFE000;
	s29 =	sadd.s32 s23, s26  }
0x10d: {  	[hbm4b:s29+s31] =	stream.strided.scatter [tilespmem:s6], [sflag:$0x3], $0x2000, s21, s31, $0x38;
	[tilespmem:$0x5A00] =	vst v63  }
0x10e: {  	_ =	swait.ge [sflag:s0], $0x2000  }
0x10f: {  	s1 =	sadd.s32 $0x1, s1;
	s30 =	rddreg [dreg:$0x13]  }
0x110: {  	p0 =	sne.s32 s1, s30  }
.Ltmp1:
0x111: {  	_ = 	snop;
	(pc) =	sbr.rel @p0 .LBB2_1-.Ltmp1, $3  }
0x112: {  	_ =	sdelay $0x1  }
0x113: {  	[sflag:s0] =	ssyncset.done $0x0  }
0x114: {  	[sflag:s0] =	ssyncadd.s32 $0xFFFFE000  }
0x115: {  	_ =	sfence.sel $0x180000  }
0x116: {  	[bflag:$0x0] =	sbarrier.arrive $0xFFFF  }
0x117: {  	_ =	strace $0x90000047  }
0x118: {  	s0 =	stileid.u32;
	[bflag:$0x2] =	sbarrier.arrive $0xFFFF  }
0x119: {  	p0 =	sne.s32 s0, $0x0;
	s0 =	rddreg [dreg:$0x1]  }
0x11a: {  	s0 =	sadd.s32 @!p0 $0x100000, s0  }
0x11b: {  	[sflag:s0] =	ssyncadd.tile.s32 @!p0 $0x1;
	_ =	shalt  }
.Lfunc_end2:
_tile_overlayer_lowered:
.L_overlay_start_2:
0x11c: {  	(tag) =	ssettag $0x2  }
0x11d: {  	s0 =	rddreg [dreg:$0x0];
	s2 =	stileid.u32  }
0x11e: {  	s1 =	rddreg [dreg:$0x1];
	p0 =	sne.s32 s2, $0x0  }
0x11f: {  	s3 =	rddreg [dreg:$0x2];
	[bflag:$0x3] =	sbarrier.arrive $0xFFFF;
	s2 =	simm.s32 @!p0 $0x1C04  }
0x120: {  	[timem:s3], [sflag:s2] =	dma.local @!p0 [hbm:s0], s1  }
0x121: {  	s0 =	simm.s32 @!p0 $0x4  }
0x122: {  	_ =	swait.ge @!p0 [sflag:s0], s1  }
0x123: {  	s1 =	ssub.s32 @!p0 $0x0, s1;
	[sflag:s0] =	ssyncset.done @!p0 $0x0  }
0x124: {  	[sflag:s0] =	ssyncadd.s32 @!p0 s1  }
0x125: {  	[bflag:$0x3] =	sbarrier.arrive $0xFFFF  }
0x126: {  	_ =	shalt  }

// kernel: kernel.7.cloned.1.call-start
scs
__scs_entry_jumppad:
0x0: {  	(pc) =	sbr.rel $0x88, $3  }
0x1: {  	(tag) =	ssettag $0x0;
	lr =	simm.s32 $0x1  }
0x2: {  	[smem:$0x3F92] =	sst lr;
	_ =	strace $0xD0000000  }
0x3: {  	_ = 	snop  }
0x4: {  	_ = 	snop  }
0x5: {  	_ = 	snop  }
0x6: {  	_ = 	snop  }
0x7: {  	_ = 	snop  }
__scs_overlays_trampoline_lowered:
0x8: {  	[smem:$0x3FA1] =	sst s0  }
0x9: {  	[smem:$0x3FA2] =	sst s1  }
0xa: {  	[smem:$0x3FA3] =	sst s2  }
0xb: {  	[smem:$0x3FA4] =	sst s3  }
0xc: {  	[smem:$0x3FA5] =	sst s4  }
0xd: {  	[smem:$0x3FA6] =	sst s5  }
0xe: {  	[smem:$0x3FA7] =	sst s6  }
0xf: {  	[smem:$0x3FA8] =	sst s7  }
0x10: {  	[smem:$0x3FA9] =	sst s8  }
0x11: {  	[smem:$0x3FAA] =	sst s9;
	s0 =	simm.s32 @!p0 $0x0  }
0x12: {  	s1 =	sld [smem:$0x3F90];
	s0 =	simm.s32 @p0 $0x1  }
0x13: {  	[smem:$0x3FAB] =	sst s0;
	s0 =	simm.s32 @!p1 $0x0  }
0x14: {  	s2 =	sld [smem:$0x3F8F];
	s0 =	simm.s32 @p1 $0x1  }
0x15: {  	[smem:$0x3FAC] =	sst s0;
	s0 =	simm.s32 @!p2 $0x0  }
0x16: {  	s3 =	sld [smem:$0x3FDB];
	s0 =	simm.s32 @p2 $0x1  }
0x17: {  	s4 =	simm.s32 $0x1BF5;
	[smem:$0x3FAE] =	sst s0  }
0x18: {  	s0 =	sld [smem:$0x3F91];
	_ =	swait.ge [sflag:s4], $0x0  }
0x19: {  	s7 =	sld [smem:$0x3F92]  }
0x1a: {  	s8 =	sadd.s32 $0xFFFFE003, lr  }
0x1b: {  	s9 =	sadd.s32 $0xFFFFFEF7, lr;
	s5 =	simm.s32 $0xFFFFFFFF;
	p2 =	slt.u32 s8, $0xFFFFF086  }
0x1c: {  	p1 =	slt.u32 s9, $0xF7A;
	s5 =	simm.s32 @!p2 $0x0  }
0x1d: {  	s5 =	simm.s32 @p1 $0x1;
	p0 =	seq.s32 s7, s2  }
0x1e: {  	s7 =	smul.u32 @!p0 $0xF7A, s2;
	p2 =	seq.s32 @!p0 s5, $0x0  }
0x1f: {  	s9 =	smul.u32 $0xF7A, s1;
	s8 =	simm.s32 @!p0 $0x1BF5;
	p2 =	por !p2, p0  }
0x20: {  	[sflag:s8] =	ssyncset.s32 @!p0 $0xFFFFF086;
	s6 =	sadd.s32 @!p0 s3, s7;
	s7 =	simm.s32 @!p0 $0x108  }
0x21: {  	s3 =	sadd.s32 s3, s9;
	s6 =	sadd.s32 @!p0 $0x88, s6;
	s7 =	simm.s32 @p2 $0x1082  }
0x22: {  	[simem:s7], [sflag:s8] =	dma.local @!p0 [hbm:s6], $0xF7A  }
0x23: {  	s9 =	sor.u32 $0xD0000000, s2;
	s6 =	simm.s32 $0x108;
	_ =	swait.ge @!p0 [sflag:s8], $0x0  }
0x24: {  	s3 =	sadd.s32 $0x88, s3;
	s6 =	simm.s32 @!p1 $0x1082;
	[sflag:s4] =	ssyncset.s32 $0xFFFFF086  }
0x25: {  	[simem:s6], [sflag:s4] =	dma.local [hbm:s3], $0xF7A  }
0x26: {  	[smem:$0x3F92] =	sst s1;
	(tag) =	ssettag s2;
	_ =	strace s9  }
0x27: {  	s1 =	sld [smem:$0x3FA2]  }
0x28: {  	s2 =	sld [smem:$0x3FA3]  }
0x29: {  	s4 =	sld [smem:$0x3FA5]  }
0x2a: {  	p0 =	seq.s32 s5, $0x0;
	s5 =	sld [smem:$0x3FA6]  }
0x2b: {  	s6 =	sld [smem:$0x3FA7]  }
0x2c: {  	s7 =	sld [smem:$0x3FA8]  }
0x2d: {  	s3 =	simm.s32 $0x108;
	s8 =	sld [smem:$0x3FA9]  }
0x2e: {  	s3 =	simm.s32 @!p0 $0x1082;
	s9 =	sld [smem:$0x3FAA]  }
0x2f: {  	lr =	sadd.s32 s0, s3;
	s0 =	sld [smem:$0x3FA1]  }
0x30: {  	s3 =	sld [smem:$0x3FA4]  }
0x31: {  	[smem:$0x3FAD] =	sst s10  }
0x32: {  	s10 =	sld [smem:$0x3FAB];
	_ =	sdelay $0x3  }
0x33: {  	p0 =	seq.s32 s10, $0x1;
	s10 =	sld [smem:$0x3FAD];
	_ =	sdelay $0x3  }
0x34: {  	[smem:$0x3FAD] =	sst s10  }
0x35: {  	s10 =	sld [smem:$0x3FAC];
	_ =	sdelay $0x3  }
0x36: {  	p1 =	seq.s32 s10, $0x1;
	s10 =	sld [smem:$0x3FAD];
	_ =	sdelay $0x3  }
0x37: {  	[smem:$0x3FAD] =	sst s10  }
0x38: {  	s10 =	sld [smem:$0x3FAE]  }
0x39: {  	_ = 	snop;
	(pc) =	sbr.ind lr, $3  }
0x3a: {  	_ = 	snop  }
0x3b: {  	_ = 	snop  }
0x3c: {  	p2 =	seq.s32 s10, $0x1;
	s10 =	sld [smem:$0x3FAD]  }
0x3d: {  	_ =	shalt  }
0x3e: {  	_ =	shalt  }
0x3f: {  	_ =	shalt  }
0x40: {  	_ =	shalt  }
0x41: {  	_ =	shalt  }
0x42: {  	_ =	shalt  }
0x43: {  	_ =	shalt  }
0x44: {  	_ =	shalt  }
0x45: {  	_ =	shalt  }
0x46: {  	_ =	shalt  }
0x47: {  	_ =	shalt  }
0x48: {  	_ =	shalt  }
0x49: {  	_ =	shalt  }
0x4a: {  	_ =	shalt  }
0x4b: {  	_ =	shalt  }
0x4c: {  	_ =	shalt  }
0x4d: {  	_ =	shalt  }
0x4e: {  	_ =	shalt  }
0x4f: {  	_ =	shalt  }
0x50: {  	_ =	shalt  }
0x51: {  	_ =	shalt  }
0x52: {  	_ =	shalt  }
0x53: {  	_ =	shalt  }
0x54: {  	_ =	shalt  }
0x55: {  	_ =	shalt  }
0x56: {  	_ =	shalt  }
0x57: {  	_ =	shalt  }
0x58: {  	_ =	shalt  }
0x59: {  	_ =	shalt  }
0x5a: {  	_ =	shalt  }
0x5b: {  	_ =	shalt  }
0x5c: {  	_ =	shalt  }
0x5d: {  	_ =	shalt  }
0x5e: {  	_ =	shalt  }
0x5f: {  	_ =	shalt  }
0x60: {  	_ =	shalt  }
0x61: {  	_ =	shalt  }
0x62: {  	_ =	shalt  }
0x63: {  	_ =	shalt  }
0x64: {  	_ =	shalt  }
0x65: {  	_ =	shalt  }
0x66: {  	_ =	shalt  }
0x67: {  	_ =	shalt  }
0x68: {  	_ =	shalt  }
0x69: {  	_ =	shalt  }
0x6a: {  	_ =	shalt  }
0x6b: {  	_ =	shalt  }
0x6c: {  	_ =	shalt  }
0x6d: {  	_ =	shalt  }
0x6e: {  	_ =	shalt  }
0x6f: {  	_ =	shalt  }
0x70: {  	_ =	shalt  }
0x71: {  	_ =	shalt  }
0x72: {  	_ =	shalt  }
0x73: {  	_ =	shalt  }
0x74: {  	_ =	shalt  }
0x75: {  	_ =	shalt  }
0x76: {  	_ =	shalt  }
0x77: {  	_ =	shalt  }
0x78: {  	_ =	shalt  }
0x79: {  	_ =	shalt  }
0x7a: {  	_ =	shalt  }
0x7b: {  	_ =	shalt  }
0x7c: {  	_ =	shalt  }
0x7d: {  	_ =	shalt  }
0x7e: {  	_ =	shalt  }
0x7f: {  	_ =	shalt  }
0x80: {  	_ =	shalt  }
0x81: {  	_ =	shalt  }
0x82: {  	_ =	shalt  }
0x83: {  	_ =	shalt  }
0x84: {  	_ =	shalt  }
0x85: {  	_ =	shalt  }
0x86: {  	_ =	shalt  }
0x87: {  	_ =	shalt  }
.Lfunc_end0:
.L_simem_size_0:
called_computation_lowered:
.L_overlay_start_0:
0x88: {  	s2 =	sld [smem:$0x3FD9]  }
0x89: {  	s3 =	sld [smem:$0x3FFE];
	_ =	sdelay $0x1  }
0x8a: {  	s1 =	srdreg.scid  }
0x8b: {  	s0 =	sand.u32 $0x1, s1  }
0x8c: {  	s17 =	sshll.u32 s0, $0xA;
	s2 =	sadd.s32 s3, s2  }
0x8d: {  	s2 =	sadd.s32 s2, s17  }
0x8e: {  	[smem:$0x3FB9] =	sst s2  }
0x8f: {  	_ = 	snop  }
0x90: {  	(tm) =	ssettm $0x1  }
0x91: {  	s18 =	sld [smem:$0x3FFB];
	_ =	sdelay $0x3  }
0x92: {  	_ =	strace s18  }
0x93: {  	s2 =	sld [smem:$0x3FFC];
	_ =	sdelay $0x3  }
0x94: {  	_ =	strace s2  }
0x95: {  	s2 =	sld [smem:$0x3FFD];
	_ =	sdelay $0x3  }
0x96: {  	_ =	strace s2  }
0x97: {  	_ =	strace $0x8FFFFFFF  }
0x98: {  	s19 =	sld [smem:$0x3FDB];
	_ =	sdelay $0x1  }
0x99: {  	s20 =	simm.s32 $_scs_section_size  }
0x9a: {  	s4 =	simm.s32 $_size__tile_overlayer_lowered;
	s5 =	simm.s32 $_tile_overlayer_lowered  }
0x9b: {  	s6 =	simm.s32 $0x1BFF;
	s21 =	sshll.u32 s5, $0x1;
	s3 =	sadd.s32 s20, s19  }
0x9c: {  	s22 =	simm.s32 $0x0;
	s4 =	sshll.u32 s4, $0x1;
	s5 =	sadd.s32 s21, s3  }
0x9d: {  	[timem:s22], [sflag:s6] =	dma.local [hbm:s5], s4  }
0x9e: {  	_ =	swait.ge [sflag:s6], s4  }
0x9f: {  	s4 =	ssub.s32 $0x0, s4;
	[sflag:s6] =	ssyncset.done $0x0  }
0xa0: {  	[sflag:s6] =	ssyncadd.s32 s4;
	_ =	sdelay $0x1  }
0xa1: {  	s23 =	simm.s32 $0x1B8B  }
0xa2: {  	_ =	swait.ge [sflag:s23], $0x1  }
0xa3: {  	[sflag:s23] =	ssyncset.done $0x0  }
0xa4: {  	[sflag:s23] =	ssyncadd.s32 $0xFFFFFFFF  }
0xa5: {  	s4 =	sld [smem:$0x0]  }
0xa6: {  	s5 =	sand.u32 $0xFFFFFFFE, s1  }
0xa7: {  	p0 =	sne.s32 s1, s5  }
0xa8: {  	s5 =	sshll.u32 @p0 s5, $0xE  }
0xa9: {  	s5 =	sadd.s32 @p0 $0x11B8D, s5;
	s6 =	sshll.u32 @p0 s4, $0x11  }
0xaa: {  	s5 =	sor.u32 @p0 s6, s5  }
0xab: {  	[sflag:s5] =	ssyncadd.remote.s32 @p0 $0x1;
	_ =	sdelay $0x1  }
0xac: {  	s5 =	simm.s32 @p0 $0x1B8D  }
0xad: {  	_ =	swait.eq @p0 [sflag:s5], $0x1  }
0xae: {  	[sflag:s5] =	ssyncadd.s32 @p0 $0xFFFFFFFF  }
0xaf: {  	s6 =	sshll.u32 @!p0 s1, $0xE  }
0xb0: {  	s6 =	sor.u32 @!p0 $0x4000, s6;
	s5 =	simm.s32 @!p0 $0x1B8D  }
0xb1: {  	s4 =	sshll.u32 @!p0 s4, $0x11;
	s6 =	sadd.s32 @!p0 $0x11B8D, s6;
	_ =	swait.eq @!p0 [sflag:s5], $0x1  }
0xb2: {  	s4 =	sor.u32 @!p0 s4, s6;
	[sflag:s5] =	ssyncadd.s32 @!p0 $0xFFFFFFFF  }
0xb3: {  	s25 =	simm.s32 $0x1B8E;
	s24 =	sld [smem:$0x3FFE];
	[sflag:s4] =	ssyncadd.remote.s32 @!p0 $0x1  }
0xb4: {  	s26 =	simm.s32 $execute0_lowered;
	[smem:$0x3FD2] =	sst s25  }
0xb5: {  	s5 =	sshll.u32 s26, $0x1;
	_ =	strace $0x80000049;
	[dreg:$0x1] =	wrdreg $0xFFFFFFFF  }
0xb6: {  	s28 =	simm.s32 $_size_execute0_lowered;
	s3 =	sadd.s32 s3, s5;
	[dreg:$0x0] =	wrdreg $0x0  }
0xb7: {  	s5 =	sshll.u32 s28, $0x1;
	[dreg:$0x2] =	wrdreg s3  }
0xb8: {  	[dreg:$0x3] =	wrdreg s5  }
0xb9: {  	[dreg:$0x4] =	wrdreg $0xC0  }
0xba: {  	_ =	task [dreg:s22], $0x5FFFF  }
0xbb: {  	[dreg:$0x1] =	wrdreg $0xFFFFFFFF  }
0xbc: {  	[dreg:$0x0] =	wrdreg $0x60  }
0xbd: {  	[dreg:$0x2] =	wrdreg s24  }
0xbe: {  	[dreg:$0x3] =	wrdreg $0x9  }
0xbf: {  	_ =	task.clear_ibuf [dreg:s22], $0x4FFFF;
	_ =	strace $0x90000049  }
0xc0: {  	s29 =	simm.s32 $0x9;
	_ =	strace $0x8000004B  }
0xc1: {  	_ =	swait.ge [sflag:s29], $0x1  }
0xc2: {  	[sflag:s29] =	ssyncadd.s32 $0xFFFFFFFF  }
0xc3: {  	_ =	strace $0x9000004B  }
0xc4: {  	_ =	sfence  }
0xc5: {  	s30 =	sld [smem:$0x0];
	_ =	sdelay $0x2  }
0xc6: {  	s31 =	sshll.u32 s1, $0xD;
	s1 =	sshrl.u32 s1, $0x2  }
0xc7: {  	s4 =	sand.u32 $0x4000, s31;
	s1 =	sadd.s32 s1, s30  }
0xc8: {  	s0 =	sor.u32 s4, s0;
	s1 =	sshll.u32 s1, $0x11  }
0xc9: {  	s0 =	sor.u32 s1, s0  }
0xca: {  	s0 =	sadd.s32 $0x8F2B, s0  }
0xcb: {  	[sflag:s0] =	ssyncadd.remote.s32 $0x1  }
0xcc: {  	_ =	sfence.sel $0xFFFF  }
0xcd: {  	[dreg:$0x0] =	wrdreg $0xFFFFFFFF;
	(pc) =	sbr.abs _section_cstart, $3  }
0xce: {  	[dreg:$0x1] =	wrdreg $0xFFFFFFFF  }
0xcf: {  	_ =	task.clear_ibuf [dreg:s22], $0x2FFFF;
	_ =	strace $0x9FFFFFFF  }
0xd0: {  	(tm) =	ssettm $0x7FFFFFFF  }
0xd1: {  	_ =	shalt  }
tec
execute0_lowered:
.L_overlay_start_1:
0x0: {  	(tag) =	ssettag $0x1  }
0x1: {  	s0 =	rddreg [dreg:$0x0];
	s2 =	simm.s32 $0x0  }
0x2: {  	[smem:$0x7FF] =	sst s2;
	s6 =	sadd.s32 $0x777AD4, s0  }
0x3: {  	s14 =	sadd.s32 $0x77ABA8, s0;
	_ =	strace $0x8000004A;
	[dreg:$0x3] =	wrdreg s6  }
0x4: {  	s15 =	sadd.s32 $0x77DC7C, s0;
	[dreg:$0x4] =	wrdreg s14  }
0x5: {  	s16 =	sadd.s32 $0x780D50, s0;
	[dreg:$0x5] =	wrdreg s15  }
0x6: {  	s17 =	sadd.s32 $0x783E24, s0;
	[dreg:$0x6] =	wrdreg s16  }
0x7: {  	s18 =	sadd.s32 $0x786EF8, s0;
	[dreg:$0x7] =	wrdreg s17  }
0x8: {  	s1 =	srdreg.scid;
	s19 =	sadd.s32 $0x789FCC, s0;
	[dreg:$0x8] =	wrdreg s18  }
0x9: {  	s4 =	stileid.u32;
	s20 =	sadd.s32 $0x78D0A0, s0;
	[dreg:$0x9] =	wrdreg s19  }
0xa: {  	s1 =	sand.u32 $0x1, s1;
	s21 =	sadd.s32 $0x790174, s0;
	[dreg:$0xa] =	wrdreg s20  }
0xb: {  	s3 =	sadd.s32 $0x774A00, s0;
	s22 =	sadd.s32 $0x793248, s0;
	[dreg:$0xb] =	wrdreg s21  }
0xc: {  	s4 =	sshll.u32 s4, $0xA;
	s24 =	sadd.s32 $0x79631C, s0;
	[dreg:$0xc] =	wrdreg s22  }
0xd: {  	s25 =	sadd.s32 $0x7993F0, s0;
	s26 =	sadd.s32 $0x79C4C4, s0;
	[dreg:$0xd] =	wrdreg s24  }
0xe: {  	s28 =	sadd.s32 $0x79F598, s0;
	s5 =	sshll.u32 s1, $0x9;
	[dreg:$0xe] =	wrdreg s25  }
0xf: {  	s1 =	ssub.s32 $0x2, s1;
	[dreg:$0xf] =	wrdreg s26;
	s4 =	sor.u32 s5, s4  }
0x10: {  	[dreg:$0x10] =	wrdreg s28;
	s23 =	sshrl.u32 s1, $0x1;
	s4 =	sshrl.u32 s4, $0x3  }
0x11: {  	s1 =	ssub.s32 s1, s23;
	s4 =	sadd.s32 s4, s0;
	s0 =	sadd.s32 $0x7A266C, s0  }
0x12: {  	s1 =	smax.u32 s1, $0x1;
	[dreg:$0x12] =	wrdreg s0  }
0x13: {  	s31 =	simm.s32 $0x200;
	s29 =	sadd.s32 $0x71800, s4;
	[dreg:$0x13] =	wrdreg s1  }
0x14: {  	s21 =	simm.s32 $0x4000;
	s30 =	sadd.s32 $0x78000, s4;
	[dreg:$0x11] =	wrdreg s29  }
0x15: {  	s0 =	simm.s32 $0x3;
	s1 =	simm.s32 $0x0;
	[dreg:$0x2] =	wrdreg s30  }
.LBB2_1:
0x16: {  	s4 =	rddreg [dreg:$0x11];
	s14 =	simm.s32 $0x4  }
0x17: {  	[tilespmem:s2], [sflag:$0x4] =	stream.strided.gather [hbm4b:s4+s31], $0x1A00, s21, s31, $0x38;
	[tilespmem:$0x5A00] =	vst v63  }
0x18: {  	_ =	swait.ge [sflag:s14], $0x1A00  }
0x19: {  	[sflag:s14] =	ssyncset.done $0x0  }
0x1a: {  	s15 =	simm.s32 $0x1A00;
	s16 =	rddreg [dreg:$0x3];
	[sflag:s14] =	ssyncadd.s32 $0xFFFFE600  }
0x1b: {  	[tilespmem:s15], [sflag:$0x1] =	stream.indirect.gather [hbm4b:s3+s31], $0x1, s2, s31, $0xb8;
	[tilespmem:$0x5A00] =	vst v63  }
0x1c: {  	s5 =	simm.s32 $0x1C00;
	s17 =	rddreg [dreg:$0x4]  }
0x1d: {  	[tilespmem:s5], [sflag:$0x1] =	stream.indirect.gather [hbm4b:s16+s31], $0x1, s2, s31, $0xb8;
	[tilespmem:$0x5A00] =	vst v63  }
0x1e: {  	s18 =	simm.s32 $0x1E00;
	s19 =	rddreg [dreg:$0x5]  }
0x1f: {  	[tilespmem:s18], [sflag:$0x1] =	stream.indirect.gather [hbm4b:s17+s31], $0x1, s2, s31, $0xb8;
	[tilespmem:$0x5A00] =	vst v63  }
0x20: {  	s20 =	simm.s32 $0x2000;
	s22 =	rddreg [dreg:$0x6]  }
0x21: {  	[tilespmem:s20], [sflag:$0x1] =	stream.indirect.gather [hbm4b:s19+s31], $0x1, s2, s31, $0xb8;
	[tilespmem:$0x5A00] =	vst v63  }
0x22: {  	s23 =	simm.s32 $0x2200;
	s24 =	rddreg [dreg:$0x7]  }
0x23: {  	[tilespmem:s23], [sflag:$0x1] =	stream.indirect.gather [hbm4b:s22+s31], $0x1, s2, s31, $0xb8;
	[tilespmem:$0x5A00] =	vst v63  }
0x24: {  	s25 =	simm.s32 $0x2400;
	s26 =	rddreg [dreg:$0x8]  }
0x25: {  	[tilespmem:s25], [sflag:$0x1] =	stream.indirect.gather [hbm4b:s24+s31], $0x1, s2, s31, $0xb8;
	[tilespmem:$0x5A00] =	vst v63  }
0x26: {  	s29 =	simm.s32 $0x2600;
	s7 =	rddreg [dreg:$0xa]  }
0x27: {  	[tilespmem:s29], [sflag:$0x1] =	stream.indirect.gather [hbm4b:s26+s31], $0x1, s2, s31, $0xb8;
	[tilespmem:$0x5A00] =	vst v63  }
0x28: {  	s6 =	simm.s32 $0x2800;
	s5 =	rddreg [dreg:$0x9]  }
0x29: {  	[tilespmem:s6], [sflag:$0x1] =	stream.indirect.gather [hbm4b:s5+s31], $0x1, s2, s31, $0xb8;
	[tilespmem:$0x5A00] =	vst v63  }
0x2a: {  	s8 =	simm.s32 $0x2A00;
	s10 =	simm.s32 $0x2C00;
	s9 =	rddreg [dreg:$0xb]  }
0x2b: {  	[tilespmem:s8], [sflag:$0x1] =	stream.indirect.gather [hbm4b:s7+s31], $0x1, s2, s31, $0xb8;
	[tilespmem:$0x5A00] =	vst v63  }
0x2c: {  	s12 =	simm.s32 $0x2E00;
	p0 =	por $0x1, $0x1;
	s11 =	rddreg [dreg:$0xc]  }
0x2d: {  	[tilespmem:s10], [sflag:$0x1] =	stream.indirect.gather [hbm4b:s9+s31], $0x1, s2, s31, $0xb8;
	[tilespmem:$0x5A00] =	vst v63  }
0x2e: {  	p1 =	por $0x0, $0x0;
	p2 =	por p0, p0;
	s13 =	rddreg [dreg:$0xd]  }
0x2f: {  	[tilespmem:s12], [sflag:$0x1] =	stream.indirect.gather [hbm4b:s11+s31], $0x1, s2, s31, $0xb8;
	[tilespmem:$0x5A00] =	vst v63  }
0x30: {  	p3 =	por p1, p1;
	s14 =	simm.s32 $0x3000;
	s15 =	rddreg [dreg:$0xe]  }
0x31: {  	[tilespmem:s14], [sflag:$0x1] =	stream.indirect.gather [hbm4b:s13+s31], $0x1, s2, s31, $0xb8;
	[tilespmem:$0x5A00] =	vst v63  }
0x32: {  	s16 =	simm.s32 $0x3200;
	s17 =	rddreg [dreg:$0xf];
	s24 =	simm.s32 $0x1  }
0x33: {  	[tilespmem:s16], [sflag:$0x1] =	stream.indirect.gather [hbm4b:s15+s31], $0x1, s2, s31, $0xb8;
	[tilespmem:$0x5A00] =	vst v63  }
0x34: {  	s18 =	simm.s32 $0x3400;
	s19 =	rddreg [dreg:$0x10];
	s4 =	sand.u32 $0x1, s24  }
0x35: {  	[tilespmem:s18], [sflag:$0x1] =	stream.indirect.gather [hbm4b:s17+s31], $0x1, s2, s31, $0xb8;
	[tilespmem:$0x5A00] =	vst v63  }
0x36: {  	s20 =	simm.s32 $0x3600;
	s22 =	rddreg [dreg:$0x12];
	p4 =	seq.s32 s4, $0x1  }
0x37: {  	[tilespmem:s20], [sflag:$0x1] =	stream.indirect.gather [hbm4b:s19+s31], $0x1, s2, s31, $0xb8;
	[tilespmem:$0x5A00] =	vst v63  }
0x38: {  	s23 =	simm.s32 $0x3800;
	s4 =	simm.s32 @!p2 $0x3;
	p0 =	por !p4, p3  }
0x39: {  	[tilespmem:s23], [sflag:$0x1] =	stream.indirect.gather [hbm4b:s22+s31], $0x1, s2, s31, $0xb8;
	[tilespmem:$0x5A00] =	vst v63  }
0x3a: {  	s5 =	sadd.s32 @!p0 $0x0, s3;
	_ =	swait.ge @!p2 [sflag:s4], $0x2000  }
0x3b: {  	s6 =	sadd.s32 @!p0 $0x30D40, s5;
	[sflag:s4] =	ssyncset.done @!p2 $0x0  }
0x3c: {  	s7 =	simm.s32 @!p0 $0x3A00;
	[sflag:s4] =	ssyncadd.s32 @!p2 $0xFFFFE000;
	s4 =	simm.s32 @!p0 $0x200  }
0x3d: {  	[tilespmem:s7], [sflag:$0x2] =	stream.indirect.gather @!p0 [hbm4b:s6+s4], $0x1, s31, s4, $0xb8;
	[tilespmem:$0x5A00] =	vst v63  }
0x3e: {  	s6 =	sadd.s32 @!p0 $0x33E14, s5;
	s7 =	simm.s32 @!p0 $0x3C00  }
0x3f: {  	[tilespmem:s7], [sflag:$0x2] =	stream.indirect.gather @!p0 [hbm4b:s6+s4], $0x1, s31, s4, $0xb8;
	[tilespmem:$0x5A00] =	vst v63  }
0x40: {  	s6 =	sadd.s32 @!p0 $0x36EE8, s5;
	s7 =	simm.s32 @!p0 $0x3E00  }
0x41: {  	[tilespmem:s7], [sflag:$0x2] =	stream.indirect.gather @!p0 [hbm4b:s6+s4], $0x1, s31, s4, $0xb8;
	[tilespmem:$0x5A00] =	vst v63  }
0x42: {  	s6 =	sadd.s32 @!p0 $0x39FBC, s5;
	s7 =	simm.s32 @!p0 $0x4000  }
0x43: {  	[tilespmem:s7], [sflag:$0x2] =	stream.indirect.gather @!p0 [hbm4b:s6+s4], $0x1, s31, s4, $0xb8;
	[tilespmem:$0x5A00] =	vst v63  }
0x44: {  	s6 =	sadd.s32 @!p0 $0x3D090, s5;
	s7 =	simm.s32 @!p0 $0x4200  }
0x45: {  	[tilespmem:s7], [sflag:$0x2] =	stream.indirect.gather @!p0 [hbm4b:s6+s4], $0x1, s31, s4, $0xb8;
	[tilespmem:$0x5A00] =	vst v63  }
0x46: {  	s6 =	sadd.s32 @!p0 $0x40164, s5;
	s7 =	simm.s32 @!p0 $0x4400  }
0x47: {  	[tilespmem:s7], [sflag:$0x2] =	stream.indirect.gather @!p0 [hbm4b:s6+s4], $0x1, s31, s4, $0xb8;
	[tilespmem:$0x5A00] =	vst v63  }
0x48: {  	s6 =	sadd.s32 @!p0 $0x43238, s5;
	s7 =	simm.s32 @!p0 $0x4600  }
0x49: {  	[tilespmem:s7], [sflag:$0x2] =	stream.indirect.gather @!p0 [hbm4b:s6+s4], $0x1, s31, s4, $0xb8;
	[tilespmem:$0x5A00] =	vst v63  }
0x4a: {  	s6 =	sadd.s32 @!p0 $0x4630C, s5;
	s7 =	simm.s32 @!p0 $0x4800  }
0x4b: {  	[tilespmem:s7], [sflag:$0x2] =	stream.indirect.gather @!p0 [hbm4b:s6+s4], $0x1, s31, s4, $0xb8;
	[tilespmem:$0x5A00] =	vst v63  }
0x4c: {  	s6 =	sadd.s32 @!p0 $0x493E0, s5;
	s7 =	simm.s32 @!p0 $0x4A00  }
0x4d: {  	[tilespmem:s7], [sflag:$0x2] =	stream.indirect.gather @!p0 [hbm4b:s6+s4], $0x1, s31, s4, $0xb8;
	[tilespmem:$0x5A00] =	vst v63  }
0x4e: {  	s6 =	sadd.s32 @!p0 $0x4C4B4, s5;
	s7 =	simm.s32 @!p0 $0x4C00  }
0x4f: {  	[tilespmem:s7], [sflag:$0x2] =	stream.indirect.gather @!p0 [hbm4b:s6+s4], $0x1, s31, s4, $0xb8;
	[tilespmem:$0x5A00] =	vst v63  }
0x50: {  	s6 =	sadd.s32 @!p0 $0x4F588, s5;
	s7 =	simm.s32 @!p0 $0x4E00  }
0x51: {  	[tilespmem:s7], [sflag:$0x2] =	stream.indirect.gather @!p0 [hbm4b:s6+s4], $0x1, s31, s4, $0xb8;
	[tilespmem:$0x5A00] =	vst v63  }
0x52: {  	s6 =	sadd.s32 @!p0 $0x5265C, s5;
	s7 =	simm.s32 @!p0 $0x5000  }
0x53: {  	[tilespmem:s7], [sflag:$0x2] =	stream.indirect.gather @!p0 [hbm4b:s6+s4], $0x1, s31, s4, $0xb8;
	[tilespmem:$0x5A00] =	vst v63  }
0x54: {  	s25 =	simm.s32 $0x0;
	s8 =	simm.s32 @!p0 $0x5200;
	s6 =	sadd.s32 @!p0 $0x55730, s5  }
0x55: {  	[tilespmem:s8], [sflag:$0x2] =	stream.indirect.gather @!p0 [hbm4b:s6+s4], $0x1, s31, s4, $0xb8;
	[tilespmem:$0x5A00] =	vst v63  }
0x56: {  	s7 =	sand.u32 $0x1, s25;
	s6 =	sadd.s32 @!p0 $0x58804, s5;
	s8 =	simm.s32 @!p0 $0x5400  }
0x57: {  	[tilespmem:s8], [sflag:$0x2] =	stream.indirect.gather @!p0 [hbm4b:s6+s4], $0x1, s31, s4, $0xb8;
	[tilespmem:$0x5A00] =	vst v63  }
0x58: {  	p2 =	seq.s32 s7, $0x0;
	s6 =	sadd.s32 @!p0 $0x5B8D8, s5;
	s8 =	simm.s32 @!p0 $0x5600  }
0x59: {  	[tilespmem:s8], [sflag:$0x2] =	stream.indirect.gather @!p0 [hbm4b:s6+s4], $0x1, s31, s4, $0xb8;
	[tilespmem:$0x5A00] =	vst v63  }
0x5a: {  	s7 =	sadd.s32 @!p2 $0x0, s3;
	s5 =	sadd.s32 @!p0 $0x5E9AC, s5;
	s6 =	simm.s32 @!p0 $0x5800  }
0x5b: {  	[tilespmem:s6], [sflag:$0x2] =	stream.indirect.gather @!p0 [hbm4b:s5+s4], $0x1, s31, s4, $0xb8;
	[tilespmem:$0x5A00] =	vst v63  }
0x5c: {  	s4 =	sadd.s32 @!p2 $0x30D40, s7;
	s6 =	simm.s32 @!p2 $0x200;
	s5 =	simm.s32 @!p2 $0x1A00  }
0x5d: {  	[tilespmem:s5], [sflag:$0x1] =	stream.indirect.gather @!p2 [hbm4b:s4+s6], $0x1, s31, s6, $0xb8;
	[tilespmem:$0x5A00] =	vst v63  }
0x5e: {  	s4 =	sadd.s32 @!p2 $0x33E14, s7;
	s5 =	simm.s32 @!p2 $0x1C00  }
0x5f: {  	[tilespmem:s5], [sflag:$0x1] =	stream.indirect.gather @!p2 [hbm4b:s4+s6], $0x1, s31, s6, $0xb8;
	[tilespmem:$0x5A00] =	vst v63  }
0x60: {  	p5 =	por $0x0, $0x0;
	s4 =	sadd.s32 @!p2 $0x36EE8, s7;
	s5 =	simm.s32 @!p2 $0x1E00  }
0x61: {  	[tilespmem:s5], [sflag:$0x1] =	stream.indirect.gather @!p2 [hbm4b:s4+s6], $0x1, s31, s6, $0xb8;
	[tilespmem:$0x5A00] =	vst v63  }
0x62: {  	p6 =	por $0x0, $0x0;
	s4 =	sadd.s32 @!p2 $0x39FBC, s7;
	s5 =	simm.s32 @!p2 $0x2000  }
0x63: {  	[tilespmem:s5], [sflag:$0x1] =	stream.indirect.gather @!p2 [hbm4b:s4+s6], $0x1, s31, s6, $0xb8;
	[tilespmem:$0x5A00] =	vst v63  }
0x64: {  	s28 =	simm.s32 $0x61A80;
	s4 =	sadd.s32 @!p2 $0x3D090, s7;
	s5 =	simm.s32 @!p2 $0x2200  }
0x65: {  	[tilespmem:s5], [sflag:$0x1] =	stream.indirect.gather @!p2 [hbm4b:s4+s6], $0x1, s31, s6, $0xb8;
	[tilespmem:$0x5A00] =	vst v63  }
0x66: {  	s30 =	simm.s32 $0x0;
	s4 =	sadd.s32 @!p2 $0x40164, s7;
	s5 =	simm.s32 @!p2 $0x2400  }
0x67: {  	[tilespmem:s5], [sflag:$0x1] =	stream.indirect.gather @!p2 [hbm4b:s4+s6], $0x1, s31, s6, $0xb8;
	[tilespmem:$0x5A00] =	vst v63  }
0x68: {  	p1 =	por p6, p6;
	s4 =	sadd.s32 @!p2 $0x43238, s7;
	s5 =	simm.s32 @!p2 $0x2600  }
0x69: {  	[tilespmem:s5], [sflag:$0x1] =	stream.indirect.gather @!p2 [hbm4b:s4+s6], $0x1, s31, s6, $0xb8;
	[tilespmem:$0x5A00] =	vst v63  }
0x6a: {  	s24 =	simm.s32 $0x400;
	s4 =	sadd.s32 @!p2 $0x4630C, s7;
	s5 =	simm.s32 @!p2 $0x2800  }
0x6b: {  	[tilespmem:s5], [sflag:$0x1] =	stream.indirect.gather @!p2 [hbm4b:s4+s6], $0x1, s31, s6, $0xb8;
	[tilespmem:$0x5A00] =	vst v63  }
0x6c: {  	s26 =	sand.u32 $0x8000, s2;
	s4 =	sadd.s32 @!p2 $0x493E0, s7;
	s5 =	simm.s32 @!p2 $0x2A00  }
0x6d: {  	[tilespmem:s5], [sflag:$0x1] =	stream.indirect.gather @!p2 [hbm4b:s4+s6], $0x1, s31, s6, $0xb8;
	[tilespmem:$0x5A00] =	vst v63  }
0x6e: {  	s29 =	sshrl.u32 s26, $0x2;
	s8 =	simm.s32 @!p2 $0x2C00;
	s5 =	sadd.s32 @!p2 $0x4C4B4, s7  }
0x6f: {  	[tilespmem:s8], [sflag:$0x1] =	stream.indirect.gather @!p2 [hbm4b:s5+s6], $0x1, s31, s6, $0xb8;
	[tilespmem:$0x5A00] =	vst v63  }
0x70: {  	s26 =	simm.s32 $0x2;
	s4 =	sadd.s32 @!p2 $0x4F588, s7;
	s8 =	simm.s32 @!p2 $0x2E00  }
0x71: {  	[tilespmem:s8], [sflag:$0x1] =	stream.indirect.gather @!p2 [hbm4b:s4+s6], $0x1, s31, s6, $0xb8;
	[tilespmem:$0x5A00] =	vst v63  }
0x72: {  	s25 =	simm.s32 $0x30D40;
	s4 =	sadd.s32 @!p2 $0x5265C, s7;
	s8 =	simm.s32 @!p2 $0x3000  }
0x73: {  	[tilespmem:s8], [sflag:$0x1] =	stream.indirect.gather @!p2 [hbm4b:s4+s6], $0x1, s31, s6, $0xb8;
	[tilespmem:$0x5A00] =	vst v63  }
0x74: {  	s23 =	simm.s32 @!p2 $0x3400;
	s4 =	sadd.s32 @!p2 $0x55730, s7;
	s8 =	simm.s32 @!p2 $0x3200  }
0x75: {  	[tilespmem:s8], [sflag:$0x1] =	stream.indirect.gather @!p2 [hbm4b:s4+s6], $0x1, s31, s6, $0xb8;
	[tilespmem:$0x5A00] =	vst v63  }
0x76: {  	p0 =	por p5, p5;
	s5 =	sor.u32 $0x1A00, s29;
	s8 =	sadd.s32 @!p2 $0x58804, s7  }
0x77: {  	[tilespmem:s23], [sflag:$0x1] =	stream.indirect.gather @!p2 [hbm4b:s8+s6], $0x1, s31, s6, $0xb8;
	[tilespmem:$0x5A00] =	vst v63  }
0x78: {  	s4 =	simm.s32 @!p2 $0x2;
	s8 =	sadd.s32 @!p2 $0x5B8D8, s7;
	s23 =	simm.s32 @!p2 $0x3600  }
0x79: {  	[tilespmem:s23], [sflag:$0x1] =	stream.indirect.gather @!p2 [hbm4b:s8+s6], $0x1, s31, s6, $0xb8;
	[tilespmem:$0x5A00] =	vst v63  }
0x7a: {  	s4 =	simm.s32 @p2 $0x1;
	s7 =	sadd.s32 @!p2 $0x5E9AC, s7;
	s8 =	simm.s32 @!p2 $0x3800  }
0x7b: {  	[tilespmem:s8], [sflag:$0x1] =	stream.indirect.gather @!p2 [hbm4b:s7+s6], $0x1, s31, s6, $0xb8;
	[tilespmem:$0x5A00] =	vst v63  }
0x7c: {  	s23 =	simm.s32 $0x8000;
	s7 =	simm.s32 @!p0 $0x3;
	s8 =	sand.u32 $0x1, s26  }
.LBB2_2:
0x7d: {  	_ =	swait.ge [sflag:s4], $0x2000  }
0x7e: {  	p2 =	seq.s32 s8, $0x1;
	[sflag:s4] =	ssyncset.done $0x0;
	s9 =	rddreg [dreg:$0x2]  }
0x7f: {  	p3 =	por !p2, p1;
	[sflag:s4] =	ssyncadd.s32 $0xFFFFE000;
	s9 =	sadd.s32 s30, s9  }
0x80: {  	[hbm4b:s9+s31] =	stream.strided.scatter [tilespmem:s5], [sflag:$0x3], $0x2000, s21, s31, $0x38;
	[tilespmem:$0x5A00] =	vst v63  }
0x81: {  	s8 =	sadd.s32 @!p3 s25, s3;
	_ =	swait.ge @!p0 [sflag:s7], $0x2000  }
0x82: {  	s4 =	sadd.s32 @!p3 $0x30D40, s8;
	[sflag:s7] =	ssyncset.done @!p0 $0x0  }
0x83: {  	s5 =	simm.s32 @!p3 $0x3A00;
	[sflag:s7] =	ssyncadd.s32 @!p0 $0xFFFFE000;
	s7 =	simm.s32 @!p3 $0x200  }
0x84: {  	[tilespmem:s5], [sflag:$0x2] =	stream.indirect.gather @!p3 [hbm4b:s4+s7], $0x1, s24, s7, $0xb8;
	[tilespmem:$0x5A00] =	vst v63  }
0x85: {  	s10 =	sadd.s32 @!p3 $0x33E14, s8;
	s4 =	simm.s32 @!p3 $0x3C00  }
0x86: {  	[tilespmem:s4], [sflag:$0x2] =	stream.indirect.gather @!p3 [hbm4b:s10+s7], $0x1, s24, s7, $0xb8;
	[tilespmem:$0x5A00] =	vst v63  }
0x87: {  	s12 =	sadd.s32 @!p3 $0x36EE8, s8;
	s4 =	simm.s32 @!p3 $0x3E00  }
0x88: {  	[tilespmem:s4], [sflag:$0x2] =	stream.indirect.gather @!p3 [hbm4b:s12+s7], $0x1, s24, s7, $0xb8;
	[tilespmem:$0x5A00] =	vst v63  }
0x89: {  	s11 =	sadd.s32 @!p3 $0x39FBC, s8;
	s4 =	simm.s32 @!p3 $0x4000  }
0x8a: {  	[tilespmem:s4], [sflag:$0x2] =	stream.indirect.gather @!p3 [hbm4b:s11+s7], $0x1, s24, s7, $0xb8;
	[tilespmem:$0x5A00] =	vst v63  }
0x8b: {  	s13 =	sadd.s32 @!p3 $0x3D090, s8;
	s4 =	simm.s32 @!p3 $0x4200  }
0x8c: {  	[tilespmem:s4], [sflag:$0x2] =	stream.indirect.gather @!p3 [hbm4b:s13+s7], $0x1, s24, s7, $0xb8;
	[tilespmem:$0x5A00] =	vst v63  }
0x8d: {  	s14 =	sadd.s32 @!p3 $0x40164, s8;
	s4 =	simm.s32 @!p3 $0x4400  }
0x8e: {  	[tilespmem:s4], [sflag:$0x2] =	stream.indirect.gather @!p3 [hbm4b:s14+s7], $0x1, s24, s7, $0xb8;
	[tilespmem:$0x5A00] =	vst v63  }
0x8f: {  	s15 =	sadd.s32 @!p3 $0x43238, s8;
	s4 =	simm.s32 @!p3 $0x4600  }
0x90: {  	[tilespmem:s4], [sflag:$0x2] =	stream.indirect.gather @!p3 [hbm4b:s15+s7], $0x1, s24, s7, $0xb8;
	[tilespmem:$0x5A00] =	vst v63  }
0x91: {  	s9 =	sadd.s32 @!p3 $0x4630C, s8;
	s4 =	simm.s32 @!p3 $0x4800  }
0x92: {  	[tilespmem:s4], [sflag:$0x2] =	stream.indirect.gather @!p3 [hbm4b:s9+s7], $0x1, s24, s7, $0xb8;
	[tilespmem:$0x5A00] =	vst v63  }
0x93: {  	p4 =	seq.s32 s28, $0x249F00;
	s16 =	sadd.s32 @!p3 $0x493E0, s8;
	s4 =	simm.s32 @!p3 $0x4A00  }
0x94: {  	[tilespmem:s4], [sflag:$0x2] =	stream.indirect.gather @!p3 [hbm4b:s16+s7], $0x1, s24, s7, $0xb8;
	[tilespmem:$0x5A00] =	vst v63  }
0x95: {  	s6 =	smov.u32 s28;
	s17 =	sadd.s32 @!p3 $0x4C4B4, s8;
	s4 =	simm.s32 @!p3 $0x4C00  }
0x96: {  	[tilespmem:s4], [sflag:$0x2] =	stream.indirect.gather @!p3 [hbm4b:s17+s7], $0x1, s24, s7, $0xb8;
	[tilespmem:$0x5A00] =	vst v63  }
0x97: {  	p1 =	por p4, p4;
	s18 =	sadd.s32 @!p3 $0x4F588, s8;
	s4 =	simm.s32 @!p3 $0x4E00  }
0x98: {  	[tilespmem:s4], [sflag:$0x2] =	stream.indirect.gather @!p3 [hbm4b:s18+s7], $0x1, s24, s7, $0xb8;
	[tilespmem:$0x5A00] =	vst v63  }
0x99: {  	s19 =	sadd.s32 @!p3 $0x5265C, s8;
	s20 =	sadd.s32 @!p3 $0x55730, s8;
	s9 =	simm.s32 @!p3 $0x5000  }
0x9a: {  	[tilespmem:s9], [sflag:$0x2] =	stream.indirect.gather @!p3 [hbm4b:s19+s7], $0x1, s24, s7, $0xb8;
	[tilespmem:$0x5A00] =	vst v63  }
0x9b: {  	s22 =	sadd.s32 @!p3 $0x5B8D8, s8;
	s18 =	sadd.s32 $0xFFFFFFFF, s26;
	s9 =	simm.s32 @!p3 $0x5200  }
0x9c: {  	[tilespmem:s9], [sflag:$0x2] =	stream.indirect.gather @!p3 [hbm4b:s20+s7], $0x1, s24, s7, $0xb8;
	[tilespmem:$0x5A00] =	vst v63  }
0x9d: {  	s10 =	sadd.s32 @!p3 $0x58804, s8;
	s4 =	sand.u32 $0x1, s18;
	s9 =	simm.s32 @!p3 $0x5400  }
0x9e: {  	[tilespmem:s9], [sflag:$0x2] =	stream.indirect.gather @!p3 [hbm4b:s10+s7], $0x1, s24, s7, $0xb8;
	[tilespmem:$0x5A00] =	vst v63  }
0x9f: {  	s8 =	sadd.s32 @!p3 $0x5E9AC, s8;
	p4 =	seq.s32 s4, $0x0;
	s9 =	simm.s32 @!p3 $0x5600  }
0xa0: {  	[tilespmem:s9], [sflag:$0x2] =	stream.indirect.gather @!p3 [hbm4b:s22+s7], $0x1, s24, s7, $0xb8;
	[tilespmem:$0x5A00] =	vst v63  }
0xa1: {  	s10 =	simm.s32 @!p3 $0x5800;
	s9 =	sadd.s32 @!p4 s25, s3;
	s25 =	smov.u32 s6  }
0xa2: {  	[tilespmem:s10], [sflag:$0x2] =	stream.indirect.gather @!p3 [hbm4b:s8+s7], $0x1, s24, s7, $0xb8;
	[tilespmem:$0x5A00] =	vst v63  }
0xa3: {  	s6 =	simm.s32 @!p4 $0x200;
	s7 =	sadd.s32 @!p4 $0x30D40, s9;
	s8 =	simm.s32 @!p4 $0x1A00  }
0xa4: {  	[tilespmem:s8], [sflag:$0x1] =	stream.indirect.gather @!p4 [hbm4b:s7+s6], $0x1, s24, s6, $0xb8;
	[tilespmem:$0x5A00] =	vst v63  }
0xa5: {  	s7 =	sadd.s32 @!p4 $0x33E14, s9;
	s8 =	simm.s32 @!p4 $0x1C00  }
0xa6: {  	[tilespmem:s8], [sflag:$0x1] =	stream.indirect.gather @!p4 [hbm4b:s7+s6], $0x1, s24, s6, $0xb8;
	[tilespmem:$0x5A00] =	vst v63  }
0xa7: {  	p5 =	seq.s32 s28, $0x0;
	s10 =	sadd.s32 @!p4 $0x36EE8, s9;
	s7 =	simm.s32 @!p4 $0x1E00  }
0xa8: {  	[tilespmem:s7], [sflag:$0x1] =	stream.indirect.gather @!p4 [hbm4b:s10+s6], $0x1, s24, s6, $0xb8;
	[tilespmem:$0x5A00] =	vst v63  }
0xa9: {  	s29 =	smov.u32 s24;
	s8 =	sadd.s32 @!p4 $0x39FBC, s9;
	s7 =	simm.s32 @!p4 $0x2000  }
0xaa: {  	[tilespmem:s7], [sflag:$0x1] =	stream.indirect.gather @!p4 [hbm4b:s8+s6], $0x1, s24, s6, $0xb8;
	[tilespmem:$0x5A00] =	vst v63  }
0xab: {  	s28 =	sadd.s32 $0x30D40, s28;
	s11 =	sadd.s32 @!p4 $0x3D090, s9;
	s7 =	simm.s32 @!p4 $0x2200  }
0xac: {  	[tilespmem:s7], [sflag:$0x1] =	stream.indirect.gather @!p4 [hbm4b:s11+s6], $0x1, s24, s6, $0xb8;
	[tilespmem:$0x5A00] =	vst v63  }
0xad: {  	s12 =	sand.u32 $0x8000, s23;
	s10 =	sadd.s32 @!p4 $0x40164, s9;
	s7 =	simm.s32 @!p4 $0x2400  }
0xae: {  	[tilespmem:s7], [sflag:$0x1] =	stream.indirect.gather @!p4 [hbm4b:s10+s6], $0x1, s24, s6, $0xb8;
	[tilespmem:$0x5A00] =	vst v63  }
0xaf: {  	s5 =	sshrl.u32 s12, $0x2;
	s12 =	sadd.s32 @!p4 $0x43238, s9;
	s7 =	simm.s32 @!p4 $0x2600  }
0xb0: {  	[tilespmem:s7], [sflag:$0x1] =	stream.indirect.gather @!p4 [hbm4b:s12+s6], $0x1, s24, s6, $0xb8;
	[tilespmem:$0x5A00] =	vst v63  }
0xb1: {  	p2 =	sne.s32 s28, $0x27AC40;
	s8 =	sadd.s32 @!p4 $0x4630C, s9;
	s7 =	simm.s32 @!p4 $0x2800  }
0xb2: {  	[tilespmem:s7], [sflag:$0x1] =	stream.indirect.gather @!p4 [hbm4b:s8+s6], $0x1, s24, s6, $0xb8;
	[tilespmem:$0x5A00] =	vst v63  }
0xb3: {  	s30 =	smov.u32 s23;
	s13 =	sadd.s32 @!p4 $0x493E0, s9;
	s7 =	simm.s32 @!p4 $0x2A00  }
0xb4: {  	[tilespmem:s7], [sflag:$0x1] =	stream.indirect.gather @!p4 [hbm4b:s13+s6], $0x1, s24, s6, $0xb8;
	[tilespmem:$0x5A00] =	vst v63  }
0xb5: {  	p0 =	por p5, p5;
	s11 =	sadd.s32 @!p4 $0x4C4B4, s9;
	s7 =	simm.s32 @!p4 $0x2C00  }
0xb6: {  	[tilespmem:s7], [sflag:$0x1] =	stream.indirect.gather @!p4 [hbm4b:s11+s6], $0x1, s24, s6, $0xb8;
	[tilespmem:$0x5A00] =	vst v63  }
0xb7: {  	s23 =	sadd.s32 $0x8000, s23;
	s14 =	sadd.s32 @!p4 $0x4F588, s9;
	s7 =	simm.s32 @!p4 $0x2E00  }
0xb8: {  	[tilespmem:s7], [sflag:$0x1] =	stream.indirect.gather @!p4 [hbm4b:s14+s6], $0x1, s24, s6, $0xb8;
	[tilespmem:$0x5A00] =	vst v63  }
0xb9: {  	s5 =	sor.u32 $0x1A00, s5;
	s10 =	sadd.s32 @!p4 $0x5265C, s9;
	s7 =	simm.s32 @!p4 $0x3000  }
0xba: {  	[tilespmem:s7], [sflag:$0x1] =	stream.indirect.gather @!p4 [hbm4b:s10+s6], $0x1, s24, s6, $0xb8;
	[tilespmem:$0x5A00] =	vst v63  }
0xbb: {  	s26 =	sadd.s32 $0x1, s26;
	s15 =	sadd.s32 @!p4 $0x55730, s9;
	s7 =	simm.s32 @!p4 $0x3200  }
0xbc: {  	[tilespmem:s7], [sflag:$0x1] =	stream.indirect.gather @!p4 [hbm4b:s15+s6], $0x1, s24, s6, $0xb8;
	[tilespmem:$0x5A00] =	vst v63  }
0xbd: {  	s4 =	simm.s32 @!p4 $0x2;
	s12 =	sadd.s32 @!p4 $0x58804, s9;
	s7 =	simm.s32 @!p4 $0x3400  }
0xbe: {  	[tilespmem:s7], [sflag:$0x1] =	stream.indirect.gather @!p4 [hbm4b:s12+s6], $0x1, s29, s6, $0xb8;
	[tilespmem:$0x5A00] =	vst v63  }
.Ltmp0:
0xbf: {  	s4 =	simm.s32 @p4 $0x1;
	s16 =	sadd.s32 @!p4 $0x5B8D8, s9;
	(pc) =	sbr.rel @p2 .LBB2_2-.Ltmp0, $4  }
0xc0: {  	s9 =	sadd.s32 @!p4 $0x5E9AC, s9;
	s8 =	sand.u32 $0x1, s26;
	s7 =	simm.s32 @!p4 $0x3600  }
0xc1: {  	[tilespmem:s7], [sflag:$0x1] =	stream.indirect.gather @!p4 [hbm4b:s16+s6], $0x1, s29, s6, $0xb8;
	[tilespmem:$0x5A00] =	vst v63  }
0xc2: {  	s10 =	simm.s32 @!p4 $0x3800;
	s24 =	sadd.s32 $0x200, s24;
	s7 =	simm.s32 @!p0 $0x3  }
0xc3: {  	[tilespmem:s10], [sflag:$0x1] =	stream.indirect.gather @!p4 [hbm4b:s9+s6], $0x1, s29, s6, $0xb8;
	[tilespmem:$0x5A00] =	vst v63  }
0xc4: {  	_ =	swait.ge [sflag:s4], $0x2000  }
0xc5: {  	s6 =	rddreg [dreg:$0x2];
	[sflag:s4] =	ssyncset.done $0x0  }
0xc6: {  	p2 =	seq.s32 s8, $0x1;
	[sflag:s4] =	ssyncadd.s32 $0xFFFFE000;
	s20 =	sadd.s32 s30, s6  }
0xc7: {  	[hbm4b:s20+s31] =	stream.strided.scatter [tilespmem:s5], [sflag:$0x3], $0x2000, s21, s31, $0x38;
	[tilespmem:$0x5A00] =	vst v63  }
0xc8: {  	p1 =	por !p2, p1;
	_ =	swait.ge @!p0 [sflag:s7], $0x2000  }
0xc9: {  	s4 =	sadd.s32 @!p1 s25, s3;
	s6 =	simm.s32 @!p1 $0x200;
	[sflag:s7] =	ssyncset.done @!p0 $0x0  }
0xca: {  	s5 =	sadd.s32 @!p1 $0x30D40, s4;
	[sflag:s7] =	ssyncadd.s32 @!p0 $0xFFFFE000;
	s7 =	simm.s32 @!p1 $0x3A00  }
0xcb: {  	[tilespmem:s7], [sflag:$0x2] =	stream.indirect.gather @!p1 [hbm4b:s5+s6], $0x1, s24, s6, $0xb8;
	[tilespmem:$0x5A00] =	vst v63  }
0xcc: {  	s5 =	sadd.s32 @!p1 $0x33E14, s4;
	s7 =	simm.s32 @!p1 $0x3C00  }
0xcd: {  	[tilespmem:s7], [sflag:$0x2] =	stream.indirect.gather @!p1 [hbm4b:s5+s6], $0x1, s24, s6, $0xb8;
	[tilespmem:$0x5A00] =	vst v63  }
0xce: {  	s5 =	sadd.s32 @!p1 $0x36EE8, s4;
	s7 =	simm.s32 @!p1 $0x3E00  }
0xcf: {  	[tilespmem:s7], [sflag:$0x2] =	stream.indirect.gather @!p1 [hbm4b:s5+s6], $0x1, s24, s6, $0xb8;
	[tilespmem:$0x5A00] =	vst v63  }
0xd0: {  	s5 =	sadd.s32 @!p1 $0x39FBC, s4;
	s7 =	simm.s32 @!p1 $0x4000  }
0xd1: {  	[tilespmem:s7], [sflag:$0x2] =	stream.indirect.gather @!p1 [hbm4b:s5+s6], $0x1, s24, s6, $0xb8;
	[tilespmem:$0x5A00] =	vst v63  }
0xd2: {  	s5 =	sadd.s32 @!p1 $0x3D090, s4;
	s7 =	simm.s32 @!p1 $0x4200  }
0xd3: {  	[tilespmem:s7], [sflag:$0x2] =	stream.indirect.gather @!p1 [hbm4b:s5+s6], $0x1, s24, s6, $0xb8;
	[tilespmem:$0x5A00] =	vst v63  }
0xd4: {  	s5 =	sadd.s32 @!p1 $0x40164, s4;
	s7 =	simm.s32 @!p1 $0x4400  }
0xd5: {  	[tilespmem:s7], [sflag:$0x2] =	stream.indirect.gather @!p1 [hbm4b:s5+s6], $0x1, s24, s6, $0xb8;
	[tilespmem:$0x5A00] =	vst v63  }
0xd6: {  	s5 =	sadd.s32 @!p1 $0x43238, s4;
	s7 =	simm.s32 @!p1 $0x4600  }
0xd7: {  	[tilespmem:s7], [sflag:$0x2] =	stream.indirect.gather @!p1 [hbm4b:s5+s6], $0x1, s24, s6, $0xb8;
	[tilespmem:$0x5A00] =	vst v63  }
0xd8: {  	s5 =	sadd.s32 @!p1 $0x4630C, s4;
	s7 =	simm.s32 @!p1 $0x4800  }
0xd9: {  	[tilespmem:s7], [sflag:$0x2] =	stream.indirect.gather @!p1 [hbm4b:s5+s6], $0x1, s24, s6, $0xb8;
	[tilespmem:$0x5A00] =	vst v63  }
0xda: {  	s5 =	sadd.s32 @!p1 $0x493E0, s4;
	s7 =	simm.s32 @!p1 $0x4A00  }
0xdb: {  	[tilespmem:s7], [sflag:$0x2] =	stream.indirect.gather @!p1 [hbm4b:s5+s6], $0x1, s24, s6, $0xb8;
	[tilespmem:$0x5A00] =	vst v63  }
0xdc: {  	s5 =	sadd.s32 @!p1 $0x4C4B4, s4;
	s7 =	simm.s32 @!p1 $0x4C00  }
0xdd: {  	[tilespmem:s7], [sflag:$0x2] =	stream.indirect.gather @!p1 [hbm4b:s5+s6], $0x1, s24, s6, $0xb8;
	[tilespmem:$0x5A00] =	vst v63  }
0xde: {  	s5 =	sadd.s32 @!p1 $0x4F588, s4;
	s7 =	simm.s32 @!p1 $0x4E00  }
0xdf: {  	[tilespmem:s7], [sflag:$0x2] =	stream.indirect.gather @!p1 [hbm4b:s5+s6], $0x1, s24, s6, $0xb8;
	[tilespmem:$0x5A00] =	vst v63  }
0xe0: {  	s5 =	sadd.s32 @!p1 $0x5265C, s4;
	s7 =	simm.s32 @!p1 $0x5000  }
0xe1: {  	[tilespmem:s7], [sflag:$0x2] =	stream.indirect.gather @!p1 [hbm4b:s5+s6], $0x1, s24, s6, $0xb8;
	[tilespmem:$0x5A00] =	vst v63  }
0xe2: {  	s22 =	sadd.s32 $0xFFFFFFFF, s26;
	s8 =	simm.s32 @!p1 $0x5200;
	s5 =	sadd.s32 @!p1 $0x55730, s4  }
0xe3: {  	[tilespmem:s8], [sflag:$0x2] =	stream.indirect.gather @!p1 [hbm4b:s5+s6], $0x1, s24, s6, $0xb8;
	[tilespmem:$0x5A00] =	vst v63  }
0xe4: {  	s7 =	sand.u32 $0x1, s22;
	s5 =	sadd.s32 @!p1 $0x58804, s4;
	s8 =	simm.s32 @!p1 $0x5400  }
0xe5: {  	[tilespmem:s8], [sflag:$0x2] =	stream.indirect.gather @!p1 [hbm4b:s5+s6], $0x1, s24, s6, $0xb8;
	[tilespmem:$0x5A00] =	vst v63  }
0xe6: {  	p0 =	seq.s32 s7, $0x0;
	s5 =	sadd.s32 @!p1 $0x5B8D8, s4;
	s8 =	simm.s32 @!p1 $0x5600  }
0xe7: {  	[tilespmem:s8], [sflag:$0x2] =	stream.indirect.gather @!p1 [hbm4b:s5+s6], $0x1, s24, s6, $0xb8;
	[tilespmem:$0x5A00] =	vst v63  }
0xe8: {  	s7 =	sadd.s32 @!p0 s25, s3;
	s4 =	sadd.s32 @!p1 $0x5E9AC, s4;
	s5 =	simm.s32 @!p1 $0x5800  }
0xe9: {  	[tilespmem:s5], [sflag:$0x2] =	stream.indirect.gather @!p1 [hbm4b:s4+s6], $0x1, s24, s6, $0xb8;
	[tilespmem:$0x5A00] =	vst v63  }
0xea: {  	s4 =	sadd.s32 @!p0 $0x30D40, s7;
	s5 =	simm.s32 @!p0 $0x200;
	s6 =	simm.s32 @!p0 $0x1A00  }
0xeb: {  	[tilespmem:s6], [sflag:$0x1] =	stream.indirect.gather @!p0 [hbm4b:s4+s5], $0x1, s24, s5, $0xb8;
	[tilespmem:$0x5A00] =	vst v63  }
0xec: {  	s4 =	sadd.s32 @!p0 $0x33E14, s7;
	s6 =	simm.s32 @!p0 $0x1C00  }
0xed: {  	[tilespmem:s6], [sflag:$0x1] =	stream.indirect.gather @!p0 [hbm4b:s4+s5], $0x1, s24, s5, $0xb8;
	[tilespmem:$0x5A00] =	vst v63  }
0xee: {  	s4 =	sadd.s32 @!p0 $0x36EE8, s7;
	s6 =	simm.s32 @!p0 $0x1E00  }
0xef: {  	[tilespmem:s6], [sflag:$0x1] =	stream.indirect.gather @!p0 [hbm4b:s4+s5], $0x1, s24, s5, $0xb8;
	[tilespmem:$0x5A00] =	vst v63  }
0xf0: {  	s4 =	sadd.s32 @!p0 $0x39FBC, s7;
	s6 =	simm.s32 @!p0 $0x2000  }
0xf1: {  	[tilespmem:s6], [sflag:$0x1] =	stream.indirect.gather @!p0 [hbm4b:s4+s5], $0x1, s24, s5, $0xb8;
	[tilespmem:$0x5A00] =	vst v63  }
0xf2: {  	s4 =	sadd.s32 @!p0 $0x3D090, s7;
	s6 =	simm.s32 @!p0 $0x2200  }
0xf3: {  	[tilespmem:s6], [sflag:$0x1] =	stream.indirect.gather @!p0 [hbm4b:s4+s5], $0x1, s24, s5, $0xb8;
	[tilespmem:$0x5A00] =	vst v63  }
0xf4: {  	s4 =	sadd.s32 @!p0 $0x40164, s7;
	s6 =	simm.s32 @!p0 $0x2400  }
0xf5: {  	[tilespmem:s6], [sflag:$0x1] =	stream.indirect.gather @!p0 [hbm4b:s4+s5], $0x1, s24, s5, $0xb8;
	[tilespmem:$0x5A00] =	vst v63  }
0xf6: {  	s4 =	sadd.s32 @!p0 $0x43238, s7;
	s6 =	simm.s32 @!p0 $0x2600  }
0xf7: {  	[tilespmem:s6], [sflag:$0x1] =	stream.indirect.gather @!p0 [hbm4b:s4+s5], $0x1, s24, s5, $0xb8;
	[tilespmem:$0x5A00] =	vst v63  }
0xf8: {  	s4 =	sadd.s32 @!p0 $0x4630C, s7;
	s6 =	simm.s32 @!p0 $0x2800  }
0xf9: {  	[tilespmem:s6], [sflag:$0x1] =	stream.indirect.gather @!p0 [hbm4b:s4+s5], $0x1, s24, s5, $0xb8;
	[tilespmem:$0x5A00] =	vst v63  }
0xfa: {  	s4 =	sadd.s32 @!p0 $0x493E0, s7;
	s6 =	simm.s32 @!p0 $0x2A00  }
0xfb: {  	[tilespmem:s6], [sflag:$0x1] =	stream.indirect.gather @!p0 [hbm4b:s4+s5], $0x1, s24, s5, $0xb8;
	[tilespmem:$0x5A00] =	vst v63  }
0xfc: {  	s4 =	sadd.s32 @!p0 $0x4C4B4, s7;
	s6 =	simm.s32 @!p0 $0x2C00  }
0xfd: {  	[tilespmem:s6], [sflag:$0x1] =	stream.indirect.gather @!p0 [hbm4b:s4+s5], $0x1, s24, s5, $0xb8;
	[tilespmem:$0x5A00] =	vst v63  }
0xfe: {  	s4 =	sadd.s32 @!p0 $0x4F588, s7;
	s6 =	simm.s32 @!p0 $0x2E00  }
0xff: {  	[tilespmem:s6], [sflag:$0x1] =	stream.indirect.gather @!p0 [hbm4b:s4+s5], $0x1, s24, s5, $0xb8;
	[tilespmem:$0x5A00] =	vst v63  }
0x100: {  	s4 =	sadd.s32 @!p0 $0x5265C, s7;
	s6 =	simm.s32 @!p0 $0x3000  }
0x101: {  	[tilespmem:s6], [sflag:$0x1] =	stream.indirect.gather @!p0 [hbm4b:s4+s5], $0x1, s24, s5, $0xb8;
	[tilespmem:$0x5A00] =	vst v63  }
0x102: {  	s4 =	sadd.s32 @!p0 $0x55730, s7;
	s6 =	simm.s32 @!p0 $0x3200  }
0x103: {  	[tilespmem:s6], [sflag:$0x1] =	stream.indirect.gather @!p0 [hbm4b:s4+s5], $0x1, s24, s5, $0xb8;
	[tilespmem:$0x5A00] =	vst v63  }
0x104: {  	s4 =	sadd.s32 @!p0 $0x58804, s7;
	s6 =	simm.s32 @!p0 $0x3400  }
0x105: {  	[tilespmem:s6], [sflag:$0x1] =	stream.indirect.gather @!p0 [hbm4b:s4+s5], $0x1, s24, s5, $0xb8;
	[tilespmem:$0x5A00] =	vst v63  }
0x106: {  	s8 =	simm.s32 @!p0 $0x3600;
	s4 =	simm.s32 @!p0 $0x2;
	s6 =	sadd.s32 @!p0 $0x5B8D8, s7  }
0x107: {  	[tilespmem:s8], [sflag:$0x1] =	stream.indirect.gather @!p0 [hbm4b:s6+s5], $0x1, s24, s5, $0xb8;
	[tilespmem:$0x5A00] =	vst v63  }
0x108: {  	s4 =	simm.s32 @p0 $0x1;
	s6 =	sadd.s32 @!p0 $0x5E9AC, s7;
	s7 =	simm.s32 @!p0 $0x3800  }
0x109: {  	[tilespmem:s7], [sflag:$0x1] =	stream.indirect.gather @!p0 [hbm4b:s6+s5], $0x1, s24, s5, $0xb8;
	[tilespmem:$0x5A00] =	vst v63  }
0x10a: {  	s28 =	sand.u32 $0x8000, s23;
	_ =	swait.ge [sflag:s4], $0x2000  }
0x10b: {  	s6 =	sshrl.u32 s28, $0x2;
	s26 =	rddreg [dreg:$0x2];
	[sflag:s4] =	ssyncset.done $0x0  }
0x10c: {  	s6 =	sor.u32 $0x1A00, s6;
	[sflag:s4] =	ssyncadd.s32 $0xFFFFE000;
	s29 =	sadd.s32 s23, s26  }
0x10d: {  	[hbm4b:s29+s31] =	stream.strided.scatter [tilespmem:s6], [sflag:$0x3], $0x2000, s21, s31, $0x38;
	[tilespmem:$0x5A00] =	vst v63  }
0x10e: {  	_ =	swait.ge [sflag:s0], $0x2000  }
0x10f: {  	s1 =	sadd.s32 $0x1, s1;
	s30 =	rddreg [dreg:$0x13]  }
0x110: {  	p0 =	sne.s32 s1, s30  }
.Ltmp1:
0x111: {  	_ = 	snop;
	(pc) =	sbr.rel @p0 .LBB2_1-.Ltmp1, $3  }
0x112: {  	_ =	sdelay $0x1  }
0x113: {  	[sflag:s0] =	ssyncset.done $0x0  }
0x114: {  	[sflag:s0] =	ssyncadd.s32 $0xFFFFE000  }
0x115: {  	_ =	sfence.sel $0x180000  }
0x116: {  	[bflag:$0x0] =	sbarrier.arrive $0xFFFF  }
0x117: {  	_ =	strace $0x9000004A  }
0x118: {  	s0 =	stileid.u32;
	[bflag:$0x2] =	sbarrier.arrive $0xFFFF  }
0x119: {  	p0 =	sne.s32 s0, $0x0;
	s0 =	rddreg [dreg:$0x1]  }
0x11a: {  	s0 =	sadd.s32 @!p0 $0x100000, s0  }
0x11b: {  	[sflag:s0] =	ssyncadd.tile.s32 @!p0 $0x1;
	_ =	shalt  }
.Lfunc_end2:
_tile_overlayer_lowered:
.L_overlay_start_2:
0x11c: {  	(tag) =	ssettag $0x2  }
0x11d: {  	s0 =	rddreg [dreg:$0x0];
	s2 =	stileid.u32  }
0x11e: {  	s1 =	rddreg [dreg:$0x1];
	p0 =	sne.s32 s2, $0x0  }
0x11f: {  	s3 =	rddreg [dreg:$0x2];
	[bflag:$0x3] =	sbarrier.arrive $0xFFFF;
	s2 =	simm.s32 @!p0 $0x1C04  }
0x120: {  	[timem:s3], [sflag:s2] =	dma.local @!p0 [hbm:s0], s1  }
0x121: {  	s0 =	simm.s32 @!p0 $0x4  }
0x122: {  	_ =	swait.ge @!p0 [sflag:s0], s1  }
0x123: {  	s1 =	ssub.s32 @!p0 $0x0, s1;
	[sflag:s0] =	ssyncset.done @!p0 $0x0  }
0x124: {  	[sflag:s0] =	ssyncadd.s32 @!p0 s1  }
0x125: {  	[bflag:$0x3] =	sbarrier.arrive $0xFFFF  }
0x126: {  	_ =	shalt  }

</sc_bundles>
